<compile_context>
chip_gen: v7x
topology: tpu7x:2x2x1
jax: 0.10.2.dev20260603
libtpu: 0.0.44.dev20260713+nightly
codegen_flags: <defaults>
</compile_context>

<pallas_src>
import functools

import jax
import jax.numpy as jnp
from jax import lax
from jax.experimental import pallas as pl
from jax.experimental.pallas import tpu as pltpu
from jax.experimental.pallas import tpu_sc as plsc

NUM_CORES = 2
NUM_SUBCORES = 16
NUM_WORKERS = NUM_CORES * NUM_SUBCORES

EMBED_DIM = 64
PROJ_DIM = 256
LANES = 16

TC_BLK = 4096
HALF = TC_BLK // 2

IDX_W = 128
GATHERS_PER_ITER = 4
CHUNK = IDX_W * GATHERS_PER_ITER
CHUNKS_PER_BLK = TC_BLK // CHUNK


def _sc_gather(ids1d, table, n_rows):
  per_worker = n_rows // NUM_WORKERS
  iters = per_worker // CHUNK
  blocks_per_worker = per_worker // TC_BLK

  mesh = plsc.VectorSubcoreMesh(core_axis_name="c", subcore_axis_name="s")

  @functools.partial(
      pl.kernel,
      mesh=mesh,
      out_type=jax.ShapeDtypeStruct((n_rows, EMBED_DIM), jnp.float32),
      compiler_params=pltpu.CompilerParams(use_tc_tiling_on_sc=False, needs_layout_passes=False),
      scratch_types=[
          pltpu.VMEM((CHUNK,), jnp.int32),
          [pltpu.VMEM((IDX_W,), jnp.int32)] * GATHERS_PER_ITER,
          pltpu.VMEM((CHUNK, EMBED_DIM), jnp.float32),
          pltpu.SemaphoreType.DMA,
      ],
  )
  def gather_kernel(ids_hbm, table_hbm, emb_hbm, raw_v, idx_vs, rows_v, sem):
    wid = lax.axis_index("s") * NUM_CORES + lax.axis_index("c")
    blk0 = wid * blocks_per_worker
    row0 = wid * per_worker

    def body(t, carry):
      blk = blk0 + t // CHUNKS_PER_BLK
      sub = t % CHUNKS_PER_BLK
      l_off = blk * TC_BLK + (CHUNK // 2) * sub
      pltpu.sync_copy(ids_hbm.at[pl.ds(l_off, CHUNK // 2)],
                      raw_v.at[pl.ds(0, CHUNK // 2)])
      pltpu.sync_copy(ids_hbm.at[pl.ds(l_off + HALF, CHUNK // 2)],
                      raw_v.at[pl.ds(CHUNK // 2, CHUNK // 2)])
      lane2 = 2 * jnp.arange(LANES, dtype=jnp.int32)
      for v in range(2 * LANES):
        vals = raw_v[pl.ds(LANES * v, LANES)]
        vv = v % LANES
        dst = lane2 + (32 * (vv % 4) + (0 if v < LANES else 1))
        plsc.store_scatter(idx_vs[vv // 4], [dst], vals)
      copies = []
      for j in range(GATHERS_PER_ITER):
        copies.append(
            pltpu.async_copy(
                table_hbm.at[idx_vs[j]],
                rows_v.at[pl.ds(j * IDX_W, IDX_W)],
                sem))
      for c in copies:
        c.wait()
      pltpu.sync_copy(rows_v, emb_hbm.at[pl.ds(row0 + t * CHUNK, CHUNK)])
      return carry

    lax.fori_loop(0, iters, body, 0)

  return gather_kernel(ids1d, table)


CHUNK_BLOCKS = (1, 2, 4, 6, 6, 6)


def _tc_project_chunk(emb2, wt, prev_out, n_rows, blk0, chunk_rows):
  grid = (chunk_rows // TC_BLK,)

  def matmul_kernel(emb_ref, wt_ref, *refs):
    out_ref = refs[-1]
    blk = emb_ref[...]
    out_ref[0:HALF, :] = jnp.dot(
        blk[:, 0:EMBED_DIM], wt_ref[...], preferred_element_type=jnp.float32)
    out_ref[HALF:TC_BLK, :] = jnp.dot(
        blk[:, EMBED_DIM:2 * EMBED_DIM], wt_ref[...],
        preferred_element_type=jnp.float32)

  in_specs = [
      pl.BlockSpec((HALF, 2 * EMBED_DIM), lambda i: (i, 0)),
      pl.BlockSpec((EMBED_DIM, PROJ_DIM), lambda i: (0, 0)),
  ]
  args = [emb2, wt]
  aliases = {}
  if prev_out is not None:
    in_specs.append(pl.BlockSpec(memory_space=pl.ANY))
    args.append(prev_out)
    aliases = {2: 0}
  return pl.pallas_call(
      matmul_kernel,
      grid=grid,
      in_specs=in_specs,
      out_specs=pl.BlockSpec((TC_BLK, PROJ_DIM), lambda i: (blk0 + i, 0)),
      out_shape=jax.ShapeDtypeStruct((n_rows, PROJ_DIM), jnp.float32),
      input_output_aliases=aliases,
  )(*args)


@jax.jit
def _run(token_ids, embed_table, proj_weight):
  b, l = token_ids.shape
  n = b * l
  ids1d = token_ids.astype(jnp.int32).reshape(n)
  wt = proj_weight.T
  out = None
  row0 = 0
  blk0 = 0
  for ub in CHUNK_BLOCKS:
    chunk_rows = ub * TC_BLK * NUM_WORKERS
    ids_c = lax.slice(ids1d, (row0,), (row0 + chunk_rows,))
    emb = _sc_gather(ids_c, embed_table, chunk_rows)
    emb2 = emb.reshape(chunk_rows // 2, 2 * EMBED_DIM)
    out = _tc_project_chunk(emb2, wt, out, n, blk0, chunk_rows)
    row0 += chunk_rows
    blk0 += chunk_rows // TC_BLK
  return out.reshape(b, l, PROJ_DIM)


def kernel(token_ids, embed_table, proj_weight):
  return _run(token_ids, embed_table, proj_weight)

# --- scband reference (transcript-rebuilt; emitter-appended) ---
"""Pipeline reference for scband-factored-embedding-21973052686454 (READ-ONLY COPY).

The authoritative reference and input builder live on the scoring server;
editing this copy changes nothing except your own understanding.
"""

import jax, jax.numpy as jnp
import numpy as np

VOCAB = 1000000
EMBED_DIM = 64
DIM = 256
B = 16384
L = 200

def setup_inputs(seed: int = 0) -> dict:
    key = jax.random.key(seed)
    k1, k2, k3 = jax.random.split(key, 3)
    token_ids = jax.random.randint(k1, (B, L), 0, VOCAB, dtype=jnp.int64 if jax.config.jax_enable_x64 else jnp.int32)
    embed_table = jax.random.normal(k2, (VOCAB, EMBED_DIM), dtype=jnp.float32) * 0.02
    proj_weight = jax.random.normal(k3, (DIM, EMBED_DIM), dtype=jnp.float32) * 0.02
    return {"token_ids": token_ids, "embed_table": embed_table, "proj_weight": proj_weight}

def reference(token_ids, embed_table, proj_weight):
    # FactoredEmbedding.forward: proj(embed(token_ids))
    emb = jnp.take(embed_table, token_ids, axis=0)          # [B, L, embed_dim]
    out = emb @ proj_weight.T                                # Linear without bias -> [B, L, dim]
    return out

if __name__ == "__main__":
    import jax
    _d = setup_inputs()
    print(jax.jit(kernel)(*tuple(_d.values())))

</pallas_src>

<mosaic_0001>
#map = affine_map<(d0, d1) -> (0)>
#map1 = affine_map<(d0, d1) -> (0, 0)>
module attributes {stable_mosaic.version = 14 : i64} {
  func.func @gather_kernel(%arg0: i32, %arg1: i32, %arg2: memref<131072xi32, #tpu.memory_space<hbm>>, %arg3: memref<1000000x64xf32, #tpu.memory_space<hbm>>, %arg4: memref<131072x64xf32, #tpu.memory_space<hbm>>, %arg5: memref<512xi32, #tpu.memory_space<vmem>>, %arg6: memref<128xi32, #tpu.memory_space<vmem>>, %arg7: memref<128xi32, #tpu.memory_space<vmem>>, %arg8: memref<128xi32, #tpu.memory_space<vmem>>, %arg9: memref<128xi32, #tpu.memory_space<vmem>>, %arg10: memref<512x64xf32, #tpu.memory_space<vmem>>, %arg11: memref<!tpu.dma_semaphore, #tpu.memory_space<semaphore_mem>>) attributes {dimension_semantics = [#tpu.dimension_semantics<core_parallel>, #tpu.dimension_semantics<subcore_parallel>], iteration_bounds = array<i64: 2, 16>, scalar_prefetch = 0 : i64, scratch_operands = 7 : i64, tpu.core_type = #tpu.core_type<sc_vector_subcore>, window_params = [{transform_indices = #map}, {transform_indices = #map1}, {transform_indices = #map1}]} {
    %mul3A = arith.constant 2 : i32
    %mul3A_0 = arith.muli %arg1, %mul3A : i32
    %add3A = arith.addi %mul3A_0, %arg0 : i32
    %mul3A_1 = arith.constant 1 : i32
    %mul3A_2 = arith.muli %add3A, %mul3A_1 : i32
    %mul3A_3 = arith.constant 4096 : i32
    %mul3A_4 = arith.muli %add3A, %mul3A_3 : i32
    %scan3A = arith.constant 0 : i32
    %scan3A_5 = arith.constant 0 : i32
    %scan3A_6 = arith.constant 8 : i32
    %scan3A_7 = arith.addi %scan3A_5, %scan3A_6 : i32
    %scan3A_8 = arith.constant 1 : i32
    scf.for %scan3A_10 = %scan3A_5 to %scan3A_7 step %scan3A_8  : i32 {
      %jit3A = arith.constant 8 : i32
      %div3A = arith.divsi %scan3A_10, %jit3A : i32
      %sign3A = arith.constant 0 : i32
      %sign3A_11 = arith.cmpi sgt, %scan3A_10, %sign3A : i32
      %sign3A_12 = arith.extui %sign3A_11 : i1 to i32
      %sign3A_13 = arith.constant 0 : i32
      %sign3A_14 = arith.cmpi slt, %scan3A_10, %sign3A_13 : i32
      %sign3A_15 = arith.extui %sign3A_14 : i1 to i32
      %sign3A_16 = arith.subi %sign3A_12, %sign3A_15 : i32
      %sign3A_17 = arith.constant 0 : i32
      %sign3A_18 = arith.cmpi sgt, %jit3A, %sign3A_17 : i32
      %sign3A_19 = arith.extui %sign3A_18 : i1 to i32
      %sign3A_20 = arith.constant 0 : i32
      %sign3A_21 = arith.cmpi slt, %jit3A, %sign3A_20 : i32
      %sign3A_22 = arith.extui %sign3A_21 : i1 to i32
      %sign3A_23 = arith.subi %sign3A_19, %sign3A_22 : i32
      %ne3A = arith.cmpi ne, %sign3A_16, %sign3A_23 : i32
      %rem3A = arith.remsi %scan3A_10, %jit3A : i32
      %ne3A_24 = arith.constant 0 : i32
      %ne3A_25 = arith.cmpi ne, %rem3A, %ne3A_24 : i32
      %and3A = arith.andi %ne3A, %ne3A_25 : i1
      %sub3A = arith.constant 1 : i32
      %sub3A_26 = arith.subi %div3A, %sub3A : i32
      %select_n3A = arith.select %and3A, %sub3A_26, %div3A : i32
      %add3A_27 = arith.addi %mul3A_2, %select_n3A : i32
      %jit3A_28 = arith.constant 8 : i32
      %eq3A = arith.constant 0 : i32
      %eq3A_29 = arith.cmpi eq, %jit3A_28, %eq3A : i32
      %jit3A_30 = arith.constant 1 : i32
      %select_n3A_31 = arith.select %eq3A_29, %jit3A_30, %jit3A_28 : i32
      %rem3A_32 = arith.remsi %scan3A_10, %select_n3A_31 : i32
      %ne3A_33 = arith.constant 0 : i32
      %ne3A_34 = arith.cmpi ne, %rem3A_32, %ne3A_33 : i32
      %lt3A = arith.constant 0 : i32
      %lt3A_35 = arith.cmpi slt, %rem3A_32, %lt3A : i32
      %lt3A_36 = arith.constant 0 : i32
      %lt3A_37 = arith.cmpi slt, %select_n3A_31, %lt3A_36 : i32
      %ne3A_38 = arith.xori %lt3A_35, %lt3A_37 : i1
      %and3A_39 = arith.andi %ne3A_38, %ne3A_34 : i1
      %add3A_40 = arith.addi %rem3A_32, %select_n3A_31 : i32
      %select_n3A_41 = arith.select %and3A_39, %add3A_40, %rem3A_32 : i32
      %mul3A_42 = arith.constant 4096 : i32
      %mul3A_43 = arith.muli %add3A_27, %mul3A_42 : i32
      %mul3A_44 = arith.constant 256 : i32
      %mul3A_45 = arith.muli %mul3A_44, %select_n3A_41 : i32
      %add3A_46 = arith.addi %mul3A_43, %mul3A_45 : i32
      "tpu.region"() ({
        %run_scoped3A = tpu.sem_alloc : memref<!tpu.dma_semaphore, #tpu.memory_space<semaphore_mem>>
        %dma_start3A_260 = arith.constant 0 : i32
        %dma_start3A_261 = tpu.memref_slice %arg5[%dma_start3A_260] : memref<512xi32, #tpu.memory_space<vmem>> -> memref<256xi32, #tpu.memory_space<vmem>>
        %dma_start3A_262 = tpu.memref_slice %arg2[%add3A_46] : memref<131072xi32, #tpu.memory_space<hbm>> -> memref<256xi32, #tpu.memory_space<hbm>>
        %dma_start3A_263 = arith.constant 0 : i32
        %dma_start3A_264 = tpu.memref_slice %arg5[%dma_start3A_263] : memref<512xi32, #tpu.memory_space<vmem>> -> memref<256xi32, #tpu.memory_space<vmem>>
        %dma_start3A_265 = tpu.memref_slice %arg2[%add3A_46] : memref<131072xi32, #tpu.memory_space<hbm>> -> memref<256xi32, #tpu.memory_space<hbm>>
        tpu.enqueue_dma source(%dma_start3A_265 : memref<256xi32, #tpu.memory_space<hbm>>) target(%dma_start3A_264 : memref<256xi32, #tpu.memory_space<vmem>>) target_semaphore(%run_scoped3A : memref<!tpu.dma_semaphore, #tpu.memory_space<semaphore_mem>>)
        %dma_wait3A_266 = arith.constant 0 : i32
        %dma_wait3A_267 = tpu.memref_slice %arg5[%dma_wait3A_266] : memref<512xi32, #tpu.memory_space<vmem>> -> memref<256xi32, #tpu.memory_space<vmem>>
        %dma_wait3A_268 = tpu.memref_slice %arg2[%add3A_46] : memref<131072xi32, #tpu.memory_space<hbm>> -> memref<256xi32, #tpu.memory_space<hbm>>
        %dma_wait3A_269 = arith.constant 0 : i32
        %dma_wait3A_270 = tpu.memref_slice %arg5[%dma_wait3A_269] : memref<512xi32, #tpu.memory_space<vmem>> -> memref<256xi32, #tpu.memory_space<vmem>>
        %dma_wait3A_271 = tpu.memref_slice %arg2[%add3A_46] : memref<131072xi32, #tpu.memory_space<hbm>> -> memref<256xi32, #tpu.memory_space<hbm>>
        tpu.wait_dma2 semaphore(%run_scoped3A : memref<!tpu.dma_semaphore, #tpu.memory_space<semaphore_mem>>) src(%dma_wait3A_271 : memref<256xi32, #tpu.memory_space<hbm>>) dst(%dma_wait3A_270 : memref<256xi32, #tpu.memory_space<vmem>>)
        tpu.yield
      }) : () -> ()
      %add3A_47 = arith.constant 2048 : i32
      %add3A_48 = arith.addi %add3A_46, %add3A_47 : i32
      "tpu.region"() ({
        %run_scoped3A = tpu.sem_alloc : memref<!tpu.dma_semaphore, #tpu.memory_space<semaphore_mem>>
        %dma_start3A_260 = arith.constant 256 : i32
        %dma_start3A_261 = tpu.memref_slice %arg5[%dma_start3A_260] : memref<512xi32, #tpu.memory_space<vmem>> -> memref<256xi32, #tpu.memory_space<vmem>>
        %dma_start3A_262 = tpu.memref_slice %arg2[%add3A_48] : memref<131072xi32, #tpu.memory_space<hbm>> -> memref<256xi32, #tpu.memory_space<hbm>>
        %dma_start3A_263 = arith.constant 256 : i32
        %dma_start3A_264 = tpu.memref_slice %arg5[%dma_start3A_263] : memref<512xi32, #tpu.memory_space<vmem>> -> memref<256xi32, #tpu.memory_space<vmem>>
        %dma_start3A_265 = tpu.memref_slice %arg2[%add3A_48] : memref<131072xi32, #tpu.memory_space<hbm>> -> memref<256xi32, #tpu.memory_space<hbm>>
        tpu.enqueue_dma source(%dma_start3A_265 : memref<256xi32, #tpu.memory_space<hbm>>) target(%dma_start3A_264 : memref<256xi32, #tpu.memory_space<vmem>>) target_semaphore(%run_scoped3A : memref<!tpu.dma_semaphore, #tpu.memory_space<semaphore_mem>>)
        %dma_wait3A_266 = arith.constant 256 : i32
        %dma_wait3A_267 = tpu.memref_slice %arg5[%dma_wait3A_266] : memref<512xi32, #tpu.memory_space<vmem>> -> memref<256xi32, #tpu.memory_space<vmem>>
        %dma_wait3A_268 = tpu.memref_slice %arg2[%add3A_48] : memref<131072xi32, #tpu.memory_space<hbm>> -> memref<256xi32, #tpu.memory_space<hbm>>
        %dma_wait3A_269 = arith.constant 256 : i32
        %dma_wait3A_270 = tpu.memref_slice %arg5[%dma_wait3A_269] : memref<512xi32, #tpu.memory_space<vmem>> -> memref<256xi32, #tpu.memory_space<vmem>>
        %dma_wait3A_271 = tpu.memref_slice %arg2[%add3A_48] : memref<131072xi32, #tpu.memory_space<hbm>> -> memref<256xi32, #tpu.memory_space<hbm>>
        tpu.wait_dma2 semaphore(%run_scoped3A : memref<!tpu.dma_semaphore, #tpu.memory_space<semaphore_mem>>) src(%dma_wait3A_271 : memref<256xi32, #tpu.memory_space<hbm>>) dst(%dma_wait3A_270 : memref<256xi32, #tpu.memory_space<vmem>>)
        tpu.yield
      }) : () -> ()
      %iota3A = tpu.iota {dimensions = array<i32: 0>} : vector<16xi32>
      %mul3A_49 = arith.constant 2 : i32
      %mul3A_50 = vector.broadcast %mul3A_49 : i32 to vector<16xi32>
      %mul3A_51 = arith.muli %mul3A_50, %iota3A : vector<16xi32>
      %get3A = arith.constant 0 : index
      %get3A_52 = tpu.vector_load %arg5[%get3A] {strides = array<i32>} : memref<512xi32, #tpu.memory_space<vmem>>, vector<16xi32>,
      %add3A_53 = arith.constant 0 : i32
      %add3A_54 = vector.broadcast %add3A_53 : i32 to vector<16xi32>
      %add3A_55 = arith.addi %mul3A_51, %add3A_54 : vector<16xi32>
      tpu.vector_store_idx %arg6[%add3A_55], %get3A_52 : memref<128xi32, #tpu.memory_space<vmem>>[vector<16xi32>], vector<16xi32>,
      %get3A_56 = arith.constant 16 : index
      %get3A_57 = tpu.vector_load %arg5[%get3A_56] {strides = array<i32>} : memref<512xi32, #tpu.memory_space<vmem>>, vector<16xi32>,
      %add3A_58 = arith.constant 32 : i32
      %add3A_59 = vector.broadcast %add3A_58 : i32 to vector<16xi32>
      %add3A_60 = arith.addi %mul3A_51, %add3A_59 : vector<16xi32>
      tpu.vector_store_idx %arg6[%add3A_60], %get3A_57 : memref<128xi32, #tpu.memory_space<vmem>>[vector<16xi32>], vector<16xi32>,
      %get3A_61 = arith.constant 32 : index
      %get3A_62 = tpu.vector_load %arg5[%get3A_61] {strides = array<i32>} : memref<512xi32, #tpu.memory_space<vmem>>, vector<16xi32>,
      %add3A_63 = arith.constant 64 : i32
      %add3A_64 = vector.broadcast %add3A_63 : i32 to vector<16xi32>
      %add3A_65 = arith.addi %mul3A_51, %add3A_64 : vector<16xi32>
      tpu.vector_store_idx %arg6[%add3A_65], %get3A_62 : memref<128xi32, #tpu.memory_space<vmem>>[vector<16xi32>], vector<16xi32>,
      %get3A_66 = arith.constant 48 : index
      %get3A_67 = tpu.vector_load %arg5[%get3A_66] {strides = array<i32>} : memref<512xi32, #tpu.memory_space<vmem>>, vector<16xi32>,
      %add3A_68 = arith.constant 96 : i32
      %add3A_69 = vector.broadcast %add3A_68 : i32 to vector<16xi32>
      %add3A_70 = arith.addi %mul3A_51, %add3A_69 : vector<16xi32>
      tpu.vector_store_idx %arg6[%add3A_70], %get3A_67 : memref<128xi32, #tpu.memory_space<vmem>>[vector<16xi32>], vector<16xi32>,
      %get3A_71 = arith.constant 64 : index
      %get3A_72 = tpu.vector_load %arg5[%get3A_71] {strides = array<i32>} : memref<512xi32, #tpu.memory_space<vmem>>, vector<16xi32>,
      %add3A_73 = arith.constant 0 : i32
      %add3A_74 = vector.broadcast %add3A_73 : i32 to vector<16xi32>
      %add3A_75 = arith.addi %mul3A_51, %add3A_74 : vector<16xi32>
      tpu.vector_store_idx %arg7[%add3A_75], %get3A_72 : memref<128xi32, #tpu.memory_space<vmem>>[vector<16xi32>], vector<16xi32>,
      %get3A_76 = arith.constant 80 : index
      %get3A_77 = tpu.vector_load %arg5[%get3A_76] {strides = array<i32>} : memref<512xi32, #tpu.memory_space<vmem>>, vector<16xi32>,
      %add3A_78 = arith.constant 32 : i32
      %add3A_79 = vector.broadcast %add3A_78 : i32 to vector<16xi32>
      %add3A_80 = arith.addi %mul3A_51, %add3A_79 : vector<16xi32>
      tpu.vector_store_idx %arg7[%add3A_80], %get3A_77 : memref<128xi32, #tpu.memory_space<vmem>>[vector<16xi32>], vector<16xi32>,
      %get3A_81 = arith.constant 96 : index
      %get3A_82 = tpu.vector_load %arg5[%get3A_81] {strides = array<i32>} : memref<512xi32, #tpu.memory_space<vmem>>, vector<16xi32>,
      %add3A_83 = arith.constant 64 : i32
      %add3A_84 = vector.broadcast %add3A_83 : i32 to vector<16xi32>
      %add3A_85 = arith.addi %mul3A_51, %add3A_84 : vector<16xi32>
      tpu.vector_store_idx %arg7[%add3A_85], %get3A_82 : memref<128xi32, #tpu.memory_space<vmem>>[vector<16xi32>], vector<16xi32>,
      %get3A_86 = arith.constant 112 : index
      %get3A_87 = tpu.vector_load %arg5[%get3A_86] {strides = array<i32>} : memref<512xi32, #tpu.memory_space<vmem>>, vector<16xi32>,
      %add3A_88 = arith.constant 96 : i32
      %add3A_89 = vector.broadcast %add3A_88 : i32 to vector<16xi32>
      %add3A_90 = arith.addi %mul3A_51, %add3A_89 : vector<16xi32>
      tpu.vector_store_idx %arg7[%add3A_90], %get3A_87 : memref<128xi32, #tpu.memory_space<vmem>>[vector<16xi32>], vector<16xi32>,
      %get3A_91 = arith.constant 128 : index
      %get3A_92 = tpu.vector_load %arg5[%get3A_91] {strides = array<i32>} : memref<512xi32, #tpu.memory_space<vmem>>, vector<16xi32>,
      %add3A_93 = arith.constant 0 : i32
      %add3A_94 = vector.broadcast %add3A_93 : i32 to vector<16xi32>
      %add3A_95 = arith.addi %mul3A_51, %add3A_94 : vector<16xi32>
      tpu.vector_store_idx %arg8[%add3A_95], %get3A_92 : memref<128xi32, #tpu.memory_space<vmem>>[vector<16xi32>], vector<16xi32>,
      %get3A_96 = arith.constant 144 : index
      %get3A_97 = tpu.vector_load %arg5[%get3A_96] {strides = array<i32>} : memref<512xi32, #tpu.memory_space<vmem>>, vector<16xi32>,
      %add3A_98 = arith.constant 32 : i32
      %add3A_99 = vector.broadcast %add3A_98 : i32 to vector<16xi32>
      %add3A_100 = arith.addi %mul3A_51, %add3A_99 : vector<16xi32>
      tpu.vector_store_idx %arg8[%add3A_100], %get3A_97 : memref<128xi32, #tpu.memory_space<vmem>>[vector<16xi32>], vector<16xi32>,
      %get3A_101 = arith.constant 160 : index
      %get3A_102 = tpu.vector_load %arg5[%get3A_101] {strides = array<i32>} : memref<512xi32, #tpu.memory_space<vmem>>, vector<16xi32>,
      %add3A_103 = arith.constant 64 : i32
      %add3A_104 = vector.broadcast %add3A_103 : i32 to vector<16xi32>
      %add3A_105 = arith.addi %mul3A_51, %add3A_104 : vector<16xi32>
      tpu.vector_store_idx %arg8[%add3A_105], %get3A_102 : memref<128xi32, #tpu.memory_space<vmem>>[vector<16xi32>], vector<16xi32>,
      %get3A_106 = arith.constant 176 : index
      %get3A_107 = tpu.vector_load %arg5[%get3A_106] {strides = array<i32>} : memref<512xi32, #tpu.memory_space<vmem>>, vector<16xi32>,
      %add3A_108 = arith.constant 96 : i32
      %add3A_109 = vector.broadcast %add3A_108 : i32 to vector<16xi32>
      %add3A_110 = arith.addi %mul3A_51, %add3A_109 : vector<16xi32>
      tpu.vector_store_idx %arg8[%add3A_110], %get3A_107 : memref<128xi32, #tpu.memory_space<vmem>>[vector<16xi32>], vector<16xi32>,
      %get3A_111 = arith.constant 192 : index
      %get3A_112 = tpu.vector_load %arg5[%get3A_111] {strides = array<i32>} : memref<512xi32, #tpu.memory_space<vmem>>, vector<16xi32>,
      %add3A_113 = arith.constant 0 : i32
      %add3A_114 = vector.broadcast %add3A_113 : i32 to vector<16xi32>
      %add3A_115 = arith.addi %mul3A_51, %add3A_114 : vector<16xi32>
      tpu.vector_store_idx %arg9[%add3A_115], %get3A_112 : memref<128xi32, #tpu.memory_space<vmem>>[vector<16xi32>], vector<16xi32>,
      %get3A_116 = arith.constant 208 : index
      %get3A_117 = tpu.vector_load %arg5[%get3A_116] {strides = array<i32>} : memref<512xi32, #tpu.memory_space<vmem>>, vector<16xi32>,
      %add3A_118 = arith.constant 32 : i32
      %add3A_119 = vector.broadcast %add3A_118 : i32 to vector<16xi32>
      %add3A_120 = arith.addi %mul3A_51, %add3A_119 : vector<16xi32>
      tpu.vector_store_idx %arg9[%add3A_120], %get3A_117 : memref<128xi32, #tpu.memory_space<vmem>>[vector<16xi32>], vector<16xi32>,
      %get3A_121 = arith.constant 224 : index
      %get3A_122 = tpu.vector_load %arg5[%get3A_121] {strides = array<i32>} : memref<512xi32, #tpu.memory_space<vmem>>, vector<16xi32>,
      %add3A_123 = arith.constant 64 : i32
      %add3A_124 = vector.broadcast %add3A_123 : i32 to vector<16xi32>
      %add3A_125 = arith.addi %mul3A_51, %add3A_124 : vector<16xi32>
      tpu.vector_store_idx %arg9[%add3A_125], %get3A_122 : memref<128xi32, #tpu.memory_space<vmem>>[vector<16xi32>], vector<16xi32>,
      %get3A_126 = arith.constant 240 : index
      %get3A_127 = tpu.vector_load %arg5[%get3A_126] {strides = array<i32>} : memref<512xi32, #tpu.memory_space<vmem>>, vector<16xi32>,
      %add3A_128 = arith.constant 96 : i32
      %add3A_129 = vector.broadcast %add3A_128 : i32 to vector<16xi32>
      %add3A_130 = arith.addi %mul3A_51, %add3A_129 : vector<16xi32>
      tpu.vector_store_idx %arg9[%add3A_130], %get3A_127 : memref<128xi32, #tpu.memory_space<vmem>>[vector<16xi32>], vector<16xi32>,
      %get3A_131 = arith.constant 256 : index
      %get3A_132 = tpu.vector_load %arg5[%get3A_131] {strides = array<i32>} : memref<512xi32, #tpu.memory_space<vmem>>, vector<16xi32>,
      %add3A_133 = arith.constant 1 : i32
      %add3A_134 = vector.broadcast %add3A_133 : i32 to vector<16xi32>
      %add3A_135 = arith.addi %mul3A_51, %add3A_134 : vector<16xi32>
      tpu.vector_store_idx %arg6[%add3A_135], %get3A_132 : memref<128xi32, #tpu.memory_space<vmem>>[vector<16xi32>], vector<16xi32>,
      %get3A_136 = arith.constant 272 : index
      %get3A_137 = tpu.vector_load %arg5[%get3A_136] {strides = array<i32>} : memref<512xi32, #tpu.memory_space<vmem>>, vector<16xi32>,
      %add3A_138 = arith.constant 33 : i32
      %add3A_139 = vector.broadcast %add3A_138 : i32 to vector<16xi32>
      %add3A_140 = arith.addi %mul3A_51, %add3A_139 : vector<16xi32>
      tpu.vector_store_idx %arg6[%add3A_140], %get3A_137 : memref<128xi32, #tpu.memory_space<vmem>>[vector<16xi32>], vector<16xi32>,
      %get3A_141 = arith.constant 288 : index
      %get3A_142 = tpu.vector_load %arg5[%get3A_141] {strides = array<i32>} : memref<512xi32, #tpu.memory_space<vmem>>, vector<16xi32>,
      %add3A_143 = arith.constant 65 : i32
      %add3A_144 = vector.broadcast %add3A_143 : i32 to vector<16xi32>
      %add3A_145 = arith.addi %mul3A_51, %add3A_144 : vector<16xi32>
      tpu.vector_store_idx %arg6[%add3A_145], %get3A_142 : memref<128xi32, #tpu.memory_space<vmem>>[vector<16xi32>], vector<16xi32>,
      %get3A_146 = arith.constant 304 : index
      %get3A_147 = tpu.vector_load %arg5[%get3A_146] {strides = array<i32>} : memref<512xi32, #tpu.memory_space<vmem>>, vector<16xi32>,
      %add3A_148 = arith.constant 97 : i32
      %add3A_149 = vector.broadcast %add3A_148 : i32 to vector<16xi32>
      %add3A_150 = arith.addi %mul3A_51, %add3A_149 : vector<16xi32>
      tpu.vector_store_idx %arg6[%add3A_150], %get3A_147 : memref<128xi32, #tpu.memory_space<vmem>>[vector<16xi32>], vector<16xi32>,
      %get3A_151 = arith.constant 320 : index
      %get3A_152 = tpu.vector_load %arg5[%get3A_151] {strides = array<i32>} : memref<512xi32, #tpu.memory_space<vmem>>, vector<16xi32>,
      %add3A_153 = arith.constant 1 : i32
      %add3A_154 = vector.broadcast %add3A_153 : i32 to vector<16xi32>
      %add3A_155 = arith.addi %mul3A_51, %add3A_154 : vector<16xi32>
      tpu.vector_store_idx %arg7[%add3A_155], %get3A_152 : memref<128xi32, #tpu.memory_space<vmem>>[vector<16xi32>], vector<16xi32>,
      %get3A_156 = arith.constant 336 : index
      %get3A_157 = tpu.vector_load %arg5[%get3A_156] {strides = array<i32>} : memref<512xi32, #tpu.memory_space<vmem>>, vector<16xi32>,
      %add3A_158 = arith.constant 33 : i32
      %add3A_159 = vector.broadcast %add3A_158 : i32 to vector<16xi32>
      %add3A_160 = arith.addi %mul3A_51, %add3A_159 : vector<16xi32>
      tpu.vector_store_idx %arg7[%add3A_160], %get3A_157 : memref<128xi32, #tpu.memory_space<vmem>>[vector<16xi32>], vector<16xi32>,
      %get3A_161 = arith.constant 352 : index
      %get3A_162 = tpu.vector_load %arg5[%get3A_161] {strides = array<i32>} : memref<512xi32, #tpu.memory_space<vmem>>, vector<16xi32>,
      %add3A_163 = arith.constant 65 : i32
      %add3A_164 = vector.broadcast %add3A_163 : i32 to vector<16xi32>
      %add3A_165 = arith.addi %mul3A_51, %add3A_164 : vector<16xi32>
      tpu.vector_store_idx %arg7[%add3A_165], %get3A_162 : memref<128xi32, #tpu.memory_space<vmem>>[vector<16xi32>], vector<16xi32>,
      %get3A_166 = arith.constant 368 : index
      %get3A_167 = tpu.vector_load %arg5[%get3A_166] {strides = array<i32>} : memref<512xi32, #tpu.memory_space<vmem>>, vector<16xi32>,
      %add3A_168 = arith.constant 97 : i32
      %add3A_169 = vector.broadcast %add3A_168 : i32 to vector<16xi32>
      %add3A_170 = arith.addi %mul3A_51, %add3A_169 : vector<16xi32>
      tpu.vector_store_idx %arg7[%add3A_170], %get3A_167 : memref<128xi32, #tpu.memory_space<vmem>>[vector<16xi32>], vector<16xi32>,
      %get3A_171 = arith.constant 384 : index
      %get3A_172 = tpu.vector_load %arg5[%get3A_171] {strides = array<i32>} : memref<512xi32, #tpu.memory_space<vmem>>, vector<16xi32>,
      %add3A_173 = arith.constant 1 : i32
      %add3A_174 = vector.broadcast %add3A_173 : i32 to vector<16xi32>
      %add3A_175 = arith.addi %mul3A_51, %add3A_174 : vector<16xi32>
      tpu.vector_store_idx %arg8[%add3A_175], %get3A_172 : memref<128xi32, #tpu.memory_space<vmem>>[vector<16xi32>], vector<16xi32>,
      %get3A_176 = arith.constant 400 : index
      %get3A_177 = tpu.vector_load %arg5[%get3A_176] {strides = array<i32>} : memref<512xi32, #tpu.memory_space<vmem>>, vector<16xi32>,
      %add3A_178 = arith.constant 33 : i32
      %add3A_179 = vector.broadcast %add3A_178 : i32 to vector<16xi32>
      %add3A_180 = arith.addi %mul3A_51, %add3A_179 : vector<16xi32>
      tpu.vector_store_idx %arg8[%add3A_180], %get3A_177 : memref<128xi32, #tpu.memory_space<vmem>>[vector<16xi32>], vector<16xi32>,
      %get3A_181 = arith.constant 416 : index
      %get3A_182 = tpu.vector_load %arg5[%get3A_181] {strides = array<i32>} : memref<512xi32, #tpu.memory_space<vmem>>, vector<16xi32>,
      %add3A_183 = arith.constant 65 : i32
      %add3A_184 = vector.broadcast %add3A_183 : i32 to vector<16xi32>
      %add3A_185 = arith.addi %mul3A_51, %add3A_184 : vector<16xi32>
      tpu.vector_store_idx %arg8[%add3A_185], %get3A_182 : memref<128xi32, #tpu.memory_space<vmem>>[vector<16xi32>], vector<16xi32>,
      %get3A_186 = arith.constant 432 : index
      %get3A_187 = tpu.vector_load %arg5[%get3A_186] {strides = array<i32>} : memref<512xi32, #tpu.memory_space<vmem>>, vector<16xi32>,
      %add3A_188 = arith.constant 97 : i32
      %add3A_189 = vector.broadcast %add3A_188 : i32 to vector<16xi32>
      %add3A_190 = arith.addi %mul3A_51, %add3A_189 : vector<16xi32>
      tpu.vector_store_idx %arg8[%add3A_190], %get3A_187 : memref<128xi32, #tpu.memory_space<vmem>>[vector<16xi32>], vector<16xi32>,
      %get3A_191 = arith.constant 448 : index
      %get3A_192 = tpu.vector_load %arg5[%get3A_191] {strides = array<i32>} : memref<512xi32, #tpu.memory_space<vmem>>, vector<16xi32>,
      %add3A_193 = arith.constant 1 : i32
      %add3A_194 = vector.broadcast %add3A_193 : i32 to vector<16xi32>
      %add3A_195 = arith.addi %mul3A_51, %add3A_194 : vector<16xi32>
      tpu.vector_store_idx %arg9[%add3A_195], %get3A_192 : memref<128xi32, #tpu.memory_space<vmem>>[vector<16xi32>], vector<16xi32>,
      %get3A_196 = arith.constant 464 : index
      %get3A_197 = tpu.vector_load %arg5[%get3A_196] {strides = array<i32>} : memref<512xi32, #tpu.memory_space<vmem>>, vector<16xi32>,
      %add3A_198 = arith.constant 33 : i32
      %add3A_199 = vector.broadcast %add3A_198 : i32 to vector<16xi32>
      %add3A_200 = arith.addi %mul3A_51, %add3A_199 : vector<16xi32>
      tpu.vector_store_idx %arg9[%add3A_200], %get3A_197 : memref<128xi32, #tpu.memory_space<vmem>>[vector<16xi32>], vector<16xi32>,
      %get3A_201 = arith.constant 480 : index
      %get3A_202 = tpu.vector_load %arg5[%get3A_201] {strides = array<i32>} : memref<512xi32, #tpu.memory_space<vmem>>, vector<16xi32>,
      %add3A_203 = arith.constant 65 : i32
      %add3A_204 = vector.broadcast %add3A_203 : i32 to vector<16xi32>
      %add3A_205 = arith.addi %mul3A_51, %add3A_204 : vector<16xi32>
      tpu.vector_store_idx %arg9[%add3A_205], %get3A_202 : memref<128xi32, #tpu.memory_space<vmem>>[vector<16xi32>], vector<16xi32>,
      %get3A_206 = arith.constant 496 : index
      %get3A_207 = tpu.vector_load %arg5[%get3A_206] {strides = array<i32>} : memref<512xi32, #tpu.memory_space<vmem>>, vector<16xi32>,
      %add3A_208 = arith.constant 97 : i32
      %add3A_209 = vector.broadcast %add3A_208 : i32 to vector<16xi32>
      %add3A_210 = arith.addi %mul3A_51, %add3A_209 : vector<16xi32>
      tpu.vector_store_idx %arg9[%add3A_210], %get3A_207 : memref<128xi32, #tpu.memory_space<vmem>>[vector<16xi32>], vector<16xi32>,
      %dma_start3A = arith.constant 0 : i32
      %dma_start3A_211 = arith.constant 0 : i32
      %dma_start3A_212 = tpu.memref_slice %arg10[%dma_start3A, %dma_start3A_211] : memref<512x64xf32, #tpu.memory_space<vmem>> -> memref<128x64xf32, #tpu.memory_space<vmem>>
      %dma_start3A_213 = arith.constant 0 : i32
      %dma_start3A_214 = arith.constant 0 : i32
      %dma_start3A_215 = tpu.memref_slice %arg3[%dma_start3A_213, %dma_start3A_214] : memref<1000000x64xf32, #tpu.memory_space<hbm>> -> memref<1000000x64xf32, #tpu.memory_space<hbm>>
      tpu.enqueue_indirect_dma source(%dma_start3A_215 : memref<1000000x64xf32, #tpu.memory_space<hbm>>) target(%dma_start3A_212 : memref<128x64xf32, #tpu.memory_space<vmem>>) offsets(%arg6 : memref<128xi32, #tpu.memory_space<vmem>>) semaphore(%arg11 : memref<!tpu.dma_semaphore, #tpu.memory_space<semaphore_mem>>)
      %dma_start3A_216 = arith.constant 128 : i32
      %dma_start3A_217 = arith.constant 0 : i32
      %dma_start3A_218 = tpu.memref_slice %arg10[%dma_start3A_216, %dma_start3A_217] : memref<512x64xf32, #tpu.memory_space<vmem>> -> memref<128x64xf32, #tpu.memory_space<vmem>>
      %dma_start3A_219 = arith.constant 0 : i32
      %dma_start3A_220 = arith.constant 0 : i32
      %dma_start3A_221 = tpu.memref_slice %arg3[%dma_start3A_219, %dma_start3A_220] : memref<1000000x64xf32, #tpu.memory_space<hbm>> -> memref<1000000x64xf32, #tpu.memory_space<hbm>>
      tpu.enqueue_indirect_dma source(%dma_start3A_221 : memref<1000000x64xf32, #tpu.memory_space<hbm>>) target(%dma_start3A_218 : memref<128x64xf32, #tpu.memory_space<vmem>>) offsets(%arg7 : memref<128xi32, #tpu.memory_space<vmem>>) semaphore(%arg11 : memref<!tpu.dma_semaphore, #tpu.memory_space<semaphore_mem>>)
      %dma_start3A_222 = arith.constant 256 : i32
      %dma_start3A_223 = arith.constant 0 : i32
      %dma_start3A_224 = tpu.memref_slice %arg10[%dma_start3A_222, %dma_start3A_223] : memref<512x64xf32, #tpu.memory_space<vmem>> -> memref<128x64xf32, #tpu.memory_space<vmem>>
      %dma_start3A_225 = arith.constant 0 : i32
      %dma_start3A_226 = arith.constant 0 : i32
      %dma_start3A_227 = tpu.memref_slice %arg3[%dma_start3A_225, %dma_start3A_226] : memref<1000000x64xf32, #tpu.memory_space<hbm>> -> memref<1000000x64xf32, #tpu.memory_space<hbm>>
      tpu.enqueue_indirect_dma source(%dma_start3A_227 : memref<1000000x64xf32, #tpu.memory_space<hbm>>) target(%dma_start3A_224 : memref<128x64xf32, #tpu.memory_space<vmem>>) offsets(%arg8 : memref<128xi32, #tpu.memory_space<vmem>>) semaphore(%arg11 : memref<!tpu.dma_semaphore, #tpu.memory_space<semaphore_mem>>)
      %dma_start3A_228 = arith.constant 384 : i32
      %dma_start3A_229 = arith.constant 0 : i32
      %dma_start3A_230 = tpu.memref_slice %arg10[%dma_start3A_228, %dma_start3A_229] : memref<512x64xf32, #tpu.memory_space<vmem>> -> memref<128x64xf32, #tpu.memory_space<vmem>>
      %dma_start3A_231 = arith.constant 0 : i32
      %dma_start3A_232 = arith.constant 0 : i32
      %dma_start3A_233 = tpu.memref_slice %arg3[%dma_start3A_231, %dma_start3A_232] : memref<1000000x64xf32, #tpu.memory_space<hbm>> -> memref<1000000x64xf32, #tpu.memory_space<hbm>>
      tpu.enqueue_indirect_dma source(%dma_start3A_233 : memref<1000000x64xf32, #tpu.memory_space<hbm>>) target(%dma_start3A_230 : memref<128x64xf32, #tpu.memory_space<vmem>>) offsets(%arg9 : memref<128xi32, #tpu.memory_space<vmem>>) semaphore(%arg11 : memref<!tpu.dma_semaphore, #tpu.memory_space<semaphore_mem>>)
      %dma_wait3A = arith.constant 0 : i32
      %dma_wait3A_234 = arith.constant 0 : i32
      %dma_wait3A_235 = tpu.memref_slice %arg10[%dma_wait3A, %dma_wait3A_234] : memref<512x64xf32, #tpu.memory_space<vmem>> -> memref<128x64xf32, #tpu.memory_space<vmem>>
      %dma_wait3A_236 = arith.constant 0 : i32
      %dma_wait3A_237 = arith.constant 0 : i32
      %dma_wait3A_238 = tpu.memref_slice %arg3[%dma_wait3A_236, %dma_wait3A_237] : memref<1000000x64xf32, #tpu.memory_space<hbm>> -> memref<1000000x64xf32, #tpu.memory_space<hbm>>
      tpu.wait_indirect_dma semaphore(%arg11 : memref<!tpu.dma_semaphore, #tpu.memory_space<semaphore_mem>>) src(%dma_wait3A_238 : memref<1000000x64xf32, #tpu.memory_space<hbm>>) dst(%dma_wait3A_235 : memref<128x64xf32, #tpu.memory_space<vmem>>)
      %dma_wait3A_239 = arith.constant 128 : i32
      %dma_wait3A_240 = arith.constant 0 : i32
      %dma_wait3A_241 = tpu.memref_slice %arg10[%dma_wait3A_239, %dma_wait3A_240] : memref<512x64xf32, #tpu.memory_space<vmem>> -> memref<128x64xf32, #tpu.memory_space<vmem>>
      %dma_wait3A_242 = arith.constant 0 : i32
      %dma_wait3A_243 = arith.constant 0 : i32
      %dma_wait3A_244 = tpu.memref_slice %arg3[%dma_wait3A_242, %dma_wait3A_243] : memref<1000000x64xf32, #tpu.memory_space<hbm>> -> memref<1000000x64xf32, #tpu.memory_space<hbm>>
      tpu.wait_indirect_dma semaphore(%arg11 : memref<!tpu.dma_semaphore, #tpu.memory_space<semaphore_mem>>) src(%dma_wait3A_244 : memref<1000000x64xf32, #tpu.memory_space<hbm>>) dst(%dma_wait3A_241 : memref<128x64xf32, #tpu.memory_space<vmem>>)
      %dma_wait3A_245 = arith.constant 256 : i32
      %dma_wait3A_246 = arith.constant 0 : i32
      %dma_wait3A_247 = tpu.memref_slice %arg10[%dma_wait3A_245, %dma_wait3A_246] : memref<512x64xf32, #tpu.memory_space<vmem>> -> memref<128x64xf32, #tpu.memory_space<vmem>>
      %dma_wait3A_248 = arith.constant 0 : i32
      %dma_wait3A_249 = arith.constant 0 : i32
      %dma_wait3A_250 = tpu.memref_slice %arg3[%dma_wait3A_248, %dma_wait3A_249] : memref<1000000x64xf32, #tpu.memory_space<hbm>> -> memref<1000000x64xf32, #tpu.memory_space<hbm>>
      tpu.wait_indirect_dma semaphore(%arg11 : memref<!tpu.dma_semaphore, #tpu.memory_space<semaphore_mem>>) src(%dma_wait3A_250 : memref<1000000x64xf32, #tpu.memory_space<hbm>>) dst(%dma_wait3A_247 : memref<128x64xf32, #tpu.memory_space<vmem>>)
      %dma_wait3A_251 = arith.constant 384 : i32
      %dma_wait3A_252 = arith.constant 0 : i32
      %dma_wait3A_253 = tpu.memref_slice %arg10[%dma_wait3A_251, %dma_wait3A_252] : memref<512x64xf32, #tpu.memory_space<vmem>> -> memref<128x64xf32, #tpu.memory_space<vmem>>
      %dma_wait3A_254 = arith.constant 0 : i32
      %dma_wait3A_255 = arith.constant 0 : i32
      %dma_wait3A_256 = tpu.memref_slice %arg3[%dma_wait3A_254, %dma_wait3A_255] : memref<1000000x64xf32, #tpu.memory_space<hbm>> -> memref<1000000x64xf32, #tpu.memory_space<hbm>>
      tpu.wait_indirect_dma semaphore(%arg11 : memref<!tpu.dma_semaphore, #tpu.memory_space<semaphore_mem>>) src(%dma_wait3A_256 : memref<1000000x64xf32, #tpu.memory_space<hbm>>) dst(%dma_wait3A_253 : memref<128x64xf32, #tpu.memory_space<vmem>>)
      %mul3A_257 = arith.constant 512 : i32
      %mul3A_258 = arith.muli %scan3A_10, %mul3A_257 : i32
      %add3A_259 = arith.addi %mul3A_4, %mul3A_258 : i32
      "tpu.region"() ({
        %run_scoped3A = tpu.sem_alloc : memref<!tpu.dma_semaphore, #tpu.memory_space<semaphore_mem>>
        %dma_start3A_260 = arith.constant 0 : i32
        %dma_start3A_261 = tpu.memref_slice %arg4[%add3A_259, %dma_start3A_260] : memref<131072x64xf32, #tpu.memory_space<hbm>> -> memref<512x64xf32, #tpu.memory_space<hbm>>
        %dma_start3A_262 = arith.constant 0 : i32
        %dma_start3A_263 = tpu.memref_slice %arg4[%add3A_259, %dma_start3A_262] : memref<131072x64xf32, #tpu.memory_space<hbm>> -> memref<512x64xf32, #tpu.memory_space<hbm>>
        tpu.enqueue_dma source(%arg10 : memref<512x64xf32, #tpu.memory_space<vmem>>) target(%dma_start3A_263 : memref<512x64xf32, #tpu.memory_space<hbm>>) target_semaphore(%run_scoped3A : memref<!tpu.dma_semaphore, #tpu.memory_space<semaphore_mem>>)
        %dma_wait3A_264 = arith.constant 0 : i32
        %dma_wait3A_265 = tpu.memref_slice %arg4[%add3A_259, %dma_wait3A_264] : memref<131072x64xf32, #tpu.memory_space<hbm>> -> memref<512x64xf32, #tpu.memory_space<hbm>>
        %dma_wait3A_266 = arith.constant 0 : i32
        %dma_wait3A_267 = tpu.memref_slice %arg4[%add3A_259, %dma_wait3A_266] : memref<131072x64xf32, #tpu.memory_space<hbm>> -> memref<512x64xf32, #tpu.memory_space<hbm>>
        tpu.wait_dma2 semaphore(%run_scoped3A : memref<!tpu.dma_semaphore, #tpu.memory_space<semaphore_mem>>) src(%arg10 : memref<512x64xf32, #tpu.memory_space<vmem>>) dst(%dma_wait3A_267 : memref<512x64xf32, #tpu.memory_space<hbm>>)
        tpu.yield
      }) : () -> ()
    }
    %scan3A_9 = arith.constant 8 : i32
    return
  }
}

#map = affine_map<(d0, d1) -> (0)>
#map1 = affine_map<(d0, d1) -> (0, 0)>
module attributes {stable_mosaic.version = 14 : i64} {
  func.func @gather_kernel(%arg0: i32, %arg1: i32, %arg2: memref<524288xi32, #tpu.memory_space<hbm>>, %arg3: memref<1000000x64xf32, #tpu.memory_space<hbm>>, %arg4: memref<524288x64xf32, #tpu.memory_space<hbm>>, %arg5: memref<512xi32, #tpu.memory_space<vmem>>, %arg6: memref<128xi32, #tpu.memory_space<vmem>>, %arg7: memref<128xi32, #tpu.memory_space<vmem>>, %arg8: memref<128xi32, #tpu.memory_space<vmem>>, %arg9: memref<128xi32, #tpu.memory_space<vmem>>, %arg10: memref<512x64xf32, #tpu.memory_space<vmem>>, %arg11: memref<!tpu.dma_semaphore, #tpu.memory_space<semaphore_mem>>) attributes {dimension_semantics = [#tpu.dimension_semantics<core_parallel>, #tpu.dimension_semantics<subcore_parallel>], iteration_bounds = array<i64: 2, 16>, scalar_prefetch = 0 : i64, scratch_operands = 7 : i64, tpu.core_type = #tpu.core_type<sc_vector_subcore>, window_params = [{transform_indices = #map}, {transform_indices = #map1}, {transform_indices = #map1}]} {
    %mul3A = arith.constant 2 : i32
    %mul3A_0 = arith.muli %arg1, %mul3A : i32
    %add3A = arith.addi %mul3A_0, %arg0 : i32
    %mul3A_1 = arith.constant 4 : i32
    %mul3A_2 = arith.muli %add3A, %mul3A_1 : i32
    %mul3A_3 = arith.constant 16384 : i32
    %mul3A_4 = arith.muli %add3A, %mul3A_3 : i32
    %scan3A = arith.constant 0 : i32
    %scan3A_5 = arith.constant 0 : i32
    %scan3A_6 = arith.constant 32 : i32
    %scan3A_7 = arith.addi %scan3A_5, %scan3A_6 : i32
    %scan3A_8 = arith.constant 1 : i32
    scf.for %scan3A_10 = %scan3A_5 to %scan3A_7 step %scan3A_8  : i32 {
      %jit3A = arith.constant 8 : i32
      %div3A = arith.divsi %scan3A_10, %jit3A : i32
      %sign3A = arith.constant 0 : i32
      %sign3A_11 = arith.cmpi sgt, %scan3A_10, %sign3A : i32
      %sign3A_12 = arith.extui %sign3A_11 : i1 to i32
      %sign3A_13 = arith.constant 0 : i32
      %sign3A_14 = arith.cmpi slt, %scan3A_10, %sign3A_13 : i32
      %sign3A_15 = arith.extui %sign3A_14 : i1 to i32
      %sign3A_16 = arith.subi %sign3A_12, %sign3A_15 : i32
      %sign3A_17 = arith.constant 0 : i32
      %sign3A_18 = arith.cmpi sgt, %jit3A, %sign3A_17 : i32
      %sign3A_19 = arith.extui %sign3A_18 : i1 to i32
      %sign3A_20 = arith.constant 0 : i32
      %sign3A_21 = arith.cmpi slt, %jit3A, %sign3A_20 : i32
      %sign3A_22 = arith.extui %sign3A_21 : i1 to i32
      %sign3A_23 = arith.subi %sign3A_19, %sign3A_22 : i32
      %ne3A = arith.cmpi ne, %sign3A_16, %sign3A_23 : i32
      %rem3A = arith.remsi %scan3A_10, %jit3A : i32
      %ne3A_24 = arith.constant 0 : i32
      %ne3A_25 = arith.cmpi ne, %rem3A, %ne3A_24 : i32
      %and3A = arith.andi %ne3A, %ne3A_25 : i1
      %sub3A = arith.constant 1 : i32
      %sub3A_26 = arith.subi %div3A, %sub3A : i32
      %select_n3A = arith.select %and3A, %sub3A_26, %div3A : i32
      %add3A_27 = arith.addi %mul3A_2, %select_n3A : i32
      %jit3A_28 = arith.constant 8 : i32
      %eq3A = arith.constant 0 : i32
      %eq3A_29 = arith.cmpi eq, %jit3A_28, %eq3A : i32
      %jit3A_30 = arith.constant 1 : i32
      %select_n3A_31 = arith.select %eq3A_29, %jit3A_30, %jit3A_28 : i32
      %rem3A_32 = arith.remsi %scan3A_10, %select_n3A_31 : i32
      %ne3A_33 = arith.constant 0 : i32
      %ne3A_34 = arith.cmpi ne, %rem3A_32, %ne3A_33 : i32
      %lt3A = arith.constant 0 : i32
      %lt3A_35 = arith.cmpi slt, %rem3A_32, %lt3A : i32
      %lt3A_36 = arith.constant 0 : i32
      %lt3A_37 = arith.cmpi slt, %select_n3A_31, %lt3A_36 : i32
      %ne3A_38 = arith.xori %lt3A_35, %lt3A_37 : i1
      %and3A_39 = arith.andi %ne3A_38, %ne3A_34 : i1
      %add3A_40 = arith.addi %rem3A_32, %select_n3A_31 : i32
      %select_n3A_41 = arith.select %and3A_39, %add3A_40, %rem3A_32 : i32
      %mul3A_42 = arith.constant 4096 : i32
      %mul3A_43 = arith.muli %add3A_27, %mul3A_42 : i32
      %mul3A_44 = arith.constant 256 : i32
      %mul3A_45 = arith.muli %mul3A_44, %select_n3A_41 : i32
      %add3A_46 = arith.addi %mul3A_43, %mul3A_45 : i32
      "tpu.region"() ({
        %run_scoped3A = tpu.sem_alloc : memref<!tpu.dma_semaphore, #tpu.memory_space<semaphore_mem>>
        %dma_start3A_260 = arith.constant 0 : i32
        %dma_start3A_261 = tpu.memref_slice %arg5[%dma_start3A_260] : memref<512xi32, #tpu.memory_space<vmem>> -> memref<256xi32, #tpu.memory_space<vmem>>
        %dma_start3A_262 = tpu.memref_slice %arg2[%add3A_46] : memref<524288xi32, #tpu.memory_space<hbm>> -> memref<256xi32, #tpu.memory_space<hbm>>
        %dma_start3A_263 = arith.constant 0 : i32
        %dma_start3A_264 = tpu.memref_slice %arg5[%dma_start3A_263] : memref<512xi32, #tpu.memory_space<vmem>> -> memref<256xi32, #tpu.memory_space<vmem>>
        %dma_start3A_265 = tpu.memref_slice %arg2[%add3A_46] : memref<524288xi32, #tpu.memory_space<hbm>> -> memref<256xi32, #tpu.memory_space<hbm>>
        tpu.enqueue_dma source(%dma_start3A_265 : memref<256xi32, #tpu.memory_space<hbm>>) target(%dma_start3A_264 : memref<256xi32, #tpu.memory_space<vmem>>) target_semaphore(%run_scoped3A : memref<!tpu.dma_semaphore, #tpu.memory_space<semaphore_mem>>)
        %dma_wait3A_266 = arith.constant 0 : i32
        %dma_wait3A_267 = tpu.memref_slice %arg5[%dma_wait3A_266] : memref<512xi32, #tpu.memory_space<vmem>> -> memref<256xi32, #tpu.memory_space<vmem>>
        %dma_wait3A_268 = tpu.memref_slice %arg2[%add3A_46] : memref<524288xi32, #tpu.memory_space<hbm>> -> memref<256xi32, #tpu.memory_space<hbm>>
        %dma_wait3A_269 = arith.constant 0 : i32
        %dma_wait3A_270 = tpu.memref_slice %arg5[%dma_wait3A_269] : memref<512xi32, #tpu.memory_space<vmem>> -> memref<256xi32, #tpu.memory_space<vmem>>
        %dma_wait3A_271 = tpu.memref_slice %arg2[%add3A_46] : memref<524288xi32, #tpu.memory_space<hbm>> -> memref<256xi32, #tpu.memory_space<hbm>>
        tpu.wait_dma2 semaphore(%run_scoped3A : memref<!tpu.dma_semaphore, #tpu.memory_space<semaphore_mem>>) src(%dma_wait3A_271 : memref<256xi32, #tpu.memory_space<hbm>>) dst(%dma_wait3A_270 : memref<256xi32, #tpu.memory_space<vmem>>)
        tpu.yield
      }) : () -> ()
      %add3A_47 = arith.constant 2048 : i32
      %add3A_48 = arith.addi %add3A_46, %add3A_47 : i32
      "tpu.region"() ({
        %run_scoped3A = tpu.sem_alloc : memref<!tpu.dma_semaphore, #tpu.memory_space<semaphore_mem>>
        %dma_start3A_260 = arith.constant 256 : i32
        %dma_start3A_261 = tpu.memref_slice %arg5[%dma_start3A_260] : memref<512xi32, #tpu.memory_space<vmem>> -> memref<256xi32, #tpu.memory_space<vmem>>
        %dma_start3A_262 = tpu.memref_slice %arg2[%add3A_48] : memref<524288xi32, #tpu.memory_space<hbm>> -> memref<256xi32, #tpu.memory_space<hbm>>
        %dma_start3A_263 = arith.constant 256 : i32
        %dma_start3A_264 = tpu.memref_slice %arg5[%dma_start3A_263] : memref<512xi32, #tpu.memory_space<vmem>> -> memref<256xi32, #tpu.memory_space<vmem>>
        %dma_start3A_265 = tpu.memref_slice %arg2[%add3A_48] : memref<524288xi32, #tpu.memory_space<hbm>> -> memref<256xi32, #tpu.memory_space<hbm>>
        tpu.enqueue_dma source(%dma_start3A_265 : memref<256xi32, #tpu.memory_space<hbm>>) target(%dma_start3A_264 : memref<256xi32, #tpu.memory_space<vmem>>) target_semaphore(%run_scoped3A : memref<!tpu.dma_semaphore, #tpu.memory_space<semaphore_mem>>)
        %dma_wait3A_266 = arith.constant 256 : i32
        %dma_wait3A_267 = tpu.memref_slice %arg5[%dma_wait3A_266] : memref<512xi32, #tpu.memory_space<vmem>> -> memref<256xi32, #tpu.memory_space<vmem>>
        %dma_wait3A_268 = tpu.memref_slice %arg2[%add3A_48] : memref<524288xi32, #tpu.memory_space<hbm>> -> memref<256xi32, #tpu.memory_space<hbm>>
        %dma_wait3A_269 = arith.constant 256 : i32
        %dma_wait3A_270 = tpu.memref_slice %arg5[%dma_wait3A_269] : memref<512xi32, #tpu.memory_space<vmem>> -> memref<256xi32, #tpu.memory_space<vmem>>
        %dma_wait3A_271 = tpu.memref_slice %arg2[%add3A_48] : memref<524288xi32, #tpu.memory_space<hbm>> -> memref<256xi32, #tpu.memory_space<hbm>>
        tpu.wait_dma2 semaphore(%run_scoped3A : memref<!tpu.dma_semaphore, #tpu.memory_space<semaphore_mem>>) src(%dma_wait3A_271 : memref<256xi32, #tpu.memory_space<hbm>>) dst(%dma_wait3A_270 : memref<256xi32, #tpu.memory_space<vmem>>)
        tpu.yield
      }) : () -> ()
      %iota3A = tpu.iota {dimensions = array<i32: 0>} : vector<16xi32>
      %mul3A_49 = arith.constant 2 : i32
      %mul3A_50 = vector.broadcast %mul3A_49 : i32 to vector<16xi32>
      %mul3A_51 = arith.muli %mul3A_50, %iota3A : vector<16xi32>
      %get3A = arith.constant 0 : index
      %get3A_52 = tpu.vector_load %arg5[%get3A] {strides = array<i32>} : memref<512xi32, #tpu.memory_space<vmem>>, vector<16xi32>,
      %add3A_53 = arith.constant 0 : i32
      %add3A_54 = vector.broadcast %add3A_53 : i32 to vector<16xi32>
      %add3A_55 = arith.addi %mul3A_51, %add3A_54 : vector<16xi32>
      tpu.vector_store_idx %arg6[%add3A_55], %get3A_52 : memref<128xi32, #tpu.memory_space<vmem>>[vector<16xi32>], vector<16xi32>,
      %get3A_56 = arith.constant 16 : index
      %get3A_57 = tpu.vector_load %arg5[%get3A_56] {strides = array<i32>} : memref<512xi32, #tpu.memory_space<vmem>>, vector<16xi32>,
      %add3A_58 = arith.constant 32 : i32
      %add3A_59 = vector.broadcast %add3A_58 : i32 to vector<16xi32>
      %add3A_60 = arith.addi %mul3A_51, %add3A_59 : vector<16xi32>
      tpu.vector_store_idx %arg6[%add3A_60], %get3A_57 : memref<128xi32, #tpu.memory_space<vmem>>[vector<16xi32>], vector<16xi32>,
      %get3A_61 = arith.constant 32 : index
      %get3A_62 = tpu.vector_load %arg5[%get3A_61] {strides = array<i32>} : memref<512xi32, #tpu.memory_space<vmem>>, vector<16xi32>,
      %add3A_63 = arith.constant 64 : i32
      %add3A_64 = vector.broadcast %add3A_63 : i32 to vector<16xi32>
      %add3A_65 = arith.addi %mul3A_51, %add3A_64 : vector<16xi32>
      tpu.vector_store_idx %arg6[%add3A_65], %get3A_62 : memref<128xi32, #tpu.memory_space<vmem>>[vector<16xi32>], vector<16xi32>,
      %get3A_66 = arith.constant 48 : index
      %get3A_67 = tpu.vector_load %arg5[%get3A_66] {strides = array<i32>} : memref<512xi32, #tpu.memory_space<vmem>>, vector<16xi32>,
      %add3A_68 = arith.constant 96 : i32
      %add3A_69 = vector.broadcast %add3A_68 : i32 to vector<16xi32>
      %add3A_70 = arith.addi %mul3A_51, %add3A_69 : vector<16xi32>
      tpu.vector_store_idx %arg6[%add3A_70], %get3A_67 : memref<128xi32, #tpu.memory_space<vmem>>[vector<16xi32>], vector<16xi32>,
      %get3A_71 = arith.constant 64 : index
      %get3A_72 = tpu.vector_load %arg5[%get3A_71] {strides = array<i32>} : memref<512xi32, #tpu.memory_space<vmem>>, vector<16xi32>,
      %add3A_73 = arith.constant 0 : i32
      %add3A_74 = vector.broadcast %add3A_73 : i32 to vector<16xi32>
      %add3A_75 = arith.addi %mul3A_51, %add3A_74 : vector<16xi32>
      tpu.vector_store_idx %arg7[%add3A_75], %get3A_72 : memref<128xi32, #tpu.memory_space<vmem>>[vector<16xi32>], vector<16xi32>,
      %get3A_76 = arith.constant 80 : index
      %get3A_77 = tpu.vector_load %arg5[%get3A_76] {strides = array<i32>} : memref<512xi32, #tpu.memory_space<vmem>>, vector<16xi32>,
      %add3A_78 = arith.constant 32 : i32
      %add3A_79 = vector.broadcast %add3A_78 : i32 to vector<16xi32>
      %add3A_80 = arith.addi %mul3A_51, %add3A_79 : vector<16xi32>
      tpu.vector_store_idx %arg7[%add3A_80], %get3A_77 : memref<128xi32, #tpu.memory_space<vmem>>[vector<16xi32>], vector<16xi32>,
      %get3A_81 = arith.constant 96 : index
      %get3A_82 = tpu.vector_load %arg5[%get3A_81] {strides = array<i32>} : memref<512xi32, #tpu.memory_space<vmem>>, vector<16xi32>,
      %add3A_83 = arith.constant 64 : i32
      %add3A_84 = vector.broadcast %add3A_83 : i32 to vector<16xi32>
      %add3A_85 = arith.addi %mul3A_51, %add3A_84 : vector<16xi32>
      tpu.vector_store_idx %arg7[%add3A_85], %get3A_82 : memref<128xi32, #tpu.memory_space<vmem>>[vector<16xi32>], vector<16xi32>,
      %get3A_86 = arith.constant 112 : index
      %get3A_87 = tpu.vector_load %arg5[%get3A_86] {strides = array<i32>} : memref<512xi32, #tpu.memory_space<vmem>>, vector<16xi32>,
      %add3A_88 = arith.constant 96 : i32
      %add3A_89 = vector.broadcast %add3A_88 : i32 to vector<16xi32>
      %add3A_90 = arith.addi %mul3A_51, %add3A_89 : vector<16xi32>
      tpu.vector_store_idx %arg7[%add3A_90], %get3A_87 : memref<128xi32, #tpu.memory_space<vmem>>[vector<16xi32>], vector<16xi32>,
      %get3A_91 = arith.constant 128 : index
      %get3A_92 = tpu.vector_load %arg5[%get3A_91] {strides = array<i32>} : memref<512xi32, #tpu.memory_space<vmem>>, vector<16xi32>,
      %add3A_93 = arith.constant 0 : i32
      %add3A_94 = vector.broadcast %add3A_93 : i32 to vector<16xi32>
      %add3A_95 = arith.addi %mul3A_51, %add3A_94 : vector<16xi32>
      tpu.vector_store_idx %arg8[%add3A_95], %get3A_92 : memref<128xi32, #tpu.memory_space<vmem>>[vector<16xi32>], vector<16xi32>,
      %get3A_96 = arith.constant 144 : index
      %get3A_97 = tpu.vector_load %arg5[%get3A_96] {strides = array<i32>} : memref<512xi32, #tpu.memory_space<vmem>>, vector<16xi32>,
      %add3A_98 = arith.constant 32 : i32
      %add3A_99 = vector.broadcast %add3A_98 : i32 to vector<16xi32>
      %add3A_100 = arith.addi %mul3A_51, %add3A_99 : vector<16xi32>
      tpu.vector_store_idx %arg8[%add3A_100], %get3A_97 : memref<128xi32, #tpu.memory_space<vmem>>[vector<16xi32>], vector<16xi32>,
      %get3A_101 = arith.constant 160 : index
      %get3A_102 = tpu.vector_load %arg5[%get3A_101] {strides = array<i32>} : memref<512xi32, #tpu.memory_space<vmem>>, vector<16xi32>,
      %add3A_103 = arith.constant 64 : i32
      %add3A_104 = vector.broadcast %add3A_103 : i32 to vector<16xi32>
      %add3A_105 = arith.addi %mul3A_51, %add3A_104 : vector<16xi32>
      tpu.vector_store_idx %arg8[%add3A_105], %get3A_102 : memref<128xi32, #tpu.memory_space<vmem>>[vector<16xi32>], vector<16xi32>,
      %get3A_106 = arith.constant 176 : index
      %get3A_107 = tpu.vector_load %arg5[%get3A_106] {strides = array<i32>} : memref<512xi32, #tpu.memory_space<vmem>>, vector<16xi32>,
      %add3A_108 = arith.constant 96 : i32
      %add3A_109 = vector.broadcast %add3A_108 : i32 to vector<16xi32>
      %add3A_110 = arith.addi %mul3A_51, %add3A_109 : vector<16xi32>
      tpu.vector_store_idx %arg8[%add3A_110], %get3A_107 : memref<128xi32, #tpu.memory_space<vmem>>[vector<16xi32>], vector<16xi32>,
      %get3A_111 = arith.constant 192 : index
      %get3A_112 = tpu.vector_load %arg5[%get3A_111] {strides = array<i32>} : memref<512xi32, #tpu.memory_space<vmem>>, vector<16xi32>,
      %add3A_113 = arith.constant 0 : i32
      %add3A_114 = vector.broadcast %add3A_113 : i32 to vector<16xi32>
      %add3A_115 = arith.addi %mul3A_51, %add3A_114 : vector<16xi32>
      tpu.vector_store_idx %arg9[%add3A_115], %get3A_112 : memref<128xi32, #tpu.memory_space<vmem>>[vector<16xi32>], vector<16xi32>,
      %get3A_116 = arith.constant 208 : index
      %get3A_117 = tpu.vector_load %arg5[%get3A_116] {strides = array<i32>} : memref<512xi32, #tpu.memory_space<vmem>>, vector<16xi32>,
      %add3A_118 = arith.constant 32 : i32
      %add3A_119 = vector.broadcast %add3A_118 : i32 to vector<16xi32>
      %add3A_120 = arith.addi %mul3A_51, %add3A_119 : vector<16xi32>
      tpu.vector_store_idx %arg9[%add3A_120], %get3A_117 : memref<128xi32, #tpu.memory_space<vmem>>[vector<16xi32>], vector<16xi32>,
      %get3A_121 = arith.constant 224 : index
      %get3A_122 = tpu.vector_load %arg5[%get3A_121] {strides = array<i32>} : memref<512xi32, #tpu.memory_space<vmem>>, vector<16xi32>,
      %add3A_123 = arith.constant 64 : i32
      %add3A_124 = vector.broadcast %add3A_123 : i32 to vector<16xi32>
      %add3A_125 = arith.addi %mul3A_51, %add3A_124 : vector<16xi32>
      tpu.vector_store_idx %arg9[%add3A_125], %get3A_122 : memref<128xi32, #tpu.memory_space<vmem>>[vector<16xi32>], vector<16xi32>,
      %get3A_126 = arith.constant 240 : index
      %get3A_127 = tpu.vector_load %arg5[%get3A_126] {strides = array<i32>} : memref<512xi32, #tpu.memory_space<vmem>>, vector<16xi32>,
      %add3A_128 = arith.constant 96 : i32
      %add3A_129 = vector.broadcast %add3A_128 : i32 to vector<16xi32>
      %add3A_130 = arith.addi %mul3A_51, %add3A_129 : vector<16xi32>
      tpu.vector_store_idx %arg9[%add3A_130], %get3A_127 : memref<128xi32, #tpu.memory_space<vmem>>[vector<16xi32>], vector<16xi32>,
      %get3A_131 = arith.constant 256 : index
      %get3A_132 = tpu.vector_load %arg5[%get3A_131] {strides = array<i32>} : memref<512xi32, #tpu.memory_space<vmem>>, vector<16xi32>,
      %add3A_133 = arith.constant 1 : i32
      %add3A_134 = vector.broadcast %add3A_133 : i32 to vector<16xi32>
      %add3A_135 = arith.addi %mul3A_51, %add3A_134 : vector<16xi32>
      tpu.vector_store_idx %arg6[%add3A_135], %get3A_132 : memref<128xi32, #tpu.memory_space<vmem>>[vector<16xi32>], vector<16xi32>,
      %get3A_136 = arith.constant 272 : index
      %get3A_137 = tpu.vector_load %arg5[%get3A_136] {strides = array<i32>} : memref<512xi32, #tpu.memory_space<vmem>>, vector<16xi32>,
      %add3A_138 = arith.constant 33 : i32
      %add3A_139 = vector.broadcast %add3A_138 : i32 to vector<16xi32>
      %add3A_140 = arith.addi %mul3A_51, %add3A_139 : vector<16xi32>
      tpu.vector_store_idx %arg6[%add3A_140], %get3A_137 : memref<128xi32, #tpu.memory_space<vmem>>[vector<16xi32>], vector<16xi32>,
      %get3A_141 = arith.constant 288 : index
      %get3A_142 = tpu.vector_load %arg5[%get3A_141] {strides = array<i32>} : memref<512xi32, #tpu.memory_space<vmem>>, vector<16xi32>,
      %add3A_143 = arith.constant 65 : i32
      %add3A_144 = vector.broadcast %add3A_143 : i32 to vector<16xi32>
      %add3A_145 = arith.addi %mul3A_51, %add3A_144 : vector<16xi32>
      tpu.vector_store_idx %arg6[%add3A_145], %get3A_142 : memref<128xi32, #tpu.memory_space<vmem>>[vector<16xi32>], vector<16xi32>,
      %get3A_146 = arith.constant 304 : index
      %get3A_147 = tpu.vector_load %arg5[%get3A_146] {strides = array<i32>} : memref<512xi32, #tpu.memory_space<vmem>>, vector<16xi32>,
      %add3A_148 = arith.constant 97 : i32
      %add3A_149 = vector.broadcast %add3A_148 : i32 to vector<16xi32>
      %add3A_150 = arith.addi %mul3A_51, %add3A_149 : vector<16xi32>
      tpu.vector_store_idx %arg6[%add3A_150], %get3A_147 : memref<128xi32, #tpu.memory_space<vmem>>[vector<16xi32>], vector<16xi32>,
      %get3A_151 = arith.constant 320 : index
      %get3A_152 = tpu.vector_load %arg5[%get3A_151] {strides = array<i32>} : memref<512xi32, #tpu.memory_space<vmem>>, vector<16xi32>,
      %add3A_153 = arith.constant 1 : i32
      %add3A_154 = vector.broadcast %add3A_153 : i32 to vector<16xi32>
      %add3A_155 = arith.addi %mul3A_51, %add3A_154 : vector<16xi32>
      tpu.vector_store_idx %arg7[%add3A_155], %get3A_152 : memref<128xi32, #tpu.memory_space<vmem>>[vector<16xi32>], vector<16xi32>,
      %get3A_156 = arith.constant 336 : index
      %get3A_157 = tpu.vector_load %arg5[%get3A_156] {strides = array<i32>} : memref<512xi32, #tpu.memory_space<vmem>>, vector<16xi32>,
      %add3A_158 = arith.constant 33 : i32
      %add3A_159 = vector.broadcast %add3A_158 : i32 to vector<16xi32>
      %add3A_160 = arith.addi %mul3A_51, %add3A_159 : vector<16xi32>
      tpu.vector_store_idx %arg7[%add3A_160], %get3A_157 : memref<128xi32, #tpu.memory_space<vmem>>[vector<16xi32>], vector<16xi32>,
      %get3A_161 = arith.constant 352 : index
      %get3A_162 = tpu.vector_load %arg5[%get3A_161] {strides = array<i32>} : memref<512xi32, #tpu.memory_space<vmem>>, vector<16xi32>,
      %add3A_163 = arith.constant 65 : i32
      %add3A_164 = vector.broadcast %add3A_163 : i32 to vector<16xi32>
      %add3A_165 = arith.addi %mul3A_51, %add3A_164 : vector<16xi32>
      tpu.vector_store_idx %arg7[%add3A_165], %get3A_162 : memref<128xi32, #tpu.memory_space<vmem>>[vector<16xi32>], vector<16xi32>,
      %get3A_166 = arith.constant 368 : index
      %get3A_167 = tpu.vector_load %arg5[%get3A_166] {strides = array<i32>} : memref<512xi32, #tpu.memory_space<vmem>>, vector<16xi32>,
      %add3A_168 = arith.constant 97 : i32
      %add3A_169 = vector.broadcast %add3A_168 : i32 to vector<16xi32>
      %add3A_170 = arith.addi %mul3A_51, %add3A_169 : vector<16xi32>
      tpu.vector_store_idx %arg7[%add3A_170], %get3A_167 : memref<128xi32, #tpu.memory_space<vmem>>[vector<16xi32>], vector<16xi32>,
      %get3A_171 = arith.constant 384 : index
      %get3A_172 = tpu.vector_load %arg5[%get3A_171] {strides = array<i32>} : memref<512xi32, #tpu.memory_space<vmem>>, vector<16xi32>,
      %add3A_173 = arith.constant 1 : i32
      %add3A_174 = vector.broadcast %add3A_173 : i32 to vector<16xi32>
      %add3A_175 = arith.addi %mul3A_51, %add3A_174 : vector<16xi32>
      tpu.vector_store_idx %arg8[%add3A_175], %get3A_172 : memref<128xi32, #tpu.memory_space<vmem>>[vector<16xi32>], vector<16xi32>,
      %get3A_176 = arith.constant 400 : index
      %get3A_177 = tpu.vector_load %arg5[%get3A_176] {strides = array<i32>} : memref<512xi32, #tpu.memory_space<vmem>>, vector<16xi32>,
      %add3A_178 = arith.constant 33 : i32
      %add3A_179 = vector.broadcast %add3A_178 : i32 to vector<16xi32>
      %add3A_180 = arith.addi %mul3A_51, %add3A_179 : vector<16xi32>
      tpu.vector_store_idx %arg8[%add3A_180], %get3A_177 : memref<128xi32, #tpu.memory_space<vmem>>[vector<16xi32>], vector<16xi32>,
      %get3A_181 = arith.constant 416 : index
      %get3A_182 = tpu.vector_load %arg5[%get3A_181] {strides = array<i32>} : memref<512xi32, #tpu.memory_space<vmem>>, vector<16xi32>,
      %add3A_183 = arith.constant 65 : i32
      %add3A_184 = vector.broadcast %add3A_183 : i32 to vector<16xi32>
      %add3A_185 = arith.addi %mul3A_51, %add3A_184 : vector<16xi32>
      tpu.vector_store_idx %arg8[%add3A_185], %get3A_182 : memref<128xi32, #tpu.memory_space<vmem>>[vector<16xi32>], vector<16xi32>,
      %get3A_186 = arith.constant 432 : index
      %get3A_187 = tpu.vector_load %arg5[%get3A_186] {strides = array<i32>} : memref<512xi32, #tpu.memory_space<vmem>>, vector<16xi32>,
      %add3A_188 = arith.constant 97 : i32
      %add3A_189 = vector.broadcast %add3A_188 : i32 to vector<16xi32>
      %add3A_190 = arith.addi %mul3A_51, %add3A_189 : vector<16xi32>
      tpu.vector_store_idx %arg8[%add3A_190], %get3A_187 : memref<128xi32, #tpu.memory_space<vmem>>[vector<16xi32>], vector<16xi32>,
      %get3A_191 = arith.constant 448 : index
      %get3A_192 = tpu.vector_load %arg5[%get3A_191] {strides = array<i32>} : memref<512xi32, #tpu.memory_space<vmem>>, vector<16xi32>,
      %add3A_193 = arith.constant 1 : i32
      %add3A_194 = vector.broadcast %add3A_193 : i32 to vector<16xi32>
      %add3A_195 = arith.addi %mul3A_51, %add3A_194 : vector<16xi32>
      tpu.vector_store_idx %arg9[%add3A_195], %get3A_192 : memref<128xi32, #tpu.memory_space<vmem>>[vector<16xi32>], vector<16xi32>,
      %get3A_196 = arith.constant 464 : index
      %get3A_197 = tpu.vector_load %arg5[%get3A_196] {strides = array<i32>} : memref<512xi32, #tpu.memory_space<vmem>>, vector<16xi32>,
      %add3A_198 = arith.constant 33 : i32
      %add3A_199 = vector.broadcast %add3A_198 : i32 to vector<16xi32>
      %add3A_200 = arith.addi %mul3A_51, %add3A_199 : vector<16xi32>
      tpu.vector_store_idx %arg9[%add3A_200], %get3A_197 : memref<128xi32, #tpu.memory_space<vmem>>[vector<16xi32>], vector<16xi32>,
      %get3A_201 = arith.constant 480 : index
      %get3A_202 = tpu.vector_load %arg5[%get3A_201] {strides = array<i32>} : memref<512xi32, #tpu.memory_space<vmem>>, vector<16xi32>,
      %add3A_203 = arith.constant 65 : i32
      %add3A_204 = vector.broadcast %add3A_203 : i32 to vector<16xi32>
      %add3A_205 = arith.addi %mul3A_51, %add3A_204 : vector<16xi32>
      tpu.vector_store_idx %arg9[%add3A_205], %get3A_202 : memref<128xi32, #tpu.memory_space<vmem>>[vector<16xi32>], vector<16xi32>,
      %get3A_206 = arith.constant 496 : index
      %get3A_207 = tpu.vector_load %arg5[%get3A_206] {strides = array<i32>} : memref<512xi32, #tpu.memory_space<vmem>>, vector<16xi32>,
      %add3A_208 = arith.constant 97 : i32
      %add3A_209 = vector.broadcast %add3A_208 : i32 to vector<16xi32>
      %add3A_210 = arith.addi %mul3A_51, %add3A_209 : vector<16xi32>
      tpu.vector_store_idx %arg9[%add3A_210], %get3A_207 : memref<128xi32, #tpu.memory_space<vmem>>[vector<16xi32>], vector<16xi32>,
      %dma_start3A = arith.constant 0 : i32
      %dma_start3A_211 = arith.constant 0 : i32
      %dma_start3A_212 = tpu.memref_slice %arg10[%dma_start3A, %dma_start3A_211] : memref<512x64xf32, #tpu.memory_space<vmem>> -> memref<128x64xf32, #tpu.memory_space<vmem>>
      %dma_start3A_213 = arith.constant 0 : i32
      %dma_start3A_214 = arith.constant 0 : i32
      %dma_start3A_215 = tpu.memref_slice %arg3[%dma_start3A_213, %dma_start3A_214] : memref<1000000x64xf32, #tpu.memory_space<hbm>> -> memref<1000000x64xf32, #tpu.memory_space<hbm>>
      tpu.enqueue_indirect_dma source(%dma_start3A_215 : memref<1000000x64xf32, #tpu.memory_space<hbm>>) target(%dma_start3A_212 : memref<128x64xf32, #tpu.memory_space<vmem>>) offsets(%arg6 : memref<128xi32, #tpu.memory_space<vmem>>) semaphore(%arg11 : memref<!tpu.dma_semaphore, #tpu.memory_space<semaphore_mem>>)
      %dma_start3A_216 = arith.constant 128 : i32
      %dma_start3A_217 = arith.constant 0 : i32
      %dma_start3A_218 = tpu.memref_slice %arg10[%dma_start3A_216, %dma_start3A_217] : memref<512x64xf32, #tpu.memory_space<vmem>> -> memref<128x64xf32, #tpu.memory_space<vmem>>
      %dma_start3A_219 = arith.constant 0 : i32
      %dma_start3A_220 = arith.constant 0 : i32
      %dma_start3A_221 = tpu.memref_slice %arg3[%dma_start3A_219, %dma_start3A_220] : memref<1000000x64xf32, #tpu.memory_space<hbm>> -> memref<1000000x64xf32, #tpu.memory_space<hbm>>
      tpu.enqueue_indirect_dma source(%dma_start3A_221 : memref<1000000x64xf32, #tpu.memory_space<hbm>>) target(%dma_start3A_218 : memref<128x64xf32, #tpu.memory_space<vmem>>) offsets(%arg7 : memref<128xi32, #tpu.memory_space<vmem>>) semaphore(%arg11 : memref<!tpu.dma_semaphore, #tpu.memory_space<semaphore_mem>>)
      %dma_start3A_222 = arith.constant 256 : i32
      %dma_start3A_223 = arith.constant 0 : i32
      %dma_start3A_224 = tpu.memref_slice %arg10[%dma_start3A_222, %dma_start3A_223] : memref<512x64xf32, #tpu.memory_space<vmem>> -> memref<128x64xf32, #tpu.memory_space<vmem>>
      %dma_start3A_225 = arith.constant 0 : i32
      %dma_start3A_226 = arith.constant 0 : i32
      %dma_start3A_227 = tpu.memref_slice %arg3[%dma_start3A_225, %dma_start3A_226] : memref<1000000x64xf32, #tpu.memory_space<hbm>> -> memref<1000000x64xf32, #tpu.memory_space<hbm>>
      tpu.enqueue_indirect_dma source(%dma_start3A_227 : memref<1000000x64xf32, #tpu.memory_space<hbm>>) target(%dma_start3A_224 : memref<128x64xf32, #tpu.memory_space<vmem>>) offsets(%arg8 : memref<128xi32, #tpu.memory_space<vmem>>) semaphore(%arg11 : memref<!tpu.dma_semaphore, #tpu.memory_space<semaphore_mem>>)
      %dma_start3A_228 = arith.constant 384 : i32
      %dma_start3A_229 = arith.constant 0 : i32
      %dma_start3A_230 = tpu.memref_slice %arg10[%dma_start3A_228, %dma_start3A_229] : memref<512x64xf32, #tpu.memory_space<vmem>> -> memref<128x64xf32, #tpu.memory_space<vmem>>
      %dma_start3A_231 = arith.constant 0 : i32
      %dma_start3A_232 = arith.constant 0 : i32
      %dma_start3A_233 = tpu.memref_slice %arg3[%dma_start3A_231, %dma_start3A_232] : memref<1000000x64xf32, #tpu.memory_space<hbm>> -> memref<1000000x64xf32, #tpu.memory_space<hbm>>
      tpu.enqueue_indirect_dma source(%dma_start3A_233 : memref<1000000x64xf32, #tpu.memory_space<hbm>>) target(%dma_start3A_230 : memref<128x64xf32, #tpu.memory_space<vmem>>) offsets(%arg9 : memref<128xi32, #tpu.memory_space<vmem>>) semaphore(%arg11 : memref<!tpu.dma_semaphore, #tpu.memory_space<semaphore_mem>>)
      %dma_wait3A = arith.constant 0 : i32
      %dma_wait3A_234 = arith.constant 0 : i32
      %dma_wait3A_235 = tpu.memref_slice %arg10[%dma_wait3A, %dma_wait3A_234] : memref<512x64xf32, #tpu.memory_space<vmem>> -> memref<128x64xf32, #tpu.memory_space<vmem>>
      %dma_wait3A_236 = arith.constant 0 : i32
      %dma_wait3A_237 = arith.constant 0 : i32
      %dma_wait3A_238 = tpu.memref_slice %arg3[%dma_wait3A_236, %dma_wait3A_237] : memref<1000000x64xf32, #tpu.memory_space<hbm>> -> memref<1000000x64xf32, #tpu.memory_space<hbm>>
      tpu.wait_indirect_dma semaphore(%arg11 : memref<!tpu.dma_semaphore, #tpu.memory_space<semaphore_mem>>) src(%dma_wait3A_238 : memref<1000000x64xf32, #tpu.memory_space<hbm>>) dst(%dma_wait3A_235 : memref<128x64xf32, #tpu.memory_space<vmem>>)
      %dma_wait3A_239 = arith.constant 128 : i32
      %dma_wait3A_240 = arith.constant 0 : i32
      %dma_wait3A_241 = tpu.memref_slice %arg10[%dma_wait3A_239, %dma_wait3A_240] : memref<512x64xf32, #tpu.memory_space<vmem>> -> memref<128x64xf32, #tpu.memory_space<vmem>>
      %dma_wait3A_242 = arith.constant 0 : i32
      %dma_wait3A_243 = arith.constant 0 : i32
      %dma_wait3A_244 = tpu.memref_slice %arg3[%dma_wait3A_242, %dma_wait3A_243] : memref<1000000x64xf32, #tpu.memory_space<hbm>> -> memref<1000000x64xf32, #tpu.memory_space<hbm>>
      tpu.wait_indirect_dma semaphore(%arg11 : memref<!tpu.dma_semaphore, #tpu.memory_space<semaphore_mem>>) src(%dma_wait3A_244 : memref<1000000x64xf32, #tpu.memory_space<hbm>>) dst(%dma_wait3A_241 : memref<128x64xf32, #tpu.memory_space<vmem>>)
      %dma_wait3A_245 = arith.constant 256 : i32
      %dma_wait3A_246 = arith.constant 0 : i32
      %dma_wait3A_247 = tpu.memref_slice %arg10[%dma_wait3A_245, %dma_wait3A_246] : memref<512x64xf32, #tpu.memory_space<vmem>> -> memref<128x64xf32, #tpu.memory_space<vmem>>
      %dma_wait3A_248 = arith.constant 0 : i32
      %dma_wait3A_249 = arith.constant 0 : i32
      %dma_wait3A_250 = tpu.memref_slice %arg3[%dma_wait3A_248, %dma_wait3A_249] : memref<1000000x64xf32, #tpu.memory_space<hbm>> -> memref<1000000x64xf32, #tpu.memory_space<hbm>>
      tpu.wait_indirect_dma semaphore(%arg11 : memref<!tpu.dma_semaphore, #tpu.memory_space<semaphore_mem>>) src(%dma_wait3A_250 : memref<1000000x64xf32, #tpu.memory_space<hbm>>) dst(%dma_wait3A_247 : memref<128x64xf32, #tpu.memory_space<vmem>>)
      %dma_wait3A_251 = arith.constant 384 : i32
      %dma_wait3A_252 = arith.constant 0 : i32
      %dma_wait3A_253 = tpu.memref_slice %arg10[%dma_wait3A_251, %dma_wait3A_252] : memref<512x64xf32, #tpu.memory_space<vmem>> -> memref<128x64xf32, #tpu.memory_space<vmem>>
      %dma_wait3A_254 = arith.constant 0 : i32
      %dma_wait3A_255 = arith.constant 0 : i32
      %dma_wait3A_256 = tpu.memref_slice %arg3[%dma_wait3A_254, %dma_wait3A_255] : memref<1000000x64xf32, #tpu.memory_space<hbm>> -> memref<1000000x64xf32, #tpu.memory_space<hbm>>
      tpu.wait_indirect_dma semaphore(%arg11 : memref<!tpu.dma_semaphore, #tpu.memory_space<semaphore_mem>>) src(%dma_wait3A_256 : memref<1000000x64xf32, #tpu.memory_space<hbm>>) dst(%dma_wait3A_253 : memref<128x64xf32, #tpu.memory_space<vmem>>)
      %mul3A_257 = arith.constant 512 : i32
      %mul3A_258 = arith.muli %scan3A_10, %mul3A_257 : i32
      %add3A_259 = arith.addi %mul3A_4, %mul3A_258 : i32
      "tpu.region"() ({
        %run_scoped3A = tpu.sem_alloc : memref<!tpu.dma_semaphore, #tpu.memory_space<semaphore_mem>>
        %dma_start3A_260 = arith.constant 0 : i32
        %dma_start3A_261 = tpu.memref_slice %arg4[%add3A_259, %dma_start3A_260] : memref<524288x64xf32, #tpu.memory_space<hbm>> -> memref<512x64xf32, #tpu.memory_space<hbm>>
        %dma_start3A_262 = arith.constant 0 : i32
        %dma_start3A_263 = tpu.memref_slice %arg4[%add3A_259, %dma_start3A_262] : memref<524288x64xf32, #tpu.memory_space<hbm>> -> memref<512x64xf32, #tpu.memory_space<hbm>>
        tpu.enqueue_dma source(%arg10 : memref<512x64xf32, #tpu.memory_space<vmem>>) target(%dma_start3A_263 : memref<512x64xf32, #tpu.memory_space<hbm>>) target_semaphore(%run_scoped3A : memref<!tpu.dma_semaphore, #tpu.memory_space<semaphore_mem>>)
        %dma_wait3A_264 = arith.constant 0 : i32
        %dma_wait3A_265 = tpu.memref_slice %arg4[%add3A_259, %dma_wait3A_264] : memref<524288x64xf32, #tpu.memory_space<hbm>> -> memref<512x64xf32, #tpu.memory_space<hbm>>
        %dma_wait3A_266 = arith.constant 0 : i32
        %dma_wait3A_267 = tpu.memref_slice %arg4[%add3A_259, %dma_wait3A_266] : memref<524288x64xf32, #tpu.memory_space<hbm>> -> memref<512x64xf32, #tpu.memory_space<hbm>>
        tpu.wait_dma2 semaphore(%run_scoped3A : memref<!tpu.dma_semaphore, #tpu.memory_space<semaphore_mem>>) src(%arg10 : memref<512x64xf32, #tpu.memory_space<vmem>>) dst(%dma_wait3A_267 : memref<512x64xf32, #tpu.memory_space<hbm>>)
        tpu.yield
      }) : () -> ()
    }
    %scan3A_9 = arith.constant 32 : i32
    return
  }
}

#map = affine_map<(d0, d1) -> (0)>
#map1 = affine_map<(d0, d1) -> (0, 0)>
module attributes {stable_mosaic.version = 14 : i64} {
  func.func @gather_kernel(%arg0: i32, %arg1: i32, %arg2: memref<786432xi32, #tpu.memory_space<hbm>>, %arg3: memref<1000000x64xf32, #tpu.memory_space<hbm>>, %arg4: memref<786432x64xf32, #tpu.memory_space<hbm>>, %arg5: memref<512xi32, #tpu.memory_space<vmem>>, %arg6: memref<128xi32, #tpu.memory_space<vmem>>, %arg7: memref<128xi32, #tpu.memory_space<vmem>>, %arg8: memref<128xi32, #tpu.memory_space<vmem>>, %arg9: memref<128xi32, #tpu.memory_space<vmem>>, %arg10: memref<512x64xf32, #tpu.memory_space<vmem>>, %arg11: memref<!tpu.dma_semaphore, #tpu.memory_space<semaphore_mem>>) attributes {dimension_semantics = [#tpu.dimension_semantics<core_parallel>, #tpu.dimension_semantics<subcore_parallel>], iteration_bounds = array<i64: 2, 16>, scalar_prefetch = 0 : i64, scratch_operands = 7 : i64, tpu.core_type = #tpu.core_type<sc_vector_subcore>, window_params = [{transform_indices = #map}, {transform_indices = #map1}, {transform_indices = #map1}]} {
    %mul3A = arith.constant 2 : i32
    %mul3A_0 = arith.muli %arg1, %mul3A : i32
    %add3A = arith.addi %mul3A_0, %arg0 : i32
    %mul3A_1 = arith.constant 6 : i32
    %mul3A_2 = arith.muli %add3A, %mul3A_1 : i32
    %mul3A_3 = arith.constant 24576 : i32
    %mul3A_4 = arith.muli %add3A, %mul3A_3 : i32
    %scan3A = arith.constant 0 : i32
    %scan3A_5 = arith.constant 0 : i32
    %scan3A_6 = arith.constant 48 : i32
    %scan3A_7 = arith.addi %scan3A_5, %scan3A_6 : i32
    %scan3A_8 = arith.constant 1 : i32
    scf.for %scan3A_10 = %scan3A_5 to %scan3A_7 step %scan3A_8  : i32 {
      %jit3A = arith.constant 8 : i32
      %div3A = arith.divsi %scan3A_10, %jit3A : i32
      %sign3A = arith.constant 0 : i32
      %sign3A_11 = arith.cmpi sgt, %scan3A_10, %sign3A : i32
      %sign3A_12 = arith.extui %sign3A_11 : i1 to i32
      %sign3A_13 = arith.constant 0 : i32
      %sign3A_14 = arith.cmpi slt, %scan3A_10, %sign3A_13 : i32
      %sign3A_15 = arith.extui %sign3A_14 : i1 to i32
      %sign3A_16 = arith.subi %sign3A_12, %sign3A_15 : i32
      %sign3A_17 = arith.constant 0 : i32
      %sign3A_18 = arith.cmpi sgt, %jit3A, %sign3A_17 : i32
      %sign3A_19 = arith.extui %sign3A_18 : i1 to i32
      %sign3A_20 = arith.constant 0 : i32
      %sign3A_21 = arith.cmpi slt, %jit3A, %sign3A_20 : i32
      %sign3A_22 = arith.extui %sign3A_21 : i1 to i32
      %sign3A_23 = arith.subi %sign3A_19, %sign3A_22 : i32
      %ne3A = arith.cmpi ne, %sign3A_16, %sign3A_23 : i32
      %rem3A = arith.remsi %scan3A_10, %jit3A : i32
      %ne3A_24 = arith.constant 0 : i32
      %ne3A_25 = arith.cmpi ne, %rem3A, %ne3A_24 : i32
      %and3A = arith.andi %ne3A, %ne3A_25 : i1
      %sub3A = arith.constant 1 : i32
      %sub3A_26 = arith.subi %div3A, %sub3A : i32
      %select_n3A = arith.select %and3A, %sub3A_26, %div3A : i32
      %add3A_27 = arith.addi %mul3A_2, %select_n3A : i32
      %jit3A_28 = arith.constant 8 : i32
      %eq3A = arith.constant 0 : i32
      %eq3A_29 = arith.cmpi eq, %jit3A_28, %eq3A : i32
      %jit3A_30 = arith.constant 1 : i32
      %select_n3A_31 = arith.select %eq3A_29, %jit3A_30, %jit3A_28 : i32
      %rem3A_32 = arith.remsi %scan3A_10, %select_n3A_31 : i32
      %ne3A_33 = arith.constant 0 : i32
      %ne3A_34 = arith.cmpi ne, %rem3A_32, %ne3A_33 : i32
      %lt3A = arith.constant 0 : i32
      %lt3A_35 = arith.cmpi slt, %rem3A_32, %lt3A : i32
      %lt3A_36 = arith.constant 0 : i32
      %lt3A_37 = arith.cmpi slt, %select_n3A_31, %lt3A_36 : i32
      %ne3A_38 = arith.xori %lt3A_35, %lt3A_37 : i1
      %and3A_39 = arith.andi %ne3A_38, %ne3A_34 : i1
      %add3A_40 = arith.addi %rem3A_32, %select_n3A_31 : i32
      %select_n3A_41 = arith.select %and3A_39, %add3A_40, %rem3A_32 : i32
      %mul3A_42 = arith.constant 4096 : i32
      %mul3A_43 = arith.muli %add3A_27, %mul3A_42 : i32
      %mul3A_44 = arith.constant 256 : i32
      %mul3A_45 = arith.muli %mul3A_44, %select_n3A_41 : i32
      %add3A_46 = arith.addi %mul3A_43, %mul3A_45 : i32
      "tpu.region"() ({
        %run_scoped3A = tpu.sem_alloc : memref<!tpu.dma_semaphore, #tpu.memory_space<semaphore_mem>>
        %dma_start3A_260 = arith.constant 0 : i32
        %dma_start3A_261 = tpu.memref_slice %arg5[%dma_start3A_260] : memref<512xi32, #tpu.memory_space<vmem>> -> memref<256xi32, #tpu.memory_space<vmem>>
        %dma_start3A_262 = tpu.memref_slice %arg2[%add3A_46] : memref<786432xi32, #tpu.memory_space<hbm>> -> memref<256xi32, #tpu.memory_space<hbm>>
        %dma_start3A_263 = arith.constant 0 : i32
        %dma_start3A_264 = tpu.memref_slice %arg5[%dma_start3A_263] : memref<512xi32, #tpu.memory_space<vmem>> -> memref<256xi32, #tpu.memory_space<vmem>>
        %dma_start3A_265 = tpu.memref_slice %arg2[%add3A_46] : memref<786432xi32, #tpu.memory_space<hbm>> -> memref<256xi32, #tpu.memory_space<hbm>>
        tpu.enqueue_dma source(%dma_start3A_265 : memref<256xi32, #tpu.memory_space<hbm>>) target(%dma_start3A_264 : memref<256xi32, #tpu.memory_space<vmem>>) target_semaphore(%run_scoped3A : memref<!tpu.dma_semaphore, #tpu.memory_space<semaphore_mem>>)
        %dma_wait3A_266 = arith.constant 0 : i32
        %dma_wait3A_267 = tpu.memref_slice %arg5[%dma_wait3A_266] : memref<512xi32, #tpu.memory_space<vmem>> -> memref<256xi32, #tpu.memory_space<vmem>>
        %dma_wait3A_268 = tpu.memref_slice %arg2[%add3A_46] : memref<786432xi32, #tpu.memory_space<hbm>> -> memref<256xi32, #tpu.memory_space<hbm>>
        %dma_wait3A_269 = arith.constant 0 : i32
        %dma_wait3A_270 = tpu.memref_slice %arg5[%dma_wait3A_269] : memref<512xi32, #tpu.memory_space<vmem>> -> memref<256xi32, #tpu.memory_space<vmem>>
        %dma_wait3A_271 = tpu.memref_slice %arg2[%add3A_46] : memref<786432xi32, #tpu.memory_space<hbm>> -> memref<256xi32, #tpu.memory_space<hbm>>
        tpu.wait_dma2 semaphore(%run_scoped3A : memref<!tpu.dma_semaphore, #tpu.memory_space<semaphore_mem>>) src(%dma_wait3A_271 : memref<256xi32, #tpu.memory_space<hbm>>) dst(%dma_wait3A_270 : memref<256xi32, #tpu.memory_space<vmem>>)
        tpu.yield
      }) : () -> ()
      %add3A_47 = arith.constant 2048 : i32
      %add3A_48 = arith.addi %add3A_46, %add3A_47 : i32
      "tpu.region"() ({
        %run_scoped3A = tpu.sem_alloc : memref<!tpu.dma_semaphore, #tpu.memory_space<semaphore_mem>>
        %dma_start3A_260 = arith.constant 256 : i32
        %dma_start3A_261 = tpu.memref_slice %arg5[%dma_start3A_260] : memref<512xi32, #tpu.memory_space<vmem>> -> memref<256xi32, #tpu.memory_space<vmem>>
        %dma_start3A_262 = tpu.memref_slice %arg2[%add3A_48] : memref<786432xi32, #tpu.memory_space<hbm>> -> memref<256xi32, #tpu.memory_space<hbm>>
        %dma_start3A_263 = arith.constant 256 : i32
        %dma_start3A_264 = tpu.memref_slice %arg5[%dma_start3A_263] : memref<512xi32, #tpu.memory_space<vmem>> -> memref<256xi32, #tpu.memory_space<vmem>>
        %dma_start3A_265 = tpu.memref_slice %arg2[%add3A_48] : memref<786432xi32, #tpu.memory_space<hbm>> -> memref<256xi32, #tpu.memory_space<hbm>>
        tpu.enqueue_dma source(%dma_start3A_265 : memref<256xi32, #tpu.memory_space<hbm>>) target(%dma_start3A_264 : memref<256xi32, #tpu.memory_space<vmem>>) target_semaphore(%run_scoped3A : memref<!tpu.dma_semaphore, #tpu.memory_space<semaphore_mem>>)
        %dma_wait3A_266 = arith.constant 256 : i32
        %dma_wait3A_267 = tpu.memref_slice %arg5[%dma_wait3A_266] : memref<512xi32, #tpu.memory_space<vmem>> -> memref<256xi32, #tpu.memory_space<vmem>>
        %dma_wait3A_268 = tpu.memref_slice %arg2[%add3A_48] : memref<786432xi32, #tpu.memory_space<hbm>> -> memref<256xi32, #tpu.memory_space<hbm>>
        %dma_wait3A_269 = arith.constant 256 : i32
        %dma_wait3A_270 = tpu.memref_slice %arg5[%dma_wait3A_269] : memref<512xi32, #tpu.memory_space<vmem>> -> memref<256xi32, #tpu.memory_space<vmem>>
        %dma_wait3A_271 = tpu.memref_slice %arg2[%add3A_48] : memref<786432xi32, #tpu.memory_space<hbm>> -> memref<256xi32, #tpu.memory_space<hbm>>
        tpu.wait_dma2 semaphore(%run_scoped3A : memref<!tpu.dma_semaphore, #tpu.memory_space<semaphore_mem>>) src(%dma_wait3A_271 : memref<256xi32, #tpu.memory_space<hbm>>) dst(%dma_wait3A_270 : memref<256xi32, #tpu.memory_space<vmem>>)
        tpu.yield
      }) : () -> ()
      %iota3A = tpu.iota {dimensions = array<i32: 0>} : vector<16xi32>
      %mul3A_49 = arith.constant 2 : i32
      %mul3A_50 = vector.broadcast %mul3A_49 : i32 to vector<16xi32>
      %mul3A_51 = arith.muli %mul3A_50, %iota3A : vector<16xi32>
      %get3A = arith.constant 0 : index
      %get3A_52 = tpu.vector_load %arg5[%get3A] {strides = array<i32>} : memref<512xi32, #tpu.memory_space<vmem>>, vector<16xi32>,
      %add3A_53 = arith.constant 0 : i32
      %add3A_54 = vector.broadcast %add3A_53 : i32 to vector<16xi32>
      %add3A_55 = arith.addi %mul3A_51, %add3A_54 : vector<16xi32>
      tpu.vector_store_idx %arg6[%add3A_55], %get3A_52 : memref<128xi32, #tpu.memory_space<vmem>>[vector<16xi32>], vector<16xi32>,
      %get3A_56 = arith.constant 16 : index
      %get3A_57 = tpu.vector_load %arg5[%get3A_56] {strides = array<i32>} : memref<512xi32, #tpu.memory_space<vmem>>, vector<16xi32>,
      %add3A_58 = arith.constant 32 : i32
      %add3A_59 = vector.broadcast %add3A_58 : i32 to vector<16xi32>
      %add3A_60 = arith.addi %mul3A_51, %add3A_59 : vector<16xi32>
      tpu.vector_store_idx %arg6[%add3A_60], %get3A_57 : memref<128xi32, #tpu.memory_space<vmem>>[vector<16xi32>], vector<16xi32>,
      %get3A_61 = arith.constant 32 : index
      %get3A_62 = tpu.vector_load %arg5[%get3A_61] {strides = array<i32>} : memref<512xi32, #tpu.memory_space<vmem>>, vector<16xi32>,
      %add3A_63 = arith.constant 64 : i32
      %add3A_64 = vector.broadcast %add3A_63 : i32 to vector<16xi32>
      %add3A_65 = arith.addi %mul3A_51, %add3A_64 : vector<16xi32>
      tpu.vector_store_idx %arg6[%add3A_65], %get3A_62 : memref<128xi32, #tpu.memory_space<vmem>>[vector<16xi32>], vector<16xi32>,
      %get3A_66 = arith.constant 48 : index
      %get3A_67 = tpu.vector_load %arg5[%get3A_66] {strides = array<i32>} : memref<512xi32, #tpu.memory_space<vmem>>, vector<16xi32>,
      %add3A_68 = arith.constant 96 : i32
      %add3A_69 = vector.broadcast %add3A_68 : i32 to vector<16xi32>
      %add3A_70 = arith.addi %mul3A_51, %add3A_69 : vector<16xi32>
      tpu.vector_store_idx %arg6[%add3A_70], %get3A_67 : memref<128xi32, #tpu.memory_space<vmem>>[vector<16xi32>], vector<16xi32>,
      %get3A_71 = arith.constant 64 : index
      %get3A_72 = tpu.vector_load %arg5[%get3A_71] {strides = array<i32>} : memref<512xi32, #tpu.memory_space<vmem>>, vector<16xi32>,
      %add3A_73 = arith.constant 0 : i32
      %add3A_74 = vector.broadcast %add3A_73 : i32 to vector<16xi32>
      %add3A_75 = arith.addi %mul3A_51, %add3A_74 : vector<16xi32>
      tpu.vector_store_idx %arg7[%add3A_75], %get3A_72 : memref<128xi32, #tpu.memory_space<vmem>>[vector<16xi32>], vector<16xi32>,
      %get3A_76 = arith.constant 80 : index
      %get3A_77 = tpu.vector_load %arg5[%get3A_76] {strides = array<i32>} : memref<512xi32, #tpu.memory_space<vmem>>, vector<16xi32>,
      %add3A_78 = arith.constant 32 : i32
      %add3A_79 = vector.broadcast %add3A_78 : i32 to vector<16xi32>
      %add3A_80 = arith.addi %mul3A_51, %add3A_79 : vector<16xi32>
      tpu.vector_store_idx %arg7[%add3A_80], %get3A_77 : memref<128xi32, #tpu.memory_space<vmem>>[vector<16xi32>], vector<16xi32>,
      %get3A_81 = arith.constant 96 : index
      %get3A_82 = tpu.vector_load %arg5[%get3A_81] {strides = array<i32>} : memref<512xi32, #tpu.memory_space<vmem>>, vector<16xi32>,
      %add3A_83 = arith.constant 64 : i32
      %add3A_84 = vector.broadcast %add3A_83 : i32 to vector<16xi32>
      %add3A_85 = arith.addi %mul3A_51, %add3A_84 : vector<16xi32>
      tpu.vector_store_idx %arg7[%add3A_85], %get3A_82 : memref<128xi32, #tpu.memory_space<vmem>>[vector<16xi32>], vector<16xi32>,
      %get3A_86 = arith.constant 112 : index
      %get3A_87 = tpu.vector_load %arg5[%get3A_86] {strides = array<i32>} : memref<512xi32, #tpu.memory_space<vmem>>, vector<16xi32>,
      %add3A_88 = arith.constant 96 : i32
      %add3A_89 = vector.broadcast %add3A_88 : i32 to vector<16xi32>
      %add3A_90 = arith.addi %mul3A_51, %add3A_89 : vector<16xi32>
      tpu.vector_store_idx %arg7[%add3A_90], %get3A_87 : memref<128xi32, #tpu.memory_space<vmem>>[vector<16xi32>], vector<16xi32>,
      %get3A_91 = arith.constant 128 : index
      %get3A_92 = tpu.vector_load %arg5[%get3A_91] {strides = array<i32>} : memref<512xi32, #tpu.memory_space<vmem>>, vector<16xi32>,
      %add3A_93 = arith.constant 0 : i32
      %add3A_94 = vector.broadcast %add3A_93 : i32 to vector<16xi32>
      %add3A_95 = arith.addi %mul3A_51, %add3A_94 : vector<16xi32>
      tpu.vector_store_idx %arg8[%add3A_95], %get3A_92 : memref<128xi32, #tpu.memory_space<vmem>>[vector<16xi32>], vector<16xi32>,
      %get3A_96 = arith.constant 144 : index
      %get3A_97 = tpu.vector_load %arg5[%get3A_96] {strides = array<i32>} : memref<512xi32, #tpu.memory_space<vmem>>, vector<16xi32>,
      %add3A_98 = arith.constant 32 : i32
      %add3A_99 = vector.broadcast %add3A_98 : i32 to vector<16xi32>
      %add3A_100 = arith.addi %mul3A_51, %add3A_99 : vector<16xi32>
      tpu.vector_store_idx %arg8[%add3A_100], %get3A_97 : memref<128xi32, #tpu.memory_space<vmem>>[vector<16xi32>], vector<16xi32>,
      %get3A_101 = arith.constant 160 : index
      %get3A_102 = tpu.vector_load %arg5[%get3A_101] {strides = array<i32>} : memref<512xi32, #tpu.memory_space<vmem>>, vector<16xi32>,
      %add3A_103 = arith.constant 64 : i32
      %add3A_104 = vector.broadcast %add3A_103 : i32 to vector<16xi32>
      %add3A_105 = arith.addi %mul3A_51, %add3A_104 : vector<16xi32>
      tpu.vector_store_idx %arg8[%add3A_105], %get3A_102 : memref<128xi32, #tpu.memory_space<vmem>>[vector<16xi32>], vector<16xi32>,
      %get3A_106 = arith.constant 176 : index
      %get3A_107 = tpu.vector_load %arg5[%get3A_106] {strides = array<i32>} : memref<512xi32, #tpu.memory_space<vmem>>, vector<16xi32>,
      %add3A_108 = arith.constant 96 : i32
      %add3A_109 = vector.broadcast %add3A_108 : i32 to vector<16xi32>
      %add3A_110 = arith.addi %mul3A_51, %add3A_109 : vector<16xi32>
      tpu.vector_store_idx %arg8[%add3A_110], %get3A_107 : memref<128xi32, #tpu.memory_space<vmem>>[vector<16xi32>], vector<16xi32>,
      %get3A_111 = arith.constant 192 : index
      %get3A_112 = tpu.vector_load %arg5[%get3A_111] {strides = array<i32>} : memref<512xi32, #tpu.memory_space<vmem>>, vector<16xi32>,
      %add3A_113 = arith.constant 0 : i32
      %add3A_114 = vector.broadcast %add3A_113 : i32 to vector<16xi32>
      %add3A_115 = arith.addi %mul3A_51, %add3A_114 : vector<16xi32>
      tpu.vector_store_idx %arg9[%add3A_115], %get3A_112 : memref<128xi32, #tpu.memory_space<vmem>>[vector<16xi32>], vector<16xi32>,
      %get3A_116 = arith.constant 208 : index
      %get3A_117 = tpu.vector_load %arg5[%get3A_116] {strides = array<i32>} : memref<512xi32, #tpu.memory_space<vmem>>, vector<16xi32>,
      %add3A_118 = arith.constant 32 : i32
      %add3A_119 = vector.broadcast %add3A_118 : i32 to vector<16xi32>
      %add3A_120 = arith.addi %mul3A_51, %add3A_119 : vector<16xi32>
      tpu.vector_store_idx %arg9[%add3A_120], %get3A_117 : memref<128xi32, #tpu.memory_space<vmem>>[vector<16xi32>], vector<16xi32>,
      %get3A_121 = arith.constant 224 : index
      %get3A_122 = tpu.vector_load %arg5[%get3A_121] {strides = array<i32>} : memref<512xi32, #tpu.memory_space<vmem>>, vector<16xi32>,
      %add3A_123 = arith.constant 64 : i32
      %add3A_124 = vector.broadcast %add3A_123 : i32 to vector<16xi32>
      %add3A_125 = arith.addi %mul3A_51, %add3A_124 : vector<16xi32>
      tpu.vector_store_idx %arg9[%add3A_125], %get3A_122 : memref<128xi32, #tpu.memory_space<vmem>>[vector<16xi32>], vector<16xi32>,
      %get3A_126 = arith.constant 240 : index
      %get3A_127 = tpu.vector_load %arg5[%get3A_126] {strides = array<i32>} : memref<512xi32, #tpu.memory_space<vmem>>, vector<16xi32>,
      %add3A_128 = arith.constant 96 : i32
      %add3A_129 = vector.broadcast %add3A_128 : i32 to vector<16xi32>
      %add3A_130 = arith.addi %mul3A_51, %add3A_129 : vector<16xi32>
      tpu.vector_store_idx %arg9[%add3A_130], %get3A_127 : memref<128xi32, #tpu.memory_space<vmem>>[vector<16xi32>], vector<16xi32>,
      %get3A_131 = arith.constant 256 : index
      %get3A_132 = tpu.vector_load %arg5[%get3A_131] {strides = array<i32>} : memref<512xi32, #tpu.memory_space<vmem>>, vector<16xi32>,
      %add3A_133 = arith.constant 1 : i32
      %add3A_134 = vector.broadcast %add3A_133 : i32 to vector<16xi32>
      %add3A_135 = arith.addi %mul3A_51, %add3A_134 : vector<16xi32>
      tpu.vector_store_idx %arg6[%add3A_135], %get3A_132 : memref<128xi32, #tpu.memory_space<vmem>>[vector<16xi32>], vector<16xi32>,
      %get3A_136 = arith.constant 272 : index
      %get3A_137 = tpu.vector_load %arg5[%get3A_136] {strides = array<i32>} : memref<512xi32, #tpu.memory_space<vmem>>, vector<16xi32>,
      %add3A_138 = arith.constant 33 : i32
      %add3A_139 = vector.broadcast %add3A_138 : i32 to vector<16xi32>
      %add3A_140 = arith.addi %mul3A_51, %add3A_139 : vector<16xi32>
      tpu.vector_store_idx %arg6[%add3A_140], %get3A_137 : memref<128xi32, #tpu.memory_space<vmem>>[vector<16xi32>], vector<16xi32>,
      %get3A_141 = arith.constant 288 : index
      %get3A_142 = tpu.vector_load %arg5[%get3A_141] {strides = array<i32>} : memref<512xi32, #tpu.memory_space<vmem>>, vector<16xi32>,
      %add3A_143 = arith.constant 65 : i32
      %add3A_144 = vector.broadcast %add3A_143 : i32 to vector<16xi32>
      %add3A_145 = arith.addi %mul3A_51, %add3A_144 : vector<16xi32>
      tpu.vector_store_idx %arg6[%add3A_145], %get3A_142 : memref<128xi32, #tpu.memory_space<vmem>>[vector<16xi32>], vector<16xi32>,
      %get3A_146 = arith.constant 304 : index
      %get3A_147 = tpu.vector_load %arg5[%get3A_146] {strides = array<i32>} : memref<512xi32, #tpu.memory_space<vmem>>, vector<16xi32>,
      %add3A_148 = arith.constant 97 : i32
      %add3A_149 = vector.broadcast %add3A_148 : i32 to vector<16xi32>
      %add3A_150 = arith.addi %mul3A_51, %add3A_149 : vector<16xi32>
      tpu.vector_store_idx %arg6[%add3A_150], %get3A_147 : memref<128xi32, #tpu.memory_space<vmem>>[vector<16xi32>], vector<16xi32>,
      %get3A_151 = arith.constant 320 : index
      %get3A_152 = tpu.vector_load %arg5[%get3A_151] {strides = array<i32>} : memref<512xi32, #tpu.memory_space<vmem>>, vector<16xi32>,
      %add3A_153 = arith.constant 1 : i32
      %add3A_154 = vector.broadcast %add3A_153 : i32 to vector<16xi32>
      %add3A_155 = arith.addi %mul3A_51, %add3A_154 : vector<16xi32>
      tpu.vector_store_idx %arg7[%add3A_155], %get3A_152 : memref<128xi32, #tpu.memory_space<vmem>>[vector<16xi32>], vector<16xi32>,
      %get3A_156 = arith.constant 336 : index
      %get3A_157 = tpu.vector_load %arg5[%get3A_156] {strides = array<i32>} : memref<512xi32, #tpu.memory_space<vmem>>, vector<16xi32>,
      %add3A_158 = arith.constant 33 : i32
      %add3A_159 = vector.broadcast %add3A_158 : i32 to vector<16xi32>
      %add3A_160 = arith.addi %mul3A_51, %add3A_159 : vector<16xi32>
      tpu.vector_store_idx %arg7[%add3A_160], %get3A_157 : memref<128xi32, #tpu.memory_space<vmem>>[vector<16xi32>], vector<16xi32>,
      %get3A_161 = arith.constant 352 : index
      %get3A_162 = tpu.vector_load %arg5[%get3A_161] {strides = array<i32>} : memref<512xi32, #tpu.memory_space<vmem>>, vector<16xi32>,
      %add3A_163 = arith.constant 65 : i32
      %add3A_164 = vector.broadcast %add3A_163 : i32 to vector<16xi32>
      %add3A_165 = arith.addi %mul3A_51, %add3A_164 : vector<16xi32>
      tpu.vector_store_idx %arg7[%add3A_165], %get3A_162 : memref<128xi32, #tpu.memory_space<vmem>>[vector<16xi32>], vector<16xi32>,
      %get3A_166 = arith.constant 368 : index
      %get3A_167 = tpu.vector_load %arg5[%get3A_166] {strides = array<i32>} : memref<512xi32, #tpu.memory_space<vmem>>, vector<16xi32>,
      %add3A_168 = arith.constant 97 : i32
      %add3A_169 = vector.broadcast %add3A_168 : i32 to vector<16xi32>
      %add3A_170 = arith.addi %mul3A_51, %add3A_169 : vector<16xi32>
      tpu.vector_store_idx %arg7[%add3A_170], %get3A_167 : memref<128xi32, #tpu.memory_space<vmem>>[vector<16xi32>], vector<16xi32>,
      %get3A_171 = arith.constant 384 : index
      %get3A_172 = tpu.vector_load %arg5[%get3A_171] {strides = array<i32>} : memref<512xi32, #tpu.memory_space<vmem>>, vector<16xi32>,
      %add3A_173 = arith.constant 1 : i32
      %add3A_174 = vector.broadcast %add3A_173 : i32 to vector<16xi32>
      %add3A_175 = arith.addi %mul3A_51, %add3A_174 : vector<16xi32>
      tpu.vector_store_idx %arg8[%add3A_175], %get3A_172 : memref<128xi32, #tpu.memory_space<vmem>>[vector<16xi32>], vector<16xi32>,
      %get3A_176 = arith.constant 400 : index
      %get3A_177 = tpu.vector_load %arg5[%get3A_176] {strides = array<i32>} : memref<512xi32, #tpu.memory_space<vmem>>, vector<16xi32>,
      %add3A_178 = arith.constant 33 : i32
      %add3A_179 = vector.broadcast %add3A_178 : i32 to vector<16xi32>
      %add3A_180 = arith.addi %mul3A_51, %add3A_179 : vector<16xi32>
      tpu.vector_store_idx %arg8[%add3A_180], %get3A_177 : memref<128xi32, #tpu.memory_space<vmem>>[vector<16xi32>], vector<16xi32>,
      %get3A_181 = arith.constant 416 : index
      %get3A_182 = tpu.vector_load %arg5[%get3A_181] {strides = array<i32>} : memref<512xi32, #tpu.memory_space<vmem>>, vector<16xi32>,
      %add3A_183 = arith.constant 65 : i32
      %add3A_184 = vector.broadcast %add3A_183 : i32 to vector<16xi32>
      %add3A_185 = arith.addi %mul3A_51, %add3A_184 : vector<16xi32>
      tpu.vector_store_idx %arg8[%add3A_185], %get3A_182 : memref<128xi32, #tpu.memory_space<vmem>>[vector<16xi32>], vector<16xi32>,
      %get3A_186 = arith.constant 432 : index
      %get3A_187 = tpu.vector_load %arg5[%get3A_186] {strides = array<i32>} : memref<512xi32, #tpu.memory_space<vmem>>, vector<16xi32>,
      %add3A_188 = arith.constant 97 : i32
      %add3A_189 = vector.broadcast %add3A_188 : i32 to vector<16xi32>
      %add3A_190 = arith.addi %mul3A_51, %add3A_189 : vector<16xi32>
      tpu.vector_store_idx %arg8[%add3A_190], %get3A_187 : memref<128xi32, #tpu.memory_space<vmem>>[vector<16xi32>], vector<16xi32>,
      %get3A_191 = arith.constant 448 : index
      %get3A_192 = tpu.vector_load %arg5[%get3A_191] {strides = array<i32>} : memref<512xi32, #tpu.memory_space<vmem>>, vector<16xi32>,
      %add3A_193 = arith.constant 1 : i32
      %add3A_194 = vector.broadcast %add3A_193 : i32 to vector<16xi32>
      %add3A_195 = arith.addi %mul3A_51, %add3A_194 : vector<16xi32>
      tpu.vector_store_idx %arg9[%add3A_195], %get3A_192 : memref<128xi32, #tpu.memory_space<vmem>>[vector<16xi32>], vector<16xi32>,
      %get3A_196 = arith.constant 464 : index
      %get3A_197 = tpu.vector_load %arg5[%get3A_196] {strides = array<i32>} : memref<512xi32, #tpu.memory_space<vmem>>, vector<16xi32>,
      %add3A_198 = arith.constant 33 : i32
      %add3A_199 = vector.broadcast %add3A_198 : i32 to vector<16xi32>
      %add3A_200 = arith.addi %mul3A_51, %add3A_199 : vector<16xi32>
      tpu.vector_store_idx %arg9[%add3A_200], %get3A_197 : memref<128xi32, #tpu.memory_space<vmem>>[vector<16xi32>], vector<16xi32>,
      %get3A_201 = arith.constant 480 : index
      %get3A_202 = tpu.vector_load %arg5[%get3A_201] {strides = array<i32>} : memref<512xi32, #tpu.memory_space<vmem>>, vector<16xi32>,
      %add3A_203 = arith.constant 65 : i32
      %add3A_204 = vector.broadcast %add3A_203 : i32 to vector<16xi32>
      %add3A_205 = arith.addi %mul3A_51, %add3A_204 : vector<16xi32>
      tpu.vector_store_idx %arg9[%add3A_205], %get3A_202 : memref<128xi32, #tpu.memory_space<vmem>>[vector<16xi32>], vector<16xi32>,
      %get3A_206 = arith.constant 496 : index
      %get3A_207 = tpu.vector_load %arg5[%get3A_206] {strides = array<i32>} : memref<512xi32, #tpu.memory_space<vmem>>, vector<16xi32>,
      %add3A_208 = arith.constant 97 : i32
      %add3A_209 = vector.broadcast %add3A_208 : i32 to vector<16xi32>
      %add3A_210 = arith.addi %mul3A_51, %add3A_209 : vector<16xi32>
      tpu.vector_store_idx %arg9[%add3A_210], %get3A_207 : memref<128xi32, #tpu.memory_space<vmem>>[vector<16xi32>], vector<16xi32>,
      %dma_start3A = arith.constant 0 : i32
      %dma_start3A_211 = arith.constant 0 : i32
      %dma_start3A_212 = tpu.memref_slice %arg10[%dma_start3A, %dma_start3A_211] : memref<512x64xf32, #tpu.memory_space<vmem>> -> memref<128x64xf32, #tpu.memory_space<vmem>>
      %dma_start3A_213 = arith.constant 0 : i32
      %dma_start3A_214 = arith.constant 0 : i32
      %dma_start3A_215 = tpu.memref_slice %arg3[%dma_start3A_213, %dma_start3A_214] : memref<1000000x64xf32, #tpu.memory_space<hbm>> -> memref<1000000x64xf32, #tpu.memory_space<hbm>>
      tpu.enqueue_indirect_dma source(%dma_start3A_215 : memref<1000000x64xf32, #tpu.memory_space<hbm>>) target(%dma_start3A_212 : memref<128x64xf32, #tpu.memory_space<vmem>>) offsets(%arg6 : memref<128xi32, #tpu.memory_space<vmem>>) semaphore(%arg11 : memref<!tpu.dma_semaphore, #tpu.memory_space<semaphore_mem>>)
      %dma_start3A_216 = arith.constant 128 : i32
      %dma_start3A_217 = arith.constant 0 : i32
      %dma_start3A_218 = tpu.memref_slice %arg10[%dma_start3A_216, %dma_start3A_217] : memref<512x64xf32, #tpu.memory_space<vmem>> -> memref<128x64xf32, #tpu.memory_space<vmem>>
      %dma_start3A_219 = arith.constant 0 : i32
      %dma_start3A_220 = arith.constant 0 : i32
      %dma_start3A_221 = tpu.memref_slice %arg3[%dma_start3A_219, %dma_start3A_220] : memref<1000000x64xf32, #tpu.memory_space<hbm>> -> memref<1000000x64xf32, #tpu.memory_space<hbm>>
      tpu.enqueue_indirect_dma source(%dma_start3A_221 : memref<1000000x64xf32, #tpu.memory_space<hbm>>) target(%dma_start3A_218 : memref<128x64xf32, #tpu.memory_space<vmem>>) offsets(%arg7 : memref<128xi32, #tpu.memory_space<vmem>>) semaphore(%arg11 : memref<!tpu.dma_semaphore, #tpu.memory_space<semaphore_mem>>)
      %dma_start3A_222 = arith.constant 256 : i32
      %dma_start3A_223 = arith.constant 0 : i32
      %dma_start3A_224 = tpu.memref_slice %arg10[%dma_start3A_222, %dma_start3A_223] : memref<512x64xf32, #tpu.memory_space<vmem>> -> memref<128x64xf32, #tpu.memory_space<vmem>>
      %dma_start3A_225 = arith.constant 0 : i32
      %dma_start3A_226 = arith.constant 0 : i32
      %dma_start3A_227 = tpu.memref_slice %arg3[%dma_start3A_225, %dma_start3A_226] : memref<1000000x64xf32, #tpu.memory_space<hbm>> -> memref<1000000x64xf32, #tpu.memory_space<hbm>>
      tpu.enqueue_indirect_dma source(%dma_start3A_227 : memref<1000000x64xf32, #tpu.memory_space<hbm>>) target(%dma_start3A_224 : memref<128x64xf32, #tpu.memory_space<vmem>>) offsets(%arg8 : memref<128xi32, #tpu.memory_space<vmem>>) semaphore(%arg11 : memref<!tpu.dma_semaphore, #tpu.memory_space<semaphore_mem>>)
      %dma_start3A_228 = arith.constant 384 : i32
      %dma_start3A_229 = arith.constant 0 : i32
      %dma_start3A_230 = tpu.memref_slice %arg10[%dma_start3A_228, %dma_start3A_229] : memref<512x64xf32, #tpu.memory_space<vmem>> -> memref<128x64xf32, #tpu.memory_space<vmem>>
      %dma_start3A_231 = arith.constant 0 : i32
      %dma_start3A_232 = arith.constant 0 : i32
      %dma_start3A_233 = tpu.memref_slice %arg3[%dma_start3A_231, %dma_start3A_232] : memref<1000000x64xf32, #tpu.memory_space<hbm>> -> memref<1000000x64xf32, #tpu.memory_space<hbm>>
      tpu.enqueue_indirect_dma source(%dma_start3A_233 : memref<1000000x64xf32, #tpu.memory_space<hbm>>) target(%dma_start3A_230 : memref<128x64xf32, #tpu.memory_space<vmem>>) offsets(%arg9 : memref<128xi32, #tpu.memory_space<vmem>>) semaphore(%arg11 : memref<!tpu.dma_semaphore, #tpu.memory_space<semaphore_mem>>)
      %dma_wait3A = arith.constant 0 : i32
      %dma_wait3A_234 = arith.constant 0 : i32
      %dma_wait3A_235 = tpu.memref_slice %arg10[%dma_wait3A, %dma_wait3A_234] : memref<512x64xf32, #tpu.memory_space<vmem>> -> memref<128x64xf32, #tpu.memory_space<vmem>>
      %dma_wait3A_236 = arith.constant 0 : i32
      %dma_wait3A_237 = arith.constant 0 : i32
      %dma_wait3A_238 = tpu.memref_slice %arg3[%dma_wait3A_236, %dma_wait3A_237] : memref<1000000x64xf32, #tpu.memory_space<hbm>> -> memref<1000000x64xf32, #tpu.memory_space<hbm>>
      tpu.wait_indirect_dma semaphore(%arg11 : memref<!tpu.dma_semaphore, #tpu.memory_space<semaphore_mem>>) src(%dma_wait3A_238 : memref<1000000x64xf32, #tpu.memory_space<hbm>>) dst(%dma_wait3A_235 : memref<128x64xf32, #tpu.memory_space<vmem>>)
      %dma_wait3A_239 = arith.constant 128 : i32
      %dma_wait3A_240 = arith.constant 0 : i32
      %dma_wait3A_241 = tpu.memref_slice %arg10[%dma_wait3A_239, %dma_wait3A_240] : memref<512x64xf32, #tpu.memory_space<vmem>> -> memref<128x64xf32, #tpu.memory_space<vmem>>
      %dma_wait3A_242 = arith.constant 0 : i32
      %dma_wait3A_243 = arith.constant 0 : i32
      %dma_wait3A_244 = tpu.memref_slice %arg3[%dma_wait3A_242, %dma_wait3A_243] : memref<1000000x64xf32, #tpu.memory_space<hbm>> -> memref<1000000x64xf32, #tpu.memory_space<hbm>>
      tpu.wait_indirect_dma semaphore(%arg11 : memref<!tpu.dma_semaphore, #tpu.memory_space<semaphore_mem>>) src(%dma_wait3A_244 : memref<1000000x64xf32, #tpu.memory_space<hbm>>) dst(%dma_wait3A_241 : memref<128x64xf32, #tpu.memory_space<vmem>>)
      %dma_wait3A_245 = arith.constant 256 : i32
      %dma_wait3A_246 = arith.constant 0 : i32
      %dma_wait3A_247 = tpu.memref_slice %arg10[%dma_wait3A_245, %dma_wait3A_246] : memref<512x64xf32, #tpu.memory_space<vmem>> -> memref<128x64xf32, #tpu.memory_space<vmem>>
      %dma_wait3A_248 = arith.constant 0 : i32
      %dma_wait3A_249 = arith.constant 0 : i32
      %dma_wait3A_250 = tpu.memref_slice %arg3[%dma_wait3A_248, %dma_wait3A_249] : memref<1000000x64xf32, #tpu.memory_space<hbm>> -> memref<1000000x64xf32, #tpu.memory_space<hbm>>
      tpu.wait_indirect_dma semaphore(%arg11 : memref<!tpu.dma_semaphore, #tpu.memory_space<semaphore_mem>>) src(%dma_wait3A_250 : memref<1000000x64xf32, #tpu.memory_space<hbm>>) dst(%dma_wait3A_247 : memref<128x64xf32, #tpu.memory_space<vmem>>)
      %dma_wait3A_251 = arith.constant 384 : i32
      %dma_wait3A_252 = arith.constant 0 : i32
      %dma_wait3A_253 = tpu.memref_slice %arg10[%dma_wait3A_251, %dma_wait3A_252] : memref<512x64xf32, #tpu.memory_space<vmem>> -> memref<128x64xf32, #tpu.memory_space<vmem>>
      %dma_wait3A_254 = arith.constant 0 : i32
      %dma_wait3A_255 = arith.constant 0 : i32
      %dma_wait3A_256 = tpu.memref_slice %arg3[%dma_wait3A_254, %dma_wait3A_255] : memref<1000000x64xf32, #tpu.memory_space<hbm>> -> memref<1000000x64xf32, #tpu.memory_space<hbm>>
      tpu.wait_indirect_dma semaphore(%arg11 : memref<!tpu.dma_semaphore, #tpu.memory_space<semaphore_mem>>) src(%dma_wait3A_256 : memref<1000000x64xf32, #tpu.memory_space<hbm>>) dst(%dma_wait3A_253 : memref<128x64xf32, #tpu.memory_space<vmem>>)
      %mul3A_257 = arith.constant 512 : i32
      %mul3A_258 = arith.muli %scan3A_10, %mul3A_257 : i32
      %add3A_259 = arith.addi %mul3A_4, %mul3A_258 : i32
      "tpu.region"() ({
        %run_scoped3A = tpu.sem_alloc : memref<!tpu.dma_semaphore, #tpu.memory_space<semaphore_mem>>
        %dma_start3A_260 = arith.constant 0 : i32
        %dma_start3A_261 = tpu.memref_slice %arg4[%add3A_259, %dma_start3A_260] : memref<786432x64xf32, #tpu.memory_space<hbm>> -> memref<512x64xf32, #tpu.memory_space<hbm>>
        %dma_start3A_262 = arith.constant 0 : i32
        %dma_start3A_263 = tpu.memref_slice %arg4[%add3A_259, %dma_start3A_262] : memref<786432x64xf32, #tpu.memory_space<hbm>> -> memref<512x64xf32, #tpu.memory_space<hbm>>
        tpu.enqueue_dma source(%arg10 : memref<512x64xf32, #tpu.memory_space<vmem>>) target(%dma_start3A_263 : memref<512x64xf32, #tpu.memory_space<hbm>>) target_semaphore(%run_scoped3A : memref<!tpu.dma_semaphore, #tpu.memory_space<semaphore_mem>>)
        %dma_wait3A_264 = arith.constant 0 : i32
        %dma_wait3A_265 = tpu.memref_slice %arg4[%add3A_259, %dma_wait3A_264] : memref<786432x64xf32, #tpu.memory_space<hbm>> -> memref<512x64xf32, #tpu.memory_space<hbm>>
        %dma_wait3A_266 = arith.constant 0 : i32
        %dma_wait3A_267 = tpu.memref_slice %arg4[%add3A_259, %dma_wait3A_266] : memref<786432x64xf32, #tpu.memory_space<hbm>> -> memref<512x64xf32, #tpu.memory_space<hbm>>
        tpu.wait_dma2 semaphore(%run_scoped3A : memref<!tpu.dma_semaphore, #tpu.memory_space<semaphore_mem>>) src(%arg10 : memref<512x64xf32, #tpu.memory_space<vmem>>) dst(%dma_wait3A_267 : memref<512x64xf32, #tpu.memory_space<hbm>>)
        tpu.yield
      }) : () -> ()
    }
    %scan3A_9 = arith.constant 48 : i32
    return
  }
}

#map = affine_map<(d0, d1) -> (0)>
#map1 = affine_map<(d0, d1) -> (0, 0)>
module attributes {stable_mosaic.version = 14 : i64} {
  func.func @gather_kernel(%arg0: i32, %arg1: i32, %arg2: memref<262144xi32, #tpu.memory_space<hbm>>, %arg3: memref<1000000x64xf32, #tpu.memory_space<hbm>>, %arg4: memref<262144x64xf32, #tpu.memory_space<hbm>>, %arg5: memref<512xi32, #tpu.memory_space<vmem>>, %arg6: memref<128xi32, #tpu.memory_space<vmem>>, %arg7: memref<128xi32, #tpu.memory_space<vmem>>, %arg8: memref<128xi32, #tpu.memory_space<vmem>>, %arg9: memref<128xi32, #tpu.memory_space<vmem>>, %arg10: memref<512x64xf32, #tpu.memory_space<vmem>>, %arg11: memref<!tpu.dma_semaphore, #tpu.memory_space<semaphore_mem>>) attributes {dimension_semantics = [#tpu.dimension_semantics<core_parallel>, #tpu.dimension_semantics<subcore_parallel>], iteration_bounds = array<i64: 2, 16>, scalar_prefetch = 0 : i64, scratch_operands = 7 : i64, tpu.core_type = #tpu.core_type<sc_vector_subcore>, window_params = [{transform_indices = #map}, {transform_indices = #map1}, {transform_indices = #map1}]} {
    %mul3A = arith.constant 2 : i32
    %mul3A_0 = arith.muli %arg1, %mul3A : i32
    %add3A = arith.addi %mul3A_0, %arg0 : i32
    %mul3A_1 = arith.constant 2 : i32
    %mul3A_2 = arith.muli %add3A, %mul3A_1 : i32
    %mul3A_3 = arith.constant 8192 : i32
    %mul3A_4 = arith.muli %add3A, %mul3A_3 : i32
    %scan3A = arith.constant 0 : i32
    %scan3A_5 = arith.constant 0 : i32
    %scan3A_6 = arith.constant 16 : i32
    %scan3A_7 = arith.addi %scan3A_5, %scan3A_6 : i32
    %scan3A_8 = arith.constant 1 : i32
    scf.for %scan3A_10 = %scan3A_5 to %scan3A_7 step %scan3A_8  : i32 {
      %jit3A = arith.constant 8 : i32
      %div3A = arith.divsi %scan3A_10, %jit3A : i32
      %sign3A = arith.constant 0 : i32
      %sign3A_11 = arith.cmpi sgt, %scan3A_10, %sign3A : i32
      %sign3A_12 = arith.extui %sign3A_11 : i1 to i32
      %sign3A_13 = arith.constant 0 : i32
      %sign3A_14 = arith.cmpi slt, %scan3A_10, %sign3A_13 : i32
      %sign3A_15 = arith.extui %sign3A_14 : i1 to i32
      %sign3A_16 = arith.subi %sign3A_12, %sign3A_15 : i32
      %sign3A_17 = arith.constant 0 : i32
      %sign3A_18 = arith.cmpi sgt, %jit3A, %sign3A_17 : i32
      %sign3A_19 = arith.extui %sign3A_18 : i1 to i32
      %sign3A_20 = arith.constant 0 : i32
      %sign3A_21 = arith.cmpi slt, %jit3A, %sign3A_20 : i32
      %sign3A_22 = arith.extui %sign3A_21 : i1 to i32
      %sign3A_23 = arith.subi %sign3A_19, %sign3A_22 : i32
      %ne3A = arith.cmpi ne, %sign3A_16, %sign3A_23 : i32
      %rem3A = arith.remsi %scan3A_10, %jit3A : i32
      %ne3A_24 = arith.constant 0 : i32
      %ne3A_25 = arith.cmpi ne, %rem3A, %ne3A_24 : i32
      %and3A = arith.andi %ne3A, %ne3A_25 : i1
      %sub3A = arith.constant 1 : i32
      %sub3A_26 = arith.subi %div3A, %sub3A : i32
      %select_n3A = arith.select %and3A, %sub3A_26, %div3A : i32
      %add3A_27 = arith.addi %mul3A_2, %select_n3A : i32
      %jit3A_28 = arith.constant 8 : i32
      %eq3A = arith.constant 0 : i32
      %eq3A_29 = arith.cmpi eq, %jit3A_28, %eq3A : i32
      %jit3A_30 = arith.constant 1 : i32
      %select_n3A_31 = arith.select %eq3A_29, %jit3A_30, %jit3A_28 : i32
      %rem3A_32 = arith.remsi %scan3A_10, %select_n3A_31 : i32
      %ne3A_33 = arith.constant 0 : i32
      %ne3A_34 = arith.cmpi ne, %rem3A_32, %ne3A_33 : i32
      %lt3A = arith.constant 0 : i32
      %lt3A_35 = arith.cmpi slt, %rem3A_32, %lt3A : i32
      %lt3A_36 = arith.constant 0 : i32
      %lt3A_37 = arith.cmpi slt, %select_n3A_31, %lt3A_36 : i32
      %ne3A_38 = arith.xori %lt3A_35, %lt3A_37 : i1
      %and3A_39 = arith.andi %ne3A_38, %ne3A_34 : i1
      %add3A_40 = arith.addi %rem3A_32, %select_n3A_31 : i32
      %select_n3A_41 = arith.select %and3A_39, %add3A_40, %rem3A_32 : i32
      %mul3A_42 = arith.constant 4096 : i32
      %mul3A_43 = arith.muli %add3A_27, %mul3A_42 : i32
      %mul3A_44 = arith.constant 256 : i32
      %mul3A_45 = arith.muli %mul3A_44, %select_n3A_41 : i32
      %add3A_46 = arith.addi %mul3A_43, %mul3A_45 : i32
      "tpu.region"() ({
        %run_scoped3A = tpu.sem_alloc : memref<!tpu.dma_semaphore, #tpu.memory_space<semaphore_mem>>
        %dma_start3A_260 = arith.constant 0 : i32
        %dma_start3A_261 = tpu.memref_slice %arg5[%dma_start3A_260] : memref<512xi32, #tpu.memory_space<vmem>> -> memref<256xi32, #tpu.memory_space<vmem>>
        %dma_start3A_262 = tpu.memref_slice %arg2[%add3A_46] : memref<262144xi32, #tpu.memory_space<hbm>> -> memref<256xi32, #tpu.memory_space<hbm>>
        %dma_start3A_263 = arith.constant 0 : i32
        %dma_start3A_264 = tpu.memref_slice %arg5[%dma_start3A_263] : memref<512xi32, #tpu.memory_space<vmem>> -> memref<256xi32, #tpu.memory_space<vmem>>
        %dma_start3A_265 = tpu.memref_slice %arg2[%add3A_46] : memref<262144xi32, #tpu.memory_space<hbm>> -> memref<256xi32, #tpu.memory_space<hbm>>
        tpu.enqueue_dma source(%dma_start3A_265 : memref<256xi32, #tpu.memory_space<hbm>>) target(%dma_start3A_264 : memref<256xi32, #tpu.memory_space<vmem>>) target_semaphore(%run_scoped3A : memref<!tpu.dma_semaphore, #tpu.memory_space<semaphore_mem>>)
        %dma_wait3A_266 = arith.constant 0 : i32
        %dma_wait3A_267 = tpu.memref_slice %arg5[%dma_wait3A_266] : memref<512xi32, #tpu.memory_space<vmem>> -> memref<256xi32, #tpu.memory_space<vmem>>
        %dma_wait3A_268 = tpu.memref_slice %arg2[%add3A_46] : memref<262144xi32, #tpu.memory_space<hbm>> -> memref<256xi32, #tpu.memory_space<hbm>>
        %dma_wait3A_269 = arith.constant 0 : i32
        %dma_wait3A_270 = tpu.memref_slice %arg5[%dma_wait3A_269] : memref<512xi32, #tpu.memory_space<vmem>> -> memref<256xi32, #tpu.memory_space<vmem>>
        %dma_wait3A_271 = tpu.memref_slice %arg2[%add3A_46] : memref<262144xi32, #tpu.memory_space<hbm>> -> memref<256xi32, #tpu.memory_space<hbm>>
        tpu.wait_dma2 semaphore(%run_scoped3A : memref<!tpu.dma_semaphore, #tpu.memory_space<semaphore_mem>>) src(%dma_wait3A_271 : memref<256xi32, #tpu.memory_space<hbm>>) dst(%dma_wait3A_270 : memref<256xi32, #tpu.memory_space<vmem>>)
        tpu.yield
      }) : () -> ()
      %add3A_47 = arith.constant 2048 : i32
      %add3A_48 = arith.addi %add3A_46, %add3A_47 : i32
      "tpu.region"() ({
        %run_scoped3A = tpu.sem_alloc : memref<!tpu.dma_semaphore, #tpu.memory_space<semaphore_mem>>
        %dma_start3A_260 = arith.constant 256 : i32
        %dma_start3A_261 = tpu.memref_slice %arg5[%dma_start3A_260] : memref<512xi32, #tpu.memory_space<vmem>> -> memref<256xi32, #tpu.memory_space<vmem>>
        %dma_start3A_262 = tpu.memref_slice %arg2[%add3A_48] : memref<262144xi32, #tpu.memory_space<hbm>> -> memref<256xi32, #tpu.memory_space<hbm>>
        %dma_start3A_263 = arith.constant 256 : i32
        %dma_start3A_264 = tpu.memref_slice %arg5[%dma_start3A_263] : memref<512xi32, #tpu.memory_space<vmem>> -> memref<256xi32, #tpu.memory_space<vmem>>
        %dma_start3A_265 = tpu.memref_slice %arg2[%add3A_48] : memref<262144xi32, #tpu.memory_space<hbm>> -> memref<256xi32, #tpu.memory_space<hbm>>
        tpu.enqueue_dma source(%dma_start3A_265 : memref<256xi32, #tpu.memory_space<hbm>>) target(%dma_start3A_264 : memref<256xi32, #tpu.memory_space<vmem>>) target_semaphore(%run_scoped3A : memref<!tpu.dma_semaphore, #tpu.memory_space<semaphore_mem>>)
        %dma_wait3A_266 = arith.constant 256 : i32
        %dma_wait3A_267 = tpu.memref_slice %arg5[%dma_wait3A_266] : memref<512xi32, #tpu.memory_space<vmem>> -> memref<256xi32, #tpu.memory_space<vmem>>
        %dma_wait3A_268 = tpu.memref_slice %arg2[%add3A_48] : memref<262144xi32, #tpu.memory_space<hbm>> -> memref<256xi32, #tpu.memory_space<hbm>>
        %dma_wait3A_269 = arith.constant 256 : i32
        %dma_wait3A_270 = tpu.memref_slice %arg5[%dma_wait3A_269] : memref<512xi32, #tpu.memory_space<vmem>> -> memref<256xi32, #tpu.memory_space<vmem>>
        %dma_wait3A_271 = tpu.memref_slice %arg2[%add3A_48] : memref<262144xi32, #tpu.memory_space<hbm>> -> memref<256xi32, #tpu.memory_space<hbm>>
        tpu.wait_dma2 semaphore(%run_scoped3A : memref<!tpu.dma_semaphore, #tpu.memory_space<semaphore_mem>>) src(%dma_wait3A_271 : memref<256xi32, #tpu.memory_space<hbm>>) dst(%dma_wait3A_270 : memref<256xi32, #tpu.memory_space<vmem>>)
        tpu.yield
      }) : () -> ()
      %iota3A = tpu.iota {dimensions = array<i32: 0>} : vector<16xi32>
      %mul3A_49 = arith.constant 2 : i32
      %mul3A_50 = vector.broadcast %mul3A_49 : i32 to vector<16xi32>
      %mul3A_51 = arith.muli %mul3A_50, %iota3A : vector<16xi32>
      %get3A = arith.constant 0 : index
      %get3A_52 = tpu.vector_load %arg5[%get3A] {strides = array<i32>} : memref<512xi32, #tpu.memory_space<vmem>>, vector<16xi32>,
      %add3A_53 = arith.constant 0 : i32
      %add3A_54 = vector.broadcast %add3A_53 : i32 to vector<16xi32>
      %add3A_55 = arith.addi %mul3A_51, %add3A_54 : vector<16xi32>
      tpu.vector_store_idx %arg6[%add3A_55], %get3A_52 : memref<128xi32, #tpu.memory_space<vmem>>[vector<16xi32>], vector<16xi32>,
      %get3A_56 = arith.constant 16 : index
      %get3A_57 = tpu.vector_load %arg5[%get3A_56] {strides = array<i32>} : memref<512xi32, #tpu.memory_space<vmem>>, vector<16xi32>,
      %add3A_58 = arith.constant 32 : i32
      %add3A_59 = vector.broadcast %add3A_58 : i32 to vector<16xi32>
      %add3A_60 = arith.addi %mul3A_51, %add3A_59 : vector<16xi32>
      tpu.vector_store_idx %arg6[%add3A_60], %get3A_57 : memref<128xi32, #tpu.memory_space<vmem>>[vector<16xi32>], vector<16xi32>,
      %get3A_61 = arith.constant 32 : index
      %get3A_62 = tpu.vector_load %arg5[%get3A_61] {strides = array<i32>} : memref<512xi32, #tpu.memory_space<vmem>>, vector<16xi32>,
      %add3A_63 = arith.constant 64 : i32
      %add3A_64 = vector.broadcast %add3A_63 : i32 to vector<16xi32>
      %add3A_65 = arith.addi %mul3A_51, %add3A_64 : vector<16xi32>
      tpu.vector_store_idx %arg6[%add3A_65], %get3A_62 : memref<128xi32, #tpu.memory_space<vmem>>[vector<16xi32>], vector<16xi32>,
      %get3A_66 = arith.constant 48 : index
      %get3A_67 = tpu.vector_load %arg5[%get3A_66] {strides = array<i32>} : memref<512xi32, #tpu.memory_space<vmem>>, vector<16xi32>,
      %add3A_68 = arith.constant 96 : i32
      %add3A_69 = vector.broadcast %add3A_68 : i32 to vector<16xi32>
      %add3A_70 = arith.addi %mul3A_51, %add3A_69 : vector<16xi32>
      tpu.vector_store_idx %arg6[%add3A_70], %get3A_67 : memref<128xi32, #tpu.memory_space<vmem>>[vector<16xi32>], vector<16xi32>,
      %get3A_71 = arith.constant 64 : index
      %get3A_72 = tpu.vector_load %arg5[%get3A_71] {strides = array<i32>} : memref<512xi32, #tpu.memory_space<vmem>>, vector<16xi32>,
      %add3A_73 = arith.constant 0 : i32
      %add3A_74 = vector.broadcast %add3A_73 : i32 to vector<16xi32>
      %add3A_75 = arith.addi %mul3A_51, %add3A_74 : vector<16xi32>
      tpu.vector_store_idx %arg7[%add3A_75], %get3A_72 : memref<128xi32, #tpu.memory_space<vmem>>[vector<16xi32>], vector<16xi32>,
      %get3A_76 = arith.constant 80 : index
      %get3A_77 = tpu.vector_load %arg5[%get3A_76] {strides = array<i32>} : memref<512xi32, #tpu.memory_space<vmem>>, vector<16xi32>,
      %add3A_78 = arith.constant 32 : i32
      %add3A_79 = vector.broadcast %add3A_78 : i32 to vector<16xi32>
      %add3A_80 = arith.addi %mul3A_51, %add3A_79 : vector<16xi32>
      tpu.vector_store_idx %arg7[%add3A_80], %get3A_77 : memref<128xi32, #tpu.memory_space<vmem>>[vector<16xi32>], vector<16xi32>,
      %get3A_81 = arith.constant 96 : index
      %get3A_82 = tpu.vector_load %arg5[%get3A_81] {strides = array<i32>} : memref<512xi32, #tpu.memory_space<vmem>>, vector<16xi32>,
      %add3A_83 = arith.constant 64 : i32
      %add3A_84 = vector.broadcast %add3A_83 : i32 to vector<16xi32>
      %add3A_85 = arith.addi %mul3A_51, %add3A_84 : vector<16xi32>
      tpu.vector_store_idx %arg7[%add3A_85], %get3A_82 : memref<128xi32, #tpu.memory_space<vmem>>[vector<16xi32>], vector<16xi32>,
      %get3A_86 = arith.constant 112 : index
      %get3A_87 = tpu.vector_load %arg5[%get3A_86] {strides = array<i32>} : memref<512xi32, #tpu.memory_space<vmem>>, vector<16xi32>,
      %add3A_88 = arith.constant 96 : i32
      %add3A_89 = vector.broadcast %add3A_88 : i32 to vector<16xi32>
      %add3A_90 = arith.addi %mul3A_51, %add3A_89 : vector<16xi32>
      tpu.vector_store_idx %arg7[%add3A_90], %get3A_87 : memref<128xi32, #tpu.memory_space<vmem>>[vector<16xi32>], vector<16xi32>,
      %get3A_91 = arith.constant 128 : index
      %get3A_92 = tpu.vector_load %arg5[%get3A_91] {strides = array<i32>} : memref<512xi32, #tpu.memory_space<vmem>>, vector<16xi32>,
      %add3A_93 = arith.constant 0 : i32
      %add3A_94 = vector.broadcast %add3A_93 : i32 to vector<16xi32>
      %add3A_95 = arith.addi %mul3A_51, %add3A_94 : vector<16xi32>
      tpu.vector_store_idx %arg8[%add3A_95], %get3A_92 : memref<128xi32, #tpu.memory_space<vmem>>[vector<16xi32>], vector<16xi32>,
      %get3A_96 = arith.constant 144 : index
      %get3A_97 = tpu.vector_load %arg5[%get3A_96] {strides = array<i32>} : memref<512xi32, #tpu.memory_space<vmem>>, vector<16xi32>,
      %add3A_98 = arith.constant 32 : i32
      %add3A_99 = vector.broadcast %add3A_98 : i32 to vector<16xi32>
      %add3A_100 = arith.addi %mul3A_51, %add3A_99 : vector<16xi32>
      tpu.vector_store_idx %arg8[%add3A_100], %get3A_97 : memref<128xi32, #tpu.memory_space<vmem>>[vector<16xi32>], vector<16xi32>,
      %get3A_101 = arith.constant 160 : index
      %get3A_102 = tpu.vector_load %arg5[%get3A_101] {strides = array<i32>} : memref<512xi32, #tpu.memory_space<vmem>>, vector<16xi32>,
      %add3A_103 = arith.constant 64 : i32
      %add3A_104 = vector.broadcast %add3A_103 : i32 to vector<16xi32>
      %add3A_105 = arith.addi %mul3A_51, %add3A_104 : vector<16xi32>
      tpu.vector_store_idx %arg8[%add3A_105], %get3A_102 : memref<128xi32, #tpu.memory_space<vmem>>[vector<16xi32>], vector<16xi32>,
      %get3A_106 = arith.constant 176 : index
      %get3A_107 = tpu.vector_load %arg5[%get3A_106] {strides = array<i32>} : memref<512xi32, #tpu.memory_space<vmem>>, vector<16xi32>,
      %add3A_108 = arith.constant 96 : i32
      %add3A_109 = vector.broadcast %add3A_108 : i32 to vector<16xi32>
      %add3A_110 = arith.addi %mul3A_51, %add3A_109 : vector<16xi32>
      tpu.vector_store_idx %arg8[%add3A_110], %get3A_107 : memref<128xi32, #tpu.memory_space<vmem>>[vector<16xi32>], vector<16xi32>,
      %get3A_111 = arith.constant 192 : index
      %get3A_112 = tpu.vector_load %arg5[%get3A_111] {strides = array<i32>} : memref<512xi32, #tpu.memory_space<vmem>>, vector<16xi32>,
      %add3A_113 = arith.constant 0 : i32
      %add3A_114 = vector.broadcast %add3A_113 : i32 to vector<16xi32>
      %add3A_115 = arith.addi %mul3A_51, %add3A_114 : vector<16xi32>
      tpu.vector_store_idx %arg9[%add3A_115], %get3A_112 : memref<128xi32, #tpu.memory_space<vmem>>[vector<16xi32>], vector<16xi32>,
      %get3A_116 = arith.constant 208 : index
      %get3A_117 = tpu.vector_load %arg5[%get3A_116] {strides = array<i32>} : memref<512xi32, #tpu.memory_space<vmem>>, vector<16xi32>,
      %add3A_118 = arith.constant 32 : i32
      %add3A_119 = vector.broadcast %add3A_118 : i32 to vector<16xi32>
      %add3A_120 = arith.addi %mul3A_51, %add3A_119 : vector<16xi32>
      tpu.vector_store_idx %arg9[%add3A_120], %get3A_117 : memref<128xi32, #tpu.memory_space<vmem>>[vector<16xi32>], vector<16xi32>,
      %get3A_121 = arith.constant 224 : index
      %get3A_122 = tpu.vector_load %arg5[%get3A_121] {strides = array<i32>} : memref<512xi32, #tpu.memory_space<vmem>>, vector<16xi32>,
      %add3A_123 = arith.constant 64 : i32
      %add3A_124 = vector.broadcast %add3A_123 : i32 to vector<16xi32>
      %add3A_125 = arith.addi %mul3A_51, %add3A_124 : vector<16xi32>
      tpu.vector_store_idx %arg9[%add3A_125], %get3A_122 : memref<128xi32, #tpu.memory_space<vmem>>[vector<16xi32>], vector<16xi32>,
      %get3A_126 = arith.constant 240 : index
      %get3A_127 = tpu.vector_load %arg5[%get3A_126] {strides = array<i32>} : memref<512xi32, #tpu.memory_space<vmem>>, vector<16xi32>,
      %add3A_128 = arith.constant 96 : i32
      %add3A_129 = vector.broadcast %add3A_128 : i32 to vector<16xi32>
      %add3A_130 = arith.addi %mul3A_51, %add3A_129 : vector<16xi32>
      tpu.vector_store_idx %arg9[%add3A_130], %get3A_127 : memref<128xi32, #tpu.memory_space<vmem>>[vector<16xi32>], vector<16xi32>,
      %get3A_131 = arith.constant 256 : index
      %get3A_132 = tpu.vector_load %arg5[%get3A_131] {strides = array<i32>} : memref<512xi32, #tpu.memory_space<vmem>>, vector<16xi32>,
      %add3A_133 = arith.constant 1 : i32
      %add3A_134 = vector.broadcast %add3A_133 : i32 to vector<16xi32>
      %add3A_135 = arith.addi %mul3A_51, %add3A_134 : vector<16xi32>
      tpu.vector_store_idx %arg6[%add3A_135], %get3A_132 : memref<128xi32, #tpu.memory_space<vmem>>[vector<16xi32>], vector<16xi32>,
      %get3A_136 = arith.constant 272 : index
      %get3A_137 = tpu.vector_load %arg5[%get3A_136] {strides = array<i32>} : memref<512xi32, #tpu.memory_space<vmem>>, vector<16xi32>,
      %add3A_138 = arith.constant 33 : i32
      %add3A_139 = vector.broadcast %add3A_138 : i32 to vector<16xi32>
      %add3A_140 = arith.addi %mul3A_51, %add3A_139 : vector<16xi32>
      tpu.vector_store_idx %arg6[%add3A_140], %get3A_137 : memref<128xi32, #tpu.memory_space<vmem>>[vector<16xi32>], vector<16xi32>,
      %get3A_141 = arith.constant 288 : index
      %get3A_142 = tpu.vector_load %arg5[%get3A_141] {strides = array<i32>} : memref<512xi32, #tpu.memory_space<vmem>>, vector<16xi32>,
      %add3A_143 = arith.constant 65 : i32
      %add3A_144 = vector.broadcast %add3A_143 : i32 to vector<16xi32>
      %add3A_145 = arith.addi %mul3A_51, %add3A_144 : vector<16xi32>
      tpu.vector_store_idx %arg6[%add3A_145], %get3A_142 : memref<128xi32, #tpu.memory_space<vmem>>[vector<16xi32>], vector<16xi32>,
      %get3A_146 = arith.constant 304 : index
      %get3A_147 = tpu.vector_load %arg5[%get3A_146] {strides = array<i32>} : memref<512xi32, #tpu.memory_space<vmem>>, vector<16xi32>,
      %add3A_148 = arith.constant 97 : i32
      %add3A_149 = vector.broadcast %add3A_148 : i32 to vector<16xi32>
      %add3A_150 = arith.addi %mul3A_51, %add3A_149 : vector<16xi32>
      tpu.vector_store_idx %arg6[%add3A_150], %get3A_147 : memref<128xi32, #tpu.memory_space<vmem>>[vector<16xi32>], vector<16xi32>,
      %get3A_151 = arith.constant 320 : index
      %get3A_152 = tpu.vector_load %arg5[%get3A_151] {strides = array<i32>} : memref<512xi32, #tpu.memory_space<vmem>>, vector<16xi32>,
      %add3A_153 = arith.constant 1 : i32
      %add3A_154 = vector.broadcast %add3A_153 : i32 to vector<16xi32>
      %add3A_155 = arith.addi %mul3A_51, %add3A_154 : vector<16xi32>
      tpu.vector_store_idx %arg7[%add3A_155], %get3A_152 : memref<128xi32, #tpu.memory_space<vmem>>[vector<16xi32>], vector<16xi32>,
      %get3A_156 = arith.constant 336 : index
      %get3A_157 = tpu.vector_load %arg5[%get3A_156] {strides = array<i32>} : memref<512xi32, #tpu.memory_space<vmem>>, vector<16xi32>,
      %add3A_158 = arith.constant 33 : i32
      %add3A_159 = vector.broadcast %add3A_158 : i32 to vector<16xi32>
      %add3A_160 = arith.addi %mul3A_51, %add3A_159 : vector<16xi32>
      tpu.vector_store_idx %arg7[%add3A_160], %get3A_157 : memref<128xi32, #tpu.memory_space<vmem>>[vector<16xi32>], vector<16xi32>,
      %get3A_161 = arith.constant 352 : index
      %get3A_162 = tpu.vector_load %arg5[%get3A_161] {strides = array<i32>} : memref<512xi32, #tpu.memory_space<vmem>>, vector<16xi32>,
      %add3A_163 = arith.constant 65 : i32
      %add3A_164 = vector.broadcast %add3A_163 : i32 to vector<16xi32>
      %add3A_165 = arith.addi %mul3A_51, %add3A_164 : vector<16xi32>
      tpu.vector_store_idx %arg7[%add3A_165], %get3A_162 : memref<128xi32, #tpu.memory_space<vmem>>[vector<16xi32>], vector<16xi32>,
      %get3A_166 = arith.constant 368 : index
      %get3A_167 = tpu.vector_load %arg5[%get3A_166] {strides = array<i32>} : memref<512xi32, #tpu.memory_space<vmem>>, vector<16xi32>,
      %add3A_168 = arith.constant 97 : i32
      %add3A_169 = vector.broadcast %add3A_168 : i32 to vector<16xi32>
      %add3A_170 = arith.addi %mul3A_51, %add3A_169 : vector<16xi32>
      tpu.vector_store_idx %arg7[%add3A_170], %get3A_167 : memref<128xi32, #tpu.memory_space<vmem>>[vector<16xi32>], vector<16xi32>,
      %get3A_171 = arith.constant 384 : index
      %get3A_172 = tpu.vector_load %arg5[%get3A_171] {strides = array<i32>} : memref<512xi32, #tpu.memory_space<vmem>>, vector<16xi32>,
      %add3A_173 = arith.constant 1 : i32
      %add3A_174 = vector.broadcast %add3A_173 : i32 to vector<16xi32>
      %add3A_175 = arith.addi %mul3A_51, %add3A_174 : vector<16xi32>
      tpu.vector_store_idx %arg8[%add3A_175], %get3A_172 : memref<128xi32, #tpu.memory_space<vmem>>[vector<16xi32>], vector<16xi32>,
      %get3A_176 = arith.constant 400 : index
      %get3A_177 = tpu.vector_load %arg5[%get3A_176] {strides = array<i32>} : memref<512xi32, #tpu.memory_space<vmem>>, vector<16xi32>,
      %add3A_178 = arith.constant 33 : i32
      %add3A_179 = vector.broadcast %add3A_178 : i32 to vector<16xi32>
      %add3A_180 = arith.addi %mul3A_51, %add3A_179 : vector<16xi32>
      tpu.vector_store_idx %arg8[%add3A_180], %get3A_177 : memref<128xi32, #tpu.memory_space<vmem>>[vector<16xi32>], vector<16xi32>,
      %get3A_181 = arith.constant 416 : index
      %get3A_182 = tpu.vector_load %arg5[%get3A_181] {strides = array<i32>} : memref<512xi32, #tpu.memory_space<vmem>>, vector<16xi32>,
      %add3A_183 = arith.constant 65 : i32
      %add3A_184 = vector.broadcast %add3A_183 : i32 to vector<16xi32>
      %add3A_185 = arith.addi %mul3A_51, %add3A_184 : vector<16xi32>
      tpu.vector_store_idx %arg8[%add3A_185], %get3A_182 : memref<128xi32, #tpu.memory_space<vmem>>[vector<16xi32>], vector<16xi32>,
      %get3A_186 = arith.constant 432 : index
      %get3A_187 = tpu.vector_load %arg5[%get3A_186] {strides = array<i32>} : memref<512xi32, #tpu.memory_space<vmem>>, vector<16xi32>,
      %add3A_188 = arith.constant 97 : i32
      %add3A_189 = vector.broadcast %add3A_188 : i32 to vector<16xi32>
      %add3A_190 = arith.addi %mul3A_51, %add3A_189 : vector<16xi32>
      tpu.vector_store_idx %arg8[%add3A_190], %get3A_187 : memref<128xi32, #tpu.memory_space<vmem>>[vector<16xi32>], vector<16xi32>,
      %get3A_191 = arith.constant 448 : index
      %get3A_192 = tpu.vector_load %arg5[%get3A_191] {strides = array<i32>} : memref<512xi32, #tpu.memory_space<vmem>>, vector<16xi32>,
      %add3A_193 = arith.constant 1 : i32
      %add3A_194 = vector.broadcast %add3A_193 : i32 to vector<16xi32>
      %add3A_195 = arith.addi %mul3A_51, %add3A_194 : vector<16xi32>
      tpu.vector_store_idx %arg9[%add3A_195], %get3A_192 : memref<128xi32, #tpu.memory_space<vmem>>[vector<16xi32>], vector<16xi32>,
      %get3A_196 = arith.constant 464 : index
      %get3A_197 = tpu.vector_load %arg5[%get3A_196] {strides = array<i32>} : memref<512xi32, #tpu.memory_space<vmem>>, vector<16xi32>,
      %add3A_198 = arith.constant 33 : i32
      %add3A_199 = vector.broadcast %add3A_198 : i32 to vector<16xi32>
      %add3A_200 = arith.addi %mul3A_51, %add3A_199 : vector<16xi32>
      tpu.vector_store_idx %arg9[%add3A_200], %get3A_197 : memref<128xi32, #tpu.memory_space<vmem>>[vector<16xi32>], vector<16xi32>,
      %get3A_201 = arith.constant 480 : index
      %get3A_202 = tpu.vector_load %arg5[%get3A_201] {strides = array<i32>} : memref<512xi32, #tpu.memory_space<vmem>>, vector<16xi32>,
      %add3A_203 = arith.constant 65 : i32
      %add3A_204 = vector.broadcast %add3A_203 : i32 to vector<16xi32>
      %add3A_205 = arith.addi %mul3A_51, %add3A_204 : vector<16xi32>
      tpu.vector_store_idx %arg9[%add3A_205], %get3A_202 : memref<128xi32, #tpu.memory_space<vmem>>[vector<16xi32>], vector<16xi32>,
      %get3A_206 = arith.constant 496 : index
      %get3A_207 = tpu.vector_load %arg5[%get3A_206] {strides = array<i32>} : memref<512xi32, #tpu.memory_space<vmem>>, vector<16xi32>,
      %add3A_208 = arith.constant 97 : i32
      %add3A_209 = vector.broadcast %add3A_208 : i32 to vector<16xi32>
      %add3A_210 = arith.addi %mul3A_51, %add3A_209 : vector<16xi32>
      tpu.vector_store_idx %arg9[%add3A_210], %get3A_207 : memref<128xi32, #tpu.memory_space<vmem>>[vector<16xi32>], vector<16xi32>,
      %dma_start3A = arith.constant 0 : i32
      %dma_start3A_211 = arith.constant 0 : i32
      %dma_start3A_212 = tpu.memref_slice %arg10[%dma_start3A, %dma_start3A_211] : memref<512x64xf32, #tpu.memory_space<vmem>> -> memref<128x64xf32, #tpu.memory_space<vmem>>
      %dma_start3A_213 = arith.constant 0 : i32
      %dma_start3A_214 = arith.constant 0 : i32
      %dma_start3A_215 = tpu.memref_slice %arg3[%dma_start3A_213, %dma_start3A_214] : memref<1000000x64xf32, #tpu.memory_space<hbm>> -> memref<1000000x64xf32, #tpu.memory_space<hbm>>
      tpu.enqueue_indirect_dma source(%dma_start3A_215 : memref<1000000x64xf32, #tpu.memory_space<hbm>>) target(%dma_start3A_212 : memref<128x64xf32, #tpu.memory_space<vmem>>) offsets(%arg6 : memref<128xi32, #tpu.memory_space<vmem>>) semaphore(%arg11 : memref<!tpu.dma_semaphore, #tpu.memory_space<semaphore_mem>>)
      %dma_start3A_216 = arith.constant 128 : i32
      %dma_start3A_217 = arith.constant 0 : i32
      %dma_start3A_218 = tpu.memref_slice %arg10[%dma_start3A_216, %dma_start3A_217] : memref<512x64xf32, #tpu.memory_space<vmem>> -> memref<128x64xf32, #tpu.memory_space<vmem>>
      %dma_start3A_219 = arith.constant 0 : i32
      %dma_start3A_220 = arith.constant 0 : i32
      %dma_start3A_221 = tpu.memref_slice %arg3[%dma_start3A_219, %dma_start3A_220] : memref<1000000x64xf32, #tpu.memory_space<hbm>> -> memref<1000000x64xf32, #tpu.memory_space<hbm>>
      tpu.enqueue_indirect_dma source(%dma_start3A_221 : memref<1000000x64xf32, #tpu.memory_space<hbm>>) target(%dma_start3A_218 : memref<128x64xf32, #tpu.memory_space<vmem>>) offsets(%arg7 : memref<128xi32, #tpu.memory_space<vmem>>) semaphore(%arg11 : memref<!tpu.dma_semaphore, #tpu.memory_space<semaphore_mem>>)
      %dma_start3A_222 = arith.constant 256 : i32
      %dma_start3A_223 = arith.constant 0 : i32
      %dma_start3A_224 = tpu.memref_slice %arg10[%dma_start3A_222, %dma_start3A_223] : memref<512x64xf32, #tpu.memory_space<vmem>> -> memref<128x64xf32, #tpu.memory_space<vmem>>
      %dma_start3A_225 = arith.constant 0 : i32
      %dma_start3A_226 = arith.constant 0 : i32
      %dma_start3A_227 = tpu.memref_slice %arg3[%dma_start3A_225, %dma_start3A_226] : memref<1000000x64xf32, #tpu.memory_space<hbm>> -> memref<1000000x64xf32, #tpu.memory_space<hbm>>
      tpu.enqueue_indirect_dma source(%dma_start3A_227 : memref<1000000x64xf32, #tpu.memory_space<hbm>>) target(%dma_start3A_224 : memref<128x64xf32, #tpu.memory_space<vmem>>) offsets(%arg8 : memref<128xi32, #tpu.memory_space<vmem>>) semaphore(%arg11 : memref<!tpu.dma_semaphore, #tpu.memory_space<semaphore_mem>>)
      %dma_start3A_228 = arith.constant 384 : i32
      %dma_start3A_229 = arith.constant 0 : i32
      %dma_start3A_230 = tpu.memref_slice %arg10[%dma_start3A_228, %dma_start3A_229] : memref<512x64xf32, #tpu.memory_space<vmem>> -> memref<128x64xf32, #tpu.memory_space<vmem>>
      %dma_start3A_231 = arith.constant 0 : i32
      %dma_start3A_232 = arith.constant 0 : i32
      %dma_start3A_233 = tpu.memref_slice %arg3[%dma_start3A_231, %dma_start3A_232] : memref<1000000x64xf32, #tpu.memory_space<hbm>> -> memref<1000000x64xf32, #tpu.memory_space<hbm>>
      tpu.enqueue_indirect_dma source(%dma_start3A_233 : memref<1000000x64xf32, #tpu.memory_space<hbm>>) target(%dma_start3A_230 : memref<128x64xf32, #tpu.memory_space<vmem>>) offsets(%arg9 : memref<128xi32, #tpu.memory_space<vmem>>) semaphore(%arg11 : memref<!tpu.dma_semaphore, #tpu.memory_space<semaphore_mem>>)
      %dma_wait3A = arith.constant 0 : i32
      %dma_wait3A_234 = arith.constant 0 : i32
      %dma_wait3A_235 = tpu.memref_slice %arg10[%dma_wait3A, %dma_wait3A_234] : memref<512x64xf32, #tpu.memory_space<vmem>> -> memref<128x64xf32, #tpu.memory_space<vmem>>
      %dma_wait3A_236 = arith.constant 0 : i32
      %dma_wait3A_237 = arith.constant 0 : i32
      %dma_wait3A_238 = tpu.memref_slice %arg3[%dma_wait3A_236, %dma_wait3A_237] : memref<1000000x64xf32, #tpu.memory_space<hbm>> -> memref<1000000x64xf32, #tpu.memory_space<hbm>>
      tpu.wait_indirect_dma semaphore(%arg11 : memref<!tpu.dma_semaphore, #tpu.memory_space<semaphore_mem>>) src(%dma_wait3A_238 : memref<1000000x64xf32, #tpu.memory_space<hbm>>) dst(%dma_wait3A_235 : memref<128x64xf32, #tpu.memory_space<vmem>>)
      %dma_wait3A_239 = arith.constant 128 : i32
      %dma_wait3A_240 = arith.constant 0 : i32
      %dma_wait3A_241 = tpu.memref_slice %arg10[%dma_wait3A_239, %dma_wait3A_240] : memref<512x64xf32, #tpu.memory_space<vmem>> -> memref<128x64xf32, #tpu.memory_space<vmem>>
      %dma_wait3A_242 = arith.constant 0 : i32
      %dma_wait3A_243 = arith.constant 0 : i32
      %dma_wait3A_244 = tpu.memref_slice %arg3[%dma_wait3A_242, %dma_wait3A_243] : memref<1000000x64xf32, #tpu.memory_space<hbm>> -> memref<1000000x64xf32, #tpu.memory_space<hbm>>
      tpu.wait_indirect_dma semaphore(%arg11 : memref<!tpu.dma_semaphore, #tpu.memory_space<semaphore_mem>>) src(%dma_wait3A_244 : memref<1000000x64xf32, #tpu.memory_space<hbm>>) dst(%dma_wait3A_241 : memref<128x64xf32, #tpu.memory_space<vmem>>)
      %dma_wait3A_245 = arith.constant 256 : i32
      %dma_wait3A_246 = arith.constant 0 : i32
      %dma_wait3A_247 = tpu.memref_slice %arg10[%dma_wait3A_245, %dma_wait3A_246] : memref<512x64xf32, #tpu.memory_space<vmem>> -> memref<128x64xf32, #tpu.memory_space<vmem>>
      %dma_wait3A_248 = arith.constant 0 : i32
      %dma_wait3A_249 = arith.constant 0 : i32
      %dma_wait3A_250 = tpu.memref_slice %arg3[%dma_wait3A_248, %dma_wait3A_249] : memref<1000000x64xf32, #tpu.memory_space<hbm>> -> memref<1000000x64xf32, #tpu.memory_space<hbm>>
      tpu.wait_indirect_dma semaphore(%arg11 : memref<!tpu.dma_semaphore, #tpu.memory_space<semaphore_mem>>) src(%dma_wait3A_250 : memref<1000000x64xf32, #tpu.memory_space<hbm>>) dst(%dma_wait3A_247 : memref<128x64xf32, #tpu.memory_space<vmem>>)
      %dma_wait3A_251 = arith.constant 384 : i32
      %dma_wait3A_252 = arith.constant 0 : i32
      %dma_wait3A_253 = tpu.memref_slice %arg10[%dma_wait3A_251, %dma_wait3A_252] : memref<512x64xf32, #tpu.memory_space<vmem>> -> memref<128x64xf32, #tpu.memory_space<vmem>>
      %dma_wait3A_254 = arith.constant 0 : i32
      %dma_wait3A_255 = arith.constant 0 : i32
      %dma_wait3A_256 = tpu.memref_slice %arg3[%dma_wait3A_254, %dma_wait3A_255] : memref<1000000x64xf32, #tpu.memory_space<hbm>> -> memref<1000000x64xf32, #tpu.memory_space<hbm>>
      tpu.wait_indirect_dma semaphore(%arg11 : memref<!tpu.dma_semaphore, #tpu.memory_space<semaphore_mem>>) src(%dma_wait3A_256 : memref<1000000x64xf32, #tpu.memory_space<hbm>>) dst(%dma_wait3A_253 : memref<128x64xf32, #tpu.memory_space<vmem>>)
      %mul3A_257 = arith.constant 512 : i32
      %mul3A_258 = arith.muli %scan3A_10, %mul3A_257 : i32
      %add3A_259 = arith.addi %mul3A_4, %mul3A_258 : i32
      "tpu.region"() ({
        %run_scoped3A = tpu.sem_alloc : memref<!tpu.dma_semaphore, #tpu.memory_space<semaphore_mem>>
        %dma_start3A_260 = arith.constant 0 : i32
        %dma_start3A_261 = tpu.memref_slice %arg4[%add3A_259, %dma_start3A_260] : memref<262144x64xf32, #tpu.memory_space<hbm>> -> memref<512x64xf32, #tpu.memory_space<hbm>>
        %dma_start3A_262 = arith.constant 0 : i32
        %dma_start3A_263 = tpu.memref_slice %arg4[%add3A_259, %dma_start3A_262] : memref<262144x64xf32, #tpu.memory_space<hbm>> -> memref<512x64xf32, #tpu.memory_space<hbm>>
        tpu.enqueue_dma source(%arg10 : memref<512x64xf32, #tpu.memory_space<vmem>>) target(%dma_start3A_263 : memref<512x64xf32, #tpu.memory_space<hbm>>) target_semaphore(%run_scoped3A : memref<!tpu.dma_semaphore, #tpu.memory_space<semaphore_mem>>)
        %dma_wait3A_264 = arith.constant 0 : i32
        %dma_wait3A_265 = tpu.memref_slice %arg4[%add3A_259, %dma_wait3A_264] : memref<262144x64xf32, #tpu.memory_space<hbm>> -> memref<512x64xf32, #tpu.memory_space<hbm>>
        %dma_wait3A_266 = arith.constant 0 : i32
        %dma_wait3A_267 = tpu.memref_slice %arg4[%add3A_259, %dma_wait3A_266] : memref<262144x64xf32, #tpu.memory_space<hbm>> -> memref<512x64xf32, #tpu.memory_space<hbm>>
        tpu.wait_dma2 semaphore(%run_scoped3A : memref<!tpu.dma_semaphore, #tpu.memory_space<semaphore_mem>>) src(%arg10 : memref<512x64xf32, #tpu.memory_space<vmem>>) dst(%dma_wait3A_267 : memref<512x64xf32, #tpu.memory_space<hbm>>)
        tpu.yield
      }) : () -> ()
    }
    %scan3A_9 = arith.constant 16 : i32
    return
  }
}

#map = affine_map<(d0, d1) -> (0)>
#map1 = affine_map<(d0, d1) -> (0, 0)>
module attributes {stable_mosaic.version = 14 : i64} {
  func.func @gather_kernel(%arg0: i32, %arg1: i32, %arg2: memref<786432xi32, #tpu.memory_space<hbm>>, %arg3: memref<1000000x64xf32, #tpu.memory_space<hbm>>, %arg4: memref<786432x64xf32, #tpu.memory_space<hbm>>, %arg5: memref<512xi32, #tpu.memory_space<vmem>>, %arg6: memref<128xi32, #tpu.memory_space<vmem>>, %arg7: memref<128xi32, #tpu.memory_space<vmem>>, %arg8: memref<128xi32, #tpu.memory_space<vmem>>, %arg9: memref<128xi32, #tpu.memory_space<vmem>>, %arg10: memref<512x64xf32, #tpu.memory_space<vmem>>, %arg11: memref<!tpu.dma_semaphore, #tpu.memory_space<semaphore_mem>>) attributes {dimension_semantics = [#tpu.dimension_semantics<core_parallel>, #tpu.dimension_semantics<subcore_parallel>], iteration_bounds = array<i64: 2, 16>, scalar_prefetch = 0 : i64, scratch_operands = 7 : i64, tpu.core_type = #tpu.core_type<sc_vector_subcore>, window_params = [{transform_indices = #map}, {transform_indices = #map1}, {transform_indices = #map1}]} {
    %mul3A = arith.constant 2 : i32
    %mul3A_0 = arith.muli %arg1, %mul3A : i32
    %add3A = arith.addi %mul3A_0, %arg0 : i32
    %mul3A_1 = arith.constant 6 : i32
    %mul3A_2 = arith.muli %add3A, %mul3A_1 : i32
    %mul3A_3 = arith.constant 24576 : i32
    %mul3A_4 = arith.muli %add3A, %mul3A_3 : i32
    %scan3A = arith.constant 0 : i32
    %scan3A_5 = arith.constant 0 : i32
    %scan3A_6 = arith.constant 48 : i32
    %scan3A_7 = arith.addi %scan3A_5, %scan3A_6 : i32
    %scan3A_8 = arith.constant 1 : i32
    scf.for %scan3A_10 = %scan3A_5 to %scan3A_7 step %scan3A_8  : i32 {
      %jit3A = arith.constant 8 : i32
      %div3A = arith.divsi %scan3A_10, %jit3A : i32
      %sign3A = arith.constant 0 : i32
      %sign3A_11 = arith.cmpi sgt, %scan3A_10, %sign3A : i32
      %sign3A_12 = arith.extui %sign3A_11 : i1 to i32
      %sign3A_13 = arith.constant 0 : i32
      %sign3A_14 = arith.cmpi slt, %scan3A_10, %sign3A_13 : i32
      %sign3A_15 = arith.extui %sign3A_14 : i1 to i32
      %sign3A_16 = arith.subi %sign3A_12, %sign3A_15 : i32
      %sign3A_17 = arith.constant 0 : i32
      %sign3A_18 = arith.cmpi sgt, %jit3A, %sign3A_17 : i32
      %sign3A_19 = arith.extui %sign3A_18 : i1 to i32
      %sign3A_20 = arith.constant 0 : i32
      %sign3A_21 = arith.cmpi slt, %jit3A, %sign3A_20 : i32
      %sign3A_22 = arith.extui %sign3A_21 : i1 to i32
      %sign3A_23 = arith.subi %sign3A_19, %sign3A_22 : i32
      %ne3A = arith.cmpi ne, %sign3A_16, %sign3A_23 : i32
      %rem3A = arith.remsi %scan3A_10, %jit3A : i32
      %ne3A_24 = arith.constant 0 : i32
      %ne3A_25 = arith.cmpi ne, %rem3A, %ne3A_24 : i32
      %and3A = arith.andi %ne3A, %ne3A_25 : i1
      %sub3A = arith.constant 1 : i32
      %sub3A_26 = arith.subi %div3A, %sub3A : i32
      %select_n3A = arith.select %and3A, %sub3A_26, %div3A : i32
      %add3A_27 = arith.addi %mul3A_2, %select_n3A : i32
      %jit3A_28 = arith.constant 8 : i32
      %eq3A = arith.constant 0 : i32
      %eq3A_29 = arith.cmpi eq, %jit3A_28, %eq3A : i32
      %jit3A_30 = arith.constant 1 : i32
      %select_n3A_31 = arith.select %eq3A_29, %jit3A_30, %jit3A_28 : i32
      %rem3A_32 = arith.remsi %scan3A_10, %select_n3A_31 : i32
      %ne3A_33 = arith.constant 0 : i32
      %ne3A_34 = arith.cmpi ne, %rem3A_32, %ne3A_33 : i32
      %lt3A = arith.constant 0 : i32
      %lt3A_35 = arith.cmpi slt, %rem3A_32, %lt3A : i32
      %lt3A_36 = arith.constant 0 : i32
      %lt3A_37 = arith.cmpi slt, %select_n3A_31, %lt3A_36 : i32
      %ne3A_38 = arith.xori %lt3A_35, %lt3A_37 : i1
      %and3A_39 = arith.andi %ne3A_38, %ne3A_34 : i1
      %add3A_40 = arith.addi %rem3A_32, %select_n3A_31 : i32
      %select_n3A_41 = arith.select %and3A_39, %add3A_40, %rem3A_32 : i32
      %mul3A_42 = arith.constant 4096 : i32
      %mul3A_43 = arith.muli %add3A_27, %mul3A_42 : i32
      %mul3A_44 = arith.constant 256 : i32
      %mul3A_45 = arith.muli %mul3A_44, %select_n3A_41 : i32
      %add3A_46 = arith.addi %mul3A_43, %mul3A_45 : i32
      "tpu.region"() ({
        %run_scoped3A = tpu.sem_alloc : memref<!tpu.dma_semaphore, #tpu.memory_space<semaphore_mem>>
        %dma_start3A_260 = arith.constant 0 : i32
        %dma_start3A_261 = tpu.memref_slice %arg5[%dma_start3A_260] : memref<512xi32, #tpu.memory_space<vmem>> -> memref<256xi32, #tpu.memory_space<vmem>>
        %dma_start3A_262 = tpu.memref_slice %arg2[%add3A_46] : memref<786432xi32, #tpu.memory_space<hbm>> -> memref<256xi32, #tpu.memory_space<hbm>>
        %dma_start3A_263 = arith.constant 0 : i32
        %dma_start3A_264 = tpu.memref_slice %arg5[%dma_start3A_263] : memref<512xi32, #tpu.memory_space<vmem>> -> memref<256xi32, #tpu.memory_space<vmem>>
        %dma_start3A_265 = tpu.memref_slice %arg2[%add3A_46] : memref<786432xi32, #tpu.memory_space<hbm>> -> memref<256xi32, #tpu.memory_space<hbm>>
        tpu.enqueue_dma source(%dma_start3A_265 : memref<256xi32, #tpu.memory_space<hbm>>) target(%dma_start3A_264 : memref<256xi32, #tpu.memory_space<vmem>>) target_semaphore(%run_scoped3A : memref<!tpu.dma_semaphore, #tpu.memory_space<semaphore_mem>>)
        %dma_wait3A_266 = arith.constant 0 : i32
        %dma_wait3A_267 = tpu.memref_slice %arg5[%dma_wait3A_266] : memref<512xi32, #tpu.memory_space<vmem>> -> memref<256xi32, #tpu.memory_space<vmem>>
        %dma_wait3A_268 = tpu.memref_slice %arg2[%add3A_46] : memref<786432xi32, #tpu.memory_space<hbm>> -> memref<256xi32, #tpu.memory_space<hbm>>
        %dma_wait3A_269 = arith.constant 0 : i32
        %dma_wait3A_270 = tpu.memref_slice %arg5[%dma_wait3A_269] : memref<512xi32, #tpu.memory_space<vmem>> -> memref<256xi32, #tpu.memory_space<vmem>>
        %dma_wait3A_271 = tpu.memref_slice %arg2[%add3A_46] : memref<786432xi32, #tpu.memory_space<hbm>> -> memref<256xi32, #tpu.memory_space<hbm>>
        tpu.wait_dma2 semaphore(%run_scoped3A : memref<!tpu.dma_semaphore, #tpu.memory_space<semaphore_mem>>) src(%dma_wait3A_271 : memref<256xi32, #tpu.memory_space<hbm>>) dst(%dma_wait3A_270 : memref<256xi32, #tpu.memory_space<vmem>>)
        tpu.yield
      }) : () -> ()
      %add3A_47 = arith.constant 2048 : i32
      %add3A_48 = arith.addi %add3A_46, %add3A_47 : i32
      "tpu.region"() ({
        %run_scoped3A = tpu.sem_alloc : memref<!tpu.dma_semaphore, #tpu.memory_space<semaphore_mem>>
        %dma_start3A_260 = arith.constant 256 : i32
        %dma_start3A_261 = tpu.memref_slice %arg5[%dma_start3A_260] : memref<512xi32, #tpu.memory_space<vmem>> -> memref<256xi32, #tpu.memory_space<vmem>>
        %dma_start3A_262 = tpu.memref_slice %arg2[%add3A_48] : memref<786432xi32, #tpu.memory_space<hbm>> -> memref<256xi32, #tpu.memory_space<hbm>>
        %dma_start3A_263 = arith.constant 256 : i32
        %dma_start3A_264 = tpu.memref_slice %arg5[%dma_start3A_263] : memref<512xi32, #tpu.memory_space<vmem>> -> memref<256xi32, #tpu.memory_space<vmem>>
        %dma_start3A_265 = tpu.memref_slice %arg2[%add3A_48] : memref<786432xi32, #tpu.memory_space<hbm>> -> memref<256xi32, #tpu.memory_space<hbm>>
        tpu.enqueue_dma source(%dma_start3A_265 : memref<256xi32, #tpu.memory_space<hbm>>) target(%dma_start3A_264 : memref<256xi32, #tpu.memory_space<vmem>>) target_semaphore(%run_scoped3A : memref<!tpu.dma_semaphore, #tpu.memory_space<semaphore_mem>>)
        %dma_wait3A_266 = arith.constant 256 : i32
        %dma_wait3A_267 = tpu.memref_slice %arg5[%dma_wait3A_266] : memref<512xi32, #tpu.memory_space<vmem>> -> memref<256xi32, #tpu.memory_space<vmem>>
        %dma_wait3A_268 = tpu.memref_slice %arg2[%add3A_48] : memref<786432xi32, #tpu.memory_space<hbm>> -> memref<256xi32, #tpu.memory_space<hbm>>
        %dma_wait3A_269 = arith.constant 256 : i32
        %dma_wait3A_270 = tpu.memref_slice %arg5[%dma_wait3A_269] : memref<512xi32, #tpu.memory_space<vmem>> -> memref<256xi32, #tpu.memory_space<vmem>>
        %dma_wait3A_271 = tpu.memref_slice %arg2[%add3A_48] : memref<786432xi32, #tpu.memory_space<hbm>> -> memref<256xi32, #tpu.memory_space<hbm>>
        tpu.wait_dma2 semaphore(%run_scoped3A : memref<!tpu.dma_semaphore, #tpu.memory_space<semaphore_mem>>) src(%dma_wait3A_271 : memref<256xi32, #tpu.memory_space<hbm>>) dst(%dma_wait3A_270 : memref<256xi32, #tpu.memory_space<vmem>>)
        tpu.yield
      }) : () -> ()
      %iota3A = tpu.iota {dimensions = array<i32: 0>} : vector<16xi32>
      %mul3A_49 = arith.constant 2 : i32
      %mul3A_50 = vector.broadcast %mul3A_49 : i32 to vector<16xi32>
      %mul3A_51 = arith.muli %mul3A_50, %iota3A : vector<16xi32>
      %get3A = arith.constant 0 : index
      %get3A_52 = tpu.vector_load %arg5[%get3A] {strides = array<i32>} : memref<512xi32, #tpu.memory_space<vmem>>, vector<16xi32>,
      %add3A_53 = arith.constant 0 : i32
      %add3A_54 = vector.broadcast %add3A_53 : i32 to vector<16xi32>
      %add3A_55 = arith.addi %mul3A_51, %add3A_54 : vector<16xi32>
      tpu.vector_store_idx %arg6[%add3A_55], %get3A_52 : memref<128xi32, #tpu.memory_space<vmem>>[vector<16xi32>], vector<16xi32>,
      %get3A_56 = arith.constant 16 : index
      %get3A_57 = tpu.vector_load %arg5[%get3A_56] {strides = array<i32>} : memref<512xi32, #tpu.memory_space<vmem>>, vector<16xi32>,
      %add3A_58 = arith.constant 32 : i32
      %add3A_59 = vector.broadcast %add3A_58 : i32 to vector<16xi32>
      %add3A_60 = arith.addi %mul3A_51, %add3A_59 : vector<16xi32>
      tpu.vector_store_idx %arg6[%add3A_60], %get3A_57 : memref<128xi32, #tpu.memory_space<vmem>>[vector<16xi32>], vector<16xi32>,
      %get3A_61 = arith.constant 32 : index
      %get3A_62 = tpu.vector_load %arg5[%get3A_61] {strides = array<i32>} : memref<512xi32, #tpu.memory_space<vmem>>, vector<16xi32>,
      %add3A_63 = arith.constant 64 : i32
      %add3A_64 = vector.broadcast %add3A_63 : i32 to vector<16xi32>
      %add3A_65 = arith.addi %mul3A_51, %add3A_64 : vector<16xi32>
      tpu.vector_store_idx %arg6[%add3A_65], %get3A_62 : memref<128xi32, #tpu.memory_space<vmem>>[vector<16xi32>], vector<16xi32>,
      %get3A_66 = arith.constant 48 : index
      %get3A_67 = tpu.vector_load %arg5[%get3A_66] {strides = array<i32>} : memref<512xi32, #tpu.memory_space<vmem>>, vector<16xi32>,
      %add3A_68 = arith.constant 96 : i32
      %add3A_69 = vector.broadcast %add3A_68 : i32 to vector<16xi32>
      %add3A_70 = arith.addi %mul3A_51, %add3A_69 : vector<16xi32>
      tpu.vector_store_idx %arg6[%add3A_70], %get3A_67 : memref<128xi32, #tpu.memory_space<vmem>>[vector<16xi32>], vector<16xi32>,
      %get3A_71 = arith.constant 64 : index
      %get3A_72 = tpu.vector_load %arg5[%get3A_71] {strides = array<i32>} : memref<512xi32, #tpu.memory_space<vmem>>, vector<16xi32>,
      %add3A_73 = arith.constant 0 : i32
      %add3A_74 = vector.broadcast %add3A_73 : i32 to vector<16xi32>
      %add3A_75 = arith.addi %mul3A_51, %add3A_74 : vector<16xi32>
      tpu.vector_store_idx %arg7[%add3A_75], %get3A_72 : memref<128xi32, #tpu.memory_space<vmem>>[vector<16xi32>], vector<16xi32>,
      %get3A_76 = arith.constant 80 : index
      %get3A_77 = tpu.vector_load %arg5[%get3A_76] {strides = array<i32>} : memref<512xi32, #tpu.memory_space<vmem>>, vector<16xi32>,
      %add3A_78 = arith.constant 32 : i32
      %add3A_79 = vector.broadcast %add3A_78 : i32 to vector<16xi32>
      %add3A_80 = arith.addi %mul3A_51, %add3A_79 : vector<16xi32>
      tpu.vector_store_idx %arg7[%add3A_80], %get3A_77 : memref<128xi32, #tpu.memory_space<vmem>>[vector<16xi32>], vector<16xi32>,
      %get3A_81 = arith.constant 96 : index
      %get3A_82 = tpu.vector_load %arg5[%get3A_81] {strides = array<i32>} : memref<512xi32, #tpu.memory_space<vmem>>, vector<16xi32>,
      %add3A_83 = arith.constant 64 : i32
      %add3A_84 = vector.broadcast %add3A_83 : i32 to vector<16xi32>
      %add3A_85 = arith.addi %mul3A_51, %add3A_84 : vector<16xi32>
      tpu.vector_store_idx %arg7[%add3A_85], %get3A_82 : memref<128xi32, #tpu.memory_space<vmem>>[vector<16xi32>], vector<16xi32>,
      %get3A_86 = arith.constant 112 : index
      %get3A_87 = tpu.vector_load %arg5[%get3A_86] {strides = array<i32>} : memref<512xi32, #tpu.memory_space<vmem>>, vector<16xi32>,
      %add3A_88 = arith.constant 96 : i32
      %add3A_89 = vector.broadcast %add3A_88 : i32 to vector<16xi32>
      %add3A_90 = arith.addi %mul3A_51, %add3A_89 : vector<16xi32>
      tpu.vector_store_idx %arg7[%add3A_90], %get3A_87 : memref<128xi32, #tpu.memory_space<vmem>>[vector<16xi32>], vector<16xi32>,
      %get3A_91 = arith.constant 128 : index
      %get3A_92 = tpu.vector_load %arg5[%get3A_91] {strides = array<i32>} : memref<512xi32, #tpu.memory_space<vmem>>, vector<16xi32>,
      %add3A_93 = arith.constant 0 : i32
      %add3A_94 = vector.broadcast %add3A_93 : i32 to vector<16xi32>
      %add3A_95 = arith.addi %mul3A_51, %add3A_94 : vector<16xi32>
      tpu.vector_store_idx %arg8[%add3A_95], %get3A_92 : memref<128xi32, #tpu.memory_space<vmem>>[vector<16xi32>], vector<16xi32>,
      %get3A_96 = arith.constant 144 : index
      %get3A_97 = tpu.vector_load %arg5[%get3A_96] {strides = array<i32>} : memref<512xi32, #tpu.memory_space<vmem>>, vector<16xi32>,
      %add3A_98 = arith.constant 32 : i32
      %add3A_99 = vector.broadcast %add3A_98 : i32 to vector<16xi32>
      %add3A_100 = arith.addi %mul3A_51, %add3A_99 : vector<16xi32>
      tpu.vector_store_idx %arg8[%add3A_100], %get3A_97 : memref<128xi32, #tpu.memory_space<vmem>>[vector<16xi32>], vector<16xi32>,
      %get3A_101 = arith.constant 160 : index
      %get3A_102 = tpu.vector_load %arg5[%get3A_101] {strides = array<i32>} : memref<512xi32, #tpu.memory_space<vmem>>, vector<16xi32>,
      %add3A_103 = arith.constant 64 : i32
      %add3A_104 = vector.broadcast %add3A_103 : i32 to vector<16xi32>
      %add3A_105 = arith.addi %mul3A_51, %add3A_104 : vector<16xi32>
      tpu.vector_store_idx %arg8[%add3A_105], %get3A_102 : memref<128xi32, #tpu.memory_space<vmem>>[vector<16xi32>], vector<16xi32>,
      %get3A_106 = arith.constant 176 : index
      %get3A_107 = tpu.vector_load %arg5[%get3A_106] {strides = array<i32>} : memref<512xi32, #tpu.memory_space<vmem>>, vector<16xi32>,
      %add3A_108 = arith.constant 96 : i32
      %add3A_109 = vector.broadcast %add3A_108 : i32 to vector<16xi32>
      %add3A_110 = arith.addi %mul3A_51, %add3A_109 : vector<16xi32>
      tpu.vector_store_idx %arg8[%add3A_110], %get3A_107 : memref<128xi32, #tpu.memory_space<vmem>>[vector<16xi32>], vector<16xi32>,
      %get3A_111 = arith.constant 192 : index
      %get3A_112 = tpu.vector_load %arg5[%get3A_111] {strides = array<i32>} : memref<512xi32, #tpu.memory_space<vmem>>, vector<16xi32>,
      %add3A_113 = arith.constant 0 : i32
      %add3A_114 = vector.broadcast %add3A_113 : i32 to vector<16xi32>
      %add3A_115 = arith.addi %mul3A_51, %add3A_114 : vector<16xi32>
      tpu.vector_store_idx %arg9[%add3A_115], %get3A_112 : memref<128xi32, #tpu.memory_space<vmem>>[vector<16xi32>], vector<16xi32>,
      %get3A_116 = arith.constant 208 : index
      %get3A_117 = tpu.vector_load %arg5[%get3A_116] {strides = array<i32>} : memref<512xi32, #tpu.memory_space<vmem>>, vector<16xi32>,
      %add3A_118 = arith.constant 32 : i32
      %add3A_119 = vector.broadcast %add3A_118 : i32 to vector<16xi32>
      %add3A_120 = arith.addi %mul3A_51, %add3A_119 : vector<16xi32>
      tpu.vector_store_idx %arg9[%add3A_120], %get3A_117 : memref<128xi32, #tpu.memory_space<vmem>>[vector<16xi32>], vector<16xi32>,
      %get3A_121 = arith.constant 224 : index
      %get3A_122 = tpu.vector_load %arg5[%get3A_121] {strides = array<i32>} : memref<512xi32, #tpu.memory_space<vmem>>, vector<16xi32>,
      %add3A_123 = arith.constant 64 : i32
      %add3A_124 = vector.broadcast %add3A_123 : i32 to vector<16xi32>
      %add3A_125 = arith.addi %mul3A_51, %add3A_124 : vector<16xi32>
      tpu.vector_store_idx %arg9[%add3A_125], %get3A_122 : memref<128xi32, #tpu.memory_space<vmem>>[vector<16xi32>], vector<16xi32>,
      %get3A_126 = arith.constant 240 : index
      %get3A_127 = tpu.vector_load %arg5[%get3A_126] {strides = array<i32>} : memref<512xi32, #tpu.memory_space<vmem>>, vector<16xi32>,
      %add3A_128 = arith.constant 96 : i32
      %add3A_129 = vector.broadcast %add3A_128 : i32 to vector<16xi32>
      %add3A_130 = arith.addi %mul3A_51, %add3A_129 : vector<16xi32>
      tpu.vector_store_idx %arg9[%add3A_130], %get3A_127 : memref<128xi32, #tpu.memory_space<vmem>>[vector<16xi32>], vector<16xi32>,
      %get3A_131 = arith.constant 256 : index
      %get3A_132 = tpu.vector_load %arg5[%get3A_131] {strides = array<i32>} : memref<512xi32, #tpu.memory_space<vmem>>, vector<16xi32>,
      %add3A_133 = arith.constant 1 : i32
      %add3A_134 = vector.broadcast %add3A_133 : i32 to vector<16xi32>
      %add3A_135 = arith.addi %mul3A_51, %add3A_134 : vector<16xi32>
      tpu.vector_store_idx %arg6[%add3A_135], %get3A_132 : memref<128xi32, #tpu.memory_space<vmem>>[vector<16xi32>], vector<16xi32>,
      %get3A_136 = arith.constant 272 : index
      %get3A_137 = tpu.vector_load %arg5[%get3A_136] {strides = array<i32>} : memref<512xi32, #tpu.memory_space<vmem>>, vector<16xi32>,
      %add3A_138 = arith.constant 33 : i32
      %add3A_139 = vector.broadcast %add3A_138 : i32 to vector<16xi32>
      %add3A_140 = arith.addi %mul3A_51, %add3A_139 : vector<16xi32>
      tpu.vector_store_idx %arg6[%add3A_140], %get3A_137 : memref<128xi32, #tpu.memory_space<vmem>>[vector<16xi32>], vector<16xi32>,
      %get3A_141 = arith.constant 288 : index
      %get3A_142 = tpu.vector_load %arg5[%get3A_141] {strides = array<i32>} : memref<512xi32, #tpu.memory_space<vmem>>, vector<16xi32>,
      %add3A_143 = arith.constant 65 : i32
      %add3A_144 = vector.broadcast %add3A_143 : i32 to vector<16xi32>
      %add3A_145 = arith.addi %mul3A_51, %add3A_144 : vector<16xi32>
      tpu.vector_store_idx %arg6[%add3A_145], %get3A_142 : memref<128xi32, #tpu.memory_space<vmem>>[vector<16xi32>], vector<16xi32>,
      %get3A_146 = arith.constant 304 : index
      %get3A_147 = tpu.vector_load %arg5[%get3A_146] {strides = array<i32>} : memref<512xi32, #tpu.memory_space<vmem>>, vector<16xi32>,
      %add3A_148 = arith.constant 97 : i32
      %add3A_149 = vector.broadcast %add3A_148 : i32 to vector<16xi32>
      %add3A_150 = arith.addi %mul3A_51, %add3A_149 : vector<16xi32>
      tpu.vector_store_idx %arg6[%add3A_150], %get3A_147 : memref<128xi32, #tpu.memory_space<vmem>>[vector<16xi32>], vector<16xi32>,
      %get3A_151 = arith.constant 320 : index
      %get3A_152 = tpu.vector_load %arg5[%get3A_151] {strides = array<i32>} : memref<512xi32, #tpu.memory_space<vmem>>, vector<16xi32>,
      %add3A_153 = arith.constant 1 : i32
      %add3A_154 = vector.broadcast %add3A_153 : i32 to vector<16xi32>
      %add3A_155 = arith.addi %mul3A_51, %add3A_154 : vector<16xi32>
      tpu.vector_store_idx %arg7[%add3A_155], %get3A_152 : memref<128xi32, #tpu.memory_space<vmem>>[vector<16xi32>], vector<16xi32>,
      %get3A_156 = arith.constant 336 : index
      %get3A_157 = tpu.vector_load %arg5[%get3A_156] {strides = array<i32>} : memref<512xi32, #tpu.memory_space<vmem>>, vector<16xi32>,
      %add3A_158 = arith.constant 33 : i32
      %add3A_159 = vector.broadcast %add3A_158 : i32 to vector<16xi32>
      %add3A_160 = arith.addi %mul3A_51, %add3A_159 : vector<16xi32>
      tpu.vector_store_idx %arg7[%add3A_160], %get3A_157 : memref<128xi32, #tpu.memory_space<vmem>>[vector<16xi32>], vector<16xi32>,
      %get3A_161 = arith.constant 352 : index
      %get3A_162 = tpu.vector_load %arg5[%get3A_161] {strides = array<i32>} : memref<512xi32, #tpu.memory_space<vmem>>, vector<16xi32>,
      %add3A_163 = arith.constant 65 : i32
      %add3A_164 = vector.broadcast %add3A_163 : i32 to vector<16xi32>
      %add3A_165 = arith.addi %mul3A_51, %add3A_164 : vector<16xi32>
      tpu.vector_store_idx %arg7[%add3A_165], %get3A_162 : memref<128xi32, #tpu.memory_space<vmem>>[vector<16xi32>], vector<16xi32>,
      %get3A_166 = arith.constant 368 : index
      %get3A_167 = tpu.vector_load %arg5[%get3A_166] {strides = array<i32>} : memref<512xi32, #tpu.memory_space<vmem>>, vector<16xi32>,
      %add3A_168 = arith.constant 97 : i32
      %add3A_169 = vector.broadcast %add3A_168 : i32 to vector<16xi32>
      %add3A_170 = arith.addi %mul3A_51, %add3A_169 : vector<16xi32>
      tpu.vector_store_idx %arg7[%add3A_170], %get3A_167 : memref<128xi32, #tpu.memory_space<vmem>>[vector<16xi32>], vector<16xi32>,
      %get3A_171 = arith.constant 384 : index
      %get3A_172 = tpu.vector_load %arg5[%get3A_171] {strides = array<i32>} : memref<512xi32, #tpu.memory_space<vmem>>, vector<16xi32>,
      %add3A_173 = arith.constant 1 : i32
      %add3A_174 = vector.broadcast %add3A_173 : i32 to vector<16xi32>
      %add3A_175 = arith.addi %mul3A_51, %add3A_174 : vector<16xi32>
      tpu.vector_store_idx %arg8[%add3A_175], %get3A_172 : memref<128xi32, #tpu.memory_space<vmem>>[vector<16xi32>], vector<16xi32>,
      %get3A_176 = arith.constant 400 : index
      %get3A_177 = tpu.vector_load %arg5[%get3A_176] {strides = array<i32>} : memref<512xi32, #tpu.memory_space<vmem>>, vector<16xi32>,
      %add3A_178 = arith.constant 33 : i32
      %add3A_179 = vector.broadcast %add3A_178 : i32 to vector<16xi32>
      %add3A_180 = arith.addi %mul3A_51, %add3A_179 : vector<16xi32>
      tpu.vector_store_idx %arg8[%add3A_180], %get3A_177 : memref<128xi32, #tpu.memory_space<vmem>>[vector<16xi32>], vector<16xi32>,
      %get3A_181 = arith.constant 416 : index
      %get3A_182 = tpu.vector_load %arg5[%get3A_181] {strides = array<i32>} : memref<512xi32, #tpu.memory_space<vmem>>, vector<16xi32>,
      %add3A_183 = arith.constant 65 : i32
      %add3A_184 = vector.broadcast %add3A_183 : i32 to vector<16xi32>
      %add3A_185 = arith.addi %mul3A_51, %add3A_184 : vector<16xi32>
      tpu.vector_store_idx %arg8[%add3A_185], %get3A_182 : memref<128xi32, #tpu.memory_space<vmem>>[vector<16xi32>], vector<16xi32>,
      %get3A_186 = arith.constant 432 : index
      %get3A_187 = tpu.vector_load %arg5[%get3A_186] {strides = array<i32>} : memref<512xi32, #tpu.memory_space<vmem>>, vector<16xi32>,
      %add3A_188 = arith.constant 97 : i32
      %add3A_189 = vector.broadcast %add3A_188 : i32 to vector<16xi32>
      %add3A_190 = arith.addi %mul3A_51, %add3A_189 : vector<16xi32>
      tpu.vector_store_idx %arg8[%add3A_190], %get3A_187 : memref<128xi32, #tpu.memory_space<vmem>>[vector<16xi32>], vector<16xi32>,
      %get3A_191 = arith.constant 448 : index
      %get3A_192 = tpu.vector_load %arg5[%get3A_191] {strides = array<i32>} : memref<512xi32, #tpu.memory_space<vmem>>, vector<16xi32>,
      %add3A_193 = arith.constant 1 : i32
      %add3A_194 = vector.broadcast %add3A_193 : i32 to vector<16xi32>
      %add3A_195 = arith.addi %mul3A_51, %add3A_194 : vector<16xi32>
      tpu.vector_store_idx %arg9[%add3A_195], %get3A_192 : memref<128xi32, #tpu.memory_space<vmem>>[vector<16xi32>], vector<16xi32>,
      %get3A_196 = arith.constant 464 : index
      %get3A_197 = tpu.vector_load %arg5[%get3A_196] {strides = array<i32>} : memref<512xi32, #tpu.memory_space<vmem>>, vector<16xi32>,
      %add3A_198 = arith.constant 33 : i32
      %add3A_199 = vector.broadcast %add3A_198 : i32 to vector<16xi32>
      %add3A_200 = arith.addi %mul3A_51, %add3A_199 : vector<16xi32>
      tpu.vector_store_idx %arg9[%add3A_200], %get3A_197 : memref<128xi32, #tpu.memory_space<vmem>>[vector<16xi32>], vector<16xi32>,
      %get3A_201 = arith.constant 480 : index
      %get3A_202 = tpu.vector_load %arg5[%get3A_201] {strides = array<i32>} : memref<512xi32, #tpu.memory_space<vmem>>, vector<16xi32>,
      %add3A_203 = arith.constant 65 : i32
      %add3A_204 = vector.broadcast %add3A_203 : i32 to vector<16xi32>
      %add3A_205 = arith.addi %mul3A_51, %add3A_204 : vector<16xi32>
      tpu.vector_store_idx %arg9[%add3A_205], %get3A_202 : memref<128xi32, #tpu.memory_space<vmem>>[vector<16xi32>], vector<16xi32>,
      %get3A_206 = arith.constant 496 : index
      %get3A_207 = tpu.vector_load %arg5[%get3A_206] {strides = array<i32>} : memref<512xi32, #tpu.memory_space<vmem>>, vector<16xi32>,
      %add3A_208 = arith.constant 97 : i32
      %add3A_209 = vector.broadcast %add3A_208 : i32 to vector<16xi32>
      %add3A_210 = arith.addi %mul3A_51, %add3A_209 : vector<16xi32>
      tpu.vector_store_idx %arg9[%add3A_210], %get3A_207 : memref<128xi32, #tpu.memory_space<vmem>>[vector<16xi32>], vector<16xi32>,
      %dma_start3A = arith.constant 0 : i32
      %dma_start3A_211 = arith.constant 0 : i32
      %dma_start3A_212 = tpu.memref_slice %arg10[%dma_start3A, %dma_start3A_211] : memref<512x64xf32, #tpu.memory_space<vmem>> -> memref<128x64xf32, #tpu.memory_space<vmem>>
      %dma_start3A_213 = arith.constant 0 : i32
      %dma_start3A_214 = arith.constant 0 : i32
      %dma_start3A_215 = tpu.memref_slice %arg3[%dma_start3A_213, %dma_start3A_214] : memref<1000000x64xf32, #tpu.memory_space<hbm>> -> memref<1000000x64xf32, #tpu.memory_space<hbm>>
      tpu.enqueue_indirect_dma source(%dma_start3A_215 : memref<1000000x64xf32, #tpu.memory_space<hbm>>) target(%dma_start3A_212 : memref<128x64xf32, #tpu.memory_space<vmem>>) offsets(%arg6 : memref<128xi32, #tpu.memory_space<vmem>>) semaphore(%arg11 : memref<!tpu.dma_semaphore, #tpu.memory_space<semaphore_mem>>)
      %dma_start3A_216 = arith.constant 128 : i32
      %dma_start3A_217 = arith.constant 0 : i32
      %dma_start3A_218 = tpu.memref_slice %arg10[%dma_start3A_216, %dma_start3A_217] : memref<512x64xf32, #tpu.memory_space<vmem>> -> memref<128x64xf32, #tpu.memory_space<vmem>>
      %dma_start3A_219 = arith.constant 0 : i32
      %dma_start3A_220 = arith.constant 0 : i32
      %dma_start3A_221 = tpu.memref_slice %arg3[%dma_start3A_219, %dma_start3A_220] : memref<1000000x64xf32, #tpu.memory_space<hbm>> -> memref<1000000x64xf32, #tpu.memory_space<hbm>>
      tpu.enqueue_indirect_dma source(%dma_start3A_221 : memref<1000000x64xf32, #tpu.memory_space<hbm>>) target(%dma_start3A_218 : memref<128x64xf32, #tpu.memory_space<vmem>>) offsets(%arg7 : memref<128xi32, #tpu.memory_space<vmem>>) semaphore(%arg11 : memref<!tpu.dma_semaphore, #tpu.memory_space<semaphore_mem>>)
      %dma_start3A_222 = arith.constant 256 : i32
      %dma_start3A_223 = arith.constant 0 : i32
      %dma_start3A_224 = tpu.memref_slice %arg10[%dma_start3A_222, %dma_start3A_223] : memref<512x64xf32, #tpu.memory_space<vmem>> -> memref<128x64xf32, #tpu.memory_space<vmem>>
      %dma_start3A_225 = arith.constant 0 : i32
      %dma_start3A_226 = arith.constant 0 : i32
      %dma_start3A_227 = tpu.memref_slice %arg3[%dma_start3A_225, %dma_start3A_226] : memref<1000000x64xf32, #tpu.memory_space<hbm>> -> memref<1000000x64xf32, #tpu.memory_space<hbm>>
      tpu.enqueue_indirect_dma source(%dma_start3A_227 : memref<1000000x64xf32, #tpu.memory_space<hbm>>) target(%dma_start3A_224 : memref<128x64xf32, #tpu.memory_space<vmem>>) offsets(%arg8 : memref<128xi32, #tpu.memory_space<vmem>>) semaphore(%arg11 : memref<!tpu.dma_semaphore, #tpu.memory_space<semaphore_mem>>)
      %dma_start3A_228 = arith.constant 384 : i32
      %dma_start3A_229 = arith.constant 0 : i32
      %dma_start3A_230 = tpu.memref_slice %arg10[%dma_start3A_228, %dma_start3A_229] : memref<512x64xf32, #tpu.memory_space<vmem>> -> memref<128x64xf32, #tpu.memory_space<vmem>>
      %dma_start3A_231 = arith.constant 0 : i32
      %dma_start3A_232 = arith.constant 0 : i32
      %dma_start3A_233 = tpu.memref_slice %arg3[%dma_start3A_231, %dma_start3A_232] : memref<1000000x64xf32, #tpu.memory_space<hbm>> -> memref<1000000x64xf32, #tpu.memory_space<hbm>>
      tpu.enqueue_indirect_dma source(%dma_start3A_233 : memref<1000000x64xf32, #tpu.memory_space<hbm>>) target(%dma_start3A_230 : memref<128x64xf32, #tpu.memory_space<vmem>>) offsets(%arg9 : memref<128xi32, #tpu.memory_space<vmem>>) semaphore(%arg11 : memref<!tpu.dma_semaphore, #tpu.memory_space<semaphore_mem>>)
      %dma_wait3A = arith.constant 0 : i32
      %dma_wait3A_234 = arith.constant 0 : i32
      %dma_wait3A_235 = tpu.memref_slice %arg10[%dma_wait3A, %dma_wait3A_234] : memref<512x64xf32, #tpu.memory_space<vmem>> -> memref<128x64xf32, #tpu.memory_space<vmem>>
      %dma_wait3A_236 = arith.constant 0 : i32
      %dma_wait3A_237 = arith.constant 0 : i32
      %dma_wait3A_238 = tpu.memref_slice %arg3[%dma_wait3A_236, %dma_wait3A_237] : memref<1000000x64xf32, #tpu.memory_space<hbm>> -> memref<1000000x64xf32, #tpu.memory_space<hbm>>
      tpu.wait_indirect_dma semaphore(%arg11 : memref<!tpu.dma_semaphore, #tpu.memory_space<semaphore_mem>>) src(%dma_wait3A_238 : memref<1000000x64xf32, #tpu.memory_space<hbm>>) dst(%dma_wait3A_235 : memref<128x64xf32, #tpu.memory_space<vmem>>)
      %dma_wait3A_239 = arith.constant 128 : i32
      %dma_wait3A_240 = arith.constant 0 : i32
      %dma_wait3A_241 = tpu.memref_slice %arg10[%dma_wait3A_239, %dma_wait3A_240] : memref<512x64xf32, #tpu.memory_space<vmem>> -> memref<128x64xf32, #tpu.memory_space<vmem>>
      %dma_wait3A_242 = arith.constant 0 : i32
      %dma_wait3A_243 = arith.constant 0 : i32
      %dma_wait3A_244 = tpu.memref_slice %arg3[%dma_wait3A_242, %dma_wait3A_243] : memref<1000000x64xf32, #tpu.memory_space<hbm>> -> memref<1000000x64xf32, #tpu.memory_space<hbm>>
      tpu.wait_indirect_dma semaphore(%arg11 : memref<!tpu.dma_semaphore, #tpu.memory_space<semaphore_mem>>) src(%dma_wait3A_244 : memref<1000000x64xf32, #tpu.memory_space<hbm>>) dst(%dma_wait3A_241 : memref<128x64xf32, #tpu.memory_space<vmem>>)
      %dma_wait3A_245 = arith.constant 256 : i32
      %dma_wait3A_246 = arith.constant 0 : i32
      %dma_wait3A_247 = tpu.memref_slice %arg10[%dma_wait3A_245, %dma_wait3A_246] : memref<512x64xf32, #tpu.memory_space<vmem>> -> memref<128x64xf32, #tpu.memory_space<vmem>>
      %dma_wait3A_248 = arith.constant 0 : i32
      %dma_wait3A_249 = arith.constant 0 : i32
      %dma_wait3A_250 = tpu.memref_slice %arg3[%dma_wait3A_248, %dma_wait3A_249] : memref<1000000x64xf32, #tpu.memory_space<hbm>> -> memref<1000000x64xf32, #tpu.memory_space<hbm>>
      tpu.wait_indirect_dma semaphore(%arg11 : memref<!tpu.dma_semaphore, #tpu.memory_space<semaphore_mem>>) src(%dma_wait3A_250 : memref<1000000x64xf32, #tpu.memory_space<hbm>>) dst(%dma_wait3A_247 : memref<128x64xf32, #tpu.memory_space<vmem>>)
      %dma_wait3A_251 = arith.constant 384 : i32
      %dma_wait3A_252 = arith.constant 0 : i32
      %dma_wait3A_253 = tpu.memref_slice %arg10[%dma_wait3A_251, %dma_wait3A_252] : memref<512x64xf32, #tpu.memory_space<vmem>> -> memref<128x64xf32, #tpu.memory_space<vmem>>
      %dma_wait3A_254 = arith.constant 0 : i32
      %dma_wait3A_255 = arith.constant 0 : i32
      %dma_wait3A_256 = tpu.memref_slice %arg3[%dma_wait3A_254, %dma_wait3A_255] : memref<1000000x64xf32, #tpu.memory_space<hbm>> -> memref<1000000x64xf32, #tpu.memory_space<hbm>>
      tpu.wait_indirect_dma semaphore(%arg11 : memref<!tpu.dma_semaphore, #tpu.memory_space<semaphore_mem>>) src(%dma_wait3A_256 : memref<1000000x64xf32, #tpu.memory_space<hbm>>) dst(%dma_wait3A_253 : memref<128x64xf32, #tpu.memory_space<vmem>>)
      %mul3A_257 = arith.constant 512 : i32
      %mul3A_258 = arith.muli %scan3A_10, %mul3A_257 : i32
      %add3A_259 = arith.addi %mul3A_4, %mul3A_258 : i32
      "tpu.region"() ({
        %run_scoped3A = tpu.sem_alloc : memref<!tpu.dma_semaphore, #tpu.memory_space<semaphore_mem>>
        %dma_start3A_260 = arith.constant 0 : i32
        %dma_start3A_261 = tpu.memref_slice %arg4[%add3A_259, %dma_start3A_260] : memref<786432x64xf32, #tpu.memory_space<hbm>> -> memref<512x64xf32, #tpu.memory_space<hbm>>
        %dma_start3A_262 = arith.constant 0 : i32
        %dma_start3A_263 = tpu.memref_slice %arg4[%add3A_259, %dma_start3A_262] : memref<786432x64xf32, #tpu.memory_space<hbm>> -> memref<512x64xf32, #tpu.memory_space<hbm>>
        tpu.enqueue_dma source(%arg10 : memref<512x64xf32, #tpu.memory_space<vmem>>) target(%dma_start3A_263 : memref<512x64xf32, #tpu.memory_space<hbm>>) target_semaphore(%run_scoped3A : memref<!tpu.dma_semaphore, #tpu.memory_space<semaphore_mem>>)
        %dma_wait3A_264 = arith.constant 0 : i32
        %dma_wait3A_265 = tpu.memref_slice %arg4[%add3A_259, %dma_wait3A_264] : memref<786432x64xf32, #tpu.memory_space<hbm>> -> memref<512x64xf32, #tpu.memory_space<hbm>>
        %dma_wait3A_266 = arith.constant 0 : i32
        %dma_wait3A_267 = tpu.memref_slice %arg4[%add3A_259, %dma_wait3A_266] : memref<786432x64xf32, #tpu.memory_space<hbm>> -> memref<512x64xf32, #tpu.memory_space<hbm>>
        tpu.wait_dma2 semaphore(%run_scoped3A : memref<!tpu.dma_semaphore, #tpu.memory_space<semaphore_mem>>) src(%arg10 : memref<512x64xf32, #tpu.memory_space<vmem>>) dst(%dma_wait3A_267 : memref<512x64xf32, #tpu.memory_space<hbm>>)
        tpu.yield
      }) : () -> ()
    }
    %scan3A_9 = arith.constant 48 : i32
    return
  }
}

#map = affine_map<(d0, d1) -> (0)>
#map1 = affine_map<(d0, d1) -> (0, 0)>
module attributes {stable_mosaic.version = 14 : i64} {
  func.func @gather_kernel(%arg0: i32, %arg1: i32, %arg2: memref<786432xi32, #tpu.memory_space<hbm>>, %arg3: memref<1000000x64xf32, #tpu.memory_space<hbm>>, %arg4: memref<786432x64xf32, #tpu.memory_space<hbm>>, %arg5: memref<512xi32, #tpu.memory_space<vmem>>, %arg6: memref<128xi32, #tpu.memory_space<vmem>>, %arg7: memref<128xi32, #tpu.memory_space<vmem>>, %arg8: memref<128xi32, #tpu.memory_space<vmem>>, %arg9: memref<128xi32, #tpu.memory_space<vmem>>, %arg10: memref<512x64xf32, #tpu.memory_space<vmem>>, %arg11: memref<!tpu.dma_semaphore, #tpu.memory_space<semaphore_mem>>) attributes {dimension_semantics = [#tpu.dimension_semantics<core_parallel>, #tpu.dimension_semantics<subcore_parallel>], iteration_bounds = array<i64: 2, 16>, scalar_prefetch = 0 : i64, scratch_operands = 7 : i64, tpu.core_type = #tpu.core_type<sc_vector_subcore>, window_params = [{transform_indices = #map}, {transform_indices = #map1}, {transform_indices = #map1}]} {
    %mul3A = arith.constant 2 : i32
    %mul3A_0 = arith.muli %arg1, %mul3A : i32
    %add3A = arith.addi %mul3A_0, %arg0 : i32
    %mul3A_1 = arith.constant 6 : i32
    %mul3A_2 = arith.muli %add3A, %mul3A_1 : i32
    %mul3A_3 = arith.constant 24576 : i32
    %mul3A_4 = arith.muli %add3A, %mul3A_3 : i32
    %scan3A = arith.constant 0 : i32
    %scan3A_5 = arith.constant 0 : i32
    %scan3A_6 = arith.constant 48 : i32
    %scan3A_7 = arith.addi %scan3A_5, %scan3A_6 : i32
    %scan3A_8 = arith.constant 1 : i32
    scf.for %scan3A_10 = %scan3A_5 to %scan3A_7 step %scan3A_8  : i32 {
      %jit3A = arith.constant 8 : i32
      %div3A = arith.divsi %scan3A_10, %jit3A : i32
      %sign3A = arith.constant 0 : i32
      %sign3A_11 = arith.cmpi sgt, %scan3A_10, %sign3A : i32
      %sign3A_12 = arith.extui %sign3A_11 : i1 to i32
      %sign3A_13 = arith.constant 0 : i32
      %sign3A_14 = arith.cmpi slt, %scan3A_10, %sign3A_13 : i32
      %sign3A_15 = arith.extui %sign3A_14 : i1 to i32
      %sign3A_16 = arith.subi %sign3A_12, %sign3A_15 : i32
      %sign3A_17 = arith.constant 0 : i32
      %sign3A_18 = arith.cmpi sgt, %jit3A, %sign3A_17 : i32
      %sign3A_19 = arith.extui %sign3A_18 : i1 to i32
      %sign3A_20 = arith.constant 0 : i32
      %sign3A_21 = arith.cmpi slt, %jit3A, %sign3A_20 : i32
      %sign3A_22 = arith.extui %sign3A_21 : i1 to i32
      %sign3A_23 = arith.subi %sign3A_19, %sign3A_22 : i32
      %ne3A = arith.cmpi ne, %sign3A_16, %sign3A_23 : i32
      %rem3A = arith.remsi %scan3A_10, %jit3A : i32
      %ne3A_24 = arith.constant 0 : i32
      %ne3A_25 = arith.cmpi ne, %rem3A, %ne3A_24 : i32
      %and3A = arith.andi %ne3A, %ne3A_25 : i1
      %sub3A = arith.constant 1 : i32
      %sub3A_26 = arith.subi %div3A, %sub3A : i32
      %select_n3A = arith.select %and3A, %sub3A_26, %div3A : i32
      %add3A_27 = arith.addi %mul3A_2, %select_n3A : i32
      %jit3A_28 = arith.constant 8 : i32
      %eq3A = arith.constant 0 : i32
      %eq3A_29 = arith.cmpi eq, %jit3A_28, %eq3A : i32
      %jit3A_30 = arith.constant 1 : i32
      %select_n3A_31 = arith.select %eq3A_29, %jit3A_30, %jit3A_28 : i32
      %rem3A_32 = arith.remsi %scan3A_10, %select_n3A_31 : i32
      %ne3A_33 = arith.constant 0 : i32
      %ne3A_34 = arith.cmpi ne, %rem3A_32, %ne3A_33 : i32
      %lt3A = arith.constant 0 : i32
      %lt3A_35 = arith.cmpi slt, %rem3A_32, %lt3A : i32
      %lt3A_36 = arith.constant 0 : i32
      %lt3A_37 = arith.cmpi slt, %select_n3A_31, %lt3A_36 : i32
      %ne3A_38 = arith.xori %lt3A_35, %lt3A_37 : i1
      %and3A_39 = arith.andi %ne3A_38, %ne3A_34 : i1
      %add3A_40 = arith.addi %rem3A_32, %select_n3A_31 : i32
      %select_n3A_41 = arith.select %and3A_39, %add3A_40, %rem3A_32 : i32
      %mul3A_42 = arith.constant 4096 : i32
      %mul3A_43 = arith.muli %add3A_27, %mul3A_42 : i32
      %mul3A_44 = arith.constant 256 : i32
      %mul3A_45 = arith.muli %mul3A_44, %select_n3A_41 : i32
      %add3A_46 = arith.addi %mul3A_43, %mul3A_45 : i32
      "tpu.region"() ({
        %run_scoped3A = tpu.sem_alloc : memref<!tpu.dma_semaphore, #tpu.memory_space<semaphore_mem>>
        %dma_start3A_260 = arith.constant 0 : i32
        %dma_start3A_261 = tpu.memref_slice %arg5[%dma_start3A_260] : memref<512xi32, #tpu.memory_space<vmem>> -> memref<256xi32, #tpu.memory_space<vmem>>
        %dma_start3A_262 = tpu.memref_slice %arg2[%add3A_46] : memref<786432xi32, #tpu.memory_space<hbm>> -> memref<256xi32, #tpu.memory_space<hbm>>
        %dma_start3A_263 = arith.constant 0 : i32
        %dma_start3A_264 = tpu.memref_slice %arg5[%dma_start3A_263] : memref<512xi32, #tpu.memory_space<vmem>> -> memref<256xi32, #tpu.memory_space<vmem>>
        %dma_start3A_265 = tpu.memref_slice %arg2[%add3A_46] : memref<786432xi32, #tpu.memory_space<hbm>> -> memref<256xi32, #tpu.memory_space<hbm>>
        tpu.enqueue_dma source(%dma_start3A_265 : memref<256xi32, #tpu.memory_space<hbm>>) target(%dma_start3A_264 : memref<256xi32, #tpu.memory_space<vmem>>) target_semaphore(%run_scoped3A : memref<!tpu.dma_semaphore, #tpu.memory_space<semaphore_mem>>)
        %dma_wait3A_266 = arith.constant 0 : i32
        %dma_wait3A_267 = tpu.memref_slice %arg5[%dma_wait3A_266] : memref<512xi32, #tpu.memory_space<vmem>> -> memref<256xi32, #tpu.memory_space<vmem>>
        %dma_wait3A_268 = tpu.memref_slice %arg2[%add3A_46] : memref<786432xi32, #tpu.memory_space<hbm>> -> memref<256xi32, #tpu.memory_space<hbm>>
        %dma_wait3A_269 = arith.constant 0 : i32
        %dma_wait3A_270 = tpu.memref_slice %arg5[%dma_wait3A_269] : memref<512xi32, #tpu.memory_space<vmem>> -> memref<256xi32, #tpu.memory_space<vmem>>
        %dma_wait3A_271 = tpu.memref_slice %arg2[%add3A_46] : memref<786432xi32, #tpu.memory_space<hbm>> -> memref<256xi32, #tpu.memory_space<hbm>>
        tpu.wait_dma2 semaphore(%run_scoped3A : memref<!tpu.dma_semaphore, #tpu.memory_space<semaphore_mem>>) src(%dma_wait3A_271 : memref<256xi32, #tpu.memory_space<hbm>>) dst(%dma_wait3A_270 : memref<256xi32, #tpu.memory_space<vmem>>)
        tpu.yield
      }) : () -> ()
      %add3A_47 = arith.constant 2048 : i32
      %add3A_48 = arith.addi %add3A_46, %add3A_47 : i32
      "tpu.region"() ({
        %run_scoped3A = tpu.sem_alloc : memref<!tpu.dma_semaphore, #tpu.memory_space<semaphore_mem>>
        %dma_start3A_260 = arith.constant 256 : i32
        %dma_start3A_261 = tpu.memref_slice %arg5[%dma_start3A_260] : memref<512xi32, #tpu.memory_space<vmem>> -> memref<256xi32, #tpu.memory_space<vmem>>
        %dma_start3A_262 = tpu.memref_slice %arg2[%add3A_48] : memref<786432xi32, #tpu.memory_space<hbm>> -> memref<256xi32, #tpu.memory_space<hbm>>
        %dma_start3A_263 = arith.constant 256 : i32
        %dma_start3A_264 = tpu.memref_slice %arg5[%dma_start3A_263] : memref<512xi32, #tpu.memory_space<vmem>> -> memref<256xi32, #tpu.memory_space<vmem>>
        %dma_start3A_265 = tpu.memref_slice %arg2[%add3A_48] : memref<786432xi32, #tpu.memory_space<hbm>> -> memref<256xi32, #tpu.memory_space<hbm>>
        tpu.enqueue_dma source(%dma_start3A_265 : memref<256xi32, #tpu.memory_space<hbm>>) target(%dma_start3A_264 : memref<256xi32, #tpu.memory_space<vmem>>) target_semaphore(%run_scoped3A : memref<!tpu.dma_semaphore, #tpu.memory_space<semaphore_mem>>)
        %dma_wait3A_266 = arith.constant 256 : i32
        %dma_wait3A_267 = tpu.memref_slice %arg5[%dma_wait3A_266] : memref<512xi32, #tpu.memory_space<vmem>> -> memref<256xi32, #tpu.memory_space<vmem>>
        %dma_wait3A_268 = tpu.memref_slice %arg2[%add3A_48] : memref<786432xi32, #tpu.memory_space<hbm>> -> memref<256xi32, #tpu.memory_space<hbm>>
        %dma_wait3A_269 = arith.constant 256 : i32
        %dma_wait3A_270 = tpu.memref_slice %arg5[%dma_wait3A_269] : memref<512xi32, #tpu.memory_space<vmem>> -> memref<256xi32, #tpu.memory_space<vmem>>
        %dma_wait3A_271 = tpu.memref_slice %arg2[%add3A_48] : memref<786432xi32, #tpu.memory_space<hbm>> -> memref<256xi32, #tpu.memory_space<hbm>>
        tpu.wait_dma2 semaphore(%run_scoped3A : memref<!tpu.dma_semaphore, #tpu.memory_space<semaphore_mem>>) src(%dma_wait3A_271 : memref<256xi32, #tpu.memory_space<hbm>>) dst(%dma_wait3A_270 : memref<256xi32, #tpu.memory_space<vmem>>)
        tpu.yield
      }) : () -> ()
      %iota3A = tpu.iota {dimensions = array<i32: 0>} : vector<16xi32>
      %mul3A_49 = arith.constant 2 : i32
      %mul3A_50 = vector.broadcast %mul3A_49 : i32 to vector<16xi32>
      %mul3A_51 = arith.muli %mul3A_50, %iota3A : vector<16xi32>
      %get3A = arith.constant 0 : index
      %get3A_52 = tpu.vector_load %arg5[%get3A] {strides = array<i32>} : memref<512xi32, #tpu.memory_space<vmem>>, vector<16xi32>,
      %add3A_53 = arith.constant 0 : i32
      %add3A_54 = vector.broadcast %add3A_53 : i32 to vector<16xi32>
      %add3A_55 = arith.addi %mul3A_51, %add3A_54 : vector<16xi32>
      tpu.vector_store_idx %arg6[%add3A_55], %get3A_52 : memref<128xi32, #tpu.memory_space<vmem>>[vector<16xi32>], vector<16xi32>,
      %get3A_56 = arith.constant 16 : index
      %get3A_57 = tpu.vector_load %arg5[%get3A_56] {strides = array<i32>} : memref<512xi32, #tpu.memory_space<vmem>>, vector<16xi32>,
      %add3A_58 = arith.constant 32 : i32
      %add3A_59 = vector.broadcast %add3A_58 : i32 to vector<16xi32>
      %add3A_60 = arith.addi %mul3A_51, %add3A_59 : vector<16xi32>
      tpu.vector_store_idx %arg6[%add3A_60], %get3A_57 : memref<128xi32, #tpu.memory_space<vmem>>[vector<16xi32>], vector<16xi32>,
      %get3A_61 = arith.constant 32 : index
      %get3A_62 = tpu.vector_load %arg5[%get3A_61] {strides = array<i32>} : memref<512xi32, #tpu.memory_space<vmem>>, vector<16xi32>,
      %add3A_63 = arith.constant 64 : i32
      %add3A_64 = vector.broadcast %add3A_63 : i32 to vector<16xi32>
      %add3A_65 = arith.addi %mul3A_51, %add3A_64 : vector<16xi32>
      tpu.vector_store_idx %arg6[%add3A_65], %get3A_62 : memref<128xi32, #tpu.memory_space<vmem>>[vector<16xi32>], vector<16xi32>,
      %get3A_66 = arith.constant 48 : index
      %get3A_67 = tpu.vector_load %arg5[%get3A_66] {strides = array<i32>} : memref<512xi32, #tpu.memory_space<vmem>>, vector<16xi32>,
      %add3A_68 = arith.constant 96 : i32
      %add3A_69 = vector.broadcast %add3A_68 : i32 to vector<16xi32>
      %add3A_70 = arith.addi %mul3A_51, %add3A_69 : vector<16xi32>
      tpu.vector_store_idx %arg6[%add3A_70], %get3A_67 : memref<128xi32, #tpu.memory_space<vmem>>[vector<16xi32>], vector<16xi32>,
      %get3A_71 = arith.constant 64 : index
      %get3A_72 = tpu.vector_load %arg5[%get3A_71] {strides = array<i32>} : memref<512xi32, #tpu.memory_space<vmem>>, vector<16xi32>,
      %add3A_73 = arith.constant 0 : i32
      %add3A_74 = vector.broadcast %add3A_73 : i32 to vector<16xi32>
      %add3A_75 = arith.addi %mul3A_51, %add3A_74 : vector<16xi32>
      tpu.vector_store_idx %arg7[%add3A_75], %get3A_72 : memref<128xi32, #tpu.memory_space<vmem>>[vector<16xi32>], vector<16xi32>,
      %get3A_76 = arith.constant 80 : index
      %get3A_77 = tpu.vector_load %arg5[%get3A_76] {strides = array<i32>} : memref<512xi32, #tpu.memory_space<vmem>>, vector<16xi32>,
      %add3A_78 = arith.constant 32 : i32
      %add3A_79 = vector.broadcast %add3A_78 : i32 to vector<16xi32>
      %add3A_80 = arith.addi %mul3A_51, %add3A_79 : vector<16xi32>
      tpu.vector_store_idx %arg7[%add3A_80], %get3A_77 : memref<128xi32, #tpu.memory_space<vmem>>[vector<16xi32>], vector<16xi32>,
      %get3A_81 = arith.constant 96 : index
      %get3A_82 = tpu.vector_load %arg5[%get3A_81] {strides = array<i32>} : memref<512xi32, #tpu.memory_space<vmem>>, vector<16xi32>,
      %add3A_83 = arith.constant 64 : i32
      %add3A_84 = vector.broadcast %add3A_83 : i32 to vector<16xi32>
      %add3A_85 = arith.addi %mul3A_51, %add3A_84 : vector<16xi32>
      tpu.vector_store_idx %arg7[%add3A_85], %get3A_82 : memref<128xi32, #tpu.memory_space<vmem>>[vector<16xi32>], vector<16xi32>,
      %get3A_86 = arith.constant 112 : index
      %get3A_87 = tpu.vector_load %arg5[%get3A_86] {strides = array<i32>} : memref<512xi32, #tpu.memory_space<vmem>>, vector<16xi32>,
      %add3A_88 = arith.constant 96 : i32
      %add3A_89 = vector.broadcast %add3A_88 : i32 to vector<16xi32>
      %add3A_90 = arith.addi %mul3A_51, %add3A_89 : vector<16xi32>
      tpu.vector_store_idx %arg7[%add3A_90], %get3A_87 : memref<128xi32, #tpu.memory_space<vmem>>[vector<16xi32>], vector<16xi32>,
      %get3A_91 = arith.constant 128 : index
      %get3A_92 = tpu.vector_load %arg5[%get3A_91] {strides = array<i32>} : memref<512xi32, #tpu.memory_space<vmem>>, vector<16xi32>,
      %add3A_93 = arith.constant 0 : i32
      %add3A_94 = vector.broadcast %add3A_93 : i32 to vector<16xi32>
      %add3A_95 = arith.addi %mul3A_51, %add3A_94 : vector<16xi32>
      tpu.vector_store_idx %arg8[%add3A_95], %get3A_92 : memref<128xi32, #tpu.memory_space<vmem>>[vector<16xi32>], vector<16xi32>,
      %get3A_96 = arith.constant 144 : index
      %get3A_97 = tpu.vector_load %arg5[%get3A_96] {strides = array<i32>} : memref<512xi32, #tpu.memory_space<vmem>>, vector<16xi32>,
      %add3A_98 = arith.constant 32 : i32
      %add3A_99 = vector.broadcast %add3A_98 : i32 to vector<16xi32>
      %add3A_100 = arith.addi %mul3A_51, %add3A_99 : vector<16xi32>
      tpu.vector_store_idx %arg8[%add3A_100], %get3A_97 : memref<128xi32, #tpu.memory_space<vmem>>[vector<16xi32>], vector<16xi32>,
      %get3A_101 = arith.constant 160 : index
      %get3A_102 = tpu.vector_load %arg5[%get3A_101] {strides = array<i32>} : memref<512xi32, #tpu.memory_space<vmem>>, vector<16xi32>,
      %add3A_103 = arith.constant 64 : i32
      %add3A_104 = vector.broadcast %add3A_103 : i32 to vector<16xi32>
      %add3A_105 = arith.addi %mul3A_51, %add3A_104 : vector<16xi32>
      tpu.vector_store_idx %arg8[%add3A_105], %get3A_102 : memref<128xi32, #tpu.memory_space<vmem>>[vector<16xi32>], vector<16xi32>,
      %get3A_106 = arith.constant 176 : index
      %get3A_107 = tpu.vector_load %arg5[%get3A_106] {strides = array<i32>} : memref<512xi32, #tpu.memory_space<vmem>>, vector<16xi32>,
      %add3A_108 = arith.constant 96 : i32
      %add3A_109 = vector.broadcast %add3A_108 : i32 to vector<16xi32>
      %add3A_110 = arith.addi %mul3A_51, %add3A_109 : vector<16xi32>
      tpu.vector_store_idx %arg8[%add3A_110], %get3A_107 : memref<128xi32, #tpu.memory_space<vmem>>[vector<16xi32>], vector<16xi32>,
      %get3A_111 = arith.constant 192 : index
      %get3A_112 = tpu.vector_load %arg5[%get3A_111] {strides = array<i32>} : memref<512xi32, #tpu.memory_space<vmem>>, vector<16xi32>,
      %add3A_113 = arith.constant 0 : i32
      %add3A_114 = vector.broadcast %add3A_113 : i32 to vector<16xi32>
      %add3A_115 = arith.addi %mul3A_51, %add3A_114 : vector<16xi32>
      tpu.vector_store_idx %arg9[%add3A_115], %get3A_112 : memref<128xi32, #tpu.memory_space<vmem>>[vector<16xi32>], vector<16xi32>,
      %get3A_116 = arith.constant 208 : index
      %get3A_117 = tpu.vector_load %arg5[%get3A_116] {strides = array<i32>} : memref<512xi32, #tpu.memory_space<vmem>>, vector<16xi32>,
      %add3A_118 = arith.constant 32 : i32
      %add3A_119 = vector.broadcast %add3A_118 : i32 to vector<16xi32>
      %add3A_120 = arith.addi %mul3A_51, %add3A_119 : vector<16xi32>
      tpu.vector_store_idx %arg9[%add3A_120], %get3A_117 : memref<128xi32, #tpu.memory_space<vmem>>[vector<16xi32>], vector<16xi32>,
      %get3A_121 = arith.constant 224 : index
      %get3A_122 = tpu.vector_load %arg5[%get3A_121] {strides = array<i32>} : memref<512xi32, #tpu.memory_space<vmem>>, vector<16xi32>,
      %add3A_123 = arith.constant 64 : i32
      %add3A_124 = vector.broadcast %add3A_123 : i32 to vector<16xi32>
      %add3A_125 = arith.addi %mul3A_51, %add3A_124 : vector<16xi32>
      tpu.vector_store_idx %arg9[%add3A_125], %get3A_122 : memref<128xi32, #tpu.memory_space<vmem>>[vector<16xi32>], vector<16xi32>,
      %get3A_126 = arith.constant 240 : index
      %get3A_127 = tpu.vector_load %arg5[%get3A_126] {strides = array<i32>} : memref<512xi32, #tpu.memory_space<vmem>>, vector<16xi32>,
      %add3A_128 = arith.constant 96 : i32
      %add3A_129 = vector.broadcast %add3A_128 : i32 to vector<16xi32>
      %add3A_130 = arith.addi %mul3A_51, %add3A_129 : vector<16xi32>
      tpu.vector_store_idx %arg9[%add3A_130], %get3A_127 : memref<128xi32, #tpu.memory_space<vmem>>[vector<16xi32>], vector<16xi32>,
      %get3A_131 = arith.constant 256 : index
      %get3A_132 = tpu.vector_load %arg5[%get3A_131] {strides = array<i32>} : memref<512xi32, #tpu.memory_space<vmem>>, vector<16xi32>,
      %add3A_133 = arith.constant 1 : i32
      %add3A_134 = vector.broadcast %add3A_133 : i32 to vector<16xi32>
      %add3A_135 = arith.addi %mul3A_51, %add3A_134 : vector<16xi32>
      tpu.vector_store_idx %arg6[%add3A_135], %get3A_132 : memref<128xi32, #tpu.memory_space<vmem>>[vector<16xi32>], vector<16xi32>,
      %get3A_136 = arith.constant 272 : index
      %get3A_137 = tpu.vector_load %arg5[%get3A_136] {strides = array<i32>} : memref<512xi32, #tpu.memory_space<vmem>>, vector<16xi32>,
      %add3A_138 = arith.constant 33 : i32
      %add3A_139 = vector.broadcast %add3A_138 : i32 to vector<16xi32>
      %add3A_140 = arith.addi %mul3A_51, %add3A_139 : vector<16xi32>
      tpu.vector_store_idx %arg6[%add3A_140], %get3A_137 : memref<128xi32, #tpu.memory_space<vmem>>[vector<16xi32>], vector<16xi32>,
      %get3A_141 = arith.constant 288 : index
      %get3A_142 = tpu.vector_load %arg5[%get3A_141] {strides = array<i32>} : memref<512xi32, #tpu.memory_space<vmem>>, vector<16xi32>,
      %add3A_143 = arith.constant 65 : i32
      %add3A_144 = vector.broadcast %add3A_143 : i32 to vector<16xi32>
      %add3A_145 = arith.addi %mul3A_51, %add3A_144 : vector<16xi32>
      tpu.vector_store_idx %arg6[%add3A_145], %get3A_142 : memref<128xi32, #tpu.memory_space<vmem>>[vector<16xi32>], vector<16xi32>,
      %get3A_146 = arith.constant 304 : index
      %get3A_147 = tpu.vector_load %arg5[%get3A_146] {strides = array<i32>} : memref<512xi32, #tpu.memory_space<vmem>>, vector<16xi32>,
      %add3A_148 = arith.constant 97 : i32
      %add3A_149 = vector.broadcast %add3A_148 : i32 to vector<16xi32>
      %add3A_150 = arith.addi %mul3A_51, %add3A_149 : vector<16xi32>
      tpu.vector_store_idx %arg6[%add3A_150], %get3A_147 : memref<128xi32, #tpu.memory_space<vmem>>[vector<16xi32>], vector<16xi32>,
      %get3A_151 = arith.constant 320 : index
      %get3A_152 = tpu.vector_load %arg5[%get3A_151] {strides = array<i32>} : memref<512xi32, #tpu.memory_space<vmem>>, vector<16xi32>,
      %add3A_153 = arith.constant 1 : i32
      %add3A_154 = vector.broadcast %add3A_153 : i32 to vector<16xi32>
      %add3A_155 = arith.addi %mul3A_51, %add3A_154 : vector<16xi32>
      tpu.vector_store_idx %arg7[%add3A_155], %get3A_152 : memref<128xi32, #tpu.memory_space<vmem>>[vector<16xi32>], vector<16xi32>,
      %get3A_156 = arith.constant 336 : index
      %get3A_157 = tpu.vector_load %arg5[%get3A_156] {strides = array<i32>} : memref<512xi32, #tpu.memory_space<vmem>>, vector<16xi32>,
      %add3A_158 = arith.constant 33 : i32
      %add3A_159 = vector.broadcast %add3A_158 : i32 to vector<16xi32>
      %add3A_160 = arith.addi %mul3A_51, %add3A_159 : vector<16xi32>
      tpu.vector_store_idx %arg7[%add3A_160], %get3A_157 : memref<128xi32, #tpu.memory_space<vmem>>[vector<16xi32>], vector<16xi32>,
      %get3A_161 = arith.constant 352 : index
      %get3A_162 = tpu.vector_load %arg5[%get3A_161] {strides = array<i32>} : memref<512xi32, #tpu.memory_space<vmem>>, vector<16xi32>,
      %add3A_163 = arith.constant 65 : i32
      %add3A_164 = vector.broadcast %add3A_163 : i32 to vector<16xi32>
      %add3A_165 = arith.addi %mul3A_51, %add3A_164 : vector<16xi32>
      tpu.vector_store_idx %arg7[%add3A_165], %get3A_162 : memref<128xi32, #tpu.memory_space<vmem>>[vector<16xi32>], vector<16xi32>,
      %get3A_166 = arith.constant 368 : index
      %get3A_167 = tpu.vector_load %arg5[%get3A_166] {strides = array<i32>} : memref<512xi32, #tpu.memory_space<vmem>>, vector<16xi32>,
      %add3A_168 = arith.constant 97 : i32
      %add3A_169 = vector.broadcast %add3A_168 : i32 to vector<16xi32>
      %add3A_170 = arith.addi %mul3A_51, %add3A_169 : vector<16xi32>
      tpu.vector_store_idx %arg7[%add3A_170], %get3A_167 : memref<128xi32, #tpu.memory_space<vmem>>[vector<16xi32>], vector<16xi32>,
      %get3A_171 = arith.constant 384 : index
      %get3A_172 = tpu.vector_load %arg5[%get3A_171] {strides = array<i32>} : memref<512xi32, #tpu.memory_space<vmem>>, vector<16xi32>,
      %add3A_173 = arith.constant 1 : i32
      %add3A_174 = vector.broadcast %add3A_173 : i32 to vector<16xi32>
      %add3A_175 = arith.addi %mul3A_51, %add3A_174 : vector<16xi32>
      tpu.vector_store_idx %arg8[%add3A_175], %get3A_172 : memref<128xi32, #tpu.memory_space<vmem>>[vector<16xi32>], vector<16xi32>,
      %get3A_176 = arith.constant 400 : index
      %get3A_177 = tpu.vector_load %arg5[%get3A_176] {strides = array<i32>} : memref<512xi32, #tpu.memory_space<vmem>>, vector<16xi32>,
      %add3A_178 = arith.constant 33 : i32
      %add3A_179 = vector.broadcast %add3A_178 : i32 to vector<16xi32>
      %add3A_180 = arith.addi %mul3A_51, %add3A_179 : vector<16xi32>
      tpu.vector_store_idx %arg8[%add3A_180], %get3A_177 : memref<128xi32, #tpu.memory_space<vmem>>[vector<16xi32>], vector<16xi32>,
      %get3A_181 = arith.constant 416 : index
      %get3A_182 = tpu.vector_load %arg5[%get3A_181] {strides = array<i32>} : memref<512xi32, #tpu.memory_space<vmem>>, vector<16xi32>,
      %add3A_183 = arith.constant 65 : i32
      %add3A_184 = vector.broadcast %add3A_183 : i32 to vector<16xi32>
      %add3A_185 = arith.addi %mul3A_51, %add3A_184 : vector<16xi32>
      tpu.vector_store_idx %arg8[%add3A_185], %get3A_182 : memref<128xi32, #tpu.memory_space<vmem>>[vector<16xi32>], vector<16xi32>,
      %get3A_186 = arith.constant 432 : index
      %get3A_187 = tpu.vector_load %arg5[%get3A_186] {strides = array<i32>} : memref<512xi32, #tpu.memory_space<vmem>>, vector<16xi32>,
      %add3A_188 = arith.constant 97 : i32
      %add3A_189 = vector.broadcast %add3A_188 : i32 to vector<16xi32>
      %add3A_190 = arith.addi %mul3A_51, %add3A_189 : vector<16xi32>
      tpu.vector_store_idx %arg8[%add3A_190], %get3A_187 : memref<128xi32, #tpu.memory_space<vmem>>[vector<16xi32>], vector<16xi32>,
      %get3A_191 = arith.constant 448 : index
      %get3A_192 = tpu.vector_load %arg5[%get3A_191] {strides = array<i32>} : memref<512xi32, #tpu.memory_space<vmem>>, vector<16xi32>,
      %add3A_193 = arith.constant 1 : i32
      %add3A_194 = vector.broadcast %add3A_193 : i32 to vector<16xi32>
      %add3A_195 = arith.addi %mul3A_51, %add3A_194 : vector<16xi32>
      tpu.vector_store_idx %arg9[%add3A_195], %get3A_192 : memref<128xi32, #tpu.memory_space<vmem>>[vector<16xi32>], vector<16xi32>,
      %get3A_196 = arith.constant 464 : index
      %get3A_197 = tpu.vector_load %arg5[%get3A_196] {strides = array<i32>} : memref<512xi32, #tpu.memory_space<vmem>>, vector<16xi32>,
      %add3A_198 = arith.constant 33 : i32
      %add3A_199 = vector.broadcast %add3A_198 : i32 to vector<16xi32>
      %add3A_200 = arith.addi %mul3A_51, %add3A_199 : vector<16xi32>
      tpu.vector_store_idx %arg9[%add3A_200], %get3A_197 : memref<128xi32, #tpu.memory_space<vmem>>[vector<16xi32>], vector<16xi32>,
      %get3A_201 = arith.constant 480 : index
      %get3A_202 = tpu.vector_load %arg5[%get3A_201] {strides = array<i32>} : memref<512xi32, #tpu.memory_space<vmem>>, vector<16xi32>,
      %add3A_203 = arith.constant 65 : i32
      %add3A_204 = vector.broadcast %add3A_203 : i32 to vector<16xi32>
      %add3A_205 = arith.addi %mul3A_51, %add3A_204 : vector<16xi32>
      tpu.vector_store_idx %arg9[%add3A_205], %get3A_202 : memref<128xi32, #tpu.memory_space<vmem>>[vector<16xi32>], vector<16xi32>,
      %get3A_206 = arith.constant 496 : index
      %get3A_207 = tpu.vector_load %arg5[%get3A_206] {strides = array<i32>} : memref<512xi32, #tpu.memory_space<vmem>>, vector<16xi32>,
      %add3A_208 = arith.constant 97 : i32
      %add3A_209 = vector.broadcast %add3A_208 : i32 to vector<16xi32>
      %add3A_210 = arith.addi %mul3A_51, %add3A_209 : vector<16xi32>
      tpu.vector_store_idx %arg9[%add3A_210], %get3A_207 : memref<128xi32, #tpu.memory_space<vmem>>[vector<16xi32>], vector<16xi32>,
      %dma_start3A = arith.constant 0 : i32
      %dma_start3A_211 = arith.constant 0 : i32
      %dma_start3A_212 = tpu.memref_slice %arg10[%dma_start3A, %dma_start3A_211] : memref<512x64xf32, #tpu.memory_space<vmem>> -> memref<128x64xf32, #tpu.memory_space<vmem>>
      %dma_start3A_213 = arith.constant 0 : i32
      %dma_start3A_214 = arith.constant 0 : i32
      %dma_start3A_215 = tpu.memref_slice %arg3[%dma_start3A_213, %dma_start3A_214] : memref<1000000x64xf32, #tpu.memory_space<hbm>> -> memref<1000000x64xf32, #tpu.memory_space<hbm>>
      tpu.enqueue_indirect_dma source(%dma_start3A_215 : memref<1000000x64xf32, #tpu.memory_space<hbm>>) target(%dma_start3A_212 : memref<128x64xf32, #tpu.memory_space<vmem>>) offsets(%arg6 : memref<128xi32, #tpu.memory_space<vmem>>) semaphore(%arg11 : memref<!tpu.dma_semaphore, #tpu.memory_space<semaphore_mem>>)
      %dma_start3A_216 = arith.constant 128 : i32
      %dma_start3A_217 = arith.constant 0 : i32
      %dma_start3A_218 = tpu.memref_slice %arg10[%dma_start3A_216, %dma_start3A_217] : memref<512x64xf32, #tpu.memory_space<vmem>> -> memref<128x64xf32, #tpu.memory_space<vmem>>
      %dma_start3A_219 = arith.constant 0 : i32
      %dma_start3A_220 = arith.constant 0 : i32
      %dma_start3A_221 = tpu.memref_slice %arg3[%dma_start3A_219, %dma_start3A_220] : memref<1000000x64xf32, #tpu.memory_space<hbm>> -> memref<1000000x64xf32, #tpu.memory_space<hbm>>
      tpu.enqueue_indirect_dma source(%dma_start3A_221 : memref<1000000x64xf32, #tpu.memory_space<hbm>>) target(%dma_start3A_218 : memref<128x64xf32, #tpu.memory_space<vmem>>) offsets(%arg7 : memref<128xi32, #tpu.memory_space<vmem>>) semaphore(%arg11 : memref<!tpu.dma_semaphore, #tpu.memory_space<semaphore_mem>>)
      %dma_start3A_222 = arith.constant 256 : i32
      %dma_start3A_223 = arith.constant 0 : i32
      %dma_start3A_224 = tpu.memref_slice %arg10[%dma_start3A_222, %dma_start3A_223] : memref<512x64xf32, #tpu.memory_space<vmem>> -> memref<128x64xf32, #tpu.memory_space<vmem>>
      %dma_start3A_225 = arith.constant 0 : i32
      %dma_start3A_226 = arith.constant 0 : i32
      %dma_start3A_227 = tpu.memref_slice %arg3[%dma_start3A_225, %dma_start3A_226] : memref<1000000x64xf32, #tpu.memory_space<hbm>> -> memref<1000000x64xf32, #tpu.memory_space<hbm>>
      tpu.enqueue_indirect_dma source(%dma_start3A_227 : memref<1000000x64xf32, #tpu.memory_space<hbm>>) target(%dma_start3A_224 : memref<128x64xf32, #tpu.memory_space<vmem>>) offsets(%arg8 : memref<128xi32, #tpu.memory_space<vmem>>) semaphore(%arg11 : memref<!tpu.dma_semaphore, #tpu.memory_space<semaphore_mem>>)
      %dma_start3A_228 = arith.constant 384 : i32
      %dma_start3A_229 = arith.constant 0 : i32
      %dma_start3A_230 = tpu.memref_slice %arg10[%dma_start3A_228, %dma_start3A_229] : memref<512x64xf32, #tpu.memory_space<vmem>> -> memref<128x64xf32, #tpu.memory_space<vmem>>
      %dma_start3A_231 = arith.constant 0 : i32
      %dma_start3A_232 = arith.constant 0 : i32
      %dma_start3A_233 = tpu.memref_slice %arg3[%dma_start3A_231, %dma_start3A_232] : memref<1000000x64xf32, #tpu.memory_space<hbm>> -> memref<1000000x64xf32, #tpu.memory_space<hbm>>
      tpu.enqueue_indirect_dma source(%dma_start3A_233 : memref<1000000x64xf32, #tpu.memory_space<hbm>>) target(%dma_start3A_230 : memref<128x64xf32, #tpu.memory_space<vmem>>) offsets(%arg9 : memref<128xi32, #tpu.memory_space<vmem>>) semaphore(%arg11 : memref<!tpu.dma_semaphore, #tpu.memory_space<semaphore_mem>>)
      %dma_wait3A = arith.constant 0 : i32
      %dma_wait3A_234 = arith.constant 0 : i32
      %dma_wait3A_235 = tpu.memref_slice %arg10[%dma_wait3A, %dma_wait3A_234] : memref<512x64xf32, #tpu.memory_space<vmem>> -> memref<128x64xf32, #tpu.memory_space<vmem>>
      %dma_wait3A_236 = arith.constant 0 : i32
      %dma_wait3A_237 = arith.constant 0 : i32
      %dma_wait3A_238 = tpu.memref_slice %arg3[%dma_wait3A_236, %dma_wait3A_237] : memref<1000000x64xf32, #tpu.memory_space<hbm>> -> memref<1000000x64xf32, #tpu.memory_space<hbm>>
      tpu.wait_indirect_dma semaphore(%arg11 : memref<!tpu.dma_semaphore, #tpu.memory_space<semaphore_mem>>) src(%dma_wait3A_238 : memref<1000000x64xf32, #tpu.memory_space<hbm>>) dst(%dma_wait3A_235 : memref<128x64xf32, #tpu.memory_space<vmem>>)
      %dma_wait3A_239 = arith.constant 128 : i32
      %dma_wait3A_240 = arith.constant 0 : i32
      %dma_wait3A_241 = tpu.memref_slice %arg10[%dma_wait3A_239, %dma_wait3A_240] : memref<512x64xf32, #tpu.memory_space<vmem>> -> memref<128x64xf32, #tpu.memory_space<vmem>>
      %dma_wait3A_242 = arith.constant 0 : i32
      %dma_wait3A_243 = arith.constant 0 : i32
      %dma_wait3A_244 = tpu.memref_slice %arg3[%dma_wait3A_242, %dma_wait3A_243] : memref<1000000x64xf32, #tpu.memory_space<hbm>> -> memref<1000000x64xf32, #tpu.memory_space<hbm>>
      tpu.wait_indirect_dma semaphore(%arg11 : memref<!tpu.dma_semaphore, #tpu.memory_space<semaphore_mem>>) src(%dma_wait3A_244 : memref<1000000x64xf32, #tpu.memory_space<hbm>>) dst(%dma_wait3A_241 : memref<128x64xf32, #tpu.memory_space<vmem>>)
      %dma_wait3A_245 = arith.constant 256 : i32
      %dma_wait3A_246 = arith.constant 0 : i32
      %dma_wait3A_247 = tpu.memref_slice %arg10[%dma_wait3A_245, %dma_wait3A_246] : memref<512x64xf32, #tpu.memory_space<vmem>> -> memref<128x64xf32, #tpu.memory_space<vmem>>
      %dma_wait3A_248 = arith.constant 0 : i32
      %dma_wait3A_249 = arith.constant 0 : i32
      %dma_wait3A_250 = tpu.memref_slice %arg3[%dma_wait3A_248, %dma_wait3A_249] : memref<1000000x64xf32, #tpu.memory_space<hbm>> -> memref<1000000x64xf32, #tpu.memory_space<hbm>>
      tpu.wait_indirect_dma semaphore(%arg11 : memref<!tpu.dma_semaphore, #tpu.memory_space<semaphore_mem>>) src(%dma_wait3A_250 : memref<1000000x64xf32, #tpu.memory_space<hbm>>) dst(%dma_wait3A_247 : memref<128x64xf32, #tpu.memory_space<vmem>>)
      %dma_wait3A_251 = arith.constant 384 : i32
      %dma_wait3A_252 = arith.constant 0 : i32
      %dma_wait3A_253 = tpu.memref_slice %arg10[%dma_wait3A_251, %dma_wait3A_252] : memref<512x64xf32, #tpu.memory_space<vmem>> -> memref<128x64xf32, #tpu.memory_space<vmem>>
      %dma_wait3A_254 = arith.constant 0 : i32
      %dma_wait3A_255 = arith.constant 0 : i32
      %dma_wait3A_256 = tpu.memref_slice %arg3[%dma_wait3A_254, %dma_wait3A_255] : memref<1000000x64xf32, #tpu.memory_space<hbm>> -> memref<1000000x64xf32, #tpu.memory_space<hbm>>
      tpu.wait_indirect_dma semaphore(%arg11 : memref<!tpu.dma_semaphore, #tpu.memory_space<semaphore_mem>>) src(%dma_wait3A_256 : memref<1000000x64xf32, #tpu.memory_space<hbm>>) dst(%dma_wait3A_253 : memref<128x64xf32, #tpu.memory_space<vmem>>)
      %mul3A_257 = arith.constant 512 : i32
      %mul3A_258 = arith.muli %scan3A_10, %mul3A_257 : i32
      %add3A_259 = arith.addi %mul3A_4, %mul3A_258 : i32
      "tpu.region"() ({
        %run_scoped3A = tpu.sem_alloc : memref<!tpu.dma_semaphore, #tpu.memory_space<semaphore_mem>>
        %dma_start3A_260 = arith.constant 0 : i32
        %dma_start3A_261 = tpu.memref_slice %arg4[%add3A_259, %dma_start3A_260] : memref<786432x64xf32, #tpu.memory_space<hbm>> -> memref<512x64xf32, #tpu.memory_space<hbm>>
        %dma_start3A_262 = arith.constant 0 : i32
        %dma_start3A_263 = tpu.memref_slice %arg4[%add3A_259, %dma_start3A_262] : memref<786432x64xf32, #tpu.memory_space<hbm>> -> memref<512x64xf32, #tpu.memory_space<hbm>>
        tpu.enqueue_dma source(%arg10 : memref<512x64xf32, #tpu.memory_space<vmem>>) target(%dma_start3A_263 : memref<512x64xf32, #tpu.memory_space<hbm>>) target_semaphore(%run_scoped3A : memref<!tpu.dma_semaphore, #tpu.memory_space<semaphore_mem>>)
        %dma_wait3A_264 = arith.constant 0 : i32
        %dma_wait3A_265 = tpu.memref_slice %arg4[%add3A_259, %dma_wait3A_264] : memref<786432x64xf32, #tpu.memory_space<hbm>> -> memref<512x64xf32, #tpu.memory_space<hbm>>
        %dma_wait3A_266 = arith.constant 0 : i32
        %dma_wait3A_267 = tpu.memref_slice %arg4[%add3A_259, %dma_wait3A_266] : memref<786432x64xf32, #tpu.memory_space<hbm>> -> memref<512x64xf32, #tpu.memory_space<hbm>>
        tpu.wait_dma2 semaphore(%run_scoped3A : memref<!tpu.dma_semaphore, #tpu.memory_space<semaphore_mem>>) src(%arg10 : memref<512x64xf32, #tpu.memory_space<vmem>>) dst(%dma_wait3A_267 : memref<512x64xf32, #tpu.memory_space<hbm>>)
        tpu.yield
      }) : () -> ()
    }
    %scan3A_9 = arith.constant 48 : i32
    return
  }
}

module attributes {stable_mosaic.version = 14 : i64} {
  func.func @matmul_kernel(%arg0: i32, %arg1: memref<2048x128xf32, #tpu.memory_space<vmem>>, %arg2: memref<64x256xf32, #tpu.memory_space<vmem>>, %arg3: memref<4096x256xf32, #tpu.memory_space<vmem>>) attributes {dimension_semantics = [#tpu.dimension_semantics<arbitrary>], iteration_bounds = array<i64: 32>, scalar_prefetch = 0 : i64, scratch_operands = 0 : i64, tpu.core_type = #tpu.core_type<tc>, window_params = [{transform_indices = @transform_0, window_bounds = array<i64: 2048, 128>}, {pipeline_mode = #tpu.pipeline_mode<synchronous>, transform_indices = @transform_1, window_bounds = array<i64: 64, 256>}, {transform_indices = @transform_2, window_bounds = array<i64: 4096, 256>}]} {
    %get3A = arith.constant 0 : index
    %get3A_0 = arith.constant 0 : index
    %get3A_1 = vector.load %arg1[%get3A, %get3A_0] : memref<2048x128xf32, #tpu.memory_space<vmem>>, vector<2048x128xf32>
    %slice3A = vector.extract_strided_slice %get3A_1 {offsets = [0, 0], sizes = [2048, 64], strides = [1, 1]} : vector<2048x128xf32> to vector<2048x64xf32>
    %get3A_2 = arith.constant 0 : index
    %get3A_3 = arith.constant 0 : index
    %get3A_4 = vector.load %arg2[%get3A_2, %get3A_3] : memref<64x256xf32, #tpu.memory_space<vmem>>, vector<64x256xf32>
    %dot_general3A = arith.constant dense<0.000000e+00> : vector<2048x256xf32>
    %dot_general3A_5 = tpu.matmul %slice3A, %get3A_4, %dot_general3A {dimension_numbers = #tpu.dot_dimension_numbers<[1], [0], [0], [1], [0, 0, 1, 1], [], []>, transpose_lhs_hint = false} : vector<2048x64xf32>, vector<64x256xf32>, vector<2048x256xf32> -> vector<2048x256xf32>
    %swap3A = arith.constant 0 : index
    %swap3A_6 = arith.constant 0 : index
    %swap3A_7 = vector.load %arg3[%swap3A, %swap3A_6] : memref<4096x256xf32, #tpu.memory_space<vmem>>, vector<2048x256xf32>
    tpu.vector_store %arg3[%swap3A, %swap3A_6], %dot_general3A_5 {strides = array<i32>} : memref<4096x256xf32, #tpu.memory_space<vmem>>, vector<2048x256xf32>,
    %slice3A_8 = vector.extract_strided_slice %get3A_1 {offsets = [0, 64], sizes = [2048, 64], strides = [1, 1]} : vector<2048x128xf32> to vector<2048x64xf32>
    %get3A_9 = arith.constant 0 : index
    %get3A_10 = arith.constant 0 : index
    %get3A_11 = vector.load %arg2[%get3A_9, %get3A_10] : memref<64x256xf32, #tpu.memory_space<vmem>>, vector<64x256xf32>
    %dot_general3A_12 = arith.constant dense<0.000000e+00> : vector<2048x256xf32>
    %dot_general3A_13 = tpu.matmul %slice3A_8, %get3A_11, %dot_general3A_12 {dimension_numbers = #tpu.dot_dimension_numbers<[1], [0], [0], [1], [0, 0, 1, 1], [], []>, transpose_lhs_hint = false} : vector<2048x64xf32>, vector<64x256xf32>, vector<2048x256xf32> -> vector<2048x256xf32>
    %swap3A_14 = arith.constant 2048 : index
    %swap3A_15 = arith.constant 0 : index
    %swap3A_16 = vector.load %arg3[%swap3A_14, %swap3A_15] : memref<4096x256xf32, #tpu.memory_space<vmem>>, vector<2048x256xf32>
    tpu.vector_store %arg3[%swap3A_14, %swap3A_15], %dot_general3A_13 {strides = array<i32>} : memref<4096x256xf32, #tpu.memory_space<vmem>>, vector<2048x256xf32>,
    return
  }
  func.func @transform_0(%arg0: i32) -> (i32, i32) {
    %c0_i32 = arith.constant 0 : i32
    %c0_i32_0 = arith.constant 0 : i32
    return %arg0, %c0_i32 : i32, i32
  }
  func.func @transform_1(%arg0: i32) -> (i32, i32) {
    %c0_i32 = arith.constant 0 : i32
    %c0_i32_0 = arith.constant 0 : i32
    %c0_i32_1 = arith.constant 0 : i32
    return %c0_i32, %c0_i32_0 : i32, i32
  }
  func.func @transform_2(%arg0: i32) -> (i32, i32) {
    %add3A = arith.constant 0 : i32
    %add3A_0 = arith.addi %add3A, %arg0 : i32
    %c0_i32 = arith.constant 0 : i32
    %c0_i32_1 = arith.constant 0 : i32
    return %add3A_0, %c0_i32 : i32, i32
  }
}

module attributes {stable_mosaic.version = 14 : i64} {
  func.func @matmul_kernel(%arg0: i32, %arg1: memref<2048x128xf32, #tpu.memory_space<vmem>>, %arg2: memref<64x256xf32, #tpu.memory_space<vmem>>, %arg3: memref<3276800x256xf32, #tpu.memory_space<any>>, %arg4: memref<4096x256xf32, #tpu.memory_space<vmem>>) attributes {dimension_semantics = [#tpu.dimension_semantics<arbitrary>], iteration_bounds = array<i64: 64>, scalar_prefetch = 0 : i64, scratch_operands = 0 : i64, tpu.core_type = #tpu.core_type<tc>, window_params = [{transform_indices = @transform_0, window_bounds = array<i64: 2048, 128>}, {pipeline_mode = #tpu.pipeline_mode<synchronous>, transform_indices = @transform_1, window_bounds = array<i64: 64, 256>}, {}, {transform_indices = @transform_3, window_bounds = array<i64: 4096, 256>}]} {
    %get3A = arith.constant 0 : index
    %get3A_0 = arith.constant 0 : index
    %get3A_1 = vector.load %arg1[%get3A, %get3A_0] : memref<2048x128xf32, #tpu.memory_space<vmem>>, vector<2048x128xf32>
    %slice3A = vector.extract_strided_slice %get3A_1 {offsets = [0, 0], sizes = [2048, 64], strides = [1, 1]} : vector<2048x128xf32> to vector<2048x64xf32>
    %get3A_2 = arith.constant 0 : index
    %get3A_3 = arith.constant 0 : index
    %get3A_4 = vector.load %arg2[%get3A_2, %get3A_3] : memref<64x256xf32, #tpu.memory_space<vmem>>, vector<64x256xf32>
    %dot_general3A = arith.constant dense<0.000000e+00> : vector<2048x256xf32>
    %dot_general3A_5 = tpu.matmul %slice3A, %get3A_4, %dot_general3A {dimension_numbers = #tpu.dot_dimension_numbers<[1], [0], [0], [1], [0, 0, 1, 1], [], []>, transpose_lhs_hint = false} : vector<2048x64xf32>, vector<64x256xf32>, vector<2048x256xf32> -> vector<2048x256xf32>
    %swap3A = arith.constant 0 : index
    %swap3A_6 = arith.constant 0 : index
    %swap3A_7 = vector.load %arg4[%swap3A, %swap3A_6] : memref<4096x256xf32, #tpu.memory_space<vmem>>, vector<2048x256xf32>
    tpu.vector_store %arg4[%swap3A, %swap3A_6], %dot_general3A_5 {strides = array<i32>} : memref<4096x256xf32, #tpu.memory_space<vmem>>, vector<2048x256xf32>,
    %slice3A_8 = vector.extract_strided_slice %get3A_1 {offsets = [0, 64], sizes = [2048, 64], strides = [1, 1]} : vector<2048x128xf32> to vector<2048x64xf32>
    %get3A_9 = arith.constant 0 : index
    %get3A_10 = arith.constant 0 : index
    %get3A_11 = vector.load %arg2[%get3A_9, %get3A_10] : memref<64x256xf32, #tpu.memory_space<vmem>>, vector<64x256xf32>
    %dot_general3A_12 = arith.constant dense<0.000000e+00> : vector<2048x256xf32>
    %dot_general3A_13 = tpu.matmul %slice3A_8, %get3A_11, %dot_general3A_12 {dimension_numbers = #tpu.dot_dimension_numbers<[1], [0], [0], [1], [0, 0, 1, 1], [], []>, transpose_lhs_hint = false} : vector<2048x64xf32>, vector<64x256xf32>, vector<2048x256xf32> -> vector<2048x256xf32>
    %swap3A_14 = arith.constant 2048 : index
    %swap3A_15 = arith.constant 0 : index
    %swap3A_16 = vector.load %arg4[%swap3A_14, %swap3A_15] : memref<4096x256xf32, #tpu.memory_space<vmem>>, vector<2048x256xf32>
    tpu.vector_store %arg4[%swap3A_14, %swap3A_15], %dot_general3A_13 {strides = array<i32>} : memref<4096x256xf32, #tpu.memory_space<vmem>>, vector<2048x256xf32>,
    return
  }
  func.func @transform_0(%arg0: i32) -> (i32, i32) {
    %c0_i32 = arith.constant 0 : i32
    %c0_i32_0 = arith.constant 0 : i32
    return %arg0, %c0_i32 : i32, i32
  }
  func.func @transform_1(%arg0: i32) -> (i32, i32) {
    %c0_i32 = arith.constant 0 : i32
    %c0_i32_0 = arith.constant 0 : i32
    %c0_i32_1 = arith.constant 0 : i32
    return %c0_i32, %c0_i32_0 : i32, i32
  }
  func.func @transform_3(%arg0: i32) -> (i32, i32) {
    %add3A = arith.constant 32 : i32
    %add3A_0 = arith.addi %add3A, %arg0 : i32
    %c0_i32 = arith.constant 0 : i32
    %c0_i32_1 = arith.constant 0 : i32
    return %add3A_0, %c0_i32 : i32, i32
  }
}

module attributes {stable_mosaic.version = 14 : i64} {
  func.func @matmul_kernel(%arg0: i32, %arg1: memref<2048x128xf32, #tpu.memory_space<vmem>>, %arg2: memref<64x256xf32, #tpu.memory_space<vmem>>, %arg3: memref<3276800x256xf32, #tpu.memory_space<any>>, %arg4: memref<4096x256xf32, #tpu.memory_space<vmem>>) attributes {dimension_semantics = [#tpu.dimension_semantics<arbitrary>], iteration_bounds = array<i64: 128>, scalar_prefetch = 0 : i64, scratch_operands = 0 : i64, tpu.core_type = #tpu.core_type<tc>, window_params = [{transform_indices = @transform_0, window_bounds = array<i64: 2048, 128>}, {pipeline_mode = #tpu.pipeline_mode<synchronous>, transform_indices = @transform_1, window_bounds = array<i64: 64, 256>}, {}, {transform_indices = @transform_3, window_bounds = array<i64: 4096, 256>}]} {
    %get3A = arith.constant 0 : index
    %get3A_0 = arith.constant 0 : index
    %get3A_1 = vector.load %arg1[%get3A, %get3A_0] : memref<2048x128xf32, #tpu.memory_space<vmem>>, vector<2048x128xf32>
    %slice3A = vector.extract_strided_slice %get3A_1 {offsets = [0, 0], sizes = [2048, 64], strides = [1, 1]} : vector<2048x128xf32> to vector<2048x64xf32>
    %get3A_2 = arith.constant 0 : index
    %get3A_3 = arith.constant 0 : index
    %get3A_4 = vector.load %arg2[%get3A_2, %get3A_3] : memref<64x256xf32, #tpu.memory_space<vmem>>, vector<64x256xf32>
    %dot_general3A = arith.constant dense<0.000000e+00> : vector<2048x256xf32>
    %dot_general3A_5 = tpu.matmul %slice3A, %get3A_4, %dot_general3A {dimension_numbers = #tpu.dot_dimension_numbers<[1], [0], [0], [1], [0, 0, 1, 1], [], []>, transpose_lhs_hint = false} : vector<2048x64xf32>, vector<64x256xf32>, vector<2048x256xf32> -> vector<2048x256xf32>
    %swap3A = arith.constant 0 : index
    %swap3A_6 = arith.constant 0 : index
    %swap3A_7 = vector.load %arg4[%swap3A, %swap3A_6] : memref<4096x256xf32, #tpu.memory_space<vmem>>, vector<2048x256xf32>
    tpu.vector_store %arg4[%swap3A, %swap3A_6], %dot_general3A_5 {strides = array<i32>} : memref<4096x256xf32, #tpu.memory_space<vmem>>, vector<2048x256xf32>,
    %slice3A_8 = vector.extract_strided_slice %get3A_1 {offsets = [0, 64], sizes = [2048, 64], strides = [1, 1]} : vector<2048x128xf32> to vector<2048x64xf32>
    %get3A_9 = arith.constant 0 : index
    %get3A_10 = arith.constant 0 : index
    %get3A_11 = vector.load %arg2[%get3A_9, %get3A_10] : memref<64x256xf32, #tpu.memory_space<vmem>>, vector<64x256xf32>
    %dot_general3A_12 = arith.constant dense<0.000000e+00> : vector<2048x256xf32>
    %dot_general3A_13 = tpu.matmul %slice3A_8, %get3A_11, %dot_general3A_12 {dimension_numbers = #tpu.dot_dimension_numbers<[1], [0], [0], [1], [0, 0, 1, 1], [], []>, transpose_lhs_hint = false} : vector<2048x64xf32>, vector<64x256xf32>, vector<2048x256xf32> -> vector<2048x256xf32>
    %swap3A_14 = arith.constant 2048 : index
    %swap3A_15 = arith.constant 0 : index
    %swap3A_16 = vector.load %arg4[%swap3A_14, %swap3A_15] : memref<4096x256xf32, #tpu.memory_space<vmem>>, vector<2048x256xf32>
    tpu.vector_store %arg4[%swap3A_14, %swap3A_15], %dot_general3A_13 {strides = array<i32>} : memref<4096x256xf32, #tpu.memory_space<vmem>>, vector<2048x256xf32>,
    return
  }
  func.func @transform_0(%arg0: i32) -> (i32, i32) {
    %c0_i32 = arith.constant 0 : i32
    %c0_i32_0 = arith.constant 0 : i32
    return %arg0, %c0_i32 : i32, i32
  }
  func.func @transform_1(%arg0: i32) -> (i32, i32) {
    %c0_i32 = arith.constant 0 : i32
    %c0_i32_0 = arith.constant 0 : i32
    %c0_i32_1 = arith.constant 0 : i32
    return %c0_i32, %c0_i32_0 : i32, i32
  }
  func.func @transform_3(%arg0: i32) -> (i32, i32) {
    %add3A = arith.constant 96 : i32
    %add3A_0 = arith.addi %add3A, %arg0 : i32
    %c0_i32 = arith.constant 0 : i32
    %c0_i32_1 = arith.constant 0 : i32
    return %add3A_0, %c0_i32 : i32, i32
  }
}

module attributes {stable_mosaic.version = 14 : i64} {
  func.func @matmul_kernel(%arg0: i32, %arg1: memref<2048x128xf32, #tpu.memory_space<vmem>>, %arg2: memref<64x256xf32, #tpu.memory_space<vmem>>, %arg3: memref<3276800x256xf32, #tpu.memory_space<any>>, %arg4: memref<4096x256xf32, #tpu.memory_space<vmem>>) attributes {dimension_semantics = [#tpu.dimension_semantics<arbitrary>], iteration_bounds = array<i64: 192>, scalar_prefetch = 0 : i64, scratch_operands = 0 : i64, tpu.core_type = #tpu.core_type<tc>, window_params = [{transform_indices = @transform_0, window_bounds = array<i64: 2048, 128>}, {pipeline_mode = #tpu.pipeline_mode<synchronous>, transform_indices = @transform_1, window_bounds = array<i64: 64, 256>}, {}, {transform_indices = @transform_3, window_bounds = array<i64: 4096, 256>}]} {
    %get3A = arith.constant 0 : index
    %get3A_0 = arith.constant 0 : index
    %get3A_1 = vector.load %arg1[%get3A, %get3A_0] : memref<2048x128xf32, #tpu.memory_space<vmem>>, vector<2048x128xf32>
    %slice3A = vector.extract_strided_slice %get3A_1 {offsets = [0, 0], sizes = [2048, 64], strides = [1, 1]} : vector<2048x128xf32> to vector<2048x64xf32>
    %get3A_2 = arith.constant 0 : index
    %get3A_3 = arith.constant 0 : index
    %get3A_4 = vector.load %arg2[%get3A_2, %get3A_3] : memref<64x256xf32, #tpu.memory_space<vmem>>, vector<64x256xf32>
    %dot_general3A = arith.constant dense<0.000000e+00> : vector<2048x256xf32>
    %dot_general3A_5 = tpu.matmul %slice3A, %get3A_4, %dot_general3A {dimension_numbers = #tpu.dot_dimension_numbers<[1], [0], [0], [1], [0, 0, 1, 1], [], []>, transpose_lhs_hint = false} : vector<2048x64xf32>, vector<64x256xf32>, vector<2048x256xf32> -> vector<2048x256xf32>
    %swap3A = arith.constant 0 : index
    %swap3A_6 = arith.constant 0 : index
    %swap3A_7 = vector.load %arg4[%swap3A, %swap3A_6] : memref<4096x256xf32, #tpu.memory_space<vmem>>, vector<2048x256xf32>
    tpu.vector_store %arg4[%swap3A, %swap3A_6], %dot_general3A_5 {strides = array<i32>} : memref<4096x256xf32, #tpu.memory_space<vmem>>, vector<2048x256xf32>,
    %slice3A_8 = vector.extract_strided_slice %get3A_1 {offsets = [0, 64], sizes = [2048, 64], strides = [1, 1]} : vector<2048x128xf32> to vector<2048x64xf32>
    %get3A_9 = arith.constant 0 : index
    %get3A_10 = arith.constant 0 : index
    %get3A_11 = vector.load %arg2[%get3A_9, %get3A_10] : memref<64x256xf32, #tpu.memory_space<vmem>>, vector<64x256xf32>
    %dot_general3A_12 = arith.constant dense<0.000000e+00> : vector<2048x256xf32>
    %dot_general3A_13 = tpu.matmul %slice3A_8, %get3A_11, %dot_general3A_12 {dimension_numbers = #tpu.dot_dimension_numbers<[1], [0], [0], [1], [0, 0, 1, 1], [], []>, transpose_lhs_hint = false} : vector<2048x64xf32>, vector<64x256xf32>, vector<2048x256xf32> -> vector<2048x256xf32>
    %swap3A_14 = arith.constant 2048 : index
    %swap3A_15 = arith.constant 0 : index
    %swap3A_16 = vector.load %arg4[%swap3A_14, %swap3A_15] : memref<4096x256xf32, #tpu.memory_space<vmem>>, vector<2048x256xf32>
    tpu.vector_store %arg4[%swap3A_14, %swap3A_15], %dot_general3A_13 {strides = array<i32>} : memref<4096x256xf32, #tpu.memory_space<vmem>>, vector<2048x256xf32>,
    return
  }
  func.func @transform_0(%arg0: i32) -> (i32, i32) {
    %c0_i32 = arith.constant 0 : i32
    %c0_i32_0 = arith.constant 0 : i32
    return %arg0, %c0_i32 : i32, i32
  }
  func.func @transform_1(%arg0: i32) -> (i32, i32) {
    %c0_i32 = arith.constant 0 : i32
    %c0_i32_0 = arith.constant 0 : i32
    %c0_i32_1 = arith.constant 0 : i32
    return %c0_i32, %c0_i32_0 : i32, i32
  }
  func.func @transform_3(%arg0: i32) -> (i32, i32) {
    %add3A = arith.constant 224 : i32
    %add3A_0 = arith.addi %add3A, %arg0 : i32
    %c0_i32 = arith.constant 0 : i32
    %c0_i32_1 = arith.constant 0 : i32
    return %add3A_0, %c0_i32 : i32, i32
  }
}

module attributes {stable_mosaic.version = 14 : i64} {
  func.func @matmul_kernel(%arg0: i32, %arg1: memref<2048x128xf32, #tpu.memory_space<vmem>>, %arg2: memref<64x256xf32, #tpu.memory_space<vmem>>, %arg3: memref<3276800x256xf32, #tpu.memory_space<any>>, %arg4: memref<4096x256xf32, #tpu.memory_space<vmem>>) attributes {dimension_semantics = [#tpu.dimension_semantics<arbitrary>], iteration_bounds = array<i64: 192>, scalar_prefetch = 0 : i64, scratch_operands = 0 : i64, tpu.core_type = #tpu.core_type<tc>, window_params = [{transform_indices = @transform_0, window_bounds = array<i64: 2048, 128>}, {pipeline_mode = #tpu.pipeline_mode<synchronous>, transform_indices = @transform_1, window_bounds = array<i64: 64, 256>}, {}, {transform_indices = @transform_3, window_bounds = array<i64: 4096, 256>}]} {
    %get3A = arith.constant 0 : index
    %get3A_0 = arith.constant 0 : index
    %get3A_1 = vector.load %arg1[%get3A, %get3A_0] : memref<2048x128xf32, #tpu.memory_space<vmem>>, vector<2048x128xf32>
    %slice3A = vector.extract_strided_slice %get3A_1 {offsets = [0, 0], sizes = [2048, 64], strides = [1, 1]} : vector<2048x128xf32> to vector<2048x64xf32>
    %get3A_2 = arith.constant 0 : index
    %get3A_3 = arith.constant 0 : index
    %get3A_4 = vector.load %arg2[%get3A_2, %get3A_3] : memref<64x256xf32, #tpu.memory_space<vmem>>, vector<64x256xf32>
    %dot_general3A = arith.constant dense<0.000000e+00> : vector<2048x256xf32>
    %dot_general3A_5 = tpu.matmul %slice3A, %get3A_4, %dot_general3A {dimension_numbers = #tpu.dot_dimension_numbers<[1], [0], [0], [1], [0, 0, 1, 1], [], []>, transpose_lhs_hint = false} : vector<2048x64xf32>, vector<64x256xf32>, vector<2048x256xf32> -> vector<2048x256xf32>
    %swap3A = arith.constant 0 : index
    %swap3A_6 = arith.constant 0 : index
    %swap3A_7 = vector.load %arg4[%swap3A, %swap3A_6] : memref<4096x256xf32, #tpu.memory_space<vmem>>, vector<2048x256xf32>
    tpu.vector_store %arg4[%swap3A, %swap3A_6], %dot_general3A_5 {strides = array<i32>} : memref<4096x256xf32, #tpu.memory_space<vmem>>, vector<2048x256xf32>,
    %slice3A_8 = vector.extract_strided_slice %get3A_1 {offsets = [0, 64], sizes = [2048, 64], strides = [1, 1]} : vector<2048x128xf32> to vector<2048x64xf32>
    %get3A_9 = arith.constant 0 : index
    %get3A_10 = arith.constant 0 : index
    %get3A_11 = vector.load %arg2[%get3A_9, %get3A_10] : memref<64x256xf32, #tpu.memory_space<vmem>>, vector<64x256xf32>
    %dot_general3A_12 = arith.constant dense<0.000000e+00> : vector<2048x256xf32>
    %dot_general3A_13 = tpu.matmul %slice3A_8, %get3A_11, %dot_general3A_12 {dimension_numbers = #tpu.dot_dimension_numbers<[1], [0], [0], [1], [0, 0, 1, 1], [], []>, transpose_lhs_hint = false} : vector<2048x64xf32>, vector<64x256xf32>, vector<2048x256xf32> -> vector<2048x256xf32>
    %swap3A_14 = arith.constant 2048 : index
    %swap3A_15 = arith.constant 0 : index
    %swap3A_16 = vector.load %arg4[%swap3A_14, %swap3A_15] : memref<4096x256xf32, #tpu.memory_space<vmem>>, vector<2048x256xf32>
    tpu.vector_store %arg4[%swap3A_14, %swap3A_15], %dot_general3A_13 {strides = array<i32>} : memref<4096x256xf32, #tpu.memory_space<vmem>>, vector<2048x256xf32>,
    return
  }
  func.func @transform_0(%arg0: i32) -> (i32, i32) {
    %c0_i32 = arith.constant 0 : i32
    %c0_i32_0 = arith.constant 0 : i32
    return %arg0, %c0_i32 : i32, i32
  }
  func.func @transform_1(%arg0: i32) -> (i32, i32) {
    %c0_i32 = arith.constant 0 : i32
    %c0_i32_0 = arith.constant 0 : i32
    %c0_i32_1 = arith.constant 0 : i32
    return %c0_i32, %c0_i32_0 : i32, i32
  }
  func.func @transform_3(%arg0: i32) -> (i32, i32) {
    %add3A = arith.constant 416 : i32
    %add3A_0 = arith.addi %add3A, %arg0 : i32
    %c0_i32 = arith.constant 0 : i32
    %c0_i32_1 = arith.constant 0 : i32
    return %add3A_0, %c0_i32 : i32, i32
  }
}

module attributes {stable_mosaic.version = 14 : i64} {
  func.func @matmul_kernel(%arg0: i32, %arg1: memref<2048x128xf32, #tpu.memory_space<vmem>>, %arg2: memref<64x256xf32, #tpu.memory_space<vmem>>, %arg3: memref<3276800x256xf32, #tpu.memory_space<any>>, %arg4: memref<4096x256xf32, #tpu.memory_space<vmem>>) attributes {dimension_semantics = [#tpu.dimension_semantics<arbitrary>], iteration_bounds = array<i64: 192>, scalar_prefetch = 0 : i64, scratch_operands = 0 : i64, tpu.core_type = #tpu.core_type<tc>, window_params = [{transform_indices = @transform_0, window_bounds = array<i64: 2048, 128>}, {pipeline_mode = #tpu.pipeline_mode<synchronous>, transform_indices = @transform_1, window_bounds = array<i64: 64, 256>}, {}, {transform_indices = @transform_3, window_bounds = array<i64: 4096, 256>}]} {
    %get3A = arith.constant 0 : index
    %get3A_0 = arith.constant 0 : index
    %get3A_1 = vector.load %arg1[%get3A, %get3A_0] : memref<2048x128xf32, #tpu.memory_space<vmem>>, vector<2048x128xf32>
    %slice3A = vector.extract_strided_slice %get3A_1 {offsets = [0, 0], sizes = [2048, 64], strides = [1, 1]} : vector<2048x128xf32> to vector<2048x64xf32>
    %get3A_2 = arith.constant 0 : index
    %get3A_3 = arith.constant 0 : index
    %get3A_4 = vector.load %arg2[%get3A_2, %get3A_3] : memref<64x256xf32, #tpu.memory_space<vmem>>, vector<64x256xf32>
    %dot_general3A = arith.constant dense<0.000000e+00> : vector<2048x256xf32>
    %dot_general3A_5 = tpu.matmul %slice3A, %get3A_4, %dot_general3A {dimension_numbers = #tpu.dot_dimension_numbers<[1], [0], [0], [1], [0, 0, 1, 1], [], []>, transpose_lhs_hint = false} : vector<2048x64xf32>, vector<64x256xf32>, vector<2048x256xf32> -> vector<2048x256xf32>
    %swap3A = arith.constant 0 : index
    %swap3A_6 = arith.constant 0 : index
    %swap3A_7 = vector.load %arg4[%swap3A, %swap3A_6] : memref<4096x256xf32, #tpu.memory_space<vmem>>, vector<2048x256xf32>
    tpu.vector_store %arg4[%swap3A, %swap3A_6], %dot_general3A_5 {strides = array<i32>} : memref<4096x256xf32, #tpu.memory_space<vmem>>, vector<2048x256xf32>,
    %slice3A_8 = vector.extract_strided_slice %get3A_1 {offsets = [0, 64], sizes = [2048, 64], strides = [1, 1]} : vector<2048x128xf32> to vector<2048x64xf32>
    %get3A_9 = arith.constant 0 : index
    %get3A_10 = arith.constant 0 : index
    %get3A_11 = vector.load %arg2[%get3A_9, %get3A_10] : memref<64x256xf32, #tpu.memory_space<vmem>>, vector<64x256xf32>
    %dot_general3A_12 = arith.constant dense<0.000000e+00> : vector<2048x256xf32>
    %dot_general3A_13 = tpu.matmul %slice3A_8, %get3A_11, %dot_general3A_12 {dimension_numbers = #tpu.dot_dimension_numbers<[1], [0], [0], [1], [0, 0, 1, 1], [], []>, transpose_lhs_hint = false} : vector<2048x64xf32>, vector<64x256xf32>, vector<2048x256xf32> -> vector<2048x256xf32>
    %swap3A_14 = arith.constant 2048 : index
    %swap3A_15 = arith.constant 0 : index
    %swap3A_16 = vector.load %arg4[%swap3A_14, %swap3A_15] : memref<4096x256xf32, #tpu.memory_space<vmem>>, vector<2048x256xf32>
    tpu.vector_store %arg4[%swap3A_14, %swap3A_15], %dot_general3A_13 {strides = array<i32>} : memref<4096x256xf32, #tpu.memory_space<vmem>>, vector<2048x256xf32>,
    return
  }
  func.func @transform_0(%arg0: i32) -> (i32, i32) {
    %c0_i32 = arith.constant 0 : i32
    %c0_i32_0 = arith.constant 0 : i32
    return %arg0, %c0_i32 : i32, i32
  }
  func.func @transform_1(%arg0: i32) -> (i32, i32) {
    %c0_i32 = arith.constant 0 : i32
    %c0_i32_0 = arith.constant 0 : i32
    %c0_i32_1 = arith.constant 0 : i32
    return %c0_i32, %c0_i32_0 : i32, i32
  }
  func.func @transform_3(%arg0: i32) -> (i32, i32) {
    %add3A = arith.constant 608 : i32
    %add3A_0 = arith.addi %add3A, %arg0 : i32
    %c0_i32 = arith.constant 0 : i32
    %c0_i32_1 = arith.constant 0 : i32
    return %add3A_0, %c0_i32 : i32, i32
  }
}

</mosaic_0001>

<sc_bundles>
// kernel: _run.14.cloned.1.call-start
scs
__scs_entry_jumppad:
0x0: {  	(pc) =	sbr.rel $0x88, $3  }
0x1: {  	(tag) =	ssettag $0x0;
	lr =	simm.s32 $0x1  }
0x2: {  	[smem:$0x3F9E] =	sst lr;
	_ =	strace $0xD0000000  }
0x3: {  	_ = 	snop  }
0x4: {  	_ = 	snop  }
0x5: {  	_ = 	snop  }
0x6: {  	_ = 	snop  }
0x7: {  	_ = 	snop  }
__scs_overlays_trampoline_lowered:
0x8: {  	[smem:$0x3FAD] =	sst s0  }
0x9: {  	[smem:$0x3FAE] =	sst s1  }
0xa: {  	[smem:$0x3FAF] =	sst s2  }
0xb: {  	[smem:$0x3FB0] =	sst s3  }
0xc: {  	[smem:$0x3FB1] =	sst s4  }
0xd: {  	[smem:$0x3FB2] =	sst s5  }
0xe: {  	[smem:$0x3FB3] =	sst s6  }
0xf: {  	[smem:$0x3FB4] =	sst s7  }
0x10: {  	[smem:$0x3FB5] =	sst s8  }
0x11: {  	[smem:$0x3FB6] =	sst s9;
	s0 =	simm.s32 @!p0 $0x0  }
0x12: {  	s1 =	sld [smem:$0x3F9C];
	s0 =	simm.s32 @p0 $0x1  }
0x13: {  	[smem:$0x3FB7] =	sst s0;
	s0 =	simm.s32 @!p1 $0x0  }
0x14: {  	s2 =	sld [smem:$0x3F9B];
	s0 =	simm.s32 @p1 $0x1  }
0x15: {  	[smem:$0x3FB8] =	sst s0;
	s0 =	simm.s32 @!p2 $0x0  }
0x16: {  	s3 =	sld [smem:$0x3FDB];
	s0 =	simm.s32 @p2 $0x1  }
0x17: {  	s4 =	simm.s32 $0x1BF5;
	[smem:$0x3FBA] =	sst s0  }
0x18: {  	s0 =	sld [smem:$0x3F9D];
	_ =	swait.ge [sflag:s4], $0x0  }
0x19: {  	s7 =	sld [smem:$0x3F9E]  }
0x1a: {  	s8 =	sadd.s32 $0xFFFFE003, lr  }
0x1b: {  	s9 =	sadd.s32 $0xFFFFFEF7, lr;
	s5 =	simm.s32 $0xFFFFFFFF;
	p2 =	slt.u32 s8, $0xFFFFF086  }
0x1c: {  	p1 =	slt.u32 s9, $0xF7A;
	s5 =	simm.s32 @!p2 $0x0  }
0x1d: {  	s5 =	simm.s32 @p1 $0x1;
	p0 =	seq.s32 s7, s2  }
0x1e: {  	s7 =	smul.u32 @!p0 $0xF7A, s2;
	p2 =	seq.s32 @!p0 s5, $0x0  }
0x1f: {  	s9 =	smul.u32 $0xF7A, s1;
	s8 =	simm.s32 @!p0 $0x1BF5;
	p2 =	por !p2, p0  }
0x20: {  	[sflag:s8] =	ssyncset.s32 @!p0 $0xFFFFF086;
	s6 =	sadd.s32 @!p0 s3, s7;
	s7 =	simm.s32 @!p0 $0x108  }
0x21: {  	s3 =	sadd.s32 s3, s9;
	s6 =	sadd.s32 @!p0 $0x88, s6;
	s7 =	simm.s32 @p2 $0x1082  }
0x22: {  	[simem:s7], [sflag:s8] =	dma.local @!p0 [hbm:s6], $0xF7A  }
0x23: {  	s9 =	sor.u32 $0xD0000000, s2;
	s6 =	simm.s32 $0x108;
	_ =	swait.ge @!p0 [sflag:s8], $0x0  }
0x24: {  	s3 =	sadd.s32 $0x88, s3;
	s6 =	simm.s32 @!p1 $0x1082;
	[sflag:s4] =	ssyncset.s32 $0xFFFFF086  }
0x25: {  	[simem:s6], [sflag:s4] =	dma.local [hbm:s3], $0xF7A  }
0x26: {  	[smem:$0x3F9E] =	sst s1;
	(tag) =	ssettag s2;
	_ =	strace s9  }
0x27: {  	s1 =	sld [smem:$0x3FAE]  }
0x28: {  	s2 =	sld [smem:$0x3FAF]  }
0x29: {  	s4 =	sld [smem:$0x3FB1]  }
0x2a: {  	p0 =	seq.s32 s5, $0x0;
	s5 =	sld [smem:$0x3FB2]  }
0x2b: {  	s6 =	sld [smem:$0x3FB3]  }
0x2c: {  	s7 =	sld [smem:$0x3FB4]  }
0x2d: {  	s3 =	simm.s32 $0x108;
	s8 =	sld [smem:$0x3FB5]  }
0x2e: {  	s3 =	simm.s32 @!p0 $0x1082;
	s9 =	sld [smem:$0x3FB6]  }
0x2f: {  	lr =	sadd.s32 s0, s3;
	s0 =	sld [smem:$0x3FAD]  }
0x30: {  	s3 =	sld [smem:$0x3FB0]  }
0x31: {  	[smem:$0x3FB9] =	sst s10  }
0x32: {  	s10 =	sld [smem:$0x3FB7];
	_ =	sdelay $0x3  }
0x33: {  	p0 =	seq.s32 s10, $0x1;
	s10 =	sld [smem:$0x3FB9];
	_ =	sdelay $0x3  }
0x34: {  	[smem:$0x3FB9] =	sst s10  }
0x35: {  	s10 =	sld [smem:$0x3FB8];
	_ =	sdelay $0x3  }
0x36: {  	p1 =	seq.s32 s10, $0x1;
	s10 =	sld [smem:$0x3FB9];
	_ =	sdelay $0x3  }
0x37: {  	[smem:$0x3FB9] =	sst s10  }
0x38: {  	s10 =	sld [smem:$0x3FBA]  }
0x39: {  	_ = 	snop;
	(pc) =	sbr.ind lr, $3  }
0x3a: {  	_ = 	snop  }
0x3b: {  	_ = 	snop  }
0x3c: {  	p2 =	seq.s32 s10, $0x1;
	s10 =	sld [smem:$0x3FB9]  }
0x3d: {  	_ =	shalt  }
0x3e: {  	_ =	shalt  }
0x3f: {  	_ =	shalt  }
0x40: {  	_ =	shalt  }
0x41: {  	_ =	shalt  }
0x42: {  	_ =	shalt  }
0x43: {  	_ =	shalt  }
0x44: {  	_ =	shalt  }
0x45: {  	_ =	shalt  }
0x46: {  	_ =	shalt  }
0x47: {  	_ =	shalt  }
0x48: {  	_ =	shalt  }
0x49: {  	_ =	shalt  }
0x4a: {  	_ =	shalt  }
0x4b: {  	_ =	shalt  }
0x4c: {  	_ =	shalt  }
0x4d: {  	_ =	shalt  }
0x4e: {  	_ =	shalt  }
0x4f: {  	_ =	shalt  }
0x50: {  	_ =	shalt  }
0x51: {  	_ =	shalt  }
0x52: {  	_ =	shalt  }
0x53: {  	_ =	shalt  }
0x54: {  	_ =	shalt  }
0x55: {  	_ =	shalt  }
0x56: {  	_ =	shalt  }
0x57: {  	_ =	shalt  }
0x58: {  	_ =	shalt  }
0x59: {  	_ =	shalt  }
0x5a: {  	_ =	shalt  }
0x5b: {  	_ =	shalt  }
0x5c: {  	_ =	shalt  }
0x5d: {  	_ =	shalt  }
0x5e: {  	_ =	shalt  }
0x5f: {  	_ =	shalt  }
0x60: {  	_ =	shalt  }
0x61: {  	_ =	shalt  }
0x62: {  	_ =	shalt  }
0x63: {  	_ =	shalt  }
0x64: {  	_ =	shalt  }
0x65: {  	_ =	shalt  }
0x66: {  	_ =	shalt  }
0x67: {  	_ =	shalt  }
0x68: {  	_ =	shalt  }
0x69: {  	_ =	shalt  }
0x6a: {  	_ =	shalt  }
0x6b: {  	_ =	shalt  }
0x6c: {  	_ =	shalt  }
0x6d: {  	_ =	shalt  }
0x6e: {  	_ =	shalt  }
0x6f: {  	_ =	shalt  }
0x70: {  	_ =	shalt  }
0x71: {  	_ =	shalt  }
0x72: {  	_ =	shalt  }
0x73: {  	_ =	shalt  }
0x74: {  	_ =	shalt  }
0x75: {  	_ =	shalt  }
0x76: {  	_ =	shalt  }
0x77: {  	_ =	shalt  }
0x78: {  	_ =	shalt  }
0x79: {  	_ =	shalt  }
0x7a: {  	_ =	shalt  }
0x7b: {  	_ =	shalt  }
0x7c: {  	_ =	shalt  }
0x7d: {  	_ =	shalt  }
0x7e: {  	_ =	shalt  }
0x7f: {  	_ =	shalt  }
0x80: {  	_ =	shalt  }
0x81: {  	_ =	shalt  }
0x82: {  	_ =	shalt  }
0x83: {  	_ =	shalt  }
0x84: {  	_ =	shalt  }
0x85: {  	_ =	shalt  }
0x86: {  	_ =	shalt  }
0x87: {  	_ =	shalt  }
.Lfunc_end0:
.L_simem_size_0:
called_computation_lowered:
.L_overlay_start_0:
0x88: {  	s2 =	sld [smem:$0x3FD9]  }
0x89: {  	s3 =	sld [smem:$0x3FFE];
	_ =	sdelay $0x1  }
0x8a: {  	s1 =	srdreg.scid  }
0x8b: {  	s0 =	sand.u32 $0x1, s1  }
0x8c: {  	s16 =	sshll.u32 s0, $0xA;
	s2 =	sadd.s32 s3, s2  }
0x8d: {  	s2 =	sadd.s32 s2, s16  }
0x8e: {  	[smem:$0x3FC5] =	sst s2  }
0x8f: {  	_ = 	snop  }
0x90: {  	(tm) =	ssettm $0x1  }
0x91: {  	s17 =	sld [smem:$0x3FFB];
	_ =	sdelay $0x3  }
0x92: {  	_ =	strace s17  }
0x93: {  	s2 =	sld [smem:$0x3FFC];
	_ =	sdelay $0x3  }
0x94: {  	_ =	strace s2  }
0x95: {  	s2 =	sld [smem:$0x3FFD];
	_ =	sdelay $0x3  }
0x96: {  	_ =	strace s2  }
0x97: {  	_ =	strace $0x8FFFFFFF  }
0x98: {  	s18 =	sld [smem:$0x3FDB];
	_ =	sdelay $0x1  }
0x99: {  	s19 =	simm.s32 $_scs_section_size  }
0x9a: {  	s4 =	simm.s32 $_size__tile_overlayer_lowered;
	s5 =	simm.s32 $_tile_overlayer_lowered  }
0x9b: {  	s22 =	simm.s32 $0x1BFF;
	s21 =	sshll.u32 s5, $0x1;
	s2 =	sadd.s32 s19, s18  }
0x9c: {  	s6 =	simm.s32 $0x0;
	s20 =	sshll.u32 s4, $0x1;
	s4 =	sadd.s32 s21, s2  }
0x9d: {  	[timem:s6], [sflag:s22] =	dma.local [hbm:s4], s20  }
0x9e: {  	_ =	swait.ge [sflag:s22], s20  }
0x9f: {  	s3 =	ssub.s32 $0x0, s20;
	[sflag:s22] =	ssyncset.done $0x0  }
0xa0: {  	[sflag:s22] =	ssyncadd.s32 s3;
	_ =	sdelay $0x1  }
0xa1: {  	s23 =	simm.s32 $0x1B8B  }
0xa2: {  	_ =	swait.ge [sflag:s23], $0x1  }
0xa3: {  	[sflag:s23] =	ssyncset.done $0x0  }
0xa4: {  	s25 =	simm.s32 $0x1B8E;
	s24 =	sld [smem:$0x3FFE];
	[sflag:s23] =	ssyncadd.s32 $0xFFFFFFFF  }
0xa5: {  	s26 =	simm.s32 $execute0_lowered;
	[smem:$0x3FD2] =	sst s25  }
0xa6: {  	s4 =	sshll.u32 s26, $0x1;
	_ =	strace $0x80000046;
	[dreg:$0x1] =	wrdreg $0xFFFFFFFF  }
0xa7: {  	s28 =	simm.s32 $_size_execute0_lowered;
	s2 =	sadd.s32 s2, s4;
	[dreg:$0x0] =	wrdreg $0x0  }
0xa8: {  	s4 =	sshll.u32 s28, $0x1;
	[dreg:$0x2] =	wrdreg s2  }
0xa9: {  	[dreg:$0x3] =	wrdreg s4  }
0xaa: {  	[dreg:$0x4] =	wrdreg $0xC0  }
0xab: {  	_ =	task [dreg:s6], $0x5FFFF  }
0xac: {  	[dreg:$0x1] =	wrdreg $0xFFFFFFFF  }
0xad: {  	[dreg:$0x0] =	wrdreg $0x60  }
0xae: {  	[dreg:$0x2] =	wrdreg s24  }
0xaf: {  	[dreg:$0x3] =	wrdreg $0x9  }
0xb0: {  	_ =	task.clear_ibuf [dreg:s6], $0x4FFFF;
	_ =	strace $0x90000046  }
0xb1: {  	s29 =	simm.s32 $0x9;
	_ =	strace $0x80000048  }
0xb2: {  	_ =	swait.ge [sflag:s29], $0x1  }
0xb3: {  	[sflag:s29] =	ssyncadd.s32 $0xFFFFFFFF  }
0xb4: {  	_ =	strace $0x90000048  }
0xb5: {  	_ =	sfence  }
0xb6: {  	s30 =	sld [smem:$0x0];
	_ =	sdelay $0x2  }
0xb7: {  	s31 =	sshll.u32 s1, $0xD;
	s1 =	sshrl.u32 s1, $0x2  }
0xb8: {  	s3 =	sand.u32 $0x4000, s31;
	s1 =	sadd.s32 s1, s30  }
0xb9: {  	s0 =	sor.u32 s3, s0;
	s1 =	sshll.u32 s1, $0x11  }
0xba: {  	s0 =	sor.u32 s1, s0  }
0xbb: {  	s0 =	sadd.s32 $0x8F2B, s0  }
0xbc: {  	[sflag:s0] =	ssyncadd.remote.s32 $0x1  }
0xbd: {  	_ =	sfence.sel $0xFFFF  }
0xbe: {  	[dreg:$0x0] =	wrdreg $0xFFFFFFFF;
	(pc) =	sbr.abs _section_cstart, $3  }
0xbf: {  	[dreg:$0x1] =	wrdreg $0xFFFFFFFF  }
0xc0: {  	_ =	task.clear_ibuf [dreg:s6], $0x2FFFF;
	_ =	strace $0x9FFFFFFF  }
0xc1: {  	(tm) =	ssettm $0x7FFFFFFF  }
tec
execute0_lowered:
.L_overlay_start_1:
0x0: {  	(tag) =	ssettag $0x1  }
0x1: {  	s4 =	rddreg [dreg:$0x0]  }
0x2: {  	s0 =	rddreg [dreg:$0x1];
	s2 =	simm.s32 $0x0  }
0x3: {  	s1 =	stileid.u32;
	s3 =	srdreg.scid;
	s9 =	simm.s32 $0x200  }
0x4: {  	s10 =	simm.s32 $0x280;
	s11 =	simm.s32 $0x300;
	s12 =	simm.s32 $0x380  }
0x5: {  	s13 =	simm.s32 $0x80;
	s14 =	simm.s32 $0x400;
	s15 =	simm.s32 $0x2400  }
0x6: {  	s16 =	simm.s32 $0x4400;
	s17 =	simm.s32 $0x6400;
	s18 =	simm.s32 $0x1  }
0x7: {  	s19 =	simm.s32 $0x0;
	[smem:$0x7FF] =	sst s2;
	s5 =	sshll.u32 s1, $0xA  }
0x8: {  	v0 =	vlaneseq.u32;
	s6 =	sand.u32 $0x1, s3;
	s7 =	sshll.u32 s1, $0x10;
	s3 =	sadd.s32 $0x2200, s4  }
0x9: {  	v0 =	vmul.u32 $0x2, v0;
	_ =	strace $0x80000047;
	s5 =	sadd.s32 s5, s4;
	s8 =	ssub.s32 $0x2, s6  }
0xa: {  	s7 =	sadd.s32 s7, s4;
	s31 =	sshll.u32 s6, $0xF;
	s6 =	sshll.u32 s6, $0x9  }
0xb: {  	s30 =	sshrl.u32 s8, $0x1;
	s7 =	sadd.s32 s31, s7;
	s6 =	sadd.s32 s6, s5;
	v1 =	vor.u32 $0x20, v0  }
0xc: {  	v2 =	vor.u32 $0x40, v0;
	v3 =	vor.u32 $0x60, v0;
	v4 =	vor.u32 $0x1, v0;
	s4 =	ssub.s32 s8, s30;
	s5 =	sadd.s32 $0x7A7400, s7;
	s6 =	sadd.s32 $0x7A3500, s6  }
0xd: {  	v5 =	vor.u32 $0x21, v0;
	v6 =	vor.u32 $0x41, v0;
	v7 =	vor.u32 $0x61, v0;
	s7 =	simm.s32 $0x2;
	s8 =	simm.s32 $0x100;
	s4 =	smax.u32 s4, $0x1  }
.LBB2_1:
0xe: {  	s20 =	sadd.s32 $0xFFFFFF00, s6  }
0xf: {  	[tilespmem:s2], [sflag:$0x2] =	stream.linear.gather [hbm4b:s20+s2], $0x100, $0x38;
	[tilespmem:$0x8400] =	vst v63  }
0x10: {  	_ =	swait.ge [sflag:s7], $0x100  }
0x11: {  	[sflag:s7] =	ssyncset.done $0x0  }
0x12: {  	[sflag:s7] =	ssyncadd.s32 $0xFFFFFF00  }
0x13: {  	[tilespmem:s8], [sflag:$0x2] =	stream.linear.gather [hbm4b:s6+s2], $0x100, $0x38;
	[tilespmem:$0x8400] =	vst v63  }
0x14: {  	_ =	swait.ge [sflag:s7], $0x100  }
0x15: {  	[sflag:s7] =	ssyncset.done $0x0  }
0x16: {  	[sflag:s7] =	ssyncadd.s32 $0xFFFFFF00  }
0x17: {  	v8 =	vld [tilespmem:$0x0];
	_ =	sdelay $0x4  }
0x18: {  	[tilespmem:v0+s9+$0x0] =	vst.idx.msk $0xffff, v8  }
0x19: {  	v8 =	vld [tilespmem:$0x10];
	_ =	sdelay $0x4  }
0x1a: {  	[tilespmem:v1+s9+$0x0] =	vst.idx.msk $0xffff, v8  }
0x1b: {  	v8 =	vld [tilespmem:$0x20];
	_ =	sdelay $0x4  }
0x1c: {  	[tilespmem:v2+s9+$0x0] =	vst.idx.msk $0xffff, v8  }
0x1d: {  	v8 =	vld [tilespmem:$0x30];
	_ =	sdelay $0x4  }
0x1e: {  	[tilespmem:v3+s9+$0x0] =	vst.idx.msk $0xffff, v8  }
0x1f: {  	v8 =	vld [tilespmem:$0x40];
	_ =	sdelay $0x4  }
0x20: {  	[tilespmem:v0+s10+$0x0] =	vst.idx.msk $0xffff, v8  }
0x21: {  	v8 =	vld [tilespmem:$0x50];
	_ =	sdelay $0x4  }
0x22: {  	[tilespmem:v1+s10+$0x0] =	vst.idx.msk $0xffff, v8  }
0x23: {  	v8 =	vld [tilespmem:$0x60];
	_ =	sdelay $0x4  }
0x24: {  	[tilespmem:v2+s10+$0x0] =	vst.idx.msk $0xffff, v8  }
0x25: {  	v8 =	vld [tilespmem:$0x70];
	_ =	sdelay $0x4  }
0x26: {  	[tilespmem:v3+s10+$0x0] =	vst.idx.msk $0xffff, v8  }
0x27: {  	v8 =	vld [tilespmem:$0x80];
	_ =	sdelay $0x4  }
0x28: {  	[tilespmem:v0+s11+$0x0] =	vst.idx.msk $0xffff, v8  }
0x29: {  	v8 =	vld [tilespmem:$0x90];
	_ =	sdelay $0x4  }
0x2a: {  	[tilespmem:v1+s11+$0x0] =	vst.idx.msk $0xffff, v8  }
0x2b: {  	v8 =	vld [tilespmem:$0xA0];
	_ =	sdelay $0x4  }
0x2c: {  	[tilespmem:v2+s11+$0x0] =	vst.idx.msk $0xffff, v8  }
0x2d: {  	v8 =	vld [tilespmem:$0xB0];
	_ =	sdelay $0x4  }
0x2e: {  	[tilespmem:v3+s11+$0x0] =	vst.idx.msk $0xffff, v8  }
0x2f: {  	v8 =	vld [tilespmem:$0xC0];
	_ =	sdelay $0x4  }
0x30: {  	[tilespmem:v0+s12+$0x0] =	vst.idx.msk $0xffff, v8  }
0x31: {  	v8 =	vld [tilespmem:$0xD0];
	_ =	sdelay $0x4  }
0x32: {  	[tilespmem:v1+s12+$0x0] =	vst.idx.msk $0xffff, v8  }
0x33: {  	v8 =	vld [tilespmem:$0xE0];
	_ =	sdelay $0x4  }
0x34: {  	[tilespmem:v2+s12+$0x0] =	vst.idx.msk $0xffff, v8  }
0x35: {  	v8 =	vld [tilespmem:$0xF0];
	_ =	sdelay $0x4  }
0x36: {  	[tilespmem:v3+s12+$0x0] =	vst.idx.msk $0xffff, v8  }
0x37: {  	v8 =	vld [tilespmem:$0x100];
	_ =	sdelay $0x4  }
0x38: {  	[tilespmem:v4+s9+$0x0] =	vst.idx.msk $0xffff, v8  }
0x39: {  	v8 =	vld [tilespmem:$0x110];
	_ =	sdelay $0x4  }
0x3a: {  	[tilespmem:v5+s9+$0x0] =	vst.idx.msk $0xffff, v8  }
0x3b: {  	v8 =	vld [tilespmem:$0x120];
	_ =	sdelay $0x4  }
0x3c: {  	[tilespmem:v6+s9+$0x0] =	vst.idx.msk $0xffff, v8  }
0x3d: {  	v8 =	vld [tilespmem:$0x130];
	_ =	sdelay $0x4  }
0x3e: {  	[tilespmem:v7+s9+$0x0] =	vst.idx.msk $0xffff, v8  }
0x3f: {  	v8 =	vld [tilespmem:$0x140];
	_ =	sdelay $0x4  }
0x40: {  	[tilespmem:v4+s10+$0x0] =	vst.idx.msk $0xffff, v8  }
0x41: {  	v8 =	vld [tilespmem:$0x150];
	_ =	sdelay $0x4  }
0x42: {  	[tilespmem:v5+s10+$0x0] =	vst.idx.msk $0xffff, v8  }
0x43: {  	v8 =	vld [tilespmem:$0x160];
	_ =	sdelay $0x4  }
0x44: {  	[tilespmem:v6+s10+$0x0] =	vst.idx.msk $0xffff, v8  }
0x45: {  	v8 =	vld [tilespmem:$0x170];
	_ =	sdelay $0x4  }
0x46: {  	[tilespmem:v7+s10+$0x0] =	vst.idx.msk $0xffff, v8  }
0x47: {  	v8 =	vld [tilespmem:$0x180];
	_ =	sdelay $0x4  }
0x48: {  	[tilespmem:v4+s11+$0x0] =	vst.idx.msk $0xffff, v8  }
0x49: {  	v8 =	vld [tilespmem:$0x190];
	_ =	sdelay $0x4  }
0x4a: {  	[tilespmem:v5+s11+$0x0] =	vst.idx.msk $0xffff, v8  }
0x4b: {  	v8 =	vld [tilespmem:$0x1A0];
	_ =	sdelay $0x4  }
0x4c: {  	[tilespmem:v6+s11+$0x0] =	vst.idx.msk $0xffff, v8  }
0x4d: {  	v8 =	vld [tilespmem:$0x1B0];
	_ =	sdelay $0x4  }
0x4e: {  	[tilespmem:v7+s11+$0x0] =	vst.idx.msk $0xffff, v8  }
0x4f: {  	v8 =	vld [tilespmem:$0x1C0];
	_ =	sdelay $0x4  }
0x50: {  	[tilespmem:v4+s12+$0x0] =	vst.idx.msk $0xffff, v8  }
0x51: {  	v8 =	vld [tilespmem:$0x1D0];
	_ =	sdelay $0x4  }
0x52: {  	[tilespmem:v5+s12+$0x0] =	vst.idx.msk $0xffff, v8  }
0x53: {  	v8 =	vld [tilespmem:$0x1E0];
	_ =	sdelay $0x4  }
0x54: {  	[tilespmem:v6+s12+$0x0] =	vst.idx.msk $0xffff, v8  }
0x55: {  	v8 =	vld [tilespmem:$0x1F0];
	_ =	sdelay $0x4  }
0x56: {  	[tilespmem:v7+s12+$0x0] =	vst.idx.msk $0xffff, v8  }
0x57: {  	[tilespmem:s14], [sflag:$0x1] =	stream.indirect.gather [hbm4b:s3+s13], $0x40, s9, s13, $0xb8;
	[tilespmem:$0x8400] =	vst v63  }
0x58: {  	_ = 	snop  }
0x59: {  	[tilespmem:s15], [sflag:$0x1] =	stream.indirect.gather [hbm4b:s3+s13], $0x40, s10, s13, $0xb8;
	[tilespmem:$0x8400] =	vst v63  }
0x5a: {  	_ = 	snop  }
0x5b: {  	[tilespmem:s16], [sflag:$0x1] =	stream.indirect.gather [hbm4b:s3+s13], $0x40, s11, s13, $0xb8;
	[tilespmem:$0x8400] =	vst v63  }
0x5c: {  	_ = 	snop  }
0x5d: {  	[tilespmem:s17], [sflag:$0x1] =	stream.indirect.gather [hbm4b:s3+s13], $0x40, s12, s13, $0xb8;
	[tilespmem:$0x8400] =	vst v63  }
0x5e: {  	_ =	swait.ge [sflag:s18], $0x2000  }
0x5f: {  	[sflag:s18] =	ssyncset.done $0x0  }
0x60: {  	[sflag:s18] =	ssyncadd.s32 $0xFFFFE000  }
0x61: {  	_ =	swait.ge [sflag:s18], $0x2000  }
0x62: {  	[sflag:s18] =	ssyncset.done $0x0  }
0x63: {  	[sflag:s18] =	ssyncadd.s32 $0xFFFFE000  }
0x64: {  	_ =	swait.ge [sflag:s18], $0x2000  }
0x65: {  	[sflag:s18] =	ssyncset.done $0x0  }
0x66: {  	[sflag:s18] =	ssyncadd.s32 $0xFFFFE000  }
0x67: {  	_ =	swait.ge [sflag:s18], $0x2000  }
0x68: {  	[sflag:s18] =	ssyncset.done $0x0  }
0x69: {  	s31 =	sadd.s32 $0x0, s5;
	[sflag:s18] =	ssyncadd.s32 $0xFFFFE000  }
0x6a: {  	[hbm4b:s31+s2] =	stream.linear.scatter [tilespmem:s14], [sflag:$0x2], $0x8000, $0x38;
	[tilespmem:$0x8400] =	vst v63  }
0x6b: {  	s22 =	simm.s32 $0x2000;
	_ =	swait.ge [sflag:s7], $0x8000  }
0x6c: {  	s21 =	sadd.s32 $0x20, s6;
	s20 =	simm.s32 $0x1000;
	[sflag:s7] =	ssyncset.done $0x0  }
.LBB2_2:
0x6d: {  	p0 =	sne.s32 s22, $0x7000;
	s23 =	sadd.s32 $0xFFFFFF00, s21;
	[sflag:s7] =	ssyncadd.s32 $0xFFFF8000  }
0x6e: {  	[tilespmem:s2], [sflag:$0x2] =	stream.linear.gather [hbm4b:s23+s2], $0x100, $0x38;
	[tilespmem:$0x8400] =	vst v63  }
0x6f: {  	s23 =	smov.u32 s22;
	s22 =	sadd.s32 $0x1000, s22;
	_ =	swait.ge [sflag:s7], $0x100  }
0x70: {  	[sflag:s7] =	ssyncset.done $0x0  }
0x71: {  	[sflag:s7] =	ssyncadd.s32 $0xFFFFFF00  }
0x72: {  	[tilespmem:s8], [sflag:$0x2] =	stream.linear.gather [hbm4b:s21+s2], $0x100, $0x38;
	[tilespmem:$0x8400] =	vst v63  }
0x73: {  	_ =	swait.ge [sflag:s7], $0x100  }
0x74: {  	[sflag:s7] =	ssyncset.done $0x0  }
0x75: {  	[sflag:s7] =	ssyncadd.s32 $0xFFFFFF00  }
0x76: {  	v8 =	vld [tilespmem:$0x0];
	_ =	sdelay $0x4  }
0x77: {  	[tilespmem:v0+s9+$0x0] =	vst.idx.msk $0xffff, v8  }
0x78: {  	v8 =	vld [tilespmem:$0x10];
	_ =	sdelay $0x4  }
0x79: {  	[tilespmem:v1+s9+$0x0] =	vst.idx.msk $0xffff, v8  }
0x7a: {  	v8 =	vld [tilespmem:$0x20];
	_ =	sdelay $0x4  }
0x7b: {  	[tilespmem:v2+s9+$0x0] =	vst.idx.msk $0xffff, v8  }
0x7c: {  	v8 =	vld [tilespmem:$0x30];
	_ =	sdelay $0x4  }
0x7d: {  	[tilespmem:v3+s9+$0x0] =	vst.idx.msk $0xffff, v8  }
0x7e: {  	v8 =	vld [tilespmem:$0x40];
	_ =	sdelay $0x4  }
0x7f: {  	[tilespmem:v0+s10+$0x0] =	vst.idx.msk $0xffff, v8  }
0x80: {  	v8 =	vld [tilespmem:$0x50];
	_ =	sdelay $0x4  }
0x81: {  	[tilespmem:v1+s10+$0x0] =	vst.idx.msk $0xffff, v8  }
0x82: {  	v8 =	vld [tilespmem:$0x60];
	_ =	sdelay $0x4  }
0x83: {  	[tilespmem:v2+s10+$0x0] =	vst.idx.msk $0xffff, v8  }
0x84: {  	v8 =	vld [tilespmem:$0x70];
	_ =	sdelay $0x4  }
0x85: {  	[tilespmem:v3+s10+$0x0] =	vst.idx.msk $0xffff, v8  }
0x86: {  	v8 =	vld [tilespmem:$0x80];
	_ =	sdelay $0x4  }
0x87: {  	[tilespmem:v0+s11+$0x0] =	vst.idx.msk $0xffff, v8  }
0x88: {  	v8 =	vld [tilespmem:$0x90];
	_ =	sdelay $0x4  }
0x89: {  	[tilespmem:v1+s11+$0x0] =	vst.idx.msk $0xffff, v8  }
0x8a: {  	v8 =	vld [tilespmem:$0xA0];
	_ =	sdelay $0x4  }
0x8b: {  	[tilespmem:v2+s11+$0x0] =	vst.idx.msk $0xffff, v8  }
0x8c: {  	v8 =	vld [tilespmem:$0xB0];
	_ =	sdelay $0x4  }
0x8d: {  	[tilespmem:v3+s11+$0x0] =	vst.idx.msk $0xffff, v8  }
0x8e: {  	v8 =	vld [tilespmem:$0xC0];
	_ =	sdelay $0x4  }
0x8f: {  	[tilespmem:v0+s12+$0x0] =	vst.idx.msk $0xffff, v8  }
0x90: {  	v8 =	vld [tilespmem:$0xD0];
	_ =	sdelay $0x4  }
0x91: {  	[tilespmem:v1+s12+$0x0] =	vst.idx.msk $0xffff, v8  }
0x92: {  	v8 =	vld [tilespmem:$0xE0];
	_ =	sdelay $0x4  }
0x93: {  	[tilespmem:v2+s12+$0x0] =	vst.idx.msk $0xffff, v8  }
0x94: {  	v8 =	vld [tilespmem:$0xF0];
	_ =	sdelay $0x4  }
0x95: {  	[tilespmem:v3+s12+$0x0] =	vst.idx.msk $0xffff, v8  }
0x96: {  	v8 =	vld [tilespmem:$0x100];
	_ =	sdelay $0x4  }
0x97: {  	[tilespmem:v4+s9+$0x0] =	vst.idx.msk $0xffff, v8  }
0x98: {  	v8 =	vld [tilespmem:$0x110];
	_ =	sdelay $0x4  }
0x99: {  	[tilespmem:v5+s9+$0x0] =	vst.idx.msk $0xffff, v8  }
0x9a: {  	v8 =	vld [tilespmem:$0x120];
	_ =	sdelay $0x4  }
0x9b: {  	[tilespmem:v6+s9+$0x0] =	vst.idx.msk $0xffff, v8  }
0x9c: {  	v8 =	vld [tilespmem:$0x130];
	_ =	sdelay $0x4  }
0x9d: {  	[tilespmem:v7+s9+$0x0] =	vst.idx.msk $0xffff, v8  }
0x9e: {  	v8 =	vld [tilespmem:$0x140];
	_ =	sdelay $0x4  }
0x9f: {  	[tilespmem:v4+s10+$0x0] =	vst.idx.msk $0xffff, v8  }
0xa0: {  	v8 =	vld [tilespmem:$0x150];
	_ =	sdelay $0x4  }
0xa1: {  	[tilespmem:v5+s10+$0x0] =	vst.idx.msk $0xffff, v8  }
0xa2: {  	v8 =	vld [tilespmem:$0x160];
	_ =	sdelay $0x4  }
0xa3: {  	[tilespmem:v6+s10+$0x0] =	vst.idx.msk $0xffff, v8  }
0xa4: {  	v8 =	vld [tilespmem:$0x170];
	_ =	sdelay $0x4  }
0xa5: {  	[tilespmem:v7+s10+$0x0] =	vst.idx.msk $0xffff, v8  }
0xa6: {  	v8 =	vld [tilespmem:$0x180];
	_ =	sdelay $0x4  }
0xa7: {  	[tilespmem:v4+s11+$0x0] =	vst.idx.msk $0xffff, v8  }
0xa8: {  	v8 =	vld [tilespmem:$0x190];
	_ =	sdelay $0x4  }
0xa9: {  	[tilespmem:v5+s11+$0x0] =	vst.idx.msk $0xffff, v8  }
0xaa: {  	v8 =	vld [tilespmem:$0x1A0];
	_ =	sdelay $0x4  }
0xab: {  	[tilespmem:v6+s11+$0x0] =	vst.idx.msk $0xffff, v8  }
0xac: {  	v8 =	vld [tilespmem:$0x1B0];
	_ =	sdelay $0x4  }
0xad: {  	[tilespmem:v7+s11+$0x0] =	vst.idx.msk $0xffff, v8  }
0xae: {  	v8 =	vld [tilespmem:$0x1C0];
	_ =	sdelay $0x4  }
0xaf: {  	[tilespmem:v4+s12+$0x0] =	vst.idx.msk $0xffff, v8  }
0xb0: {  	v8 =	vld [tilespmem:$0x1D0];
	_ =	sdelay $0x4  }
0xb1: {  	[tilespmem:v5+s12+$0x0] =	vst.idx.msk $0xffff, v8  }
0xb2: {  	v8 =	vld [tilespmem:$0x1E0];
	_ =	sdelay $0x4  }
0xb3: {  	[tilespmem:v6+s12+$0x0] =	vst.idx.msk $0xffff, v8  }
0xb4: {  	v8 =	vld [tilespmem:$0x1F0];
	_ =	sdelay $0x4  }
0xb5: {  	[tilespmem:v7+s12+$0x0] =	vst.idx.msk $0xffff, v8  }
0xb6: {  	[tilespmem:s14], [sflag:$0x1] =	stream.indirect.gather [hbm4b:s3+s13], $0x40, s9, s13, $0xb8;
	[tilespmem:$0x8400] =	vst v63  }
0xb7: {  	_ = 	snop  }
0xb8: {  	[tilespmem:s15], [sflag:$0x1] =	stream.indirect.gather [hbm4b:s3+s13], $0x40, s10, s13, $0xb8;
	[tilespmem:$0x8400] =	vst v63  }
0xb9: {  	_ = 	snop  }
0xba: {  	[tilespmem:s16], [sflag:$0x1] =	stream.indirect.gather [hbm4b:s3+s13], $0x40, s11, s13, $0xb8;
	[tilespmem:$0x8400] =	vst v63  }
0xbb: {  	_ = 	snop  }
0xbc: {  	[tilespmem:s17], [sflag:$0x1] =	stream.indirect.gather [hbm4b:s3+s13], $0x40, s12, s13, $0xb8;
	[tilespmem:$0x8400] =	vst v63  }
0xbd: {  	_ =	swait.ge [sflag:s18], $0x2000  }
0xbe: {  	[sflag:s18] =	ssyncset.done $0x0  }
0xbf: {  	[sflag:s18] =	ssyncadd.s32 $0xFFFFE000  }
0xc0: {  	_ =	swait.ge [sflag:s18], $0x2000  }
0xc1: {  	[sflag:s18] =	ssyncset.done $0x0  }
0xc2: {  	[sflag:s18] =	ssyncadd.s32 $0xFFFFE000  }
0xc3: {  	_ =	swait.ge [sflag:s18], $0x2000  }
0xc4: {  	[sflag:s18] =	ssyncset.done $0x0  }
0xc5: {  	[sflag:s18] =	ssyncadd.s32 $0xFFFFE000  }
0xc6: {  	_ =	swait.ge [sflag:s18], $0x2000  }
.Ltmp0:
0xc7: {  	[sflag:s18] =	ssyncset.done $0x0;
	(pc) =	sbr.rel @p0 .LBB2_2-.Ltmp0, $4  }
0xc8: {  	s24 =	sadd.s32 s20, s5;
	s20 =	smov.u32 s23;
	[sflag:s18] =	ssyncadd.s32 $0xFFFFE000  }
0xc9: {  	[hbm4b:s24+s2] =	stream.linear.scatter [tilespmem:s14], [sflag:$0x2], $0x8000, $0x38;
	[tilespmem:$0x8400] =	vst v63  }
0xca: {  	_ =	swait.ge [sflag:s7], $0x8000  }
0xcb: {  	s21 =	sadd.s32 $0x20, s21;
	[sflag:s7] =	ssyncset.done $0x0  }
0xcc: {  	s22 =	sadd.s32 $0xFFFFFF00, s21;
	[sflag:s7] =	ssyncadd.s32 $0xFFFF8000  }
0xcd: {  	[tilespmem:s2], [sflag:$0x2] =	stream.linear.gather [hbm4b:s22+s2], $0x100, $0x38;
	[tilespmem:$0x8400] =	vst v63  }
0xce: {  	_ =	swait.ge [sflag:s7], $0x100  }
0xcf: {  	[sflag:s7] =	ssyncset.done $0x0  }
0xd0: {  	[sflag:s7] =	ssyncadd.s32 $0xFFFFFF00  }
0xd1: {  	[tilespmem:s8], [sflag:$0x2] =	stream.linear.gather [hbm4b:s21+s2], $0x100, $0x38;
	[tilespmem:$0x8400] =	vst v63  }
0xd2: {  	_ =	swait.ge [sflag:s7], $0x100  }
0xd3: {  	[sflag:s7] =	ssyncset.done $0x0  }
0xd4: {  	[sflag:s7] =	ssyncadd.s32 $0xFFFFFF00  }
0xd5: {  	v8 =	vld [tilespmem:$0x0];
	_ =	sdelay $0x4  }
0xd6: {  	[tilespmem:v0+s9+$0x0] =	vst.idx.msk $0xffff, v8  }
0xd7: {  	v8 =	vld [tilespmem:$0x10];
	_ =	sdelay $0x4  }
0xd8: {  	[tilespmem:v1+s9+$0x0] =	vst.idx.msk $0xffff, v8  }
0xd9: {  	v8 =	vld [tilespmem:$0x20];
	_ =	sdelay $0x4  }
0xda: {  	[tilespmem:v2+s9+$0x0] =	vst.idx.msk $0xffff, v8  }
0xdb: {  	v8 =	vld [tilespmem:$0x30];
	_ =	sdelay $0x4  }
0xdc: {  	[tilespmem:v3+s9+$0x0] =	vst.idx.msk $0xffff, v8  }
0xdd: {  	v8 =	vld [tilespmem:$0x40];
	_ =	sdelay $0x4  }
0xde: {  	[tilespmem:v0+s10+$0x0] =	vst.idx.msk $0xffff, v8  }
0xdf: {  	v8 =	vld [tilespmem:$0x50];
	_ =	sdelay $0x4  }
0xe0: {  	[tilespmem:v1+s10+$0x0] =	vst.idx.msk $0xffff, v8  }
0xe1: {  	v8 =	vld [tilespmem:$0x60];
	_ =	sdelay $0x4  }
0xe2: {  	[tilespmem:v2+s10+$0x0] =	vst.idx.msk $0xffff, v8  }
0xe3: {  	v8 =	vld [tilespmem:$0x70];
	_ =	sdelay $0x4  }
0xe4: {  	[tilespmem:v3+s10+$0x0] =	vst.idx.msk $0xffff, v8  }
0xe5: {  	v8 =	vld [tilespmem:$0x80];
	_ =	sdelay $0x4  }
0xe6: {  	[tilespmem:v0+s11+$0x0] =	vst.idx.msk $0xffff, v8  }
0xe7: {  	v8 =	vld [tilespmem:$0x90];
	_ =	sdelay $0x4  }
0xe8: {  	[tilespmem:v1+s11+$0x0] =	vst.idx.msk $0xffff, v8  }
0xe9: {  	v8 =	vld [tilespmem:$0xA0];
	_ =	sdelay $0x4  }
0xea: {  	[tilespmem:v2+s11+$0x0] =	vst.idx.msk $0xffff, v8  }
0xeb: {  	v8 =	vld [tilespmem:$0xB0];
	_ =	sdelay $0x4  }
0xec: {  	[tilespmem:v3+s11+$0x0] =	vst.idx.msk $0xffff, v8  }
0xed: {  	v8 =	vld [tilespmem:$0xC0];
	_ =	sdelay $0x4  }
0xee: {  	[tilespmem:v0+s12+$0x0] =	vst.idx.msk $0xffff, v8  }
0xef: {  	v8 =	vld [tilespmem:$0xD0];
	_ =	sdelay $0x4  }
0xf0: {  	[tilespmem:v1+s12+$0x0] =	vst.idx.msk $0xffff, v8  }
0xf1: {  	v8 =	vld [tilespmem:$0xE0];
	_ =	sdelay $0x4  }
0xf2: {  	[tilespmem:v2+s12+$0x0] =	vst.idx.msk $0xffff, v8  }
0xf3: {  	v8 =	vld [tilespmem:$0xF0];
	_ =	sdelay $0x4  }
0xf4: {  	[tilespmem:v3+s12+$0x0] =	vst.idx.msk $0xffff, v8  }
0xf5: {  	v8 =	vld [tilespmem:$0x100];
	_ =	sdelay $0x4  }
0xf6: {  	[tilespmem:v4+s9+$0x0] =	vst.idx.msk $0xffff, v8  }
0xf7: {  	v8 =	vld [tilespmem:$0x110];
	_ =	sdelay $0x4  }
0xf8: {  	[tilespmem:v5+s9+$0x0] =	vst.idx.msk $0xffff, v8  }
0xf9: {  	v8 =	vld [tilespmem:$0x120];
	_ =	sdelay $0x4  }
0xfa: {  	[tilespmem:v6+s9+$0x0] =	vst.idx.msk $0xffff, v8  }
0xfb: {  	v8 =	vld [tilespmem:$0x130];
	_ =	sdelay $0x4  }
0xfc: {  	[tilespmem:v7+s9+$0x0] =	vst.idx.msk $0xffff, v8  }
0xfd: {  	v8 =	vld [tilespmem:$0x140];
	_ =	sdelay $0x4  }
0xfe: {  	[tilespmem:v4+s10+$0x0] =	vst.idx.msk $0xffff, v8  }
0xff: {  	v8 =	vld [tilespmem:$0x150];
	_ =	sdelay $0x4  }
0x100: {  	[tilespmem:v5+s10+$0x0] =	vst.idx.msk $0xffff, v8  }
0x101: {  	v8 =	vld [tilespmem:$0x160];
	_ =	sdelay $0x4  }
0x102: {  	[tilespmem:v6+s10+$0x0] =	vst.idx.msk $0xffff, v8  }
0x103: {  	v8 =	vld [tilespmem:$0x170];
	_ =	sdelay $0x4  }
0x104: {  	[tilespmem:v7+s10+$0x0] =	vst.idx.msk $0xffff, v8  }
0x105: {  	v8 =	vld [tilespmem:$0x180];
	_ =	sdelay $0x4  }
0x106: {  	[tilespmem:v4+s11+$0x0] =	vst.idx.msk $0xffff, v8  }
0x107: {  	v8 =	vld [tilespmem:$0x190];
	_ =	sdelay $0x4  }
0x108: {  	[tilespmem:v5+s11+$0x0] =	vst.idx.msk $0xffff, v8  }
0x109: {  	v8 =	vld [tilespmem:$0x1A0];
	_ =	sdelay $0x4  }
0x10a: {  	[tilespmem:v6+s11+$0x0] =	vst.idx.msk $0xffff, v8  }
0x10b: {  	v8 =	vld [tilespmem:$0x1B0];
	_ =	sdelay $0x4  }
0x10c: {  	[tilespmem:v7+s11+$0x0] =	vst.idx.msk $0xffff, v8  }
0x10d: {  	v8 =	vld [tilespmem:$0x1C0];
	_ =	sdelay $0x4  }
0x10e: {  	[tilespmem:v4+s12+$0x0] =	vst.idx.msk $0xffff, v8  }
0x10f: {  	v8 =	vld [tilespmem:$0x1D0];
	_ =	sdelay $0x4  }
0x110: {  	[tilespmem:v5+s12+$0x0] =	vst.idx.msk $0xffff, v8  }
0x111: {  	v8 =	vld [tilespmem:$0x1E0];
	_ =	sdelay $0x4  }
0x112: {  	[tilespmem:v6+s12+$0x0] =	vst.idx.msk $0xffff, v8  }
0x113: {  	v8 =	vld [tilespmem:$0x1F0];
	_ =	sdelay $0x4  }
0x114: {  	[tilespmem:v7+s12+$0x0] =	vst.idx.msk $0xffff, v8  }
0x115: {  	[tilespmem:s14], [sflag:$0x1] =	stream.indirect.gather [hbm4b:s3+s13], $0x40, s9, s13, $0xb8;
	[tilespmem:$0x8400] =	vst v63  }
0x116: {  	_ = 	snop  }
0x117: {  	[tilespmem:s15], [sflag:$0x1] =	stream.indirect.gather [hbm4b:s3+s13], $0x40, s10, s13, $0xb8;
	[tilespmem:$0x8400] =	vst v63  }
0x118: {  	_ = 	snop  }
0x119: {  	[tilespmem:s16], [sflag:$0x1] =	stream.indirect.gather [hbm4b:s3+s13], $0x40, s11, s13, $0xb8;
	[tilespmem:$0x8400] =	vst v63  }
0x11a: {  	_ = 	snop  }
0x11b: {  	[tilespmem:s17], [sflag:$0x1] =	stream.indirect.gather [hbm4b:s3+s13], $0x40, s12, s13, $0xb8;
	[tilespmem:$0x8400] =	vst v63  }
0x11c: {  	_ =	swait.ge [sflag:s18], $0x2000  }
0x11d: {  	[sflag:s18] =	ssyncset.done $0x0  }
0x11e: {  	[sflag:s18] =	ssyncadd.s32 $0xFFFFE000  }
0x11f: {  	_ =	swait.ge [sflag:s18], $0x2000  }
0x120: {  	[sflag:s18] =	ssyncset.done $0x0  }
0x121: {  	[sflag:s18] =	ssyncadd.s32 $0xFFFFE000  }
0x122: {  	_ =	swait.ge [sflag:s18], $0x2000  }
0x123: {  	[sflag:s18] =	ssyncset.done $0x0  }
0x124: {  	[sflag:s18] =	ssyncadd.s32 $0xFFFFE000  }
0x125: {  	s19 =	sadd.s32 $0x1, s19;
	_ =	swait.ge [sflag:s18], $0x2000  }
0x126: {  	p0 =	sne.s32 s19, s4;
	[sflag:s18] =	ssyncset.done $0x0  }
.Ltmp1:
0x127: {  	s20 =	sadd.s32 s20, s5;
	[sflag:s18] =	ssyncadd.s32 $0xFFFFE000;
	(pc) =	sbr.rel @p0 .LBB2_1-.Ltmp1, $4  }
0x128: {  	[hbm4b:s20+s2] =	stream.linear.scatter [tilespmem:s14], [sflag:$0x2], $0x8000, $0x38;
	[tilespmem:$0x8400] =	vst v63  }
0x129: {  	_ =	swait.ge [sflag:s7], $0x8000  }
0x12a: {  	[sflag:s7] =	ssyncset.done $0x0  }
0x12b: {  	[sflag:s7] =	ssyncadd.s32 $0xFFFF8000  }
0x12c: {  	_ =	sfence.sel $0x180000  }
0x12d: {  	[bflag:$0x0] =	sbarrier.arrive $0xFFFF  }
0x12e: {  	p0 =	sne.s32 s1, $0x0;
	_ =	strace $0x90000047  }
0x12f: {  	s0 =	sadd.s32 @!p0 $0x100000, s0;
	[bflag:$0x2] =	sbarrier.arrive $0xFFFF  }
0x130: {  	[sflag:s0] =	ssyncadd.tile.s32 @!p0 $0x1;
	_ =	shalt  }
.Lfunc_end2:
_tile_overlayer_lowered:
.L_overlay_start_2:
0x131: {  	(tag) =	ssettag $0x2  }
0x132: {  	s0 =	rddreg [dreg:$0x0];
	s2 =	stileid.u32  }
0x133: {  	s1 =	rddreg [dreg:$0x1];
	p0 =	sne.s32 s2, $0x0  }
0x134: {  	s3 =	rddreg [dreg:$0x2];
	[bflag:$0x3] =	sbarrier.arrive $0xFFFF;
	s2 =	simm.s32 @!p0 $0x1C02  }
0x135: {  	[timem:s3], [sflag:s2] =	dma.local @!p0 [hbm:s0], s1  }
0x136: {  	s0 =	simm.s32 @!p0 $0x2  }
0x137: {  	_ =	swait.ge @!p0 [sflag:s0], s1  }
0x138: {  	s1 =	ssub.s32 @!p0 $0x0, s1;
	[sflag:s0] =	ssyncset.done @!p0 $0x0  }
0x139: {  	[sflag:s0] =	ssyncadd.s32 @!p0 s1  }
0x13a: {  	[bflag:$0x3] =	sbarrier.arrive $0xFFFF  }
0x13b: {  	_ =	shalt  }

// kernel: _run.17.cloned.1.call-start
scs
__scs_entry_jumppad:
0x0: {  	(pc) =	sbr.rel $0x88, $3  }
0x1: {  	(tag) =	ssettag $0x0;
	lr =	simm.s32 $0x1  }
0x2: {  	[smem:$0x3F9E] =	sst lr;
	_ =	strace $0xD0000000  }
0x3: {  	_ = 	snop  }
0x4: {  	_ = 	snop  }
0x5: {  	_ = 	snop  }
0x6: {  	_ = 	snop  }
0x7: {  	_ = 	snop  }
__scs_overlays_trampoline_lowered:
0x8: {  	[smem:$0x3FAD] =	sst s0  }
0x9: {  	[smem:$0x3FAE] =	sst s1  }
0xa: {  	[smem:$0x3FAF] =	sst s2  }
0xb: {  	[smem:$0x3FB0] =	sst s3  }
0xc: {  	[smem:$0x3FB1] =	sst s4  }
0xd: {  	[smem:$0x3FB2] =	sst s5  }
0xe: {  	[smem:$0x3FB3] =	sst s6  }
0xf: {  	[smem:$0x3FB4] =	sst s7  }
0x10: {  	[smem:$0x3FB5] =	sst s8  }
0x11: {  	[smem:$0x3FB6] =	sst s9;
	s0 =	simm.s32 @!p0 $0x0  }
0x12: {  	s1 =	sld [smem:$0x3F9C];
	s0 =	simm.s32 @p0 $0x1  }
0x13: {  	[smem:$0x3FB7] =	sst s0;
	s0 =	simm.s32 @!p1 $0x0  }
0x14: {  	s2 =	sld [smem:$0x3F9B];
	s0 =	simm.s32 @p1 $0x1  }
0x15: {  	[smem:$0x3FB8] =	sst s0;
	s0 =	simm.s32 @!p2 $0x0  }
0x16: {  	s3 =	sld [smem:$0x3FDB];
	s0 =	simm.s32 @p2 $0x1  }
0x17: {  	s4 =	simm.s32 $0x1BF5;
	[smem:$0x3FBA] =	sst s0  }
0x18: {  	s0 =	sld [smem:$0x3F9D];
	_ =	swait.ge [sflag:s4], $0x0  }
0x19: {  	s7 =	sld [smem:$0x3F9E]  }
0x1a: {  	s8 =	sadd.s32 $0xFFFFE003, lr  }
0x1b: {  	s9 =	sadd.s32 $0xFFFFFEF7, lr;
	s5 =	simm.s32 $0xFFFFFFFF;
	p2 =	slt.u32 s8, $0xFFFFF086  }
0x1c: {  	p1 =	slt.u32 s9, $0xF7A;
	s5 =	simm.s32 @!p2 $0x0  }
0x1d: {  	s5 =	simm.s32 @p1 $0x1;
	p0 =	seq.s32 s7, s2  }
0x1e: {  	s7 =	smul.u32 @!p0 $0xF7A, s2;
	p2 =	seq.s32 @!p0 s5, $0x0  }
0x1f: {  	s9 =	smul.u32 $0xF7A, s1;
	s8 =	simm.s32 @!p0 $0x1BF5;
	p2 =	por !p2, p0  }
0x20: {  	[sflag:s8] =	ssyncset.s32 @!p0 $0xFFFFF086;
	s6 =	sadd.s32 @!p0 s3, s7;
	s7 =	simm.s32 @!p0 $0x108  }
0x21: {  	s3 =	sadd.s32 s3, s9;
	s6 =	sadd.s32 @!p0 $0x88, s6;
	s7 =	simm.s32 @p2 $0x1082  }
0x22: {  	[simem:s7], [sflag:s8] =	dma.local @!p0 [hbm:s6], $0xF7A  }
0x23: {  	s9 =	sor.u32 $0xD0000000, s2;
	s6 =	simm.s32 $0x108;
	_ =	swait.ge @!p0 [sflag:s8], $0x0  }
0x24: {  	s3 =	sadd.s32 $0x88, s3;
	s6 =	simm.s32 @!p1 $0x1082;
	[sflag:s4] =	ssyncset.s32 $0xFFFFF086  }
0x25: {  	[simem:s6], [sflag:s4] =	dma.local [hbm:s3], $0xF7A  }
0x26: {  	[smem:$0x3F9E] =	sst s1;
	(tag) =	ssettag s2;
	_ =	strace s9  }
0x27: {  	s1 =	sld [smem:$0x3FAE]  }
0x28: {  	s2 =	sld [smem:$0x3FAF]  }
0x29: {  	s4 =	sld [smem:$0x3FB1]  }
0x2a: {  	p0 =	seq.s32 s5, $0x0;
	s5 =	sld [smem:$0x3FB2]  }
0x2b: {  	s6 =	sld [smem:$0x3FB3]  }
0x2c: {  	s7 =	sld [smem:$0x3FB4]  }
0x2d: {  	s3 =	simm.s32 $0x108;
	s8 =	sld [smem:$0x3FB5]  }
0x2e: {  	s3 =	simm.s32 @!p0 $0x1082;
	s9 =	sld [smem:$0x3FB6]  }
0x2f: {  	lr =	sadd.s32 s0, s3;
	s0 =	sld [smem:$0x3FAD]  }
0x30: {  	s3 =	sld [smem:$0x3FB0]  }
0x31: {  	[smem:$0x3FB9] =	sst s10  }
0x32: {  	s10 =	sld [smem:$0x3FB7];
	_ =	sdelay $0x3  }
0x33: {  	p0 =	seq.s32 s10, $0x1;
	s10 =	sld [smem:$0x3FB9];
	_ =	sdelay $0x3  }
0x34: {  	[smem:$0x3FB9] =	sst s10  }
0x35: {  	s10 =	sld [smem:$0x3FB8];
	_ =	sdelay $0x3  }
0x36: {  	p1 =	seq.s32 s10, $0x1;
	s10 =	sld [smem:$0x3FB9];
	_ =	sdelay $0x3  }
0x37: {  	[smem:$0x3FB9] =	sst s10  }
0x38: {  	s10 =	sld [smem:$0x3FBA]  }
0x39: {  	_ = 	snop;
	(pc) =	sbr.ind lr, $3  }
0x3a: {  	_ = 	snop  }
0x3b: {  	_ = 	snop  }
0x3c: {  	p2 =	seq.s32 s10, $0x1;
	s10 =	sld [smem:$0x3FB9]  }
0x3d: {  	_ =	shalt  }
0x3e: {  	_ =	shalt  }
0x3f: {  	_ =	shalt  }
0x40: {  	_ =	shalt  }
0x41: {  	_ =	shalt  }
0x42: {  	_ =	shalt  }
0x43: {  	_ =	shalt  }
0x44: {  	_ =	shalt  }
0x45: {  	_ =	shalt  }
0x46: {  	_ =	shalt  }
0x47: {  	_ =	shalt  }
0x48: {  	_ =	shalt  }
0x49: {  	_ =	shalt  }
0x4a: {  	_ =	shalt  }
0x4b: {  	_ =	shalt  }
0x4c: {  	_ =	shalt  }
0x4d: {  	_ =	shalt  }
0x4e: {  	_ =	shalt  }
0x4f: {  	_ =	shalt  }
0x50: {  	_ =	shalt  }
0x51: {  	_ =	shalt  }
0x52: {  	_ =	shalt  }
0x53: {  	_ =	shalt  }
0x54: {  	_ =	shalt  }
0x55: {  	_ =	shalt  }
0x56: {  	_ =	shalt  }
0x57: {  	_ =	shalt  }
0x58: {  	_ =	shalt  }
0x59: {  	_ =	shalt  }
0x5a: {  	_ =	shalt  }
0x5b: {  	_ =	shalt  }
0x5c: {  	_ =	shalt  }
0x5d: {  	_ =	shalt  }
0x5e: {  	_ =	shalt  }
0x5f: {  	_ =	shalt  }
0x60: {  	_ =	shalt  }
0x61: {  	_ =	shalt  }
0x62: {  	_ =	shalt  }
0x63: {  	_ =	shalt  }
0x64: {  	_ =	shalt  }
0x65: {  	_ =	shalt  }
0x66: {  	_ =	shalt  }
0x67: {  	_ =	shalt  }
0x68: {  	_ =	shalt  }
0x69: {  	_ =	shalt  }
0x6a: {  	_ =	shalt  }
0x6b: {  	_ =	shalt  }
0x6c: {  	_ =	shalt  }
0x6d: {  	_ =	shalt  }
0x6e: {  	_ =	shalt  }
0x6f: {  	_ =	shalt  }
0x70: {  	_ =	shalt  }
0x71: {  	_ =	shalt  }
0x72: {  	_ =	shalt  }
0x73: {  	_ =	shalt  }
0x74: {  	_ =	shalt  }
0x75: {  	_ =	shalt  }
0x76: {  	_ =	shalt  }
0x77: {  	_ =	shalt  }
0x78: {  	_ =	shalt  }
0x79: {  	_ =	shalt  }
0x7a: {  	_ =	shalt  }
0x7b: {  	_ =	shalt  }
0x7c: {  	_ =	shalt  }
0x7d: {  	_ =	shalt  }
0x7e: {  	_ =	shalt  }
0x7f: {  	_ =	shalt  }
0x80: {  	_ =	shalt  }
0x81: {  	_ =	shalt  }
0x82: {  	_ =	shalt  }
0x83: {  	_ =	shalt  }
0x84: {  	_ =	shalt  }
0x85: {  	_ =	shalt  }
0x86: {  	_ =	shalt  }
0x87: {  	_ =	shalt  }
.Lfunc_end0:
.L_simem_size_0:
called_computation.1_lowered:
.L_overlay_start_0:
0x88: {  	s2 =	sld [smem:$0x3FD9]  }
0x89: {  	s3 =	sld [smem:$0x3FFE];
	_ =	sdelay $0x1  }
0x8a: {  	s1 =	srdreg.scid  }
0x8b: {  	s0 =	sand.u32 $0x1, s1  }
0x8c: {  	s17 =	sshll.u32 s0, $0xA;
	s2 =	sadd.s32 s3, s2  }
0x8d: {  	s2 =	sadd.s32 s2, s17  }
0x8e: {  	[smem:$0x3FC5] =	sst s2  }
0x8f: {  	_ = 	snop  }
0x90: {  	(tm) =	ssettm $0x1  }
0x91: {  	s18 =	sld [smem:$0x3FFB];
	_ =	sdelay $0x3  }
0x92: {  	_ =	strace s18  }
0x93: {  	s2 =	sld [smem:$0x3FFC];
	_ =	sdelay $0x3  }
0x94: {  	_ =	strace s2  }
0x95: {  	s2 =	sld [smem:$0x3FFD];
	_ =	sdelay $0x3  }
0x96: {  	_ =	strace s2  }
0x97: {  	_ =	strace $0x8FFFFFFF  }
0x98: {  	s19 =	sld [smem:$0x3FDB];
	_ =	sdelay $0x1  }
0x99: {  	s20 =	simm.s32 $_scs_section_size  }
0x9a: {  	s4 =	simm.s32 $_size__tile_overlayer_lowered;
	s5 =	simm.s32 $_tile_overlayer_lowered  }
0x9b: {  	s6 =	simm.s32 $0x1BFF;
	s21 =	sshll.u32 s5, $0x1;
	s3 =	sadd.s32 s20, s19  }
0x9c: {  	s22 =	simm.s32 $0x0;
	s4 =	sshll.u32 s4, $0x1;
	s5 =	sadd.s32 s21, s3  }
0x9d: {  	[timem:s22], [sflag:s6] =	dma.local [hbm:s5], s4  }
0x9e: {  	_ =	swait.ge [sflag:s6], s4  }
0x9f: {  	s4 =	ssub.s32 $0x0, s4;
	[sflag:s6] =	ssyncset.done $0x0  }
0xa0: {  	[sflag:s6] =	ssyncadd.s32 s4;
	_ =	sdelay $0x1  }
0xa1: {  	s23 =	simm.s32 $0x1B8B  }
0xa2: {  	_ =	swait.ge [sflag:s23], $0x1  }
0xa3: {  	[sflag:s23] =	ssyncset.done $0x0  }
0xa4: {  	[sflag:s23] =	ssyncadd.s32 $0xFFFFFFFF  }
0xa5: {  	s4 =	sld [smem:$0x0]  }
0xa6: {  	s5 =	sand.u32 $0xFFFFFFFE, s1  }
0xa7: {  	p0 =	sne.s32 s1, s5  }
0xa8: {  	s5 =	sshll.u32 @p0 s5, $0xE  }
0xa9: {  	s5 =	sadd.s32 @p0 $0x11B8D, s5;
	s6 =	sshll.u32 @p0 s4, $0x11  }
0xaa: {  	s5 =	sor.u32 @p0 s6, s5  }
0xab: {  	[sflag:s5] =	ssyncadd.remote.s32 @p0 $0x1;
	_ =	sdelay $0x1  }
0xac: {  	s5 =	simm.s32 @p0 $0x1B8D  }
0xad: {  	_ =	swait.eq @p0 [sflag:s5], $0x1  }
0xae: {  	[sflag:s5] =	ssyncadd.s32 @p0 $0xFFFFFFFF  }
0xaf: {  	s6 =	sshll.u32 @!p0 s1, $0xE  }
0xb0: {  	s6 =	sor.u32 @!p0 $0x4000, s6;
	s5 =	simm.s32 @!p0 $0x1B8D  }
0xb1: {  	s4 =	sshll.u32 @!p0 s4, $0x11;
	s6 =	sadd.s32 @!p0 $0x11B8D, s6;
	_ =	swait.eq @!p0 [sflag:s5], $0x1  }
0xb2: {  	s4 =	sor.u32 @!p0 s4, s6;
	[sflag:s5] =	ssyncadd.s32 @!p0 $0xFFFFFFFF  }
0xb3: {  	s25 =	simm.s32 $0x1B8E;
	s24 =	sld [smem:$0x3FFE];
	[sflag:s4] =	ssyncadd.remote.s32 @!p0 $0x1  }
0xb4: {  	s26 =	simm.s32 $execute0_lowered;
	[smem:$0x3FD2] =	sst s25  }
0xb5: {  	s5 =	sshll.u32 s26, $0x1;
	_ =	strace $0x80000049;
	[dreg:$0x1] =	wrdreg $0xFFFFFFFF  }
0xb6: {  	s28 =	simm.s32 $_size_execute0_lowered;
	s3 =	sadd.s32 s3, s5;
	[dreg:$0x0] =	wrdreg $0x0  }
0xb7: {  	s5 =	sshll.u32 s28, $0x1;
	[dreg:$0x2] =	wrdreg s3  }
0xb8: {  	[dreg:$0x3] =	wrdreg s5  }
0xb9: {  	[dreg:$0x4] =	wrdreg $0xC0  }
0xba: {  	_ =	task [dreg:s22], $0x5FFFF  }
0xbb: {  	[dreg:$0x1] =	wrdreg $0xFFFFFFFF  }
0xbc: {  	[dreg:$0x0] =	wrdreg $0x60  }
0xbd: {  	[dreg:$0x2] =	wrdreg s24  }
0xbe: {  	[dreg:$0x3] =	wrdreg $0xA  }
0xbf: {  	_ =	task.clear_ibuf [dreg:s22], $0x4FFFF;
	_ =	strace $0x90000049  }
0xc0: {  	s29 =	simm.s32 $0xA;
	_ =	strace $0x8000004B  }
0xc1: {  	_ =	swait.ge [sflag:s29], $0x1  }
0xc2: {  	[sflag:s29] =	ssyncadd.s32 $0xFFFFFFFF  }
0xc3: {  	_ =	strace $0x9000004B  }
0xc4: {  	_ =	sfence  }
0xc5: {  	s30 =	sld [smem:$0x0];
	_ =	sdelay $0x2  }
0xc6: {  	s31 =	sshll.u32 s1, $0xD;
	s1 =	sshrl.u32 s1, $0x2  }
0xc7: {  	s4 =	sand.u32 $0x4000, s31;
	s1 =	sadd.s32 s1, s30  }
0xc8: {  	s0 =	sor.u32 s4, s0;
	s1 =	sshll.u32 s1, $0x11  }
0xc9: {  	s0 =	sor.u32 s1, s0  }
0xca: {  	s0 =	sadd.s32 $0x8F2B, s0  }
0xcb: {  	[sflag:s0] =	ssyncadd.remote.s32 $0x1  }
0xcc: {  	_ =	sfence.sel $0xFFFF  }
0xcd: {  	[dreg:$0x0] =	wrdreg $0xFFFFFFFF;
	(pc) =	sbr.abs _section_cstart, $3  }
0xce: {  	[dreg:$0x1] =	wrdreg $0xFFFFFFFF  }
0xcf: {  	_ =	task.clear_ibuf [dreg:s22], $0x2FFFF;
	_ =	strace $0x9FFFFFFF  }
0xd0: {  	(tm) =	ssettm $0x7FFFFFFF  }
0xd1: {  	_ =	shalt  }
tec
execute0_lowered:
.L_overlay_start_1:
0x0: {  	(tag) =	ssettag $0x1  }
0x1: {  	s6 =	rddreg [dreg:$0x0]  }
0x2: {  	s0 =	rddreg [dreg:$0x1];
	s1 =	simm.s32 $0x0  }
0x3: {  	s2 =	srdreg.scid;
	s12 =	simm.s32 $0x280;
	s13 =	simm.s32 $0x300  }
0x4: {  	s14 =	simm.s32 $0x380;
	s15 =	simm.s32 $0x80;
	s16 =	simm.s32 $0x400  }
0x5: {  	s17 =	simm.s32 $0x2400;
	s18 =	simm.s32 $0x4400;
	s19 =	simm.s32 $0x6400  }
0x6: {  	s20 =	simm.s32 $0x1;
	s21 =	simm.s32 $0x0;
	[smem:$0x7FF] =	sst s1  }
0x7: {  	s5 =	sand.u32 $0x1, s2;
	s2 =	stileid.u32;
	s3 =	sadd.s32 $0x8A7400, s6  }
0x8: {  	v0 =	vlaneseq.u32;
	s4 =	sadd.s32 $0x2200, s6;
	_ =	strace $0x8000004A;
	s7 =	ssub.s32 $0x2, s5  }
0x9: {  	v0 =	vmul.u32 $0x2, v0;
	s8 =	sshll.u32 s2, $0x11;
	s31 =	sshll.u32 s2, $0xB;
	s10 =	sshll.u32 s5, $0xA  }
0xa: {  	s11 =	sshll.u32 s5, $0x10;
	s9 =	sshrl.u32 s7, $0x1;
	s8 =	sadd.s32 s8, s6  }
0xb: {  	s5 =	sor.u32 s10, s31;
	s6 =	sadd.s32 $0x8A7500, s6;
	s10 =	simm.s32 $0x100;
	v1 =	vor.u32 $0x20, v0  }
0xc: {  	v2 =	vor.u32 $0x40, v0;
	v3 =	vor.u32 $0x60, v0;
	v4 =	vor.u32 $0x1, v0;
	s7 =	ssub.s32 s7, s9;
	s8 =	sadd.s32 s11, s8;
	s9 =	simm.s32 $0x2  }
0xd: {  	v5 =	vor.u32 $0x21, v0;
	v6 =	vor.u32 $0x41, v0;
	v7 =	vor.u32 $0x61, v0;
	s11 =	simm.s32 $0x200;
	s7 =	smax.u32 s7, $0x1;
	s8 =	sadd.s32 $0x8AF400, s8  }
.LBB2_1:
0xe: {  	s22 =	sand.u32 $0x200, s1  }
0xf: {  	s23 =	sand.u32 $0xE0, s1;
	s22 =	sor.u32 s5, s22  }
0x10: {  	s22 =	sor.u32 s23, s22  }
0x11: {  	s23 =	sadd.s32 s3, s22  }
0x12: {  	[tilespmem:s1], [sflag:$0x2] =	stream.linear.gather [hbm4b:s23+s1], $0x100, $0x38;
	[tilespmem:$0x8400] =	vst v63  }
0x13: {  	_ =	swait.ge [sflag:s9], $0x100  }
0x14: {  	[sflag:s9] =	ssyncset.done $0x0  }
0x15: {  	s22 =	sadd.s32 s22, s6;
	[sflag:s9] =	ssyncadd.s32 $0xFFFFFF00  }
0x16: {  	[tilespmem:s10], [sflag:$0x2] =	stream.linear.gather [hbm4b:s22+s1], $0x100, $0x38;
	[tilespmem:$0x8400] =	vst v63  }
0x17: {  	_ =	swait.ge [sflag:s9], $0x100  }
0x18: {  	[sflag:s9] =	ssyncset.done $0x0  }
0x19: {  	[sflag:s9] =	ssyncadd.s32 $0xFFFFFF00  }
0x1a: {  	v8 =	vld [tilespmem:$0x0];
	_ =	sdelay $0x4  }
0x1b: {  	[tilespmem:v0+s11+$0x0] =	vst.idx.msk $0xffff, v8  }
0x1c: {  	v8 =	vld [tilespmem:$0x10];
	_ =	sdelay $0x4  }
0x1d: {  	[tilespmem:v1+s11+$0x0] =	vst.idx.msk $0xffff, v8  }
0x1e: {  	v8 =	vld [tilespmem:$0x20];
	_ =	sdelay $0x4  }
0x1f: {  	[tilespmem:v2+s11+$0x0] =	vst.idx.msk $0xffff, v8  }
0x20: {  	v8 =	vld [tilespmem:$0x30];
	_ =	sdelay $0x4  }
0x21: {  	[tilespmem:v3+s11+$0x0] =	vst.idx.msk $0xffff, v8  }
0x22: {  	v8 =	vld [tilespmem:$0x40];
	_ =	sdelay $0x4  }
0x23: {  	[tilespmem:v0+s12+$0x0] =	vst.idx.msk $0xffff, v8  }
0x24: {  	v8 =	vld [tilespmem:$0x50];
	_ =	sdelay $0x4  }
0x25: {  	[tilespmem:v1+s12+$0x0] =	vst.idx.msk $0xffff, v8  }
0x26: {  	v8 =	vld [tilespmem:$0x60];
	_ =	sdelay $0x4  }
0x27: {  	[tilespmem:v2+s12+$0x0] =	vst.idx.msk $0xffff, v8  }
0x28: {  	v8 =	vld [tilespmem:$0x70];
	_ =	sdelay $0x4  }
0x29: {  	[tilespmem:v3+s12+$0x0] =	vst.idx.msk $0xffff, v8  }
0x2a: {  	v8 =	vld [tilespmem:$0x80];
	_ =	sdelay $0x4  }
0x2b: {  	[tilespmem:v0+s13+$0x0] =	vst.idx.msk $0xffff, v8  }
0x2c: {  	v8 =	vld [tilespmem:$0x90];
	_ =	sdelay $0x4  }
0x2d: {  	[tilespmem:v1+s13+$0x0] =	vst.idx.msk $0xffff, v8  }
0x2e: {  	v8 =	vld [tilespmem:$0xA0];
	_ =	sdelay $0x4  }
0x2f: {  	[tilespmem:v2+s13+$0x0] =	vst.idx.msk $0xffff, v8  }
0x30: {  	v8 =	vld [tilespmem:$0xB0];
	_ =	sdelay $0x4  }
0x31: {  	[tilespmem:v3+s13+$0x0] =	vst.idx.msk $0xffff, v8  }
0x32: {  	v8 =	vld [tilespmem:$0xC0];
	_ =	sdelay $0x4  }
0x33: {  	[tilespmem:v0+s14+$0x0] =	vst.idx.msk $0xffff, v8  }
0x34: {  	v8 =	vld [tilespmem:$0xD0];
	_ =	sdelay $0x4  }
0x35: {  	[tilespmem:v1+s14+$0x0] =	vst.idx.msk $0xffff, v8  }
0x36: {  	v8 =	vld [tilespmem:$0xE0];
	_ =	sdelay $0x4  }
0x37: {  	[tilespmem:v2+s14+$0x0] =	vst.idx.msk $0xffff, v8  }
0x38: {  	v8 =	vld [tilespmem:$0xF0];
	_ =	sdelay $0x4  }
0x39: {  	[tilespmem:v3+s14+$0x0] =	vst.idx.msk $0xffff, v8  }
0x3a: {  	v8 =	vld [tilespmem:$0x100];
	_ =	sdelay $0x4  }
0x3b: {  	[tilespmem:v4+s11+$0x0] =	vst.idx.msk $0xffff, v8  }
0x3c: {  	v8 =	vld [tilespmem:$0x110];
	_ =	sdelay $0x4  }
0x3d: {  	[tilespmem:v5+s11+$0x0] =	vst.idx.msk $0xffff, v8  }
0x3e: {  	v8 =	vld [tilespmem:$0x120];
	_ =	sdelay $0x4  }
0x3f: {  	[tilespmem:v6+s11+$0x0] =	vst.idx.msk $0xffff, v8  }
0x40: {  	v8 =	vld [tilespmem:$0x130];
	_ =	sdelay $0x4  }
0x41: {  	[tilespmem:v7+s11+$0x0] =	vst.idx.msk $0xffff, v8  }
0x42: {  	v8 =	vld [tilespmem:$0x140];
	_ =	sdelay $0x4  }
0x43: {  	[tilespmem:v4+s12+$0x0] =	vst.idx.msk $0xffff, v8  }
0x44: {  	v8 =	vld [tilespmem:$0x150];
	_ =	sdelay $0x4  }
0x45: {  	[tilespmem:v5+s12+$0x0] =	vst.idx.msk $0xffff, v8  }
0x46: {  	v8 =	vld [tilespmem:$0x160];
	_ =	sdelay $0x4  }
0x47: {  	[tilespmem:v6+s12+$0x0] =	vst.idx.msk $0xffff, v8  }
0x48: {  	v8 =	vld [tilespmem:$0x170];
	_ =	sdelay $0x4  }
0x49: {  	[tilespmem:v7+s12+$0x0] =	vst.idx.msk $0xffff, v8  }
0x4a: {  	v8 =	vld [tilespmem:$0x180];
	_ =	sdelay $0x4  }
0x4b: {  	[tilespmem:v4+s13+$0x0] =	vst.idx.msk $0xffff, v8  }
0x4c: {  	v8 =	vld [tilespmem:$0x190];
	_ =	sdelay $0x4  }
0x4d: {  	[tilespmem:v5+s13+$0x0] =	vst.idx.msk $0xffff, v8  }
0x4e: {  	v8 =	vld [tilespmem:$0x1A0];
	_ =	sdelay $0x4  }
0x4f: {  	[tilespmem:v6+s13+$0x0] =	vst.idx.msk $0xffff, v8  }
0x50: {  	v8 =	vld [tilespmem:$0x1B0];
	_ =	sdelay $0x4  }
0x51: {  	[tilespmem:v7+s13+$0x0] =	vst.idx.msk $0xffff, v8  }
0x52: {  	v8 =	vld [tilespmem:$0x1C0];
	_ =	sdelay $0x4  }
0x53: {  	[tilespmem:v4+s14+$0x0] =	vst.idx.msk $0xffff, v8  }
0x54: {  	v8 =	vld [tilespmem:$0x1D0];
	_ =	sdelay $0x4  }
0x55: {  	[tilespmem:v5+s14+$0x0] =	vst.idx.msk $0xffff, v8  }
0x56: {  	v8 =	vld [tilespmem:$0x1E0];
	_ =	sdelay $0x4  }
0x57: {  	[tilespmem:v6+s14+$0x0] =	vst.idx.msk $0xffff, v8  }
0x58: {  	v8 =	vld [tilespmem:$0x1F0];
	_ =	sdelay $0x4  }
0x59: {  	[tilespmem:v7+s14+$0x0] =	vst.idx.msk $0xffff, v8  }
0x5a: {  	[tilespmem:s16], [sflag:$0x1] =	stream.indirect.gather [hbm4b:s4+s15], $0x40, s11, s15, $0xb8;
	[tilespmem:$0x8400] =	vst v63  }
0x5b: {  	_ = 	snop  }
0x5c: {  	[tilespmem:s17], [sflag:$0x1] =	stream.indirect.gather [hbm4b:s4+s15], $0x40, s12, s15, $0xb8;
	[tilespmem:$0x8400] =	vst v63  }
0x5d: {  	_ = 	snop  }
0x5e: {  	[tilespmem:s18], [sflag:$0x1] =	stream.indirect.gather [hbm4b:s4+s15], $0x40, s13, s15, $0xb8;
	[tilespmem:$0x8400] =	vst v63  }
0x5f: {  	_ = 	snop  }
0x60: {  	[tilespmem:s19], [sflag:$0x1] =	stream.indirect.gather [hbm4b:s4+s15], $0x40, s14, s15, $0xb8;
	[tilespmem:$0x8400] =	vst v63  }
0x61: {  	_ =	swait.ge [sflag:s20], $0x2000  }
0x62: {  	[sflag:s20] =	ssyncset.done $0x0  }
0x63: {  	[sflag:s20] =	ssyncadd.s32 $0xFFFFE000  }
0x64: {  	_ =	swait.ge [sflag:s20], $0x2000  }
0x65: {  	[sflag:s20] =	ssyncset.done $0x0  }
0x66: {  	[sflag:s20] =	ssyncadd.s32 $0xFFFFE000  }
0x67: {  	_ =	swait.ge [sflag:s20], $0x2000  }
0x68: {  	[sflag:s20] =	ssyncset.done $0x0  }
0x69: {  	[sflag:s20] =	ssyncadd.s32 $0xFFFFE000  }
0x6a: {  	_ =	swait.ge [sflag:s20], $0x2000  }
0x6b: {  	s31 =	simm.s32 $0x20;
	s23 =	simm.s32 $0x40;
	[sflag:s20] =	ssyncset.done $0x0  }
0x6c: {  	s28 =	simm.s32 $0x40;
	s24 =	sand.u32 $0x200, s23;
	[sflag:s20] =	ssyncadd.s32 $0xFFFFE000  }
0x6d: {  	[hbm4b:s8+s1] =	stream.linear.scatter [tilespmem:s16], [sflag:$0x2], $0x8000, $0x38;
	[tilespmem:$0x8400] =	vst v63  }
0x6e: {  	s24 =	sor.u32 s5, s24;
	s22 =	sand.u32 $0xE0, s31;
	_ =	swait.ge [sflag:s9], $0x8000  }
0x6f: {  	s26 =	sor.u32 s22, s24;
	s22 =	sadd.s32 $0x1000, s8;
	[sflag:s9] =	ssyncset.done $0x0  }
.LBB2_2:
0x70: {  	s29 =	sadd.s32 s3, s26  }
0x71: {  	[sflag:s9] =	ssyncadd.s32 $0xFFFF8000;
	s25 =	smov.u32 s28;
	s24 =	sadd.s32 $0x20, s28  }
0x72: {  	[tilespmem:s1], [sflag:$0x2] =	stream.linear.gather [hbm4b:s29+s1], $0x100, $0x38;
	[tilespmem:$0x8400] =	vst v63  }
0x73: {  	p0 =	sne.s32 s28, $0x1E0;
	_ =	swait.ge [sflag:s9], $0x100  }
0x74: {  	[sflag:s9] =	ssyncset.done $0x0  }
0x75: {  	s26 =	sadd.s32 s26, s6;
	[sflag:s9] =	ssyncadd.s32 $0xFFFFFF00  }
0x76: {  	[tilespmem:s10], [sflag:$0x2] =	stream.linear.gather [hbm4b:s26+s1], $0x100, $0x38;
	[tilespmem:$0x8400] =	vst v63  }
0x77: {  	_ =	swait.ge [sflag:s9], $0x100  }
0x78: {  	[sflag:s9] =	ssyncset.done $0x0  }
0x79: {  	[sflag:s9] =	ssyncadd.s32 $0xFFFFFF00  }
0x7a: {  	v8 =	vld [tilespmem:$0x0];
	_ =	sdelay $0x4  }
0x7b: {  	[tilespmem:v0+s11+$0x0] =	vst.idx.msk $0xffff, v8  }
0x7c: {  	v8 =	vld [tilespmem:$0x10];
	_ =	sdelay $0x4  }
0x7d: {  	[tilespmem:v1+s11+$0x0] =	vst.idx.msk $0xffff, v8  }
0x7e: {  	v8 =	vld [tilespmem:$0x20];
	_ =	sdelay $0x4  }
0x7f: {  	[tilespmem:v2+s11+$0x0] =	vst.idx.msk $0xffff, v8  }
0x80: {  	v8 =	vld [tilespmem:$0x30];
	_ =	sdelay $0x4  }
0x81: {  	[tilespmem:v3+s11+$0x0] =	vst.idx.msk $0xffff, v8  }
0x82: {  	v8 =	vld [tilespmem:$0x40];
	_ =	sdelay $0x4  }
0x83: {  	[tilespmem:v0+s12+$0x0] =	vst.idx.msk $0xffff, v8  }
0x84: {  	v8 =	vld [tilespmem:$0x50];
	_ =	sdelay $0x4  }
0x85: {  	[tilespmem:v1+s12+$0x0] =	vst.idx.msk $0xffff, v8  }
0x86: {  	v8 =	vld [tilespmem:$0x60];
	_ =	sdelay $0x4  }
0x87: {  	[tilespmem:v2+s12+$0x0] =	vst.idx.msk $0xffff, v8  }
0x88: {  	v8 =	vld [tilespmem:$0x70];
	_ =	sdelay $0x4  }
0x89: {  	[tilespmem:v3+s12+$0x0] =	vst.idx.msk $0xffff, v8  }
0x8a: {  	v8 =	vld [tilespmem:$0x80];
	_ =	sdelay $0x4  }
0x8b: {  	[tilespmem:v0+s13+$0x0] =	vst.idx.msk $0xffff, v8  }
0x8c: {  	v8 =	vld [tilespmem:$0x90];
	_ =	sdelay $0x4  }
0x8d: {  	[tilespmem:v1+s13+$0x0] =	vst.idx.msk $0xffff, v8  }
0x8e: {  	v8 =	vld [tilespmem:$0xA0];
	_ =	sdelay $0x4  }
0x8f: {  	[tilespmem:v2+s13+$0x0] =	vst.idx.msk $0xffff, v8  }
0x90: {  	v8 =	vld [tilespmem:$0xB0];
	_ =	sdelay $0x4  }
0x91: {  	[tilespmem:v3+s13+$0x0] =	vst.idx.msk $0xffff, v8  }
0x92: {  	v8 =	vld [tilespmem:$0xC0];
	_ =	sdelay $0x4  }
0x93: {  	[tilespmem:v0+s14+$0x0] =	vst.idx.msk $0xffff, v8  }
0x94: {  	v8 =	vld [tilespmem:$0xD0];
	_ =	sdelay $0x4  }
0x95: {  	[tilespmem:v1+s14+$0x0] =	vst.idx.msk $0xffff, v8  }
0x96: {  	v8 =	vld [tilespmem:$0xE0];
	_ =	sdelay $0x4  }
0x97: {  	[tilespmem:v2+s14+$0x0] =	vst.idx.msk $0xffff, v8  }
0x98: {  	v8 =	vld [tilespmem:$0xF0];
	_ =	sdelay $0x4  }
0x99: {  	[tilespmem:v3+s14+$0x0] =	vst.idx.msk $0xffff, v8  }
0x9a: {  	v8 =	vld [tilespmem:$0x100];
	_ =	sdelay $0x4  }
0x9b: {  	[tilespmem:v4+s11+$0x0] =	vst.idx.msk $0xffff, v8  }
0x9c: {  	v8 =	vld [tilespmem:$0x110];
	_ =	sdelay $0x4  }
0x9d: {  	[tilespmem:v5+s11+$0x0] =	vst.idx.msk $0xffff, v8  }
0x9e: {  	v8 =	vld [tilespmem:$0x120];
	_ =	sdelay $0x4  }
0x9f: {  	[tilespmem:v6+s11+$0x0] =	vst.idx.msk $0xffff, v8  }
0xa0: {  	v8 =	vld [tilespmem:$0x130];
	_ =	sdelay $0x4  }
0xa1: {  	[tilespmem:v7+s11+$0x0] =	vst.idx.msk $0xffff, v8  }
0xa2: {  	v8 =	vld [tilespmem:$0x140];
	_ =	sdelay $0x4  }
0xa3: {  	[tilespmem:v4+s12+$0x0] =	vst.idx.msk $0xffff, v8  }
0xa4: {  	v8 =	vld [tilespmem:$0x150];
	_ =	sdelay $0x4  }
0xa5: {  	[tilespmem:v5+s12+$0x0] =	vst.idx.msk $0xffff, v8  }
0xa6: {  	v8 =	vld [tilespmem:$0x160];
	_ =	sdelay $0x4  }
0xa7: {  	[tilespmem:v6+s12+$0x0] =	vst.idx.msk $0xffff, v8  }
0xa8: {  	v8 =	vld [tilespmem:$0x170];
	_ =	sdelay $0x4  }
0xa9: {  	[tilespmem:v7+s12+$0x0] =	vst.idx.msk $0xffff, v8  }
0xaa: {  	v8 =	vld [tilespmem:$0x180];
	_ =	sdelay $0x4  }
0xab: {  	[tilespmem:v4+s13+$0x0] =	vst.idx.msk $0xffff, v8  }
0xac: {  	v8 =	vld [tilespmem:$0x190];
	_ =	sdelay $0x4  }
0xad: {  	[tilespmem:v5+s13+$0x0] =	vst.idx.msk $0xffff, v8  }
0xae: {  	v8 =	vld [tilespmem:$0x1A0];
	_ =	sdelay $0x4  }
0xaf: {  	[tilespmem:v6+s13+$0x0] =	vst.idx.msk $0xffff, v8  }
0xb0: {  	v8 =	vld [tilespmem:$0x1B0];
	_ =	sdelay $0x4  }
0xb1: {  	[tilespmem:v7+s13+$0x0] =	vst.idx.msk $0xffff, v8  }
0xb2: {  	v8 =	vld [tilespmem:$0x1C0];
	_ =	sdelay $0x4  }
0xb3: {  	[tilespmem:v4+s14+$0x0] =	vst.idx.msk $0xffff, v8  }
0xb4: {  	v8 =	vld [tilespmem:$0x1D0];
	_ =	sdelay $0x4  }
0xb5: {  	[tilespmem:v5+s14+$0x0] =	vst.idx.msk $0xffff, v8  }
0xb6: {  	v8 =	vld [tilespmem:$0x1E0];
	_ =	sdelay $0x4  }
0xb7: {  	[tilespmem:v6+s14+$0x0] =	vst.idx.msk $0xffff, v8  }
0xb8: {  	v8 =	vld [tilespmem:$0x1F0];
	_ =	sdelay $0x4  }
0xb9: {  	[tilespmem:v7+s14+$0x0] =	vst.idx.msk $0xffff, v8  }
0xba: {  	[tilespmem:s16], [sflag:$0x1] =	stream.indirect.gather [hbm4b:s4+s15], $0x40, s11, s15, $0xb8;
	[tilespmem:$0x8400] =	vst v63  }
0xbb: {  	_ = 	snop  }
0xbc: {  	[tilespmem:s17], [sflag:$0x1] =	stream.indirect.gather [hbm4b:s4+s15], $0x40, s12, s15, $0xb8;
	[tilespmem:$0x8400] =	vst v63  }
0xbd: {  	_ = 	snop  }
0xbe: {  	[tilespmem:s18], [sflag:$0x1] =	stream.indirect.gather [hbm4b:s4+s15], $0x40, s13, s15, $0xb8;
	[tilespmem:$0x8400] =	vst v63  }
0xbf: {  	_ = 	snop  }
0xc0: {  	[tilespmem:s19], [sflag:$0x1] =	stream.indirect.gather [hbm4b:s4+s15], $0x40, s14, s15, $0xb8;
	[tilespmem:$0x8400] =	vst v63  }
0xc1: {  	_ =	swait.ge [sflag:s20], $0x2000  }
0xc2: {  	[sflag:s20] =	ssyncset.done $0x0  }
0xc3: {  	[sflag:s20] =	ssyncadd.s32 $0xFFFFE000  }
0xc4: {  	_ =	swait.ge [sflag:s20], $0x2000  }
0xc5: {  	[sflag:s20] =	ssyncset.done $0x0  }
0xc6: {  	[sflag:s20] =	ssyncadd.s32 $0xFFFFE000  }
0xc7: {  	_ =	swait.ge [sflag:s20], $0x2000  }
0xc8: {  	[sflag:s20] =	ssyncset.done $0x0  }
0xc9: {  	[sflag:s20] =	ssyncadd.s32 $0xFFFFE000  }
0xca: {  	_ =	swait.ge [sflag:s20], $0x2000  }
.Ltmp0:
0xcb: {  	s23 =	sadd.s32 $0x40, s23;
	[sflag:s20] =	ssyncset.done $0x0;
	(pc) =	sbr.rel @p0 .LBB2_2-.Ltmp0, $4  }
0xcc: {  	s25 =	sand.u32 $0xE0, s25;
	s26 =	sand.u32 $0x200, s23;
	[sflag:s20] =	ssyncadd.s32 $0xFFFFE000  }
0xcd: {  	[hbm4b:s22+s1] =	stream.linear.scatter [tilespmem:s16], [sflag:$0x2], $0x8000, $0x38;
	[tilespmem:$0x8400] =	vst v63  }
0xce: {  	s28 =	smov.u32 s24;
	s26 =	sor.u32 s5, s26;
	_ =	swait.ge [sflag:s9], $0x8000  }
0xcf: {  	s26 =	sor.u32 s25, s26;
	s22 =	sadd.s32 $0x1000, s22;
	[sflag:s9] =	ssyncset.done $0x0  }
0xd0: {  	s23 =	sadd.s32 s3, s26;
	[sflag:s9] =	ssyncadd.s32 $0xFFFF8000  }
0xd1: {  	[tilespmem:s1], [sflag:$0x2] =	stream.linear.gather [hbm4b:s23+s1], $0x100, $0x38;
	[tilespmem:$0x8400] =	vst v63  }
0xd2: {  	_ =	swait.ge [sflag:s9], $0x100  }
0xd3: {  	[sflag:s9] =	ssyncset.done $0x0  }
0xd4: {  	s31 =	sadd.s32 s26, s6;
	[sflag:s9] =	ssyncadd.s32 $0xFFFFFF00  }
0xd5: {  	[tilespmem:s10], [sflag:$0x2] =	stream.linear.gather [hbm4b:s31+s1], $0x100, $0x38;
	[tilespmem:$0x8400] =	vst v63  }
0xd6: {  	_ =	swait.ge [sflag:s9], $0x100  }
0xd7: {  	[sflag:s9] =	ssyncset.done $0x0  }
0xd8: {  	[sflag:s9] =	ssyncadd.s32 $0xFFFFFF00  }
0xd9: {  	v8 =	vld [tilespmem:$0x0];
	_ =	sdelay $0x4  }
0xda: {  	[tilespmem:v0+s11+$0x0] =	vst.idx.msk $0xffff, v8  }
0xdb: {  	v8 =	vld [tilespmem:$0x10];
	_ =	sdelay $0x4  }
0xdc: {  	[tilespmem:v1+s11+$0x0] =	vst.idx.msk $0xffff, v8  }
0xdd: {  	v8 =	vld [tilespmem:$0x20];
	_ =	sdelay $0x4  }
0xde: {  	[tilespmem:v2+s11+$0x0] =	vst.idx.msk $0xffff, v8  }
0xdf: {  	v8 =	vld [tilespmem:$0x30];
	_ =	sdelay $0x4  }
0xe0: {  	[tilespmem:v3+s11+$0x0] =	vst.idx.msk $0xffff, v8  }
0xe1: {  	v8 =	vld [tilespmem:$0x40];
	_ =	sdelay $0x4  }
0xe2: {  	[tilespmem:v0+s12+$0x0] =	vst.idx.msk $0xffff, v8  }
0xe3: {  	v8 =	vld [tilespmem:$0x50];
	_ =	sdelay $0x4  }
0xe4: {  	[tilespmem:v1+s12+$0x0] =	vst.idx.msk $0xffff, v8  }
0xe5: {  	v8 =	vld [tilespmem:$0x60];
	_ =	sdelay $0x4  }
0xe6: {  	[tilespmem:v2+s12+$0x0] =	vst.idx.msk $0xffff, v8  }
0xe7: {  	v8 =	vld [tilespmem:$0x70];
	_ =	sdelay $0x4  }
0xe8: {  	[tilespmem:v3+s12+$0x0] =	vst.idx.msk $0xffff, v8  }
0xe9: {  	v8 =	vld [tilespmem:$0x80];
	_ =	sdelay $0x4  }
0xea: {  	[tilespmem:v0+s13+$0x0] =	vst.idx.msk $0xffff, v8  }
0xeb: {  	v8 =	vld [tilespmem:$0x90];
	_ =	sdelay $0x4  }
0xec: {  	[tilespmem:v1+s13+$0x0] =	vst.idx.msk $0xffff, v8  }
0xed: {  	v8 =	vld [tilespmem:$0xA0];
	_ =	sdelay $0x4  }
0xee: {  	[tilespmem:v2+s13+$0x0] =	vst.idx.msk $0xffff, v8  }
0xef: {  	v8 =	vld [tilespmem:$0xB0];
	_ =	sdelay $0x4  }
0xf0: {  	[tilespmem:v3+s13+$0x0] =	vst.idx.msk $0xffff, v8  }
0xf1: {  	v8 =	vld [tilespmem:$0xC0];
	_ =	sdelay $0x4  }
0xf2: {  	[tilespmem:v0+s14+$0x0] =	vst.idx.msk $0xffff, v8  }
0xf3: {  	v8 =	vld [tilespmem:$0xD0];
	_ =	sdelay $0x4  }
0xf4: {  	[tilespmem:v1+s14+$0x0] =	vst.idx.msk $0xffff, v8  }
0xf5: {  	v8 =	vld [tilespmem:$0xE0];
	_ =	sdelay $0x4  }
0xf6: {  	[tilespmem:v2+s14+$0x0] =	vst.idx.msk $0xffff, v8  }
0xf7: {  	v8 =	vld [tilespmem:$0xF0];
	_ =	sdelay $0x4  }
0xf8: {  	[tilespmem:v3+s14+$0x0] =	vst.idx.msk $0xffff, v8  }
0xf9: {  	v8 =	vld [tilespmem:$0x100];
	_ =	sdelay $0x4  }
0xfa: {  	[tilespmem:v4+s11+$0x0] =	vst.idx.msk $0xffff, v8  }
0xfb: {  	v8 =	vld [tilespmem:$0x110];
	_ =	sdelay $0x4  }
0xfc: {  	[tilespmem:v5+s11+$0x0] =	vst.idx.msk $0xffff, v8  }
0xfd: {  	v8 =	vld [tilespmem:$0x120];
	_ =	sdelay $0x4  }
0xfe: {  	[tilespmem:v6+s11+$0x0] =	vst.idx.msk $0xffff, v8  }
0xff: {  	v8 =	vld [tilespmem:$0x130];
	_ =	sdelay $0x4  }
0x100: {  	[tilespmem:v7+s11+$0x0] =	vst.idx.msk $0xffff, v8  }
0x101: {  	v8 =	vld [tilespmem:$0x140];
	_ =	sdelay $0x4  }
0x102: {  	[tilespmem:v4+s12+$0x0] =	vst.idx.msk $0xffff, v8  }
0x103: {  	v8 =	vld [tilespmem:$0x150];
	_ =	sdelay $0x4  }
0x104: {  	[tilespmem:v5+s12+$0x0] =	vst.idx.msk $0xffff, v8  }
0x105: {  	v8 =	vld [tilespmem:$0x160];
	_ =	sdelay $0x4  }
0x106: {  	[tilespmem:v6+s12+$0x0] =	vst.idx.msk $0xffff, v8  }
0x107: {  	v8 =	vld [tilespmem:$0x170];
	_ =	sdelay $0x4  }
0x108: {  	[tilespmem:v7+s12+$0x0] =	vst.idx.msk $0xffff, v8  }
0x109: {  	v8 =	vld [tilespmem:$0x180];
	_ =	sdelay $0x4  }
0x10a: {  	[tilespmem:v4+s13+$0x0] =	vst.idx.msk $0xffff, v8  }
0x10b: {  	v8 =	vld [tilespmem:$0x190];
	_ =	sdelay $0x4  }
0x10c: {  	[tilespmem:v5+s13+$0x0] =	vst.idx.msk $0xffff, v8  }
0x10d: {  	v8 =	vld [tilespmem:$0x1A0];
	_ =	sdelay $0x4  }
0x10e: {  	[tilespmem:v6+s13+$0x0] =	vst.idx.msk $0xffff, v8  }
0x10f: {  	v8 =	vld [tilespmem:$0x1B0];
	_ =	sdelay $0x4  }
0x110: {  	[tilespmem:v7+s13+$0x0] =	vst.idx.msk $0xffff, v8  }
0x111: {  	v8 =	vld [tilespmem:$0x1C0];
	_ =	sdelay $0x4  }
0x112: {  	[tilespmem:v4+s14+$0x0] =	vst.idx.msk $0xffff, v8  }
0x113: {  	v8 =	vld [tilespmem:$0x1D0];
	_ =	sdelay $0x4  }
0x114: {  	[tilespmem:v5+s14+$0x0] =	vst.idx.msk $0xffff, v8  }
0x115: {  	v8 =	vld [tilespmem:$0x1E0];
	_ =	sdelay $0x4  }
0x116: {  	[tilespmem:v6+s14+$0x0] =	vst.idx.msk $0xffff, v8  }
0x117: {  	v8 =	vld [tilespmem:$0x1F0];
	_ =	sdelay $0x4  }
0x118: {  	[tilespmem:v7+s14+$0x0] =	vst.idx.msk $0xffff, v8  }
0x119: {  	[tilespmem:s16], [sflag:$0x1] =	stream.indirect.gather [hbm4b:s4+s15], $0x40, s11, s15, $0xb8;
	[tilespmem:$0x8400] =	vst v63  }
0x11a: {  	_ = 	snop  }
0x11b: {  	[tilespmem:s17], [sflag:$0x1] =	stream.indirect.gather [hbm4b:s4+s15], $0x40, s12, s15, $0xb8;
	[tilespmem:$0x8400] =	vst v63  }
0x11c: {  	_ = 	snop  }
0x11d: {  	[tilespmem:s18], [sflag:$0x1] =	stream.indirect.gather [hbm4b:s4+s15], $0x40, s13, s15, $0xb8;
	[tilespmem:$0x8400] =	vst v63  }
0x11e: {  	_ = 	snop  }
0x11f: {  	[tilespmem:s19], [sflag:$0x1] =	stream.indirect.gather [hbm4b:s4+s15], $0x40, s14, s15, $0xb8;
	[tilespmem:$0x8400] =	vst v63  }
0x120: {  	_ =	swait.ge [sflag:s20], $0x2000  }
0x121: {  	[sflag:s20] =	ssyncset.done $0x0  }
0x122: {  	[sflag:s20] =	ssyncadd.s32 $0xFFFFE000  }
0x123: {  	_ =	swait.ge [sflag:s20], $0x2000  }
0x124: {  	[sflag:s20] =	ssyncset.done $0x0  }
0x125: {  	[sflag:s20] =	ssyncadd.s32 $0xFFFFE000  }
0x126: {  	_ =	swait.ge [sflag:s20], $0x2000  }
0x127: {  	[sflag:s20] =	ssyncset.done $0x0  }
0x128: {  	[sflag:s20] =	ssyncadd.s32 $0xFFFFE000  }
0x129: {  	s21 =	sadd.s32 $0x1, s21;
	_ =	swait.ge [sflag:s20], $0x2000  }
0x12a: {  	p0 =	sne.s32 s21, s7;
	[sflag:s20] =	ssyncset.done $0x0  }
.Ltmp1:
0x12b: {  	[sflag:s20] =	ssyncadd.s32 $0xFFFFE000;
	(pc) =	sbr.rel @p0 .LBB2_1-.Ltmp1, $4  }
0x12c: {  	[hbm4b:s22+s1] =	stream.linear.scatter [tilespmem:s16], [sflag:$0x2], $0x8000, $0x38;
	[tilespmem:$0x8400] =	vst v63  }
0x12d: {  	_ =	swait.ge [sflag:s9], $0x8000  }
0x12e: {  	[sflag:s9] =	ssyncset.done $0x0  }
0x12f: {  	[sflag:s9] =	ssyncadd.s32 $0xFFFF8000  }
0x130: {  	_ =	sfence.sel $0x180000  }
0x131: {  	[bflag:$0x0] =	sbarrier.arrive $0xFFFF  }
0x132: {  	p0 =	sne.s32 s2, $0x0;
	_ =	strace $0x9000004A  }
0x133: {  	s0 =	sadd.s32 @!p0 $0x100000, s0;
	[bflag:$0x2] =	sbarrier.arrive $0xFFFF  }
0x134: {  	[sflag:s0] =	ssyncadd.tile.s32 @!p0 $0x1;
	_ =	shalt  }
.Lfunc_end2:
_tile_overlayer_lowered:
.L_overlay_start_2:
0x135: {  	(tag) =	ssettag $0x2  }
0x136: {  	s0 =	rddreg [dreg:$0x0];
	s2 =	stileid.u32  }
0x137: {  	s1 =	rddreg [dreg:$0x1];
	p0 =	sne.s32 s2, $0x0  }
0x138: {  	s3 =	rddreg [dreg:$0x2];
	[bflag:$0x3] =	sbarrier.arrive $0xFFFF;
	s2 =	simm.s32 @!p0 $0x1C02  }
0x139: {  	[timem:s3], [sflag:s2] =	dma.local @!p0 [hbm:s0], s1  }
0x13a: {  	s0 =	simm.s32 @!p0 $0x2  }
0x13b: {  	_ =	swait.ge @!p0 [sflag:s0], s1  }
0x13c: {  	s1 =	ssub.s32 @!p0 $0x0, s1;
	[sflag:s0] =	ssyncset.done @!p0 $0x0  }
0x13d: {  	[sflag:s0] =	ssyncadd.s32 @!p0 s1  }
0x13e: {  	[bflag:$0x3] =	sbarrier.arrive $0xFFFF  }
0x13f: {  	_ =	shalt  }

// kernel: _run.20.cloned.1.call-start
scs
__scs_entry_jumppad:
0x0: {  	(pc) =	sbr.rel $0x88, $3  }
0x1: {  	(tag) =	ssettag $0x0;
	lr =	simm.s32 $0x1  }
0x2: {  	[smem:$0x3F9E] =	sst lr;
	_ =	strace $0xD0000000  }
0x3: {  	_ = 	snop  }
0x4: {  	_ = 	snop  }
0x5: {  	_ = 	snop  }
0x6: {  	_ = 	snop  }
0x7: {  	_ = 	snop  }
__scs_overlays_trampoline_lowered:
0x8: {  	[smem:$0x3FAD] =	sst s0  }
0x9: {  	[smem:$0x3FAE] =	sst s1  }
0xa: {  	[smem:$0x3FAF] =	sst s2  }
0xb: {  	[smem:$0x3FB0] =	sst s3  }
0xc: {  	[smem:$0x3FB1] =	sst s4  }
0xd: {  	[smem:$0x3FB2] =	sst s5  }
0xe: {  	[smem:$0x3FB3] =	sst s6  }
0xf: {  	[smem:$0x3FB4] =	sst s7  }
0x10: {  	[smem:$0x3FB5] =	sst s8  }
0x11: {  	[smem:$0x3FB6] =	sst s9;
	s0 =	simm.s32 @!p0 $0x0  }
0x12: {  	s1 =	sld [smem:$0x3F9C];
	s0 =	simm.s32 @p0 $0x1  }
0x13: {  	[smem:$0x3FB7] =	sst s0;
	s0 =	simm.s32 @!p1 $0x0  }
0x14: {  	s2 =	sld [smem:$0x3F9B];
	s0 =	simm.s32 @p1 $0x1  }
0x15: {  	[smem:$0x3FB8] =	sst s0;
	s0 =	simm.s32 @!p2 $0x0  }
0x16: {  	s3 =	sld [smem:$0x3FDB];
	s0 =	simm.s32 @p2 $0x1  }
0x17: {  	s4 =	simm.s32 $0x1BF5;
	[smem:$0x3FBA] =	sst s0  }
0x18: {  	s0 =	sld [smem:$0x3F9D];
	_ =	swait.ge [sflag:s4], $0x0  }
0x19: {  	s7 =	sld [smem:$0x3F9E]  }
0x1a: {  	s8 =	sadd.s32 $0xFFFFE003, lr  }
0x1b: {  	s9 =	sadd.s32 $0xFFFFFEF7, lr;
	s5 =	simm.s32 $0xFFFFFFFF;
	p2 =	slt.u32 s8, $0xFFFFF086  }
0x1c: {  	p1 =	slt.u32 s9, $0xF7A;
	s5 =	simm.s32 @!p2 $0x0  }
0x1d: {  	s5 =	simm.s32 @p1 $0x1;
	p0 =	seq.s32 s7, s2  }
0x1e: {  	s7 =	smul.u32 @!p0 $0xF7A, s2;
	p2 =	seq.s32 @!p0 s5, $0x0  }
0x1f: {  	s9 =	smul.u32 $0xF7A, s1;
	s8 =	simm.s32 @!p0 $0x1BF5;
	p2 =	por !p2, p0  }
0x20: {  	[sflag:s8] =	ssyncset.s32 @!p0 $0xFFFFF086;
	s6 =	sadd.s32 @!p0 s3, s7;
	s7 =	simm.s32 @!p0 $0x108  }
0x21: {  	s3 =	sadd.s32 s3, s9;
	s6 =	sadd.s32 @!p0 $0x88, s6;
	s7 =	simm.s32 @p2 $0x1082  }
0x22: {  	[simem:s7], [sflag:s8] =	dma.local @!p0 [hbm:s6], $0xF7A  }
0x23: {  	s9 =	sor.u32 $0xD0000000, s2;
	s6 =	simm.s32 $0x108;
	_ =	swait.ge @!p0 [sflag:s8], $0x0  }
0x24: {  	s3 =	sadd.s32 $0x88, s3;
	s6 =	simm.s32 @!p1 $0x1082;
	[sflag:s4] =	ssyncset.s32 $0xFFFFF086  }
0x25: {  	[simem:s6], [sflag:s4] =	dma.local [hbm:s3], $0xF7A  }
0x26: {  	[smem:$0x3F9E] =	sst s1;
	(tag) =	ssettag s2;
	_ =	strace s9  }
0x27: {  	s1 =	sld [smem:$0x3FAE]  }
0x28: {  	s2 =	sld [smem:$0x3FAF]  }
0x29: {  	s4 =	sld [smem:$0x3FB1]  }
0x2a: {  	p0 =	seq.s32 s5, $0x0;
	s5 =	sld [smem:$0x3FB2]  }
0x2b: {  	s6 =	sld [smem:$0x3FB3]  }
0x2c: {  	s7 =	sld [smem:$0x3FB4]  }
0x2d: {  	s3 =	simm.s32 $0x108;
	s8 =	sld [smem:$0x3FB5]  }
0x2e: {  	s3 =	simm.s32 @!p0 $0x1082;
	s9 =	sld [smem:$0x3FB6]  }
0x2f: {  	lr =	sadd.s32 s0, s3;
	s0 =	sld [smem:$0x3FAD]  }
0x30: {  	s3 =	sld [smem:$0x3FB0]  }
0x31: {  	[smem:$0x3FB9] =	sst s10  }
0x32: {  	s10 =	sld [smem:$0x3FB7];
	_ =	sdelay $0x3  }
0x33: {  	p0 =	seq.s32 s10, $0x1;
	s10 =	sld [smem:$0x3FB9];
	_ =	sdelay $0x3  }
0x34: {  	[smem:$0x3FB9] =	sst s10  }
0x35: {  	s10 =	sld [smem:$0x3FB8];
	_ =	sdelay $0x3  }
0x36: {  	p1 =	seq.s32 s10, $0x1;
	s10 =	sld [smem:$0x3FB9];
	_ =	sdelay $0x3  }
0x37: {  	[smem:$0x3FB9] =	sst s10  }
0x38: {  	s10 =	sld [smem:$0x3FBA]  }
0x39: {  	_ = 	snop;
	(pc) =	sbr.ind lr, $3  }
0x3a: {  	_ = 	snop  }
0x3b: {  	_ = 	snop  }
0x3c: {  	p2 =	seq.s32 s10, $0x1;
	s10 =	sld [smem:$0x3FB9]  }
0x3d: {  	_ =	shalt  }
0x3e: {  	_ =	shalt  }
0x3f: {  	_ =	shalt  }
0x40: {  	_ =	shalt  }
0x41: {  	_ =	shalt  }
0x42: {  	_ =	shalt  }
0x43: {  	_ =	shalt  }
0x44: {  	_ =	shalt  }
0x45: {  	_ =	shalt  }
0x46: {  	_ =	shalt  }
0x47: {  	_ =	shalt  }
0x48: {  	_ =	shalt  }
0x49: {  	_ =	shalt  }
0x4a: {  	_ =	shalt  }
0x4b: {  	_ =	shalt  }
0x4c: {  	_ =	shalt  }
0x4d: {  	_ =	shalt  }
0x4e: {  	_ =	shalt  }
0x4f: {  	_ =	shalt  }
0x50: {  	_ =	shalt  }
0x51: {  	_ =	shalt  }
0x52: {  	_ =	shalt  }
0x53: {  	_ =	shalt  }
0x54: {  	_ =	shalt  }
0x55: {  	_ =	shalt  }
0x56: {  	_ =	shalt  }
0x57: {  	_ =	shalt  }
0x58: {  	_ =	shalt  }
0x59: {  	_ =	shalt  }
0x5a: {  	_ =	shalt  }
0x5b: {  	_ =	shalt  }
0x5c: {  	_ =	shalt  }
0x5d: {  	_ =	shalt  }
0x5e: {  	_ =	shalt  }
0x5f: {  	_ =	shalt  }
0x60: {  	_ =	shalt  }
0x61: {  	_ =	shalt  }
0x62: {  	_ =	shalt  }
0x63: {  	_ =	shalt  }
0x64: {  	_ =	shalt  }
0x65: {  	_ =	shalt  }
0x66: {  	_ =	shalt  }
0x67: {  	_ =	shalt  }
0x68: {  	_ =	shalt  }
0x69: {  	_ =	shalt  }
0x6a: {  	_ =	shalt  }
0x6b: {  	_ =	shalt  }
0x6c: {  	_ =	shalt  }
0x6d: {  	_ =	shalt  }
0x6e: {  	_ =	shalt  }
0x6f: {  	_ =	shalt  }
0x70: {  	_ =	shalt  }
0x71: {  	_ =	shalt  }
0x72: {  	_ =	shalt  }
0x73: {  	_ =	shalt  }
0x74: {  	_ =	shalt  }
0x75: {  	_ =	shalt  }
0x76: {  	_ =	shalt  }
0x77: {  	_ =	shalt  }
0x78: {  	_ =	shalt  }
0x79: {  	_ =	shalt  }
0x7a: {  	_ =	shalt  }
0x7b: {  	_ =	shalt  }
0x7c: {  	_ =	shalt  }
0x7d: {  	_ =	shalt  }
0x7e: {  	_ =	shalt  }
0x7f: {  	_ =	shalt  }
0x80: {  	_ =	shalt  }
0x81: {  	_ =	shalt  }
0x82: {  	_ =	shalt  }
0x83: {  	_ =	shalt  }
0x84: {  	_ =	shalt  }
0x85: {  	_ =	shalt  }
0x86: {  	_ =	shalt  }
0x87: {  	_ =	shalt  }
.Lfunc_end0:
.L_simem_size_0:
called_computation.2_lowered:
.L_overlay_start_0:
0x88: {  	s2 =	sld [smem:$0x3FD9]  }
0x89: {  	s3 =	sld [smem:$0x3FFE];
	_ =	sdelay $0x1  }
0x8a: {  	s1 =	srdreg.scid  }
0x8b: {  	s0 =	sand.u32 $0x1, s1  }
0x8c: {  	s17 =	sshll.u32 s0, $0xA;
	s2 =	sadd.s32 s3, s2  }
0x8d: {  	s2 =	sadd.s32 s2, s17  }
0x8e: {  	[smem:$0x3FC5] =	sst s2  }
0x8f: {  	_ = 	snop  }
0x90: {  	(tm) =	ssettm $0x1  }
0x91: {  	s18 =	sld [smem:$0x3FFB];
	_ =	sdelay $0x3  }
0x92: {  	_ =	strace s18  }
0x93: {  	s2 =	sld [smem:$0x3FFC];
	_ =	sdelay $0x3  }
0x94: {  	_ =	strace s2  }
0x95: {  	s2 =	sld [smem:$0x3FFD];
	_ =	sdelay $0x3  }
0x96: {  	_ =	strace s2  }
0x97: {  	_ =	strace $0x8FFFFFFF  }
0x98: {  	s19 =	sld [smem:$0x3FDB];
	_ =	sdelay $0x1  }
0x99: {  	s20 =	simm.s32 $_scs_section_size  }
0x9a: {  	s4 =	simm.s32 $_size__tile_overlayer_lowered;
	s5 =	simm.s32 $_tile_overlayer_lowered  }
0x9b: {  	s6 =	simm.s32 $0x1BFF;
	s21 =	sshll.u32 s5, $0x1;
	s3 =	sadd.s32 s20, s19  }
0x9c: {  	s22 =	simm.s32 $0x0;
	s4 =	sshll.u32 s4, $0x1;
	s5 =	sadd.s32 s21, s3  }
0x9d: {  	[timem:s22], [sflag:s6] =	dma.local [hbm:s5], s4  }
0x9e: {  	_ =	swait.ge [sflag:s6], s4  }
0x9f: {  	s4 =	ssub.s32 $0x0, s4;
	[sflag:s6] =	ssyncset.done $0x0  }
0xa0: {  	[sflag:s6] =	ssyncadd.s32 s4;
	_ =	sdelay $0x1  }
0xa1: {  	s23 =	simm.s32 $0x1B8B  }
0xa2: {  	_ =	swait.ge [sflag:s23], $0x1  }
0xa3: {  	[sflag:s23] =	ssyncset.done $0x0  }
0xa4: {  	[sflag:s23] =	ssyncadd.s32 $0xFFFFFFFF  }
0xa5: {  	s4 =	sld [smem:$0x0]  }
0xa6: {  	s5 =	sand.u32 $0xFFFFFFFE, s1  }
0xa7: {  	p0 =	sne.s32 s1, s5  }
0xa8: {  	s5 =	sshll.u32 @p0 s5, $0xE  }
0xa9: {  	s5 =	sadd.s32 @p0 $0x11B8D, s5;
	s6 =	sshll.u32 @p0 s4, $0x11  }
0xaa: {  	s5 =	sor.u32 @p0 s6, s5  }
0xab: {  	[sflag:s5] =	ssyncadd.remote.s32 @p0 $0x1;
	_ =	sdelay $0x1  }
0xac: {  	s5 =	simm.s32 @p0 $0x1B8D  }
0xad: {  	_ =	swait.eq @p0 [sflag:s5], $0x1  }
0xae: {  	[sflag:s5] =	ssyncadd.s32 @p0 $0xFFFFFFFF  }
0xaf: {  	s6 =	sshll.u32 @!p0 s1, $0xE  }
0xb0: {  	s6 =	sor.u32 @!p0 $0x4000, s6;
	s5 =	simm.s32 @!p0 $0x1B8D  }
0xb1: {  	s4 =	sshll.u32 @!p0 s4, $0x11;
	s6 =	sadd.s32 @!p0 $0x11B8D, s6;
	_ =	swait.eq @!p0 [sflag:s5], $0x1  }
0xb2: {  	s4 =	sor.u32 @!p0 s4, s6;
	[sflag:s5] =	ssyncadd.s32 @!p0 $0xFFFFFFFF  }
0xb3: {  	s25 =	simm.s32 $0x1B8E;
	s24 =	sld [smem:$0x3FFE];
	[sflag:s4] =	ssyncadd.remote.s32 @!p0 $0x1  }
0xb4: {  	s26 =	simm.s32 $execute0_lowered;
	[smem:$0x3FD2] =	sst s25  }
0xb5: {  	s5 =	sshll.u32 s26, $0x1;
	_ =	strace $0x8000004C;
	[dreg:$0x1] =	wrdreg $0xFFFFFFFF  }
0xb6: {  	s28 =	simm.s32 $_size_execute0_lowered;
	s3 =	sadd.s32 s3, s5;
	[dreg:$0x0] =	wrdreg $0x0  }
0xb7: {  	s5 =	sshll.u32 s28, $0x1;
	[dreg:$0x2] =	wrdreg s3  }
0xb8: {  	[dreg:$0x3] =	wrdreg s5  }
0xb9: {  	[dreg:$0x4] =	wrdreg $0xC0  }
0xba: {  	_ =	task [dreg:s22], $0x5FFFF  }
0xbb: {  	[dreg:$0x1] =	wrdreg $0xFFFFFFFF  }
0xbc: {  	[dreg:$0x0] =	wrdreg $0x60  }
0xbd: {  	[dreg:$0x2] =	wrdreg s24  }
0xbe: {  	[dreg:$0x3] =	wrdreg $0xB  }
0xbf: {  	_ =	task.clear_ibuf [dreg:s22], $0x4FFFF;
	_ =	strace $0x9000004C  }
0xc0: {  	s29 =	simm.s32 $0xB;
	_ =	strace $0x8000004E  }
0xc1: {  	_ =	swait.ge [sflag:s29], $0x1  }
0xc2: {  	[sflag:s29] =	ssyncadd.s32 $0xFFFFFFFF  }
0xc3: {  	_ =	strace $0x9000004E  }
0xc4: {  	_ =	sfence  }
0xc5: {  	s30 =	sld [smem:$0x0];
	_ =	sdelay $0x2  }
0xc6: {  	s31 =	sshll.u32 s1, $0xD;
	s1 =	sshrl.u32 s1, $0x2  }
0xc7: {  	s4 =	sand.u32 $0x4000, s31;
	s1 =	sadd.s32 s1, s30  }
0xc8: {  	s0 =	sor.u32 s4, s0;
	s1 =	sshll.u32 s1, $0x11  }
0xc9: {  	s0 =	sor.u32 s1, s0  }
0xca: {  	s0 =	sadd.s32 $0x8F2B, s0  }
0xcb: {  	[sflag:s0] =	ssyncadd.remote.s32 $0x1  }
0xcc: {  	_ =	sfence.sel $0xFFFF  }
0xcd: {  	[dreg:$0x0] =	wrdreg $0xFFFFFFFF;
	(pc) =	sbr.abs _section_cstart, $3  }
0xce: {  	[dreg:$0x1] =	wrdreg $0xFFFFFFFF  }
0xcf: {  	_ =	task.clear_ibuf [dreg:s22], $0x2FFFF;
	_ =	strace $0x9FFFFFFF  }
0xd0: {  	(tm) =	ssettm $0x7FFFFFFF  }
0xd1: {  	_ =	shalt  }
tec
execute0_lowered:
.L_overlay_start_1:
0x0: {  	(tag) =	ssettag $0x1  }
0x1: {  	s6 =	rddreg [dreg:$0x0]  }
0x2: {  	s0 =	rddreg [dreg:$0x1];
	s1 =	simm.s32 $0x0  }
0x3: {  	s2 =	srdreg.scid;
	s12 =	simm.s32 $0x280;
	s13 =	simm.s32 $0x300  }
0x4: {  	s14 =	simm.s32 $0x380;
	s15 =	simm.s32 $0x80;
	s16 =	simm.s32 $0x400  }
0x5: {  	s17 =	simm.s32 $0x2400;
	s18 =	simm.s32 $0x4400;
	s19 =	simm.s32 $0x6400  }
0x6: {  	s20 =	simm.s32 $0x1;
	s21 =	simm.s32 $0x0;
	[smem:$0x7FF] =	sst s1  }
0x7: {  	s5 =	sand.u32 $0x1, s2;
	s2 =	stileid.u32;
	s3 =	sadd.s32 $0xAAF400, s6  }
0x8: {  	v0 =	vlaneseq.u32;
	s4 =	sadd.s32 $0x2200, s6;
	_ =	strace $0x8000004D;
	s7 =	ssub.s32 $0x2, s5  }
0x9: {  	v0 =	vmul.u32 $0x2, v0;
	s8 =	sshll.u32 s2, $0x12;
	s31 =	sshll.u32 s2, $0xC;
	s10 =	sshll.u32 s5, $0xB  }
0xa: {  	s11 =	sshll.u32 s5, $0x11;
	s9 =	sshrl.u32 s7, $0x1;
	s8 =	sadd.s32 s8, s6  }
0xb: {  	s5 =	sor.u32 s10, s31;
	s6 =	sadd.s32 $0xAAF500, s6;
	s10 =	simm.s32 $0x100;
	v1 =	vor.u32 $0x20, v0  }
0xc: {  	v2 =	vor.u32 $0x40, v0;
	v3 =	vor.u32 $0x60, v0;
	v4 =	vor.u32 $0x1, v0;
	s7 =	ssub.s32 s7, s9;
	s8 =	sadd.s32 s11, s8;
	s9 =	simm.s32 $0x2  }
0xd: {  	v5 =	vor.u32 $0x21, v0;
	v6 =	vor.u32 $0x41, v0;
	v7 =	vor.u32 $0x61, v0;
	s11 =	simm.s32 $0x200;
	s7 =	smax.u32 s7, $0x1;
	s8 =	sadd.s32 $0xABF400, s8  }
.LBB2_1:
0xe: {  	s22 =	sand.u32 $0x600, s1  }
0xf: {  	s23 =	sand.u32 $0xE0, s1;
	s22 =	sor.u32 s5, s22  }
0x10: {  	s22 =	sor.u32 s23, s22  }
0x11: {  	s23 =	sadd.s32 s3, s22  }
0x12: {  	[tilespmem:s1], [sflag:$0x2] =	stream.linear.gather [hbm4b:s23+s1], $0x100, $0x38;
	[tilespmem:$0x8400] =	vst v63  }
0x13: {  	_ =	swait.ge [sflag:s9], $0x100  }
0x14: {  	[sflag:s9] =	ssyncset.done $0x0  }
0x15: {  	s22 =	sadd.s32 s22, s6;
	[sflag:s9] =	ssyncadd.s32 $0xFFFFFF00  }
0x16: {  	[tilespmem:s10], [sflag:$0x2] =	stream.linear.gather [hbm4b:s22+s1], $0x100, $0x38;
	[tilespmem:$0x8400] =	vst v63  }
0x17: {  	_ =	swait.ge [sflag:s9], $0x100  }
0x18: {  	[sflag:s9] =	ssyncset.done $0x0  }
0x19: {  	[sflag:s9] =	ssyncadd.s32 $0xFFFFFF00  }
0x1a: {  	v8 =	vld [tilespmem:$0x0];
	_ =	sdelay $0x4  }
0x1b: {  	[tilespmem:v0+s11+$0x0] =	vst.idx.msk $0xffff, v8  }
0x1c: {  	v8 =	vld [tilespmem:$0x10];
	_ =	sdelay $0x4  }
0x1d: {  	[tilespmem:v1+s11+$0x0] =	vst.idx.msk $0xffff, v8  }
0x1e: {  	v8 =	vld [tilespmem:$0x20];
	_ =	sdelay $0x4  }
0x1f: {  	[tilespmem:v2+s11+$0x0] =	vst.idx.msk $0xffff, v8  }
0x20: {  	v8 =	vld [tilespmem:$0x30];
	_ =	sdelay $0x4  }
0x21: {  	[tilespmem:v3+s11+$0x0] =	vst.idx.msk $0xffff, v8  }
0x22: {  	v8 =	vld [tilespmem:$0x40];
	_ =	sdelay $0x4  }
0x23: {  	[tilespmem:v0+s12+$0x0] =	vst.idx.msk $0xffff, v8  }
0x24: {  	v8 =	vld [tilespmem:$0x50];
	_ =	sdelay $0x4  }
0x25: {  	[tilespmem:v1+s12+$0x0] =	vst.idx.msk $0xffff, v8  }
0x26: {  	v8 =	vld [tilespmem:$0x60];
	_ =	sdelay $0x4  }
0x27: {  	[tilespmem:v2+s12+$0x0] =	vst.idx.msk $0xffff, v8  }
0x28: {  	v8 =	vld [tilespmem:$0x70];
	_ =	sdelay $0x4  }
0x29: {  	[tilespmem:v3+s12+$0x0] =	vst.idx.msk $0xffff, v8  }
0x2a: {  	v8 =	vld [tilespmem:$0x80];
	_ =	sdelay $0x4  }
0x2b: {  	[tilespmem:v0+s13+$0x0] =	vst.idx.msk $0xffff, v8  }
0x2c: {  	v8 =	vld [tilespmem:$0x90];
	_ =	sdelay $0x4  }
0x2d: {  	[tilespmem:v1+s13+$0x0] =	vst.idx.msk $0xffff, v8  }
0x2e: {  	v8 =	vld [tilespmem:$0xA0];
	_ =	sdelay $0x4  }
0x2f: {  	[tilespmem:v2+s13+$0x0] =	vst.idx.msk $0xffff, v8  }
0x30: {  	v8 =	vld [tilespmem:$0xB0];
	_ =	sdelay $0x4  }
0x31: {  	[tilespmem:v3+s13+$0x0] =	vst.idx.msk $0xffff, v8  }
0x32: {  	v8 =	vld [tilespmem:$0xC0];
	_ =	sdelay $0x4  }
0x33: {  	[tilespmem:v0+s14+$0x0] =	vst.idx.msk $0xffff, v8  }
0x34: {  	v8 =	vld [tilespmem:$0xD0];
	_ =	sdelay $0x4  }
0x35: {  	[tilespmem:v1+s14+$0x0] =	vst.idx.msk $0xffff, v8  }
0x36: {  	v8 =	vld [tilespmem:$0xE0];
	_ =	sdelay $0x4  }
0x37: {  	[tilespmem:v2+s14+$0x0] =	vst.idx.msk $0xffff, v8  }
0x38: {  	v8 =	vld [tilespmem:$0xF0];
	_ =	sdelay $0x4  }
0x39: {  	[tilespmem:v3+s14+$0x0] =	vst.idx.msk $0xffff, v8  }
0x3a: {  	v8 =	vld [tilespmem:$0x100];
	_ =	sdelay $0x4  }
0x3b: {  	[tilespmem:v4+s11+$0x0] =	vst.idx.msk $0xffff, v8  }
0x3c: {  	v8 =	vld [tilespmem:$0x110];
	_ =	sdelay $0x4  }
0x3d: {  	[tilespmem:v5+s11+$0x0] =	vst.idx.msk $0xffff, v8  }
0x3e: {  	v8 =	vld [tilespmem:$0x120];
	_ =	sdelay $0x4  }
0x3f: {  	[tilespmem:v6+s11+$0x0] =	vst.idx.msk $0xffff, v8  }
0x40: {  	v8 =	vld [tilespmem:$0x130];
	_ =	sdelay $0x4  }
0x41: {  	[tilespmem:v7+s11+$0x0] =	vst.idx.msk $0xffff, v8  }
0x42: {  	v8 =	vld [tilespmem:$0x140];
	_ =	sdelay $0x4  }
0x43: {  	[tilespmem:v4+s12+$0x0] =	vst.idx.msk $0xffff, v8  }
0x44: {  	v8 =	vld [tilespmem:$0x150];
	_ =	sdelay $0x4  }
0x45: {  	[tilespmem:v5+s12+$0x0] =	vst.idx.msk $0xffff, v8  }
0x46: {  	v8 =	vld [tilespmem:$0x160];
	_ =	sdelay $0x4  }
0x47: {  	[tilespmem:v6+s12+$0x0] =	vst.idx.msk $0xffff, v8  }
0x48: {  	v8 =	vld [tilespmem:$0x170];
	_ =	sdelay $0x4  }
0x49: {  	[tilespmem:v7+s12+$0x0] =	vst.idx.msk $0xffff, v8  }
0x4a: {  	v8 =	vld [tilespmem:$0x180];
	_ =	sdelay $0x4  }
0x4b: {  	[tilespmem:v4+s13+$0x0] =	vst.idx.msk $0xffff, v8  }
0x4c: {  	v8 =	vld [tilespmem:$0x190];
	_ =	sdelay $0x4  }
0x4d: {  	[tilespmem:v5+s13+$0x0] =	vst.idx.msk $0xffff, v8  }
0x4e: {  	v8 =	vld [tilespmem:$0x1A0];
	_ =	sdelay $0x4  }
0x4f: {  	[tilespmem:v6+s13+$0x0] =	vst.idx.msk $0xffff, v8  }
0x50: {  	v8 =	vld [tilespmem:$0x1B0];
	_ =	sdelay $0x4  }
0x51: {  	[tilespmem:v7+s13+$0x0] =	vst.idx.msk $0xffff, v8  }
0x52: {  	v8 =	vld [tilespmem:$0x1C0];
	_ =	sdelay $0x4  }
0x53: {  	[tilespmem:v4+s14+$0x0] =	vst.idx.msk $0xffff, v8  }
0x54: {  	v8 =	vld [tilespmem:$0x1D0];
	_ =	sdelay $0x4  }
0x55: {  	[tilespmem:v5+s14+$0x0] =	vst.idx.msk $0xffff, v8  }
0x56: {  	v8 =	vld [tilespmem:$0x1E0];
	_ =	sdelay $0x4  }
0x57: {  	[tilespmem:v6+s14+$0x0] =	vst.idx.msk $0xffff, v8  }
0x58: {  	v8 =	vld [tilespmem:$0x1F0];
	_ =	sdelay $0x4  }
0x59: {  	[tilespmem:v7+s14+$0x0] =	vst.idx.msk $0xffff, v8  }
0x5a: {  	[tilespmem:s16], [sflag:$0x1] =	stream.indirect.gather [hbm4b:s4+s15], $0x40, s11, s15, $0xb8;
	[tilespmem:$0x8400] =	vst v63  }
0x5b: {  	_ = 	snop  }
0x5c: {  	[tilespmem:s17], [sflag:$0x1] =	stream.indirect.gather [hbm4b:s4+s15], $0x40, s12, s15, $0xb8;
	[tilespmem:$0x8400] =	vst v63  }
0x5d: {  	_ = 	snop  }
0x5e: {  	[tilespmem:s18], [sflag:$0x1] =	stream.indirect.gather [hbm4b:s4+s15], $0x40, s13, s15, $0xb8;
	[tilespmem:$0x8400] =	vst v63  }
0x5f: {  	_ = 	snop  }
0x60: {  	[tilespmem:s19], [sflag:$0x1] =	stream.indirect.gather [hbm4b:s4+s15], $0x40, s14, s15, $0xb8;
	[tilespmem:$0x8400] =	vst v63  }
0x61: {  	_ =	swait.ge [sflag:s20], $0x2000  }
0x62: {  	[sflag:s20] =	ssyncset.done $0x0  }
0x63: {  	[sflag:s20] =	ssyncadd.s32 $0xFFFFE000  }
0x64: {  	_ =	swait.ge [sflag:s20], $0x2000  }
0x65: {  	[sflag:s20] =	ssyncset.done $0x0  }
0x66: {  	[sflag:s20] =	ssyncadd.s32 $0xFFFFE000  }
0x67: {  	_ =	swait.ge [sflag:s20], $0x2000  }
0x68: {  	[sflag:s20] =	ssyncset.done $0x0  }
0x69: {  	[sflag:s20] =	ssyncadd.s32 $0xFFFFE000  }
0x6a: {  	_ =	swait.ge [sflag:s20], $0x2000  }
0x6b: {  	s31 =	simm.s32 $0x20;
	s23 =	simm.s32 $0x40;
	[sflag:s20] =	ssyncset.done $0x0  }
0x6c: {  	s28 =	simm.s32 $0x40;
	s24 =	sand.u32 $0x600, s23;
	[sflag:s20] =	ssyncadd.s32 $0xFFFFE000  }
0x6d: {  	[hbm4b:s8+s1] =	stream.linear.scatter [tilespmem:s16], [sflag:$0x2], $0x8000, $0x38;
	[tilespmem:$0x8400] =	vst v63  }
0x6e: {  	s24 =	sor.u32 s5, s24;
	s22 =	sand.u32 $0xE0, s31;
	_ =	swait.ge [sflag:s9], $0x8000  }
0x6f: {  	s26 =	sor.u32 s22, s24;
	s22 =	sadd.s32 $0x1000, s8;
	[sflag:s9] =	ssyncset.done $0x0  }
.LBB2_2:
0x70: {  	s29 =	sadd.s32 s3, s26  }
0x71: {  	[sflag:s9] =	ssyncadd.s32 $0xFFFF8000;
	s25 =	smov.u32 s28;
	s24 =	sadd.s32 $0x20, s28  }
0x72: {  	[tilespmem:s1], [sflag:$0x2] =	stream.linear.gather [hbm4b:s29+s1], $0x100, $0x38;
	[tilespmem:$0x8400] =	vst v63  }
0x73: {  	p0 =	sne.s32 s28, $0x3E0;
	_ =	swait.ge [sflag:s9], $0x100  }
0x74: {  	[sflag:s9] =	ssyncset.done $0x0  }
0x75: {  	s26 =	sadd.s32 s26, s6;
	[sflag:s9] =	ssyncadd.s32 $0xFFFFFF00  }
0x76: {  	[tilespmem:s10], [sflag:$0x2] =	stream.linear.gather [hbm4b:s26+s1], $0x100, $0x38;
	[tilespmem:$0x8400] =	vst v63  }
0x77: {  	_ =	swait.ge [sflag:s9], $0x100  }
0x78: {  	[sflag:s9] =	ssyncset.done $0x0  }
0x79: {  	[sflag:s9] =	ssyncadd.s32 $0xFFFFFF00  }
0x7a: {  	v8 =	vld [tilespmem:$0x0];
	_ =	sdelay $0x4  }
0x7b: {  	[tilespmem:v0+s11+$0x0] =	vst.idx.msk $0xffff, v8  }
0x7c: {  	v8 =	vld [tilespmem:$0x10];
	_ =	sdelay $0x4  }
0x7d: {  	[tilespmem:v1+s11+$0x0] =	vst.idx.msk $0xffff, v8  }
0x7e: {  	v8 =	vld [tilespmem:$0x20];
	_ =	sdelay $0x4  }
0x7f: {  	[tilespmem:v2+s11+$0x0] =	vst.idx.msk $0xffff, v8  }
0x80: {  	v8 =	vld [tilespmem:$0x30];
	_ =	sdelay $0x4  }
0x81: {  	[tilespmem:v3+s11+$0x0] =	vst.idx.msk $0xffff, v8  }
0x82: {  	v8 =	vld [tilespmem:$0x40];
	_ =	sdelay $0x4  }
0x83: {  	[tilespmem:v0+s12+$0x0] =	vst.idx.msk $0xffff, v8  }
0x84: {  	v8 =	vld [tilespmem:$0x50];
	_ =	sdelay $0x4  }
0x85: {  	[tilespmem:v1+s12+$0x0] =	vst.idx.msk $0xffff, v8  }
0x86: {  	v8 =	vld [tilespmem:$0x60];
	_ =	sdelay $0x4  }
0x87: {  	[tilespmem:v2+s12+$0x0] =	vst.idx.msk $0xffff, v8  }
0x88: {  	v8 =	vld [tilespmem:$0x70];
	_ =	sdelay $0x4  }
0x89: {  	[tilespmem:v3+s12+$0x0] =	vst.idx.msk $0xffff, v8  }
0x8a: {  	v8 =	vld [tilespmem:$0x80];
	_ =	sdelay $0x4  }
0x8b: {  	[tilespmem:v0+s13+$0x0] =	vst.idx.msk $0xffff, v8  }
0x8c: {  	v8 =	vld [tilespmem:$0x90];
	_ =	sdelay $0x4  }
0x8d: {  	[tilespmem:v1+s13+$0x0] =	vst.idx.msk $0xffff, v8  }
0x8e: {  	v8 =	vld [tilespmem:$0xA0];
	_ =	sdelay $0x4  }
0x8f: {  	[tilespmem:v2+s13+$0x0] =	vst.idx.msk $0xffff, v8  }
0x90: {  	v8 =	vld [tilespmem:$0xB0];
	_ =	sdelay $0x4  }
0x91: {  	[tilespmem:v3+s13+$0x0] =	vst.idx.msk $0xffff, v8  }
0x92: {  	v8 =	vld [tilespmem:$0xC0];
	_ =	sdelay $0x4  }
0x93: {  	[tilespmem:v0+s14+$0x0] =	vst.idx.msk $0xffff, v8  }
0x94: {  	v8 =	vld [tilespmem:$0xD0];
	_ =	sdelay $0x4  }
0x95: {  	[tilespmem:v1+s14+$0x0] =	vst.idx.msk $0xffff, v8  }
0x96: {  	v8 =	vld [tilespmem:$0xE0];
	_ =	sdelay $0x4  }
0x97: {  	[tilespmem:v2+s14+$0x0] =	vst.idx.msk $0xffff, v8  }
0x98: {  	v8 =	vld [tilespmem:$0xF0];
	_ =	sdelay $0x4  }
0x99: {  	[tilespmem:v3+s14+$0x0] =	vst.idx.msk $0xffff, v8  }
0x9a: {  	v8 =	vld [tilespmem:$0x100];
	_ =	sdelay $0x4  }
0x9b: {  	[tilespmem:v4+s11+$0x0] =	vst.idx.msk $0xffff, v8  }
0x9c: {  	v8 =	vld [tilespmem:$0x110];
	_ =	sdelay $0x4  }
0x9d: {  	[tilespmem:v5+s11+$0x0] =	vst.idx.msk $0xffff, v8  }
0x9e: {  	v8 =	vld [tilespmem:$0x120];
	_ =	sdelay $0x4  }
0x9f: {  	[tilespmem:v6+s11+$0x0] =	vst.idx.msk $0xffff, v8  }
0xa0: {  	v8 =	vld [tilespmem:$0x130];
	_ =	sdelay $0x4  }
0xa1: {  	[tilespmem:v7+s11+$0x0] =	vst.idx.msk $0xffff, v8  }
0xa2: {  	v8 =	vld [tilespmem:$0x140];
	_ =	sdelay $0x4  }
0xa3: {  	[tilespmem:v4+s12+$0x0] =	vst.idx.msk $0xffff, v8  }
0xa4: {  	v8 =	vld [tilespmem:$0x150];
	_ =	sdelay $0x4  }
0xa5: {  	[tilespmem:v5+s12+$0x0] =	vst.idx.msk $0xffff, v8  }
0xa6: {  	v8 =	vld [tilespmem:$0x160];
	_ =	sdelay $0x4  }
0xa7: {  	[tilespmem:v6+s12+$0x0] =	vst.idx.msk $0xffff, v8  }
0xa8: {  	v8 =	vld [tilespmem:$0x170];
	_ =	sdelay $0x4  }
0xa9: {  	[tilespmem:v7+s12+$0x0] =	vst.idx.msk $0xffff, v8  }
0xaa: {  	v8 =	vld [tilespmem:$0x180];
	_ =	sdelay $0x4  }
0xab: {  	[tilespmem:v4+s13+$0x0] =	vst.idx.msk $0xffff, v8  }
0xac: {  	v8 =	vld [tilespmem:$0x190];
	_ =	sdelay $0x4  }
0xad: {  	[tilespmem:v5+s13+$0x0] =	vst.idx.msk $0xffff, v8  }
0xae: {  	v8 =	vld [tilespmem:$0x1A0];
	_ =	sdelay $0x4  }
0xaf: {  	[tilespmem:v6+s13+$0x0] =	vst.idx.msk $0xffff, v8  }
0xb0: {  	v8 =	vld [tilespmem:$0x1B0];
	_ =	sdelay $0x4  }
0xb1: {  	[tilespmem:v7+s13+$0x0] =	vst.idx.msk $0xffff, v8  }
0xb2: {  	v8 =	vld [tilespmem:$0x1C0];
	_ =	sdelay $0x4  }
0xb3: {  	[tilespmem:v4+s14+$0x0] =	vst.idx.msk $0xffff, v8  }
0xb4: {  	v8 =	vld [tilespmem:$0x1D0];
	_ =	sdelay $0x4  }
0xb5: {  	[tilespmem:v5+s14+$0x0] =	vst.idx.msk $0xffff, v8  }
0xb6: {  	v8 =	vld [tilespmem:$0x1E0];
	_ =	sdelay $0x4  }
0xb7: {  	[tilespmem:v6+s14+$0x0] =	vst.idx.msk $0xffff, v8  }
0xb8: {  	v8 =	vld [tilespmem:$0x1F0];
	_ =	sdelay $0x4  }
0xb9: {  	[tilespmem:v7+s14+$0x0] =	vst.idx.msk $0xffff, v8  }
0xba: {  	[tilespmem:s16], [sflag:$0x1] =	stream.indirect.gather [hbm4b:s4+s15], $0x40, s11, s15, $0xb8;
	[tilespmem:$0x8400] =	vst v63  }
0xbb: {  	_ = 	snop  }
0xbc: {  	[tilespmem:s17], [sflag:$0x1] =	stream.indirect.gather [hbm4b:s4+s15], $0x40, s12, s15, $0xb8;
	[tilespmem:$0x8400] =	vst v63  }
0xbd: {  	_ = 	snop  }
0xbe: {  	[tilespmem:s18], [sflag:$0x1] =	stream.indirect.gather [hbm4b:s4+s15], $0x40, s13, s15, $0xb8;
	[tilespmem:$0x8400] =	vst v63  }
0xbf: {  	_ = 	snop  }
0xc0: {  	[tilespmem:s19], [sflag:$0x1] =	stream.indirect.gather [hbm4b:s4+s15], $0x40, s14, s15, $0xb8;
	[tilespmem:$0x8400] =	vst v63  }
0xc1: {  	_ =	swait.ge [sflag:s20], $0x2000  }
0xc2: {  	[sflag:s20] =	ssyncset.done $0x0  }
0xc3: {  	[sflag:s20] =	ssyncadd.s32 $0xFFFFE000  }
0xc4: {  	_ =	swait.ge [sflag:s20], $0x2000  }
0xc5: {  	[sflag:s20] =	ssyncset.done $0x0  }
0xc6: {  	[sflag:s20] =	ssyncadd.s32 $0xFFFFE000  }
0xc7: {  	_ =	swait.ge [sflag:s20], $0x2000  }
0xc8: {  	[sflag:s20] =	ssyncset.done $0x0  }
0xc9: {  	[sflag:s20] =	ssyncadd.s32 $0xFFFFE000  }
0xca: {  	_ =	swait.ge [sflag:s20], $0x2000  }
.Ltmp0:
0xcb: {  	s23 =	sadd.s32 $0x40, s23;
	[sflag:s20] =	ssyncset.done $0x0;
	(pc) =	sbr.rel @p0 .LBB2_2-.Ltmp0, $4  }
0xcc: {  	s25 =	sand.u32 $0xE0, s25;
	s26 =	sand.u32 $0x600, s23;
	[sflag:s20] =	ssyncadd.s32 $0xFFFFE000  }
0xcd: {  	[hbm4b:s22+s1] =	stream.linear.scatter [tilespmem:s16], [sflag:$0x2], $0x8000, $0x38;
	[tilespmem:$0x8400] =	vst v63  }
0xce: {  	s28 =	smov.u32 s24;
	s26 =	sor.u32 s5, s26;
	_ =	swait.ge [sflag:s9], $0x8000  }
0xcf: {  	s26 =	sor.u32 s25, s26;
	s22 =	sadd.s32 $0x1000, s22;
	[sflag:s9] =	ssyncset.done $0x0  }
0xd0: {  	s23 =	sadd.s32 s3, s26;
	[sflag:s9] =	ssyncadd.s32 $0xFFFF8000  }
0xd1: {  	[tilespmem:s1], [sflag:$0x2] =	stream.linear.gather [hbm4b:s23+s1], $0x100, $0x38;
	[tilespmem:$0x8400] =	vst v63  }
0xd2: {  	_ =	swait.ge [sflag:s9], $0x100  }
0xd3: {  	[sflag:s9] =	ssyncset.done $0x0  }
0xd4: {  	s31 =	sadd.s32 s26, s6;
	[sflag:s9] =	ssyncadd.s32 $0xFFFFFF00  }
0xd5: {  	[tilespmem:s10], [sflag:$0x2] =	stream.linear.gather [hbm4b:s31+s1], $0x100, $0x38;
	[tilespmem:$0x8400] =	vst v63  }
0xd6: {  	_ =	swait.ge [sflag:s9], $0x100  }
0xd7: {  	[sflag:s9] =	ssyncset.done $0x0  }
0xd8: {  	[sflag:s9] =	ssyncadd.s32 $0xFFFFFF00  }
0xd9: {  	v8 =	vld [tilespmem:$0x0];
	_ =	sdelay $0x4  }
0xda: {  	[tilespmem:v0+s11+$0x0] =	vst.idx.msk $0xffff, v8  }
0xdb: {  	v8 =	vld [tilespmem:$0x10];
	_ =	sdelay $0x4  }
0xdc: {  	[tilespmem:v1+s11+$0x0] =	vst.idx.msk $0xffff, v8  }
0xdd: {  	v8 =	vld [tilespmem:$0x20];
	_ =	sdelay $0x4  }
0xde: {  	[tilespmem:v2+s11+$0x0] =	vst.idx.msk $0xffff, v8  }
0xdf: {  	v8 =	vld [tilespmem:$0x30];
	_ =	sdelay $0x4  }
0xe0: {  	[tilespmem:v3+s11+$0x0] =	vst.idx.msk $0xffff, v8  }
0xe1: {  	v8 =	vld [tilespmem:$0x40];
	_ =	sdelay $0x4  }
0xe2: {  	[tilespmem:v0+s12+$0x0] =	vst.idx.msk $0xffff, v8  }
0xe3: {  	v8 =	vld [tilespmem:$0x50];
	_ =	sdelay $0x4  }
0xe4: {  	[tilespmem:v1+s12+$0x0] =	vst.idx.msk $0xffff, v8  }
0xe5: {  	v8 =	vld [tilespmem:$0x60];
	_ =	sdelay $0x4  }
0xe6: {  	[tilespmem:v2+s12+$0x0] =	vst.idx.msk $0xffff, v8  }
0xe7: {  	v8 =	vld [tilespmem:$0x70];
	_ =	sdelay $0x4  }
0xe8: {  	[tilespmem:v3+s12+$0x0] =	vst.idx.msk $0xffff, v8  }
0xe9: {  	v8 =	vld [tilespmem:$0x80];
	_ =	sdelay $0x4  }
0xea: {  	[tilespmem:v0+s13+$0x0] =	vst.idx.msk $0xffff, v8  }
0xeb: {  	v8 =	vld [tilespmem:$0x90];
	_ =	sdelay $0x4  }
0xec: {  	[tilespmem:v1+s13+$0x0] =	vst.idx.msk $0xffff, v8  }
0xed: {  	v8 =	vld [tilespmem:$0xA0];
	_ =	sdelay $0x4  }
0xee: {  	[tilespmem:v2+s13+$0x0] =	vst.idx.msk $0xffff, v8  }
0xef: {  	v8 =	vld [tilespmem:$0xB0];
	_ =	sdelay $0x4  }
0xf0: {  	[tilespmem:v3+s13+$0x0] =	vst.idx.msk $0xffff, v8  }
0xf1: {  	v8 =	vld [tilespmem:$0xC0];
	_ =	sdelay $0x4  }
0xf2: {  	[tilespmem:v0+s14+$0x0] =	vst.idx.msk $0xffff, v8  }
0xf3: {  	v8 =	vld [tilespmem:$0xD0];
	_ =	sdelay $0x4  }
0xf4: {  	[tilespmem:v1+s14+$0x0] =	vst.idx.msk $0xffff, v8  }
0xf5: {  	v8 =	vld [tilespmem:$0xE0];
	_ =	sdelay $0x4  }
0xf6: {  	[tilespmem:v2+s14+$0x0] =	vst.idx.msk $0xffff, v8  }
0xf7: {  	v8 =	vld [tilespmem:$0xF0];
	_ =	sdelay $0x4  }
0xf8: {  	[tilespmem:v3+s14+$0x0] =	vst.idx.msk $0xffff, v8  }
0xf9: {  	v8 =	vld [tilespmem:$0x100];
	_ =	sdelay $0x4  }
0xfa: {  	[tilespmem:v4+s11+$0x0] =	vst.idx.msk $0xffff, v8  }
0xfb: {  	v8 =	vld [tilespmem:$0x110];
	_ =	sdelay $0x4  }
0xfc: {  	[tilespmem:v5+s11+$0x0] =	vst.idx.msk $0xffff, v8  }
0xfd: {  	v8 =	vld [tilespmem:$0x120];
	_ =	sdelay $0x4  }
0xfe: {  	[tilespmem:v6+s11+$0x0] =	vst.idx.msk $0xffff, v8  }
0xff: {  	v8 =	vld [tilespmem:$0x130];
	_ =	sdelay $0x4  }
0x100: {  	[tilespmem:v7+s11+$0x0] =	vst.idx.msk $0xffff, v8  }
0x101: {  	v8 =	vld [tilespmem:$0x140];
	_ =	sdelay $0x4  }
0x102: {  	[tilespmem:v4+s12+$0x0] =	vst.idx.msk $0xffff, v8  }
0x103: {  	v8 =	vld [tilespmem:$0x150];
	_ =	sdelay $0x4  }
0x104: {  	[tilespmem:v5+s12+$0x0] =	vst.idx.msk $0xffff, v8  }
0x105: {  	v8 =	vld [tilespmem:$0x160];
	_ =	sdelay $0x4  }
0x106: {  	[tilespmem:v6+s12+$0x0] =	vst.idx.msk $0xffff, v8  }
0x107: {  	v8 =	vld [tilespmem:$0x170];
	_ =	sdelay $0x4  }
0x108: {  	[tilespmem:v7+s12+$0x0] =	vst.idx.msk $0xffff, v8  }
0x109: {  	v8 =	vld [tilespmem:$0x180];
	_ =	sdelay $0x4  }
0x10a: {  	[tilespmem:v4+s13+$0x0] =	vst.idx.msk $0xffff, v8  }
0x10b: {  	v8 =	vld [tilespmem:$0x190];
	_ =	sdelay $0x4  }
0x10c: {  	[tilespmem:v5+s13+$0x0] =	vst.idx.msk $0xffff, v8  }
0x10d: {  	v8 =	vld [tilespmem:$0x1A0];
	_ =	sdelay $0x4  }
0x10e: {  	[tilespmem:v6+s13+$0x0] =	vst.idx.msk $0xffff, v8  }
0x10f: {  	v8 =	vld [tilespmem:$0x1B0];
	_ =	sdelay $0x4  }
0x110: {  	[tilespmem:v7+s13+$0x0] =	vst.idx.msk $0xffff, v8  }
0x111: {  	v8 =	vld [tilespmem:$0x1C0];
	_ =	sdelay $0x4  }
0x112: {  	[tilespmem:v4+s14+$0x0] =	vst.idx.msk $0xffff, v8  }
0x113: {  	v8 =	vld [tilespmem:$0x1D0];
	_ =	sdelay $0x4  }
0x114: {  	[tilespmem:v5+s14+$0x0] =	vst.idx.msk $0xffff, v8  }
0x115: {  	v8 =	vld [tilespmem:$0x1E0];
	_ =	sdelay $0x4  }
0x116: {  	[tilespmem:v6+s14+$0x0] =	vst.idx.msk $0xffff, v8  }
0x117: {  	v8 =	vld [tilespmem:$0x1F0];
	_ =	sdelay $0x4  }
0x118: {  	[tilespmem:v7+s14+$0x0] =	vst.idx.msk $0xffff, v8  }
0x119: {  	[tilespmem:s16], [sflag:$0x1] =	stream.indirect.gather [hbm4b:s4+s15], $0x40, s11, s15, $0xb8;
	[tilespmem:$0x8400] =	vst v63  }
0x11a: {  	_ = 	snop  }
0x11b: {  	[tilespmem:s17], [sflag:$0x1] =	stream.indirect.gather [hbm4b:s4+s15], $0x40, s12, s15, $0xb8;
	[tilespmem:$0x8400] =	vst v63  }
0x11c: {  	_ = 	snop  }
0x11d: {  	[tilespmem:s18], [sflag:$0x1] =	stream.indirect.gather [hbm4b:s4+s15], $0x40, s13, s15, $0xb8;
	[tilespmem:$0x8400] =	vst v63  }
0x11e: {  	_ = 	snop  }
0x11f: {  	[tilespmem:s19], [sflag:$0x1] =	stream.indirect.gather [hbm4b:s4+s15], $0x40, s14, s15, $0xb8;
	[tilespmem:$0x8400] =	vst v63  }
0x120: {  	_ =	swait.ge [sflag:s20], $0x2000  }
0x121: {  	[sflag:s20] =	ssyncset.done $0x0  }
0x122: {  	[sflag:s20] =	ssyncadd.s32 $0xFFFFE000  }
0x123: {  	_ =	swait.ge [sflag:s20], $0x2000  }
0x124: {  	[sflag:s20] =	ssyncset.done $0x0  }
0x125: {  	[sflag:s20] =	ssyncadd.s32 $0xFFFFE000  }
0x126: {  	_ =	swait.ge [sflag:s20], $0x2000  }
0x127: {  	[sflag:s20] =	ssyncset.done $0x0  }
0x128: {  	[sflag:s20] =	ssyncadd.s32 $0xFFFFE000  }
0x129: {  	s21 =	sadd.s32 $0x1, s21;
	_ =	swait.ge [sflag:s20], $0x2000  }
0x12a: {  	p0 =	sne.s32 s21, s7;
	[sflag:s20] =	ssyncset.done $0x0  }
.Ltmp1:
0x12b: {  	[sflag:s20] =	ssyncadd.s32 $0xFFFFE000;
	(pc) =	sbr.rel @p0 .LBB2_1-.Ltmp1, $4  }
0x12c: {  	[hbm4b:s22+s1] =	stream.linear.scatter [tilespmem:s16], [sflag:$0x2], $0x8000, $0x38;
	[tilespmem:$0x8400] =	vst v63  }
0x12d: {  	_ =	swait.ge [sflag:s9], $0x8000  }
0x12e: {  	[sflag:s9] =	ssyncset.done $0x0  }
0x12f: {  	[sflag:s9] =	ssyncadd.s32 $0xFFFF8000  }
0x130: {  	_ =	sfence.sel $0x180000  }
0x131: {  	[bflag:$0x0] =	sbarrier.arrive $0xFFFF  }
0x132: {  	p0 =	sne.s32 s2, $0x0;
	_ =	strace $0x9000004D  }
0x133: {  	s0 =	sadd.s32 @!p0 $0x100000, s0;
	[bflag:$0x2] =	sbarrier.arrive $0xFFFF  }
0x134: {  	[sflag:s0] =	ssyncadd.tile.s32 @!p0 $0x1;
	_ =	shalt  }
.Lfunc_end2:
_tile_overlayer_lowered:
.L_overlay_start_2:
0x135: {  	(tag) =	ssettag $0x2  }
0x136: {  	s0 =	rddreg [dreg:$0x0];
	s2 =	stileid.u32  }
0x137: {  	s1 =	rddreg [dreg:$0x1];
	p0 =	sne.s32 s2, $0x0  }
0x138: {  	s3 =	rddreg [dreg:$0x2];
	[bflag:$0x3] =	sbarrier.arrive $0xFFFF;
	s2 =	simm.s32 @!p0 $0x1C02  }
0x139: {  	[timem:s3], [sflag:s2] =	dma.local @!p0 [hbm:s0], s1  }
0x13a: {  	s0 =	simm.s32 @!p0 $0x2  }
0x13b: {  	_ =	swait.ge @!p0 [sflag:s0], s1  }
0x13c: {  	s1 =	ssub.s32 @!p0 $0x0, s1;
	[sflag:s0] =	ssyncset.done @!p0 $0x0  }
0x13d: {  	[sflag:s0] =	ssyncadd.s32 @!p0 s1  }
0x13e: {  	[bflag:$0x3] =	sbarrier.arrive $0xFFFF  }
0x13f: {  	_ =	shalt  }

// kernel: _run.23.cloned.1.call-start
scs
__scs_entry_jumppad:
0x0: {  	(pc) =	sbr.rel $0x88, $3  }
0x1: {  	(tag) =	ssettag $0x0;
	lr =	simm.s32 $0x1  }
0x2: {  	[smem:$0x3F9E] =	sst lr;
	_ =	strace $0xD0000000  }
0x3: {  	_ = 	snop  }
0x4: {  	_ = 	snop  }
0x5: {  	_ = 	snop  }
0x6: {  	_ = 	snop  }
0x7: {  	_ = 	snop  }
__scs_overlays_trampoline_lowered:
0x8: {  	[smem:$0x3FAD] =	sst s0  }
0x9: {  	[smem:$0x3FAE] =	sst s1  }
0xa: {  	[smem:$0x3FAF] =	sst s2  }
0xb: {  	[smem:$0x3FB0] =	sst s3  }
0xc: {  	[smem:$0x3FB1] =	sst s4  }
0xd: {  	[smem:$0x3FB2] =	sst s5  }
0xe: {  	[smem:$0x3FB3] =	sst s6  }
0xf: {  	[smem:$0x3FB4] =	sst s7  }
0x10: {  	[smem:$0x3FB5] =	sst s8  }
0x11: {  	[smem:$0x3FB6] =	sst s9;
	s0 =	simm.s32 @!p0 $0x0  }
0x12: {  	s1 =	sld [smem:$0x3F9C];
	s0 =	simm.s32 @p0 $0x1  }
0x13: {  	[smem:$0x3FB7] =	sst s0;
	s0 =	simm.s32 @!p1 $0x0  }
0x14: {  	s2 =	sld [smem:$0x3F9B];
	s0 =	simm.s32 @p1 $0x1  }
0x15: {  	[smem:$0x3FB8] =	sst s0;
	s0 =	simm.s32 @!p2 $0x0  }
0x16: {  	s3 =	sld [smem:$0x3FDB];
	s0 =	simm.s32 @p2 $0x1  }
0x17: {  	s4 =	simm.s32 $0x1BF5;
	[smem:$0x3FBA] =	sst s0  }
0x18: {  	s0 =	sld [smem:$0x3F9D];
	_ =	swait.ge [sflag:s4], $0x0  }
0x19: {  	s7 =	sld [smem:$0x3F9E]  }
0x1a: {  	s8 =	sadd.s32 $0xFFFFE003, lr  }
0x1b: {  	s9 =	sadd.s32 $0xFFFFFEF7, lr;
	s5 =	simm.s32 $0xFFFFFFFF;
	p2 =	slt.u32 s8, $0xFFFFF086  }
0x1c: {  	p1 =	slt.u32 s9, $0xF7A;
	s5 =	simm.s32 @!p2 $0x0  }
0x1d: {  	s5 =	simm.s32 @p1 $0x1;
	p0 =	seq.s32 s7, s2  }
0x1e: {  	s7 =	smul.u32 @!p0 $0xF7A, s2;
	p2 =	seq.s32 @!p0 s5, $0x0  }
0x1f: {  	s9 =	smul.u32 $0xF7A, s1;
	s8 =	simm.s32 @!p0 $0x1BF5;
	p2 =	por !p2, p0  }
0x20: {  	[sflag:s8] =	ssyncset.s32 @!p0 $0xFFFFF086;
	s6 =	sadd.s32 @!p0 s3, s7;
	s7 =	simm.s32 @!p0 $0x108  }
0x21: {  	s3 =	sadd.s32 s3, s9;
	s6 =	sadd.s32 @!p0 $0x88, s6;
	s7 =	simm.s32 @p2 $0x1082  }
0x22: {  	[simem:s7], [sflag:s8] =	dma.local @!p0 [hbm:s6], $0xF7A  }
0x23: {  	s9 =	sor.u32 $0xD0000000, s2;
	s6 =	simm.s32 $0x108;
	_ =	swait.ge @!p0 [sflag:s8], $0x0  }
0x24: {  	s3 =	sadd.s32 $0x88, s3;
	s6 =	simm.s32 @!p1 $0x1082;
	[sflag:s4] =	ssyncset.s32 $0xFFFFF086  }
0x25: {  	[simem:s6], [sflag:s4] =	dma.local [hbm:s3], $0xF7A  }
0x26: {  	[smem:$0x3F9E] =	sst s1;
	(tag) =	ssettag s2;
	_ =	strace s9  }
0x27: {  	s1 =	sld [smem:$0x3FAE]  }
0x28: {  	s2 =	sld [smem:$0x3FAF]  }
0x29: {  	s4 =	sld [smem:$0x3FB1]  }
0x2a: {  	p0 =	seq.s32 s5, $0x0;
	s5 =	sld [smem:$0x3FB2]  }
0x2b: {  	s6 =	sld [smem:$0x3FB3]  }
0x2c: {  	s7 =	sld [smem:$0x3FB4]  }
0x2d: {  	s3 =	simm.s32 $0x108;
	s8 =	sld [smem:$0x3FB5]  }
0x2e: {  	s3 =	simm.s32 @!p0 $0x1082;
	s9 =	sld [smem:$0x3FB6]  }
0x2f: {  	lr =	sadd.s32 s0, s3;
	s0 =	sld [smem:$0x3FAD]  }
0x30: {  	s3 =	sld [smem:$0x3FB0]  }
0x31: {  	[smem:$0x3FB9] =	sst s10  }
0x32: {  	s10 =	sld [smem:$0x3FB7];
	_ =	sdelay $0x3  }
0x33: {  	p0 =	seq.s32 s10, $0x1;
	s10 =	sld [smem:$0x3FB9];
	_ =	sdelay $0x3  }
0x34: {  	[smem:$0x3FB9] =	sst s10  }
0x35: {  	s10 =	sld [smem:$0x3FB8];
	_ =	sdelay $0x3  }
0x36: {  	p1 =	seq.s32 s10, $0x1;
	s10 =	sld [smem:$0x3FB9];
	_ =	sdelay $0x3  }
0x37: {  	[smem:$0x3FB9] =	sst s10  }
0x38: {  	s10 =	sld [smem:$0x3FBA]  }
0x39: {  	_ = 	snop;
	(pc) =	sbr.ind lr, $3  }
0x3a: {  	_ = 	snop  }
0x3b: {  	_ = 	snop  }
0x3c: {  	p2 =	seq.s32 s10, $0x1;
	s10 =	sld [smem:$0x3FB9]  }
0x3d: {  	_ =	shalt  }
0x3e: {  	_ =	shalt  }
0x3f: {  	_ =	shalt  }
0x40: {  	_ =	shalt  }
0x41: {  	_ =	shalt  }
0x42: {  	_ =	shalt  }
0x43: {  	_ =	shalt  }
0x44: {  	_ =	shalt  }
0x45: {  	_ =	shalt  }
0x46: {  	_ =	shalt  }
0x47: {  	_ =	shalt  }
0x48: {  	_ =	shalt  }
0x49: {  	_ =	shalt  }
0x4a: {  	_ =	shalt  }
0x4b: {  	_ =	shalt  }
0x4c: {  	_ =	shalt  }
0x4d: {  	_ =	shalt  }
0x4e: {  	_ =	shalt  }
0x4f: {  	_ =	shalt  }
0x50: {  	_ =	shalt  }
0x51: {  	_ =	shalt  }
0x52: {  	_ =	shalt  }
0x53: {  	_ =	shalt  }
0x54: {  	_ =	shalt  }
0x55: {  	_ =	shalt  }
0x56: {  	_ =	shalt  }
0x57: {  	_ =	shalt  }
0x58: {  	_ =	shalt  }
0x59: {  	_ =	shalt  }
0x5a: {  	_ =	shalt  }
0x5b: {  	_ =	shalt  }
0x5c: {  	_ =	shalt  }
0x5d: {  	_ =	shalt  }
0x5e: {  	_ =	shalt  }
0x5f: {  	_ =	shalt  }
0x60: {  	_ =	shalt  }
0x61: {  	_ =	shalt  }
0x62: {  	_ =	shalt  }
0x63: {  	_ =	shalt  }
0x64: {  	_ =	shalt  }
0x65: {  	_ =	shalt  }
0x66: {  	_ =	shalt  }
0x67: {  	_ =	shalt  }
0x68: {  	_ =	shalt  }
0x69: {  	_ =	shalt  }
0x6a: {  	_ =	shalt  }
0x6b: {  	_ =	shalt  }
0x6c: {  	_ =	shalt  }
0x6d: {  	_ =	shalt  }
0x6e: {  	_ =	shalt  }
0x6f: {  	_ =	shalt  }
0x70: {  	_ =	shalt  }
0x71: {  	_ =	shalt  }
0x72: {  	_ =	shalt  }
0x73: {  	_ =	shalt  }
0x74: {  	_ =	shalt  }
0x75: {  	_ =	shalt  }
0x76: {  	_ =	shalt  }
0x77: {  	_ =	shalt  }
0x78: {  	_ =	shalt  }
0x79: {  	_ =	shalt  }
0x7a: {  	_ =	shalt  }
0x7b: {  	_ =	shalt  }
0x7c: {  	_ =	shalt  }
0x7d: {  	_ =	shalt  }
0x7e: {  	_ =	shalt  }
0x7f: {  	_ =	shalt  }
0x80: {  	_ =	shalt  }
0x81: {  	_ =	shalt  }
0x82: {  	_ =	shalt  }
0x83: {  	_ =	shalt  }
0x84: {  	_ =	shalt  }
0x85: {  	_ =	shalt  }
0x86: {  	_ =	shalt  }
0x87: {  	_ =	shalt  }
.Lfunc_end0:
.L_simem_size_0:
called_computation.3_lowered:
.L_overlay_start_0:
0x88: {  	s2 =	sld [smem:$0x3FD9]  }
0x89: {  	s3 =	sld [smem:$0x3FFE];
	_ =	sdelay $0x1  }
0x8a: {  	s1 =	srdreg.scid  }
0x8b: {  	s0 =	sand.u32 $0x1, s1  }
0x8c: {  	s17 =	sshll.u32 s0, $0xA;
	s2 =	sadd.s32 s3, s2  }
0x8d: {  	s2 =	sadd.s32 s2, s17  }
0x8e: {  	[smem:$0x3FC5] =	sst s2  }
0x8f: {  	_ = 	snop  }
0x90: {  	(tm) =	ssettm $0x1  }
0x91: {  	s18 =	sld [smem:$0x3FFB];
	_ =	sdelay $0x3  }
0x92: {  	_ =	strace s18  }
0x93: {  	s2 =	sld [smem:$0x3FFC];
	_ =	sdelay $0x3  }
0x94: {  	_ =	strace s2  }
0x95: {  	s2 =	sld [smem:$0x3FFD];
	_ =	sdelay $0x3  }
0x96: {  	_ =	strace s2  }
0x97: {  	_ =	strace $0x8FFFFFFF  }
0x98: {  	s19 =	sld [smem:$0x3FDB];
	_ =	sdelay $0x1  }
0x99: {  	s20 =	simm.s32 $_scs_section_size  }
0x9a: {  	s4 =	simm.s32 $_size__tile_overlayer_lowered;
	s5 =	simm.s32 $_tile_overlayer_lowered  }
0x9b: {  	s6 =	simm.s32 $0x1BFF;
	s21 =	sshll.u32 s5, $0x1;
	s3 =	sadd.s32 s20, s19  }
0x9c: {  	s22 =	simm.s32 $0x0;
	s4 =	sshll.u32 s4, $0x1;
	s5 =	sadd.s32 s21, s3  }
0x9d: {  	[timem:s22], [sflag:s6] =	dma.local [hbm:s5], s4  }
0x9e: {  	_ =	swait.ge [sflag:s6], s4  }
0x9f: {  	s4 =	ssub.s32 $0x0, s4;
	[sflag:s6] =	ssyncset.done $0x0  }
0xa0: {  	[sflag:s6] =	ssyncadd.s32 s4;
	_ =	sdelay $0x1  }
0xa1: {  	s23 =	simm.s32 $0x1B8B  }
0xa2: {  	_ =	swait.ge [sflag:s23], $0x1  }
0xa3: {  	[sflag:s23] =	ssyncset.done $0x0  }
0xa4: {  	[sflag:s23] =	ssyncadd.s32 $0xFFFFFFFF  }
0xa5: {  	s4 =	sld [smem:$0x0]  }
0xa6: {  	s5 =	sand.u32 $0xFFFFFFFE, s1  }
0xa7: {  	p0 =	sne.s32 s1, s5  }
0xa8: {  	s5 =	sshll.u32 @p0 s5, $0xE  }
0xa9: {  	s5 =	sadd.s32 @p0 $0x11B8D, s5;
	s6 =	sshll.u32 @p0 s4, $0x11  }
0xaa: {  	s5 =	sor.u32 @p0 s6, s5  }
0xab: {  	[sflag:s5] =	ssyncadd.remote.s32 @p0 $0x1;
	_ =	sdelay $0x1  }
0xac: {  	s5 =	simm.s32 @p0 $0x1B8D  }
0xad: {  	_ =	swait.eq @p0 [sflag:s5], $0x1  }
0xae: {  	[sflag:s5] =	ssyncadd.s32 @p0 $0xFFFFFFFF  }
0xaf: {  	s6 =	sshll.u32 @!p0 s1, $0xE  }
0xb0: {  	s6 =	sor.u32 @!p0 $0x4000, s6;
	s5 =	simm.s32 @!p0 $0x1B8D  }
0xb1: {  	s4 =	sshll.u32 @!p0 s4, $0x11;
	s6 =	sadd.s32 @!p0 $0x11B8D, s6;
	_ =	swait.eq @!p0 [sflag:s5], $0x1  }
0xb2: {  	s4 =	sor.u32 @!p0 s4, s6;
	[sflag:s5] =	ssyncadd.s32 @!p0 $0xFFFFFFFF  }
0xb3: {  	s25 =	simm.s32 $0x1B8E;
	s24 =	sld [smem:$0x3FFE];
	[sflag:s4] =	ssyncadd.remote.s32 @!p0 $0x1  }
0xb4: {  	s26 =	simm.s32 $execute0_lowered;
	[smem:$0x3FD2] =	sst s25  }
0xb5: {  	s5 =	sshll.u32 s26, $0x1;
	_ =	strace $0x8000004F;
	[dreg:$0x1] =	wrdreg $0xFFFFFFFF  }
0xb6: {  	s28 =	simm.s32 $_size_execute0_lowered;
	s3 =	sadd.s32 s3, s5;
	[dreg:$0x0] =	wrdreg $0x0  }
0xb7: {  	s5 =	sshll.u32 s28, $0x1;
	[dreg:$0x2] =	wrdreg s3  }
0xb8: {  	[dreg:$0x3] =	wrdreg s5  }
0xb9: {  	[dreg:$0x4] =	wrdreg $0xC0  }
0xba: {  	_ =	task [dreg:s22], $0x5FFFF  }
0xbb: {  	[dreg:$0x1] =	wrdreg $0xFFFFFFFF  }
0xbc: {  	[dreg:$0x0] =	wrdreg $0x60  }
0xbd: {  	[dreg:$0x2] =	wrdreg s24  }
0xbe: {  	[dreg:$0x3] =	wrdreg $0xC  }
0xbf: {  	_ =	task.clear_ibuf [dreg:s22], $0x4FFFF;
	_ =	strace $0x9000004F  }
0xc0: {  	s29 =	simm.s32 $0xC;
	_ =	strace $0x80000051  }
0xc1: {  	_ =	swait.ge [sflag:s29], $0x1  }
0xc2: {  	[sflag:s29] =	ssyncadd.s32 $0xFFFFFFFF  }
0xc3: {  	_ =	strace $0x90000051  }
0xc4: {  	_ =	sfence  }
0xc5: {  	s30 =	sld [smem:$0x0];
	_ =	sdelay $0x2  }
0xc6: {  	s31 =	sshll.u32 s1, $0xD;
	s1 =	sshrl.u32 s1, $0x2  }
0xc7: {  	s4 =	sand.u32 $0x4000, s31;
	s1 =	sadd.s32 s1, s30  }
0xc8: {  	s0 =	sor.u32 s4, s0;
	s1 =	sshll.u32 s1, $0x11  }
0xc9: {  	s0 =	sor.u32 s1, s0  }
0xca: {  	s0 =	sadd.s32 $0x8F2B, s0  }
0xcb: {  	[sflag:s0] =	ssyncadd.remote.s32 $0x1  }
0xcc: {  	_ =	sfence.sel $0xFFFF  }
0xcd: {  	[dreg:$0x0] =	wrdreg $0xFFFFFFFF;
	(pc) =	sbr.abs _section_cstart, $3  }
0xce: {  	[dreg:$0x1] =	wrdreg $0xFFFFFFFF  }
0xcf: {  	_ =	task.clear_ibuf [dreg:s22], $0x2FFFF;
	_ =	strace $0x9FFFFFFF  }
0xd0: {  	(tm) =	ssettm $0x7FFFFFFF  }
0xd1: {  	_ =	shalt  }
tec
execute0_lowered:
.L_overlay_start_1:
0x0: {  	(tag) =	ssettag $0x1  }
0x1: {  	s6 =	rddreg [dreg:$0x0]  }
0x2: {  	s0 =	rddreg [dreg:$0x1]  }
0x3: {  	s3 =	srdreg.scid;
	s1 =	stileid.u32  }
0x4: {  	s2 =	simm.s32 $0x0;
	s11 =	simm.s32 $0x200;
	s12 =	simm.s32 $0x280  }
0x5: {  	s13 =	simm.s32 $0x300;
	s14 =	simm.s32 $0x380;
	s15 =	simm.s32 $0x80  }
0x6: {  	s16 =	simm.s32 $0x400;
	s17 =	simm.s32 $0x2400;
	s18 =	simm.s32 $0x4400  }
0x7: {  	s19 =	simm.s32 $0x6400;
	s20 =	simm.s32 $0x1;
	s21 =	simm.s32 $0x0  }
0x8: {  	s5 =	sand.u32 $0x1, s3;
	s7 =	smul.u32 $0x300000, s1;
	[smem:$0x7FF] =	sst s2  }
0x9: {  	v0 =	vlaneseq.u32;
	s3 =	sadd.s32 $0xEBF400, s6;
	s4 =	sadd.s32 $0x2200, s6;
	s8 =	smul.u32 $0x180000, s5  }
0xa: {  	s9 =	sshll.u32 s1, $0x1;
	v0 =	vmul.u32 $0x2, v0;
	_ =	strace $0x80000050;
	s30 =	ssub.s32 $0x2, s5  }
0xb: {  	s5 =	sor.u32 s5, s9;
	s9 =	simm.s32 $0x2;
	s7 =	sadd.s32 s8, s7  }
0xc: {  	s31 =	sshrl.u32 s30, $0x1;
	s5 =	smul.u32 $0x6, s5;
	v1 =	vor.u32 $0x20, v0;
	s7 =	sshrl.u32 s7, $0x3  }
0xd: {  	v2 =	vor.u32 $0x40, v0;
	v3 =	vor.u32 $0x60, v0;
	v4 =	vor.u32 $0x1, v0;
	s10 =	sadd.s32 s7, s6;
	s7 =	ssub.s32 s30, s31;
	s6 =	sadd.s32 $0xEBF500, s6  }
0xe: {  	v5 =	vor.u32 $0x21, v0;
	v6 =	vor.u32 $0x41, v0;
	v7 =	vor.u32 $0x61, v0;
	s7 =	smax.u32 s7, $0x1;
	s8 =	sadd.s32 $0xF07400, s10;
	s10 =	simm.s32 $0x100  }
.LBB2_1:
0xf: {  	s22 =	sadd.s32 $0x0, s5  }
0x10: {  	s23 =	sand.u32 $0xE0, s2;
	s22 =	sshll.u32 s22, $0x9  }
0x11: {  	s22 =	sor.u32 s23, s22  }
0x12: {  	s23 =	sadd.s32 s3, s22  }
0x13: {  	[tilespmem:s2], [sflag:$0x2] =	stream.linear.gather [hbm4b:s23+s2], $0x100, $0x38;
	[tilespmem:$0x8400] =	vst v63  }
0x14: {  	_ =	swait.ge [sflag:s9], $0x100  }
0x15: {  	[sflag:s9] =	ssyncset.done $0x0  }
0x16: {  	s22 =	sadd.s32 s22, s6;
	[sflag:s9] =	ssyncadd.s32 $0xFFFFFF00  }
0x17: {  	[tilespmem:s10], [sflag:$0x2] =	stream.linear.gather [hbm4b:s22+s2], $0x100, $0x38;
	[tilespmem:$0x8400] =	vst v63  }
0x18: {  	_ =	swait.ge [sflag:s9], $0x100  }
0x19: {  	[sflag:s9] =	ssyncset.done $0x0  }
0x1a: {  	[sflag:s9] =	ssyncadd.s32 $0xFFFFFF00  }
0x1b: {  	v8 =	vld [tilespmem:$0x0];
	_ =	sdelay $0x4  }
0x1c: {  	[tilespmem:v0+s11+$0x0] =	vst.idx.msk $0xffff, v8  }
0x1d: {  	v8 =	vld [tilespmem:$0x10];
	_ =	sdelay $0x4  }
0x1e: {  	[tilespmem:v1+s11+$0x0] =	vst.idx.msk $0xffff, v8  }
0x1f: {  	v8 =	vld [tilespmem:$0x20];
	_ =	sdelay $0x4  }
0x20: {  	[tilespmem:v2+s11+$0x0] =	vst.idx.msk $0xffff, v8  }
0x21: {  	v8 =	vld [tilespmem:$0x30];
	_ =	sdelay $0x4  }
0x22: {  	[tilespmem:v3+s11+$0x0] =	vst.idx.msk $0xffff, v8  }
0x23: {  	v8 =	vld [tilespmem:$0x40];
	_ =	sdelay $0x4  }
0x24: {  	[tilespmem:v0+s12+$0x0] =	vst.idx.msk $0xffff, v8  }
0x25: {  	v8 =	vld [tilespmem:$0x50];
	_ =	sdelay $0x4  }
0x26: {  	[tilespmem:v1+s12+$0x0] =	vst.idx.msk $0xffff, v8  }
0x27: {  	v8 =	vld [tilespmem:$0x60];
	_ =	sdelay $0x4  }
0x28: {  	[tilespmem:v2+s12+$0x0] =	vst.idx.msk $0xffff, v8  }
0x29: {  	v8 =	vld [tilespmem:$0x70];
	_ =	sdelay $0x4  }
0x2a: {  	[tilespmem:v3+s12+$0x0] =	vst.idx.msk $0xffff, v8  }
0x2b: {  	v8 =	vld [tilespmem:$0x80];
	_ =	sdelay $0x4  }
0x2c: {  	[tilespmem:v0+s13+$0x0] =	vst.idx.msk $0xffff, v8  }
0x2d: {  	v8 =	vld [tilespmem:$0x90];
	_ =	sdelay $0x4  }
0x2e: {  	[tilespmem:v1+s13+$0x0] =	vst.idx.msk $0xffff, v8  }
0x2f: {  	v8 =	vld [tilespmem:$0xA0];
	_ =	sdelay $0x4  }
0x30: {  	[tilespmem:v2+s13+$0x0] =	vst.idx.msk $0xffff, v8  }
0x31: {  	v8 =	vld [tilespmem:$0xB0];
	_ =	sdelay $0x4  }
0x32: {  	[tilespmem:v3+s13+$0x0] =	vst.idx.msk $0xffff, v8  }
0x33: {  	v8 =	vld [tilespmem:$0xC0];
	_ =	sdelay $0x4  }
0x34: {  	[tilespmem:v0+s14+$0x0] =	vst.idx.msk $0xffff, v8  }
0x35: {  	v8 =	vld [tilespmem:$0xD0];
	_ =	sdelay $0x4  }
0x36: {  	[tilespmem:v1+s14+$0x0] =	vst.idx.msk $0xffff, v8  }
0x37: {  	v8 =	vld [tilespmem:$0xE0];
	_ =	sdelay $0x4  }
0x38: {  	[tilespmem:v2+s14+$0x0] =	vst.idx.msk $0xffff, v8  }
0x39: {  	v8 =	vld [tilespmem:$0xF0];
	_ =	sdelay $0x4  }
0x3a: {  	[tilespmem:v3+s14+$0x0] =	vst.idx.msk $0xffff, v8  }
0x3b: {  	v8 =	vld [tilespmem:$0x100];
	_ =	sdelay $0x4  }
0x3c: {  	[tilespmem:v4+s11+$0x0] =	vst.idx.msk $0xffff, v8  }
0x3d: {  	v8 =	vld [tilespmem:$0x110];
	_ =	sdelay $0x4  }
0x3e: {  	[tilespmem:v5+s11+$0x0] =	vst.idx.msk $0xffff, v8  }
0x3f: {  	v8 =	vld [tilespmem:$0x120];
	_ =	sdelay $0x4  }
0x40: {  	[tilespmem:v6+s11+$0x0] =	vst.idx.msk $0xffff, v8  }
0x41: {  	v8 =	vld [tilespmem:$0x130];
	_ =	sdelay $0x4  }
0x42: {  	[tilespmem:v7+s11+$0x0] =	vst.idx.msk $0xffff, v8  }
0x43: {  	v8 =	vld [tilespmem:$0x140];
	_ =	sdelay $0x4  }
0x44: {  	[tilespmem:v4+s12+$0x0] =	vst.idx.msk $0xffff, v8  }
0x45: {  	v8 =	vld [tilespmem:$0x150];
	_ =	sdelay $0x4  }
0x46: {  	[tilespmem:v5+s12+$0x0] =	vst.idx.msk $0xffff, v8  }
0x47: {  	v8 =	vld [tilespmem:$0x160];
	_ =	sdelay $0x4  }
0x48: {  	[tilespmem:v6+s12+$0x0] =	vst.idx.msk $0xffff, v8  }
0x49: {  	v8 =	vld [tilespmem:$0x170];
	_ =	sdelay $0x4  }
0x4a: {  	[tilespmem:v7+s12+$0x0] =	vst.idx.msk $0xffff, v8  }
0x4b: {  	v8 =	vld [tilespmem:$0x180];
	_ =	sdelay $0x4  }
0x4c: {  	[tilespmem:v4+s13+$0x0] =	vst.idx.msk $0xffff, v8  }
0x4d: {  	v8 =	vld [tilespmem:$0x190];
	_ =	sdelay $0x4  }
0x4e: {  	[tilespmem:v5+s13+$0x0] =	vst.idx.msk $0xffff, v8  }
0x4f: {  	v8 =	vld [tilespmem:$0x1A0];
	_ =	sdelay $0x4  }
0x50: {  	[tilespmem:v6+s13+$0x0] =	vst.idx.msk $0xffff, v8  }
0x51: {  	v8 =	vld [tilespmem:$0x1B0];
	_ =	sdelay $0x4  }
0x52: {  	[tilespmem:v7+s13+$0x0] =	vst.idx.msk $0xffff, v8  }
0x53: {  	v8 =	vld [tilespmem:$0x1C0];
	_ =	sdelay $0x4  }
0x54: {  	[tilespmem:v4+s14+$0x0] =	vst.idx.msk $0xffff, v8  }
0x55: {  	v8 =	vld [tilespmem:$0x1D0];
	_ =	sdelay $0x4  }
0x56: {  	[tilespmem:v5+s14+$0x0] =	vst.idx.msk $0xffff, v8  }
0x57: {  	v8 =	vld [tilespmem:$0x1E0];
	_ =	sdelay $0x4  }
0x58: {  	[tilespmem:v6+s14+$0x0] =	vst.idx.msk $0xffff, v8  }
0x59: {  	v8 =	vld [tilespmem:$0x1F0];
	_ =	sdelay $0x4  }
0x5a: {  	[tilespmem:v7+s14+$0x0] =	vst.idx.msk $0xffff, v8  }
0x5b: {  	[tilespmem:s16], [sflag:$0x1] =	stream.indirect.gather [hbm4b:s4+s15], $0x40, s11, s15, $0xb8;
	[tilespmem:$0x8400] =	vst v63  }
0x5c: {  	_ = 	snop  }
0x5d: {  	[tilespmem:s17], [sflag:$0x1] =	stream.indirect.gather [hbm4b:s4+s15], $0x40, s12, s15, $0xb8;
	[tilespmem:$0x8400] =	vst v63  }
0x5e: {  	_ = 	snop  }
0x5f: {  	[tilespmem:s18], [sflag:$0x1] =	stream.indirect.gather [hbm4b:s4+s15], $0x40, s13, s15, $0xb8;
	[tilespmem:$0x8400] =	vst v63  }
0x60: {  	_ = 	snop  }
0x61: {  	[tilespmem:s19], [sflag:$0x1] =	stream.indirect.gather [hbm4b:s4+s15], $0x40, s14, s15, $0xb8;
	[tilespmem:$0x8400] =	vst v63  }
0x62: {  	_ =	swait.ge [sflag:s20], $0x2000  }
0x63: {  	[sflag:s20] =	ssyncset.done $0x0  }
0x64: {  	[sflag:s20] =	ssyncadd.s32 $0xFFFFE000  }
0x65: {  	_ =	swait.ge [sflag:s20], $0x2000  }
0x66: {  	[sflag:s20] =	ssyncset.done $0x0  }
0x67: {  	[sflag:s20] =	ssyncadd.s32 $0xFFFFE000  }
0x68: {  	_ =	swait.ge [sflag:s20], $0x2000  }
0x69: {  	[sflag:s20] =	ssyncset.done $0x0  }
0x6a: {  	s31 =	sadd.s32 $0x0, s5;
	s24 =	simm.s32 $0x20;
	[sflag:s20] =	ssyncadd.s32 $0xFFFFE000  }
0x6b: {  	s25 =	sand.u32 $0xE0, s24;
	s22 =	sshll.u32 s31, $0x9;
	_ =	swait.ge [sflag:s20], $0x2000  }
0x6c: {  	s23 =	simm.s32 $0x2;
	s28 =	sor.u32 s25, s22;
	[sflag:s20] =	ssyncset.done $0x0  }
0x6d: {  	s22 =	sadd.s32 $0x1000, s8;
	s25 =	smov.u32 s8;
	[sflag:s20] =	ssyncadd.s32 $0xFFFFE000  }
.LBB2_2:
0x6e: {  	[hbm4b:s25+s2] =	stream.linear.scatter [tilespmem:s16], [sflag:$0x2], $0x8000, $0x38;
	[tilespmem:$0x8400] =	vst v63  }
0x6f: {  	s26 =	smov.u32 s23;
	s25 =	smov.u32 s22  }
0x70: {  	p0 =	sne.s32 s23, $0x2F;
	s23 =	sadd.s32 $0x1, s23;
	_ =	swait.ge [sflag:s9], $0x8000  }
0x71: {  	[sflag:s9] =	ssyncset.done $0x0  }
0x72: {  	s29 =	sadd.s32 s3, s28;
	[sflag:s9] =	ssyncadd.s32 $0xFFFF8000  }
0x73: {  	[tilespmem:s2], [sflag:$0x2] =	stream.linear.gather [hbm4b:s29+s2], $0x100, $0x38;
	[tilespmem:$0x8400] =	vst v63  }
0x74: {  	_ =	swait.ge [sflag:s9], $0x100  }
0x75: {  	[sflag:s9] =	ssyncset.done $0x0  }
0x76: {  	s28 =	sadd.s32 s28, s6;
	[sflag:s9] =	ssyncadd.s32 $0xFFFFFF00  }
0x77: {  	[tilespmem:s10], [sflag:$0x2] =	stream.linear.gather [hbm4b:s28+s2], $0x100, $0x38;
	[tilespmem:$0x8400] =	vst v63  }
0x78: {  	_ =	swait.ge [sflag:s9], $0x100  }
0x79: {  	[sflag:s9] =	ssyncset.done $0x0  }
0x7a: {  	[sflag:s9] =	ssyncadd.s32 $0xFFFFFF00  }
0x7b: {  	v8 =	vld [tilespmem:$0x0];
	_ =	sdelay $0x4  }
0x7c: {  	[tilespmem:v0+s11+$0x0] =	vst.idx.msk $0xffff, v8  }
0x7d: {  	v8 =	vld [tilespmem:$0x10];
	_ =	sdelay $0x4  }
0x7e: {  	[tilespmem:v1+s11+$0x0] =	vst.idx.msk $0xffff, v8  }
0x7f: {  	v8 =	vld [tilespmem:$0x20];
	_ =	sdelay $0x4  }
0x80: {  	[tilespmem:v2+s11+$0x0] =	vst.idx.msk $0xffff, v8  }
0x81: {  	v8 =	vld [tilespmem:$0x30];
	_ =	sdelay $0x4  }
0x82: {  	[tilespmem:v3+s11+$0x0] =	vst.idx.msk $0xffff, v8  }
0x83: {  	v8 =	vld [tilespmem:$0x40];
	_ =	sdelay $0x4  }
0x84: {  	[tilespmem:v0+s12+$0x0] =	vst.idx.msk $0xffff, v8  }
0x85: {  	v8 =	vld [tilespmem:$0x50];
	_ =	sdelay $0x4  }
0x86: {  	[tilespmem:v1+s12+$0x0] =	vst.idx.msk $0xffff, v8  }
0x87: {  	v8 =	vld [tilespmem:$0x60];
	_ =	sdelay $0x4  }
0x88: {  	[tilespmem:v2+s12+$0x0] =	vst.idx.msk $0xffff, v8  }
0x89: {  	v8 =	vld [tilespmem:$0x70];
	_ =	sdelay $0x4  }
0x8a: {  	[tilespmem:v3+s12+$0x0] =	vst.idx.msk $0xffff, v8  }
0x8b: {  	v8 =	vld [tilespmem:$0x80];
	_ =	sdelay $0x4  }
0x8c: {  	[tilespmem:v0+s13+$0x0] =	vst.idx.msk $0xffff, v8  }
0x8d: {  	v8 =	vld [tilespmem:$0x90];
	_ =	sdelay $0x4  }
0x8e: {  	[tilespmem:v1+s13+$0x0] =	vst.idx.msk $0xffff, v8  }
0x8f: {  	v8 =	vld [tilespmem:$0xA0];
	_ =	sdelay $0x4  }
0x90: {  	[tilespmem:v2+s13+$0x0] =	vst.idx.msk $0xffff, v8  }
0x91: {  	v8 =	vld [tilespmem:$0xB0];
	_ =	sdelay $0x4  }
0x92: {  	[tilespmem:v3+s13+$0x0] =	vst.idx.msk $0xffff, v8  }
0x93: {  	v8 =	vld [tilespmem:$0xC0];
	_ =	sdelay $0x4  }
0x94: {  	[tilespmem:v0+s14+$0x0] =	vst.idx.msk $0xffff, v8  }
0x95: {  	v8 =	vld [tilespmem:$0xD0];
	_ =	sdelay $0x4  }
0x96: {  	[tilespmem:v1+s14+$0x0] =	vst.idx.msk $0xffff, v8  }
0x97: {  	v8 =	vld [tilespmem:$0xE0];
	_ =	sdelay $0x4  }
0x98: {  	[tilespmem:v2+s14+$0x0] =	vst.idx.msk $0xffff, v8  }
0x99: {  	v8 =	vld [tilespmem:$0xF0];
	_ =	sdelay $0x4  }
0x9a: {  	[tilespmem:v3+s14+$0x0] =	vst.idx.msk $0xffff, v8  }
0x9b: {  	v8 =	vld [tilespmem:$0x100];
	_ =	sdelay $0x4  }
0x9c: {  	[tilespmem:v4+s11+$0x0] =	vst.idx.msk $0xffff, v8  }
0x9d: {  	v8 =	vld [tilespmem:$0x110];
	_ =	sdelay $0x4  }
0x9e: {  	[tilespmem:v5+s11+$0x0] =	vst.idx.msk $0xffff, v8  }
0x9f: {  	v8 =	vld [tilespmem:$0x120];
	_ =	sdelay $0x4  }
0xa0: {  	[tilespmem:v6+s11+$0x0] =	vst.idx.msk $0xffff, v8  }
0xa1: {  	v8 =	vld [tilespmem:$0x130];
	_ =	sdelay $0x4  }
0xa2: {  	[tilespmem:v7+s11+$0x0] =	vst.idx.msk $0xffff, v8  }
0xa3: {  	v8 =	vld [tilespmem:$0x140];
	_ =	sdelay $0x4  }
0xa4: {  	[tilespmem:v4+s12+$0x0] =	vst.idx.msk $0xffff, v8  }
0xa5: {  	v8 =	vld [tilespmem:$0x150];
	_ =	sdelay $0x4  }
0xa6: {  	[tilespmem:v5+s12+$0x0] =	vst.idx.msk $0xffff, v8  }
0xa7: {  	v8 =	vld [tilespmem:$0x160];
	_ =	sdelay $0x4  }
0xa8: {  	[tilespmem:v6+s12+$0x0] =	vst.idx.msk $0xffff, v8  }
0xa9: {  	v8 =	vld [tilespmem:$0x170];
	_ =	sdelay $0x4  }
0xaa: {  	[tilespmem:v7+s12+$0x0] =	vst.idx.msk $0xffff, v8  }
0xab: {  	v8 =	vld [tilespmem:$0x180];
	_ =	sdelay $0x4  }
0xac: {  	[tilespmem:v4+s13+$0x0] =	vst.idx.msk $0xffff, v8  }
0xad: {  	v8 =	vld [tilespmem:$0x190];
	_ =	sdelay $0x4  }
0xae: {  	[tilespmem:v5+s13+$0x0] =	vst.idx.msk $0xffff, v8  }
0xaf: {  	v8 =	vld [tilespmem:$0x1A0];
	_ =	sdelay $0x4  }
0xb0: {  	[tilespmem:v6+s13+$0x0] =	vst.idx.msk $0xffff, v8  }
0xb1: {  	v8 =	vld [tilespmem:$0x1B0];
	_ =	sdelay $0x4  }
0xb2: {  	[tilespmem:v7+s13+$0x0] =	vst.idx.msk $0xffff, v8  }
0xb3: {  	v8 =	vld [tilespmem:$0x1C0];
	_ =	sdelay $0x4  }
0xb4: {  	[tilespmem:v4+s14+$0x0] =	vst.idx.msk $0xffff, v8  }
0xb5: {  	v8 =	vld [tilespmem:$0x1D0];
	_ =	sdelay $0x4  }
0xb6: {  	[tilespmem:v5+s14+$0x0] =	vst.idx.msk $0xffff, v8  }
0xb7: {  	v8 =	vld [tilespmem:$0x1E0];
	_ =	sdelay $0x4  }
0xb8: {  	[tilespmem:v6+s14+$0x0] =	vst.idx.msk $0xffff, v8  }
0xb9: {  	v8 =	vld [tilespmem:$0x1F0];
	_ =	sdelay $0x4  }
0xba: {  	[tilespmem:v7+s14+$0x0] =	vst.idx.msk $0xffff, v8  }
0xbb: {  	[tilespmem:s16], [sflag:$0x1] =	stream.indirect.gather [hbm4b:s4+s15], $0x40, s11, s15, $0xb8;
	[tilespmem:$0x8400] =	vst v63  }
0xbc: {  	_ = 	snop  }
0xbd: {  	[tilespmem:s17], [sflag:$0x1] =	stream.indirect.gather [hbm4b:s4+s15], $0x40, s12, s15, $0xb8;
	[tilespmem:$0x8400] =	vst v63  }
0xbe: {  	_ = 	snop  }
0xbf: {  	[tilespmem:s18], [sflag:$0x1] =	stream.indirect.gather [hbm4b:s4+s15], $0x40, s13, s15, $0xb8;
	[tilespmem:$0x8400] =	vst v63  }
0xc0: {  	_ = 	snop  }
0xc1: {  	[tilespmem:s19], [sflag:$0x1] =	stream.indirect.gather [hbm4b:s4+s15], $0x40, s14, s15, $0xb8;
	[tilespmem:$0x8400] =	vst v63  }
0xc2: {  	_ =	swait.ge [sflag:s20], $0x2000  }
0xc3: {  	[sflag:s20] =	ssyncset.done $0x0  }
0xc4: {  	[sflag:s20] =	ssyncadd.s32 $0xFFFFE000  }
0xc5: {  	_ =	swait.ge [sflag:s20], $0x2000  }
0xc6: {  	[sflag:s20] =	ssyncset.done $0x0  }
0xc7: {  	[sflag:s20] =	ssyncadd.s32 $0xFFFFE000  }
0xc8: {  	_ =	swait.ge [sflag:s20], $0x2000  }
.Ltmp0:
0xc9: {  	[sflag:s20] =	ssyncset.done $0x0;
	(pc) =	sbr.rel @p0 .LBB2_2-.Ltmp0, $4  }
0xca: {  	s26 =	sshrl.u32 s26, $0x3;
	[sflag:s20] =	ssyncadd.s32 $0xFFFFE000  }
0xcb: {  	s24 =	sadd.s32 $0x20, s24;
	s26 =	sadd.s32 s5, s26;
	_ =	swait.ge [sflag:s20], $0x2000  }
0xcc: {  	s26 =	sshll.u32 s26, $0x9;
	s28 =	sand.u32 $0xE0, s24;
	[sflag:s20] =	ssyncset.done $0x0  }
0xcd: {  	s22 =	sadd.s32 $0x1000, s22;
	s28 =	sor.u32 s28, s26;
	[sflag:s20] =	ssyncadd.s32 $0xFFFFE000  }
0xce: {  	[hbm4b:s25+s2] =	stream.linear.scatter [tilespmem:s16], [sflag:$0x2], $0x8000, $0x38;
	[tilespmem:$0x8400] =	vst v63  }
0xcf: {  	_ =	swait.ge [sflag:s9], $0x8000  }
0xd0: {  	[sflag:s9] =	ssyncset.done $0x0  }
0xd1: {  	s23 =	sadd.s32 s3, s28;
	[sflag:s9] =	ssyncadd.s32 $0xFFFF8000  }
0xd2: {  	[tilespmem:s2], [sflag:$0x2] =	stream.linear.gather [hbm4b:s23+s2], $0x100, $0x38;
	[tilespmem:$0x8400] =	vst v63  }
0xd3: {  	_ =	swait.ge [sflag:s9], $0x100  }
0xd4: {  	[sflag:s9] =	ssyncset.done $0x0  }
0xd5: {  	s31 =	sadd.s32 s28, s6;
	[sflag:s9] =	ssyncadd.s32 $0xFFFFFF00  }
0xd6: {  	[tilespmem:s10], [sflag:$0x2] =	stream.linear.gather [hbm4b:s31+s2], $0x100, $0x38;
	[tilespmem:$0x8400] =	vst v63  }
0xd7: {  	_ =	swait.ge [sflag:s9], $0x100  }
0xd8: {  	[sflag:s9] =	ssyncset.done $0x0  }
0xd9: {  	[sflag:s9] =	ssyncadd.s32 $0xFFFFFF00  }
0xda: {  	v8 =	vld [tilespmem:$0x0];
	_ =	sdelay $0x4  }
0xdb: {  	[tilespmem:v0+s11+$0x0] =	vst.idx.msk $0xffff, v8  }
0xdc: {  	v8 =	vld [tilespmem:$0x10];
	_ =	sdelay $0x4  }
0xdd: {  	[tilespmem:v1+s11+$0x0] =	vst.idx.msk $0xffff, v8  }
0xde: {  	v8 =	vld [tilespmem:$0x20];
	_ =	sdelay $0x4  }
0xdf: {  	[tilespmem:v2+s11+$0x0] =	vst.idx.msk $0xffff, v8  }
0xe0: {  	v8 =	vld [tilespmem:$0x30];
	_ =	sdelay $0x4  }
0xe1: {  	[tilespmem:v3+s11+$0x0] =	vst.idx.msk $0xffff, v8  }
0xe2: {  	v8 =	vld [tilespmem:$0x40];
	_ =	sdelay $0x4  }
0xe3: {  	[tilespmem:v0+s12+$0x0] =	vst.idx.msk $0xffff, v8  }
0xe4: {  	v8 =	vld [tilespmem:$0x50];
	_ =	sdelay $0x4  }
0xe5: {  	[tilespmem:v1+s12+$0x0] =	vst.idx.msk $0xffff, v8  }
0xe6: {  	v8 =	vld [tilespmem:$0x60];
	_ =	sdelay $0x4  }
0xe7: {  	[tilespmem:v2+s12+$0x0] =	vst.idx.msk $0xffff, v8  }
0xe8: {  	v8 =	vld [tilespmem:$0x70];
	_ =	sdelay $0x4  }
0xe9: {  	[tilespmem:v3+s12+$0x0] =	vst.idx.msk $0xffff, v8  }
0xea: {  	v8 =	vld [tilespmem:$0x80];
	_ =	sdelay $0x4  }
0xeb: {  	[tilespmem:v0+s13+$0x0] =	vst.idx.msk $0xffff, v8  }
0xec: {  	v8 =	vld [tilespmem:$0x90];
	_ =	sdelay $0x4  }
0xed: {  	[tilespmem:v1+s13+$0x0] =	vst.idx.msk $0xffff, v8  }
0xee: {  	v8 =	vld [tilespmem:$0xA0];
	_ =	sdelay $0x4  }
0xef: {  	[tilespmem:v2+s13+$0x0] =	vst.idx.msk $0xffff, v8  }
0xf0: {  	v8 =	vld [tilespmem:$0xB0];
	_ =	sdelay $0x4  }
0xf1: {  	[tilespmem:v3+s13+$0x0] =	vst.idx.msk $0xffff, v8  }
0xf2: {  	v8 =	vld [tilespmem:$0xC0];
	_ =	sdelay $0x4  }
0xf3: {  	[tilespmem:v0+s14+$0x0] =	vst.idx.msk $0xffff, v8  }
0xf4: {  	v8 =	vld [tilespmem:$0xD0];
	_ =	sdelay $0x4  }
0xf5: {  	[tilespmem:v1+s14+$0x0] =	vst.idx.msk $0xffff, v8  }
0xf6: {  	v8 =	vld [tilespmem:$0xE0];
	_ =	sdelay $0x4  }
0xf7: {  	[tilespmem:v2+s14+$0x0] =	vst.idx.msk $0xffff, v8  }
0xf8: {  	v8 =	vld [tilespmem:$0xF0];
	_ =	sdelay $0x4  }
0xf9: {  	[tilespmem:v3+s14+$0x0] =	vst.idx.msk $0xffff, v8  }
0xfa: {  	v8 =	vld [tilespmem:$0x100];
	_ =	sdelay $0x4  }
0xfb: {  	[tilespmem:v4+s11+$0x0] =	vst.idx.msk $0xffff, v8  }
0xfc: {  	v8 =	vld [tilespmem:$0x110];
	_ =	sdelay $0x4  }
0xfd: {  	[tilespmem:v5+s11+$0x0] =	vst.idx.msk $0xffff, v8  }
0xfe: {  	v8 =	vld [tilespmem:$0x120];
	_ =	sdelay $0x4  }
0xff: {  	[tilespmem:v6+s11+$0x0] =	vst.idx.msk $0xffff, v8  }
0x100: {  	v8 =	vld [tilespmem:$0x130];
	_ =	sdelay $0x4  }
0x101: {  	[tilespmem:v7+s11+$0x0] =	vst.idx.msk $0xffff, v8  }
0x102: {  	v8 =	vld [tilespmem:$0x140];
	_ =	sdelay $0x4  }
0x103: {  	[tilespmem:v4+s12+$0x0] =	vst.idx.msk $0xffff, v8  }
0x104: {  	v8 =	vld [tilespmem:$0x150];
	_ =	sdelay $0x4  }
0x105: {  	[tilespmem:v5+s12+$0x0] =	vst.idx.msk $0xffff, v8  }
0x106: {  	v8 =	vld [tilespmem:$0x160];
	_ =	sdelay $0x4  }
0x107: {  	[tilespmem:v6+s12+$0x0] =	vst.idx.msk $0xffff, v8  }
0x108: {  	v8 =	vld [tilespmem:$0x170];
	_ =	sdelay $0x4  }
0x109: {  	[tilespmem:v7+s12+$0x0] =	vst.idx.msk $0xffff, v8  }
0x10a: {  	v8 =	vld [tilespmem:$0x180];
	_ =	sdelay $0x4  }
0x10b: {  	[tilespmem:v4+s13+$0x0] =	vst.idx.msk $0xffff, v8  }
0x10c: {  	v8 =	vld [tilespmem:$0x190];
	_ =	sdelay $0x4  }
0x10d: {  	[tilespmem:v5+s13+$0x0] =	vst.idx.msk $0xffff, v8  }
0x10e: {  	v8 =	vld [tilespmem:$0x1A0];
	_ =	sdelay $0x4  }
0x10f: {  	[tilespmem:v6+s13+$0x0] =	vst.idx.msk $0xffff, v8  }
0x110: {  	v8 =	vld [tilespmem:$0x1B0];
	_ =	sdelay $0x4  }
0x111: {  	[tilespmem:v7+s13+$0x0] =	vst.idx.msk $0xffff, v8  }
0x112: {  	v8 =	vld [tilespmem:$0x1C0];
	_ =	sdelay $0x4  }
0x113: {  	[tilespmem:v4+s14+$0x0] =	vst.idx.msk $0xffff, v8  }
0x114: {  	v8 =	vld [tilespmem:$0x1D0];
	_ =	sdelay $0x4  }
0x115: {  	[tilespmem:v5+s14+$0x0] =	vst.idx.msk $0xffff, v8  }
0x116: {  	v8 =	vld [tilespmem:$0x1E0];
	_ =	sdelay $0x4  }
0x117: {  	[tilespmem:v6+s14+$0x0] =	vst.idx.msk $0xffff, v8  }
0x118: {  	v8 =	vld [tilespmem:$0x1F0];
	_ =	sdelay $0x4  }
0x119: {  	[tilespmem:v7+s14+$0x0] =	vst.idx.msk $0xffff, v8  }
0x11a: {  	[tilespmem:s16], [sflag:$0x1] =	stream.indirect.gather [hbm4b:s4+s15], $0x40, s11, s15, $0xb8;
	[tilespmem:$0x8400] =	vst v63  }
0x11b: {  	_ = 	snop  }
0x11c: {  	[tilespmem:s17], [sflag:$0x1] =	stream.indirect.gather [hbm4b:s4+s15], $0x40, s12, s15, $0xb8;
	[tilespmem:$0x8400] =	vst v63  }
0x11d: {  	_ = 	snop  }
0x11e: {  	[tilespmem:s18], [sflag:$0x1] =	stream.indirect.gather [hbm4b:s4+s15], $0x40, s13, s15, $0xb8;
	[tilespmem:$0x8400] =	vst v63  }
0x11f: {  	_ = 	snop  }
0x120: {  	[tilespmem:s19], [sflag:$0x1] =	stream.indirect.gather [hbm4b:s4+s15], $0x40, s14, s15, $0xb8;
	[tilespmem:$0x8400] =	vst v63  }
0x121: {  	_ =	swait.ge [sflag:s20], $0x2000  }
0x122: {  	[sflag:s20] =	ssyncset.done $0x0  }
0x123: {  	[sflag:s20] =	ssyncadd.s32 $0xFFFFE000  }
0x124: {  	_ =	swait.ge [sflag:s20], $0x2000  }
0x125: {  	[sflag:s20] =	ssyncset.done $0x0  }
0x126: {  	[sflag:s20] =	ssyncadd.s32 $0xFFFFE000  }
0x127: {  	_ =	swait.ge [sflag:s20], $0x2000  }
0x128: {  	[sflag:s20] =	ssyncset.done $0x0  }
0x129: {  	[sflag:s20] =	ssyncadd.s32 $0xFFFFE000  }
0x12a: {  	s21 =	sadd.s32 $0x1, s21;
	_ =	swait.ge [sflag:s20], $0x2000  }
0x12b: {  	p0 =	sne.s32 s21, s7;
	[sflag:s20] =	ssyncset.done $0x0  }
.Ltmp1:
0x12c: {  	[sflag:s20] =	ssyncadd.s32 $0xFFFFE000;
	(pc) =	sbr.rel @p0 .LBB2_1-.Ltmp1, $4  }
0x12d: {  	[hbm4b:s22+s2] =	stream.linear.scatter [tilespmem:s16], [sflag:$0x2], $0x8000, $0x38;
	[tilespmem:$0x8400] =	vst v63  }
0x12e: {  	_ =	swait.ge [sflag:s9], $0x8000  }
0x12f: {  	[sflag:s9] =	ssyncset.done $0x0  }
0x130: {  	[sflag:s9] =	ssyncadd.s32 $0xFFFF8000  }
0x131: {  	_ =	sfence.sel $0x180000  }
0x132: {  	[bflag:$0x0] =	sbarrier.arrive $0xFFFF  }
0x133: {  	p0 =	sne.s32 s1, $0x0;
	_ =	strace $0x90000050  }
0x134: {  	s0 =	sadd.s32 @!p0 $0x100000, s0;
	[bflag:$0x2] =	sbarrier.arrive $0xFFFF  }
0x135: {  	[sflag:s0] =	ssyncadd.tile.s32 @!p0 $0x1;
	_ =	shalt  }
.Lfunc_end2:
_tile_overlayer_lowered:
.L_overlay_start_2:
0x136: {  	(tag) =	ssettag $0x2  }
0x137: {  	s0 =	rddreg [dreg:$0x0];
	s2 =	stileid.u32  }
0x138: {  	s1 =	rddreg [dreg:$0x1];
	p0 =	sne.s32 s2, $0x0  }
0x139: {  	s3 =	rddreg [dreg:$0x2];
	[bflag:$0x3] =	sbarrier.arrive $0xFFFF;
	s2 =	simm.s32 @!p0 $0x1C02  }
0x13a: {  	[timem:s3], [sflag:s2] =	dma.local @!p0 [hbm:s0], s1  }
0x13b: {  	s0 =	simm.s32 @!p0 $0x2  }
0x13c: {  	_ =	swait.ge @!p0 [sflag:s0], s1  }
0x13d: {  	s1 =	ssub.s32 @!p0 $0x0, s1;
	[sflag:s0] =	ssyncset.done @!p0 $0x0  }
0x13e: {  	[sflag:s0] =	ssyncadd.s32 @!p0 s1  }
0x13f: {  	[bflag:$0x3] =	sbarrier.arrive $0xFFFF  }
0x140: {  	_ =	shalt  }

// kernel: _run.26.cloned.1.call-start
scs
__scs_entry_jumppad:
0x0: {  	(pc) =	sbr.rel $0x88, $3  }
0x1: {  	(tag) =	ssettag $0x0;
	lr =	simm.s32 $0x1  }
0x2: {  	[smem:$0x3F9E] =	sst lr;
	_ =	strace $0xD0000000  }
0x3: {  	_ = 	snop  }
0x4: {  	_ = 	snop  }
0x5: {  	_ = 	snop  }
0x6: {  	_ = 	snop  }
0x7: {  	_ = 	snop  }
__scs_overlays_trampoline_lowered:
0x8: {  	[smem:$0x3FAD] =	sst s0  }
0x9: {  	[smem:$0x3FAE] =	sst s1  }
0xa: {  	[smem:$0x3FAF] =	sst s2  }
0xb: {  	[smem:$0x3FB0] =	sst s3  }
0xc: {  	[smem:$0x3FB1] =	sst s4  }
0xd: {  	[smem:$0x3FB2] =	sst s5  }
0xe: {  	[smem:$0x3FB3] =	sst s6  }
0xf: {  	[smem:$0x3FB4] =	sst s7  }
0x10: {  	[smem:$0x3FB5] =	sst s8  }
0x11: {  	[smem:$0x3FB6] =	sst s9;
	s0 =	simm.s32 @!p0 $0x0  }
0x12: {  	s1 =	sld [smem:$0x3F9C];
	s0 =	simm.s32 @p0 $0x1  }
0x13: {  	[smem:$0x3FB7] =	sst s0;
	s0 =	simm.s32 @!p1 $0x0  }
0x14: {  	s2 =	sld [smem:$0x3F9B];
	s0 =	simm.s32 @p1 $0x1  }
0x15: {  	[smem:$0x3FB8] =	sst s0;
	s0 =	simm.s32 @!p2 $0x0  }
0x16: {  	s3 =	sld [smem:$0x3FDB];
	s0 =	simm.s32 @p2 $0x1  }
0x17: {  	s4 =	simm.s32 $0x1BF5;
	[smem:$0x3FBA] =	sst s0  }
0x18: {  	s0 =	sld [smem:$0x3F9D];
	_ =	swait.ge [sflag:s4], $0x0  }
0x19: {  	s7 =	sld [smem:$0x3F9E]  }
0x1a: {  	s8 =	sadd.s32 $0xFFFFE003, lr  }
0x1b: {  	s9 =	sadd.s32 $0xFFFFFEF7, lr;
	s5 =	simm.s32 $0xFFFFFFFF;
	p2 =	slt.u32 s8, $0xFFFFF086  }
0x1c: {  	p1 =	slt.u32 s9, $0xF7A;
	s5 =	simm.s32 @!p2 $0x0  }
0x1d: {  	s5 =	simm.s32 @p1 $0x1;
	p0 =	seq.s32 s7, s2  }
0x1e: {  	s7 =	smul.u32 @!p0 $0xF7A, s2;
	p2 =	seq.s32 @!p0 s5, $0x0  }
0x1f: {  	s9 =	smul.u32 $0xF7A, s1;
	s8 =	simm.s32 @!p0 $0x1BF5;
	p2 =	por !p2, p0  }
0x20: {  	[sflag:s8] =	ssyncset.s32 @!p0 $0xFFFFF086;
	s6 =	sadd.s32 @!p0 s3, s7;
	s7 =	simm.s32 @!p0 $0x108  }
0x21: {  	s3 =	sadd.s32 s3, s9;
	s6 =	sadd.s32 @!p0 $0x88, s6;
	s7 =	simm.s32 @p2 $0x1082  }
0x22: {  	[simem:s7], [sflag:s8] =	dma.local @!p0 [hbm:s6], $0xF7A  }
0x23: {  	s9 =	sor.u32 $0xD0000000, s2;
	s6 =	simm.s32 $0x108;
	_ =	swait.ge @!p0 [sflag:s8], $0x0  }
0x24: {  	s3 =	sadd.s32 $0x88, s3;
	s6 =	simm.s32 @!p1 $0x1082;
	[sflag:s4] =	ssyncset.s32 $0xFFFFF086  }
0x25: {  	[simem:s6], [sflag:s4] =	dma.local [hbm:s3], $0xF7A  }
0x26: {  	[smem:$0x3F9E] =	sst s1;
	(tag) =	ssettag s2;
	_ =	strace s9  }
0x27: {  	s1 =	sld [smem:$0x3FAE]  }
0x28: {  	s2 =	sld [smem:$0x3FAF]  }
0x29: {  	s4 =	sld [smem:$0x3FB1]  }
0x2a: {  	p0 =	seq.s32 s5, $0x0;
	s5 =	sld [smem:$0x3FB2]  }
0x2b: {  	s6 =	sld [smem:$0x3FB3]  }
0x2c: {  	s7 =	sld [smem:$0x3FB4]  }
0x2d: {  	s3 =	simm.s32 $0x108;
	s8 =	sld [smem:$0x3FB5]  }
0x2e: {  	s3 =	simm.s32 @!p0 $0x1082;
	s9 =	sld [smem:$0x3FB6]  }
0x2f: {  	lr =	sadd.s32 s0, s3;
	s0 =	sld [smem:$0x3FAD]  }
0x30: {  	s3 =	sld [smem:$0x3FB0]  }
0x31: {  	[smem:$0x3FB9] =	sst s10  }
0x32: {  	s10 =	sld [smem:$0x3FB7];
	_ =	sdelay $0x3  }
0x33: {  	p0 =	seq.s32 s10, $0x1;
	s10 =	sld [smem:$0x3FB9];
	_ =	sdelay $0x3  }
0x34: {  	[smem:$0x3FB9] =	sst s10  }
0x35: {  	s10 =	sld [smem:$0x3FB8];
	_ =	sdelay $0x3  }
0x36: {  	p1 =	seq.s32 s10, $0x1;
	s10 =	sld [smem:$0x3FB9];
	_ =	sdelay $0x3  }
0x37: {  	[smem:$0x3FB9] =	sst s10  }
0x38: {  	s10 =	sld [smem:$0x3FBA]  }
0x39: {  	_ = 	snop;
	(pc) =	sbr.ind lr, $3  }
0x3a: {  	_ = 	snop  }
0x3b: {  	_ = 	snop  }
0x3c: {  	p2 =	seq.s32 s10, $0x1;
	s10 =	sld [smem:$0x3FB9]  }
0x3d: {  	_ =	shalt  }
0x3e: {  	_ =	shalt  }
0x3f: {  	_ =	shalt  }
0x40: {  	_ =	shalt  }
0x41: {  	_ =	shalt  }
0x42: {  	_ =	shalt  }
0x43: {  	_ =	shalt  }
0x44: {  	_ =	shalt  }
0x45: {  	_ =	shalt  }
0x46: {  	_ =	shalt  }
0x47: {  	_ =	shalt  }
0x48: {  	_ =	shalt  }
0x49: {  	_ =	shalt  }
0x4a: {  	_ =	shalt  }
0x4b: {  	_ =	shalt  }
0x4c: {  	_ =	shalt  }
0x4d: {  	_ =	shalt  }
0x4e: {  	_ =	shalt  }
0x4f: {  	_ =	shalt  }
0x50: {  	_ =	shalt  }
0x51: {  	_ =	shalt  }
0x52: {  	_ =	shalt  }
0x53: {  	_ =	shalt  }
0x54: {  	_ =	shalt  }
0x55: {  	_ =	shalt  }
0x56: {  	_ =	shalt  }
0x57: {  	_ =	shalt  }
0x58: {  	_ =	shalt  }
0x59: {  	_ =	shalt  }
0x5a: {  	_ =	shalt  }
0x5b: {  	_ =	shalt  }
0x5c: {  	_ =	shalt  }
0x5d: {  	_ =	shalt  }
0x5e: {  	_ =	shalt  }
0x5f: {  	_ =	shalt  }
0x60: {  	_ =	shalt  }
0x61: {  	_ =	shalt  }
0x62: {  	_ =	shalt  }
0x63: {  	_ =	shalt  }
0x64: {  	_ =	shalt  }
0x65: {  	_ =	shalt  }
0x66: {  	_ =	shalt  }
0x67: {  	_ =	shalt  }
0x68: {  	_ =	shalt  }
0x69: {  	_ =	shalt  }
0x6a: {  	_ =	shalt  }
0x6b: {  	_ =	shalt  }
0x6c: {  	_ =	shalt  }
0x6d: {  	_ =	shalt  }
0x6e: {  	_ =	shalt  }
0x6f: {  	_ =	shalt  }
0x70: {  	_ =	shalt  }
0x71: {  	_ =	shalt  }
0x72: {  	_ =	shalt  }
0x73: {  	_ =	shalt  }
0x74: {  	_ =	shalt  }
0x75: {  	_ =	shalt  }
0x76: {  	_ =	shalt  }
0x77: {  	_ =	shalt  }
0x78: {  	_ =	shalt  }
0x79: {  	_ =	shalt  }
0x7a: {  	_ =	shalt  }
0x7b: {  	_ =	shalt  }
0x7c: {  	_ =	shalt  }
0x7d: {  	_ =	shalt  }
0x7e: {  	_ =	shalt  }
0x7f: {  	_ =	shalt  }
0x80: {  	_ =	shalt  }
0x81: {  	_ =	shalt  }
0x82: {  	_ =	shalt  }
0x83: {  	_ =	shalt  }
0x84: {  	_ =	shalt  }
0x85: {  	_ =	shalt  }
0x86: {  	_ =	shalt  }
0x87: {  	_ =	shalt  }
.Lfunc_end0:
.L_simem_size_0:
called_computation.4_lowered:
.L_overlay_start_0:
0x88: {  	s2 =	sld [smem:$0x3FD9]  }
0x89: {  	s3 =	sld [smem:$0x3FFE];
	_ =	sdelay $0x1  }
0x8a: {  	s1 =	srdreg.scid  }
0x8b: {  	s0 =	sand.u32 $0x1, s1  }
0x8c: {  	s17 =	sshll.u32 s0, $0xA;
	s2 =	sadd.s32 s3, s2  }
0x8d: {  	s2 =	sadd.s32 s2, s17  }
0x8e: {  	[smem:$0x3FC5] =	sst s2  }
0x8f: {  	_ = 	snop  }
0x90: {  	(tm) =	ssettm $0x1  }
0x91: {  	s18 =	sld [smem:$0x3FFB];
	_ =	sdelay $0x3  }
0x92: {  	_ =	strace s18  }
0x93: {  	s2 =	sld [smem:$0x3FFC];
	_ =	sdelay $0x3  }
0x94: {  	_ =	strace s2  }
0x95: {  	s2 =	sld [smem:$0x3FFD];
	_ =	sdelay $0x3  }
0x96: {  	_ =	strace s2  }
0x97: {  	_ =	strace $0x8FFFFFFF  }
0x98: {  	s19 =	sld [smem:$0x3FDB];
	_ =	sdelay $0x1  }
0x99: {  	s20 =	simm.s32 $_scs_section_size  }
0x9a: {  	s4 =	simm.s32 $_size__tile_overlayer_lowered;
	s5 =	simm.s32 $_tile_overlayer_lowered  }
0x9b: {  	s6 =	simm.s32 $0x1BFF;
	s21 =	sshll.u32 s5, $0x1;
	s3 =	sadd.s32 s20, s19  }
0x9c: {  	s22 =	simm.s32 $0x0;
	s4 =	sshll.u32 s4, $0x1;
	s5 =	sadd.s32 s21, s3  }
0x9d: {  	[timem:s22], [sflag:s6] =	dma.local [hbm:s5], s4  }
0x9e: {  	_ =	swait.ge [sflag:s6], s4  }
0x9f: {  	s4 =	ssub.s32 $0x0, s4;
	[sflag:s6] =	ssyncset.done $0x0  }
0xa0: {  	[sflag:s6] =	ssyncadd.s32 s4;
	_ =	sdelay $0x1  }
0xa1: {  	s23 =	simm.s32 $0x1B8B  }
0xa2: {  	_ =	swait.ge [sflag:s23], $0x1  }
0xa3: {  	[sflag:s23] =	ssyncset.done $0x0  }
0xa4: {  	[sflag:s23] =	ssyncadd.s32 $0xFFFFFFFF  }
0xa5: {  	s4 =	sld [smem:$0x0]  }
0xa6: {  	s5 =	sand.u32 $0xFFFFFFFE, s1  }
0xa7: {  	p0 =	sne.s32 s1, s5  }
0xa8: {  	s5 =	sshll.u32 @p0 s5, $0xE  }
0xa9: {  	s5 =	sadd.s32 @p0 $0x11B8D, s5;
	s6 =	sshll.u32 @p0 s4, $0x11  }
0xaa: {  	s5 =	sor.u32 @p0 s6, s5  }
0xab: {  	[sflag:s5] =	ssyncadd.remote.s32 @p0 $0x1;
	_ =	sdelay $0x1  }
0xac: {  	s5 =	simm.s32 @p0 $0x1B8D  }
0xad: {  	_ =	swait.eq @p0 [sflag:s5], $0x1  }
0xae: {  	[sflag:s5] =	ssyncadd.s32 @p0 $0xFFFFFFFF  }
0xaf: {  	s6 =	sshll.u32 @!p0 s1, $0xE  }
0xb0: {  	s6 =	sor.u32 @!p0 $0x4000, s6;
	s5 =	simm.s32 @!p0 $0x1B8D  }
0xb1: {  	s4 =	sshll.u32 @!p0 s4, $0x11;
	s6 =	sadd.s32 @!p0 $0x11B8D, s6;
	_ =	swait.eq @!p0 [sflag:s5], $0x1  }
0xb2: {  	s4 =	sor.u32 @!p0 s4, s6;
	[sflag:s5] =	ssyncadd.s32 @!p0 $0xFFFFFFFF  }
0xb3: {  	s25 =	simm.s32 $0x1B8E;
	s24 =	sld [smem:$0x3FFE];
	[sflag:s4] =	ssyncadd.remote.s32 @!p0 $0x1  }
0xb4: {  	s26 =	simm.s32 $execute0_lowered;
	[smem:$0x3FD2] =	sst s25  }
0xb5: {  	s5 =	sshll.u32 s26, $0x1;
	_ =	strace $0x80000052;
	[dreg:$0x1] =	wrdreg $0xFFFFFFFF  }
0xb6: {  	s28 =	simm.s32 $_size_execute0_lowered;
	s3 =	sadd.s32 s3, s5;
	[dreg:$0x0] =	wrdreg $0x0  }
0xb7: {  	s5 =	sshll.u32 s28, $0x1;
	[dreg:$0x2] =	wrdreg s3  }
0xb8: {  	[dreg:$0x3] =	wrdreg s5  }
0xb9: {  	[dreg:$0x4] =	wrdreg $0xC0  }
0xba: {  	_ =	task [dreg:s22], $0x5FFFF  }
0xbb: {  	[dreg:$0x1] =	wrdreg $0xFFFFFFFF  }
0xbc: {  	[dreg:$0x0] =	wrdreg $0x60  }
0xbd: {  	[dreg:$0x2] =	wrdreg s24  }
0xbe: {  	[dreg:$0x3] =	wrdreg $0xD  }
0xbf: {  	_ =	task.clear_ibuf [dreg:s22], $0x4FFFF;
	_ =	strace $0x90000052  }
0xc0: {  	s29 =	simm.s32 $0xD;
	_ =	strace $0x80000054  }
0xc1: {  	_ =	swait.ge [sflag:s29], $0x1  }
0xc2: {  	[sflag:s29] =	ssyncadd.s32 $0xFFFFFFFF  }
0xc3: {  	_ =	strace $0x90000054  }
0xc4: {  	_ =	sfence  }
0xc5: {  	s30 =	sld [smem:$0x0];
	_ =	sdelay $0x2  }
0xc6: {  	s31 =	sshll.u32 s1, $0xD;
	s1 =	sshrl.u32 s1, $0x2  }
0xc7: {  	s4 =	sand.u32 $0x4000, s31;
	s1 =	sadd.s32 s1, s30  }
0xc8: {  	s0 =	sor.u32 s4, s0;
	s1 =	sshll.u32 s1, $0x11  }
0xc9: {  	s0 =	sor.u32 s1, s0  }
0xca: {  	s0 =	sadd.s32 $0x8F2B, s0  }
0xcb: {  	[sflag:s0] =	ssyncadd.remote.s32 $0x1  }
0xcc: {  	_ =	sfence.sel $0xFFFF  }
0xcd: {  	[dreg:$0x0] =	wrdreg $0xFFFFFFFF;
	(pc) =	sbr.abs _section_cstart, $3  }
0xce: {  	[dreg:$0x1] =	wrdreg $0xFFFFFFFF  }
0xcf: {  	_ =	task.clear_ibuf [dreg:s22], $0x2FFFF;
	_ =	strace $0x9FFFFFFF  }
0xd0: {  	(tm) =	ssettm $0x7FFFFFFF  }
0xd1: {  	_ =	shalt  }
tec
execute0_lowered:
.L_overlay_start_1:
0x0: {  	(tag) =	ssettag $0x1  }
0x1: {  	s6 =	rddreg [dreg:$0x0]  }
0x2: {  	s0 =	rddreg [dreg:$0x1]  }
0x3: {  	s3 =	srdreg.scid;
	s1 =	stileid.u32  }
0x4: {  	s2 =	simm.s32 $0x0;
	s11 =	simm.s32 $0x200;
	s12 =	simm.s32 $0x280  }
0x5: {  	s13 =	simm.s32 $0x300;
	s14 =	simm.s32 $0x380;
	s15 =	simm.s32 $0x80  }
0x6: {  	s16 =	simm.s32 $0x400;
	s17 =	simm.s32 $0x2400;
	s18 =	simm.s32 $0x4400  }
0x7: {  	s19 =	simm.s32 $0x6400;
	s20 =	simm.s32 $0x1;
	s21 =	simm.s32 $0x0  }
0x8: {  	s5 =	sand.u32 $0x1, s3;
	s7 =	smul.u32 $0x300000, s1;
	[smem:$0x7FF] =	sst s2  }
0x9: {  	v0 =	vlaneseq.u32;
	s3 =	sadd.s32 $0xED7400, s6;
	s4 =	sadd.s32 $0x2200, s6;
	s8 =	smul.u32 $0x180000, s5  }
0xa: {  	s9 =	sshll.u32 s1, $0x1;
	v0 =	vmul.u32 $0x2, v0;
	_ =	strace $0x80000053;
	s30 =	ssub.s32 $0x2, s5  }
0xb: {  	s5 =	sor.u32 s5, s9;
	s9 =	simm.s32 $0x2;
	s7 =	sadd.s32 s8, s7  }
0xc: {  	s31 =	sshrl.u32 s30, $0x1;
	s5 =	smul.u32 $0x6, s5;
	v1 =	vor.u32 $0x20, v0;
	s7 =	sshrl.u32 s7, $0x3  }
0xd: {  	v2 =	vor.u32 $0x40, v0;
	v3 =	vor.u32 $0x60, v0;
	v4 =	vor.u32 $0x1, v0;
	s10 =	sadd.s32 s7, s6;
	s7 =	ssub.s32 s30, s31;
	s6 =	sadd.s32 $0xED7500, s6  }
0xe: {  	v5 =	vor.u32 $0x21, v0;
	v6 =	vor.u32 $0x41, v0;
	v7 =	vor.u32 $0x61, v0;
	s7 =	smax.u32 s7, $0x1;
	s8 =	sadd.s32 $0x1507400, s10;
	s10 =	simm.s32 $0x100  }
.LBB2_1:
0xf: {  	s22 =	sadd.s32 $0x0, s5  }
0x10: {  	s23 =	sand.u32 $0xE0, s2;
	s22 =	sshll.u32 s22, $0x9  }
0x11: {  	s22 =	sor.u32 s23, s22  }
0x12: {  	s23 =	sadd.s32 s3, s22  }
0x13: {  	[tilespmem:s2], [sflag:$0x2] =	stream.linear.gather [hbm4b:s23+s2], $0x100, $0x38;
	[tilespmem:$0x8400] =	vst v63  }
0x14: {  	_ =	swait.ge [sflag:s9], $0x100  }
0x15: {  	[sflag:s9] =	ssyncset.done $0x0  }
0x16: {  	s22 =	sadd.s32 s22, s6;
	[sflag:s9] =	ssyncadd.s32 $0xFFFFFF00  }
0x17: {  	[tilespmem:s10], [sflag:$0x2] =	stream.linear.gather [hbm4b:s22+s2], $0x100, $0x38;
	[tilespmem:$0x8400] =	vst v63  }
0x18: {  	_ =	swait.ge [sflag:s9], $0x100  }
0x19: {  	[sflag:s9] =	ssyncset.done $0x0  }
0x1a: {  	[sflag:s9] =	ssyncadd.s32 $0xFFFFFF00  }
0x1b: {  	v8 =	vld [tilespmem:$0x0];
	_ =	sdelay $0x4  }
0x1c: {  	[tilespmem:v0+s11+$0x0] =	vst.idx.msk $0xffff, v8  }
0x1d: {  	v8 =	vld [tilespmem:$0x10];
	_ =	sdelay $0x4  }
0x1e: {  	[tilespmem:v1+s11+$0x0] =	vst.idx.msk $0xffff, v8  }
0x1f: {  	v8 =	vld [tilespmem:$0x20];
	_ =	sdelay $0x4  }
0x20: {  	[tilespmem:v2+s11+$0x0] =	vst.idx.msk $0xffff, v8  }
0x21: {  	v8 =	vld [tilespmem:$0x30];
	_ =	sdelay $0x4  }
0x22: {  	[tilespmem:v3+s11+$0x0] =	vst.idx.msk $0xffff, v8  }
0x23: {  	v8 =	vld [tilespmem:$0x40];
	_ =	sdelay $0x4  }
0x24: {  	[tilespmem:v0+s12+$0x0] =	vst.idx.msk $0xffff, v8  }
0x25: {  	v8 =	vld [tilespmem:$0x50];
	_ =	sdelay $0x4  }
0x26: {  	[tilespmem:v1+s12+$0x0] =	vst.idx.msk $0xffff, v8  }
0x27: {  	v8 =	vld [tilespmem:$0x60];
	_ =	sdelay $0x4  }
0x28: {  	[tilespmem:v2+s12+$0x0] =	vst.idx.msk $0xffff, v8  }
0x29: {  	v8 =	vld [tilespmem:$0x70];
	_ =	sdelay $0x4  }
0x2a: {  	[tilespmem:v3+s12+$0x0] =	vst.idx.msk $0xffff, v8  }
0x2b: {  	v8 =	vld [tilespmem:$0x80];
	_ =	sdelay $0x4  }
0x2c: {  	[tilespmem:v0+s13+$0x0] =	vst.idx.msk $0xffff, v8  }
0x2d: {  	v8 =	vld [tilespmem:$0x90];
	_ =	sdelay $0x4  }
0x2e: {  	[tilespmem:v1+s13+$0x0] =	vst.idx.msk $0xffff, v8  }
0x2f: {  	v8 =	vld [tilespmem:$0xA0];
	_ =	sdelay $0x4  }
0x30: {  	[tilespmem:v2+s13+$0x0] =	vst.idx.msk $0xffff, v8  }
0x31: {  	v8 =	vld [tilespmem:$0xB0];
	_ =	sdelay $0x4  }
0x32: {  	[tilespmem:v3+s13+$0x0] =	vst.idx.msk $0xffff, v8  }
0x33: {  	v8 =	vld [tilespmem:$0xC0];
	_ =	sdelay $0x4  }
0x34: {  	[tilespmem:v0+s14+$0x0] =	vst.idx.msk $0xffff, v8  }
0x35: {  	v8 =	vld [tilespmem:$0xD0];
	_ =	sdelay $0x4  }
0x36: {  	[tilespmem:v1+s14+$0x0] =	vst.idx.msk $0xffff, v8  }
0x37: {  	v8 =	vld [tilespmem:$0xE0];
	_ =	sdelay $0x4  }
0x38: {  	[tilespmem:v2+s14+$0x0] =	vst.idx.msk $0xffff, v8  }
0x39: {  	v8 =	vld [tilespmem:$0xF0];
	_ =	sdelay $0x4  }
0x3a: {  	[tilespmem:v3+s14+$0x0] =	vst.idx.msk $0xffff, v8  }
0x3b: {  	v8 =	vld [tilespmem:$0x100];
	_ =	sdelay $0x4  }
0x3c: {  	[tilespmem:v4+s11+$0x0] =	vst.idx.msk $0xffff, v8  }
0x3d: {  	v8 =	vld [tilespmem:$0x110];
	_ =	sdelay $0x4  }
0x3e: {  	[tilespmem:v5+s11+$0x0] =	vst.idx.msk $0xffff, v8  }
0x3f: {  	v8 =	vld [tilespmem:$0x120];
	_ =	sdelay $0x4  }
0x40: {  	[tilespmem:v6+s11+$0x0] =	vst.idx.msk $0xffff, v8  }
0x41: {  	v8 =	vld [tilespmem:$0x130];
	_ =	sdelay $0x4  }
0x42: {  	[tilespmem:v7+s11+$0x0] =	vst.idx.msk $0xffff, v8  }
0x43: {  	v8 =	vld [tilespmem:$0x140];
	_ =	sdelay $0x4  }
0x44: {  	[tilespmem:v4+s12+$0x0] =	vst.idx.msk $0xffff, v8  }
0x45: {  	v8 =	vld [tilespmem:$0x150];
	_ =	sdelay $0x4  }
0x46: {  	[tilespmem:v5+s12+$0x0] =	vst.idx.msk $0xffff, v8  }
0x47: {  	v8 =	vld [tilespmem:$0x160];
	_ =	sdelay $0x4  }
0x48: {  	[tilespmem:v6+s12+$0x0] =	vst.idx.msk $0xffff, v8  }
0x49: {  	v8 =	vld [tilespmem:$0x170];
	_ =	sdelay $0x4  }
0x4a: {  	[tilespmem:v7+s12+$0x0] =	vst.idx.msk $0xffff, v8  }
0x4b: {  	v8 =	vld [tilespmem:$0x180];
	_ =	sdelay $0x4  }
0x4c: {  	[tilespmem:v4+s13+$0x0] =	vst.idx.msk $0xffff, v8  }
0x4d: {  	v8 =	vld [tilespmem:$0x190];
	_ =	sdelay $0x4  }
0x4e: {  	[tilespmem:v5+s13+$0x0] =	vst.idx.msk $0xffff, v8  }
0x4f: {  	v8 =	vld [tilespmem:$0x1A0];
	_ =	sdelay $0x4  }
0x50: {  	[tilespmem:v6+s13+$0x0] =	vst.idx.msk $0xffff, v8  }
0x51: {  	v8 =	vld [tilespmem:$0x1B0];
	_ =	sdelay $0x4  }
0x52: {  	[tilespmem:v7+s13+$0x0] =	vst.idx.msk $0xffff, v8  }
0x53: {  	v8 =	vld [tilespmem:$0x1C0];
	_ =	sdelay $0x4  }
0x54: {  	[tilespmem:v4+s14+$0x0] =	vst.idx.msk $0xffff, v8  }
0x55: {  	v8 =	vld [tilespmem:$0x1D0];
	_ =	sdelay $0x4  }
0x56: {  	[tilespmem:v5+s14+$0x0] =	vst.idx.msk $0xffff, v8  }
0x57: {  	v8 =	vld [tilespmem:$0x1E0];
	_ =	sdelay $0x4  }
0x58: {  	[tilespmem:v6+s14+$0x0] =	vst.idx.msk $0xffff, v8  }
0x59: {  	v8 =	vld [tilespmem:$0x1F0];
	_ =	sdelay $0x4  }
0x5a: {  	[tilespmem:v7+s14+$0x0] =	vst.idx.msk $0xffff, v8  }
0x5b: {  	[tilespmem:s16], [sflag:$0x1] =	stream.indirect.gather [hbm4b:s4+s15], $0x40, s11, s15, $0xb8;
	[tilespmem:$0x8400] =	vst v63  }
0x5c: {  	_ = 	snop  }
0x5d: {  	[tilespmem:s17], [sflag:$0x1] =	stream.indirect.gather [hbm4b:s4+s15], $0x40, s12, s15, $0xb8;
	[tilespmem:$0x8400] =	vst v63  }
0x5e: {  	_ = 	snop  }
0x5f: {  	[tilespmem:s18], [sflag:$0x1] =	stream.indirect.gather [hbm4b:s4+s15], $0x40, s13, s15, $0xb8;
	[tilespmem:$0x8400] =	vst v63  }
0x60: {  	_ = 	snop  }
0x61: {  	[tilespmem:s19], [sflag:$0x1] =	stream.indirect.gather [hbm4b:s4+s15], $0x40, s14, s15, $0xb8;
	[tilespmem:$0x8400] =	vst v63  }
0x62: {  	_ =	swait.ge [sflag:s20], $0x2000  }
0x63: {  	[sflag:s20] =	ssyncset.done $0x0  }
0x64: {  	[sflag:s20] =	ssyncadd.s32 $0xFFFFE000  }
0x65: {  	_ =	swait.ge [sflag:s20], $0x2000  }
0x66: {  	[sflag:s20] =	ssyncset.done $0x0  }
0x67: {  	[sflag:s20] =	ssyncadd.s32 $0xFFFFE000  }
0x68: {  	_ =	swait.ge [sflag:s20], $0x2000  }
0x69: {  	[sflag:s20] =	ssyncset.done $0x0  }
0x6a: {  	s31 =	sadd.s32 $0x0, s5;
	s24 =	simm.s32 $0x20;
	[sflag:s20] =	ssyncadd.s32 $0xFFFFE000  }
0x6b: {  	s25 =	sand.u32 $0xE0, s24;
	s22 =	sshll.u32 s31, $0x9;
	_ =	swait.ge [sflag:s20], $0x2000  }
0x6c: {  	s23 =	simm.s32 $0x2;
	s28 =	sor.u32 s25, s22;
	[sflag:s20] =	ssyncset.done $0x0  }
0x6d: {  	s22 =	sadd.s32 $0x1000, s8;
	s25 =	smov.u32 s8;
	[sflag:s20] =	ssyncadd.s32 $0xFFFFE000  }
.LBB2_2:
0x6e: {  	[hbm4b:s25+s2] =	stream.linear.scatter [tilespmem:s16], [sflag:$0x2], $0x8000, $0x38;
	[tilespmem:$0x8400] =	vst v63  }
0x6f: {  	s26 =	smov.u32 s23;
	s25 =	smov.u32 s22  }
0x70: {  	p0 =	sne.s32 s23, $0x2F;
	s23 =	sadd.s32 $0x1, s23;
	_ =	swait.ge [sflag:s9], $0x8000  }
0x71: {  	[sflag:s9] =	ssyncset.done $0x0  }
0x72: {  	s29 =	sadd.s32 s3, s28;
	[sflag:s9] =	ssyncadd.s32 $0xFFFF8000  }
0x73: {  	[tilespmem:s2], [sflag:$0x2] =	stream.linear.gather [hbm4b:s29+s2], $0x100, $0x38;
	[tilespmem:$0x8400] =	vst v63  }
0x74: {  	_ =	swait.ge [sflag:s9], $0x100  }
0x75: {  	[sflag:s9] =	ssyncset.done $0x0  }
0x76: {  	s28 =	sadd.s32 s28, s6;
	[sflag:s9] =	ssyncadd.s32 $0xFFFFFF00  }
0x77: {  	[tilespmem:s10], [sflag:$0x2] =	stream.linear.gather [hbm4b:s28+s2], $0x100, $0x38;
	[tilespmem:$0x8400] =	vst v63  }
0x78: {  	_ =	swait.ge [sflag:s9], $0x100  }
0x79: {  	[sflag:s9] =	ssyncset.done $0x0  }
0x7a: {  	[sflag:s9] =	ssyncadd.s32 $0xFFFFFF00  }
0x7b: {  	v8 =	vld [tilespmem:$0x0];
	_ =	sdelay $0x4  }
0x7c: {  	[tilespmem:v0+s11+$0x0] =	vst.idx.msk $0xffff, v8  }
0x7d: {  	v8 =	vld [tilespmem:$0x10];
	_ =	sdelay $0x4  }
0x7e: {  	[tilespmem:v1+s11+$0x0] =	vst.idx.msk $0xffff, v8  }
0x7f: {  	v8 =	vld [tilespmem:$0x20];
	_ =	sdelay $0x4  }
0x80: {  	[tilespmem:v2+s11+$0x0] =	vst.idx.msk $0xffff, v8  }
0x81: {  	v8 =	vld [tilespmem:$0x30];
	_ =	sdelay $0x4  }
0x82: {  	[tilespmem:v3+s11+$0x0] =	vst.idx.msk $0xffff, v8  }
0x83: {  	v8 =	vld [tilespmem:$0x40];
	_ =	sdelay $0x4  }
0x84: {  	[tilespmem:v0+s12+$0x0] =	vst.idx.msk $0xffff, v8  }
0x85: {  	v8 =	vld [tilespmem:$0x50];
	_ =	sdelay $0x4  }
0x86: {  	[tilespmem:v1+s12+$0x0] =	vst.idx.msk $0xffff, v8  }
0x87: {  	v8 =	vld [tilespmem:$0x60];
	_ =	sdelay $0x4  }
0x88: {  	[tilespmem:v2+s12+$0x0] =	vst.idx.msk $0xffff, v8  }
0x89: {  	v8 =	vld [tilespmem:$0x70];
	_ =	sdelay $0x4  }
0x8a: {  	[tilespmem:v3+s12+$0x0] =	vst.idx.msk $0xffff, v8  }
0x8b: {  	v8 =	vld [tilespmem:$0x80];
	_ =	sdelay $0x4  }
0x8c: {  	[tilespmem:v0+s13+$0x0] =	vst.idx.msk $0xffff, v8  }
0x8d: {  	v8 =	vld [tilespmem:$0x90];
	_ =	sdelay $0x4  }
0x8e: {  	[tilespmem:v1+s13+$0x0] =	vst.idx.msk $0xffff, v8  }
0x8f: {  	v8 =	vld [tilespmem:$0xA0];
	_ =	sdelay $0x4  }
0x90: {  	[tilespmem:v2+s13+$0x0] =	vst.idx.msk $0xffff, v8  }
0x91: {  	v8 =	vld [tilespmem:$0xB0];
	_ =	sdelay $0x4  }
0x92: {  	[tilespmem:v3+s13+$0x0] =	vst.idx.msk $0xffff, v8  }
0x93: {  	v8 =	vld [tilespmem:$0xC0];
	_ =	sdelay $0x4  }
0x94: {  	[tilespmem:v0+s14+$0x0] =	vst.idx.msk $0xffff, v8  }
0x95: {  	v8 =	vld [tilespmem:$0xD0];
	_ =	sdelay $0x4  }
0x96: {  	[tilespmem:v1+s14+$0x0] =	vst.idx.msk $0xffff, v8  }
0x97: {  	v8 =	vld [tilespmem:$0xE0];
	_ =	sdelay $0x4  }
0x98: {  	[tilespmem:v2+s14+$0x0] =	vst.idx.msk $0xffff, v8  }
0x99: {  	v8 =	vld [tilespmem:$0xF0];
	_ =	sdelay $0x4  }
0x9a: {  	[tilespmem:v3+s14+$0x0] =	vst.idx.msk $0xffff, v8  }
0x9b: {  	v8 =	vld [tilespmem:$0x100];
	_ =	sdelay $0x4  }
0x9c: {  	[tilespmem:v4+s11+$0x0] =	vst.idx.msk $0xffff, v8  }
0x9d: {  	v8 =	vld [tilespmem:$0x110];
	_ =	sdelay $0x4  }
0x9e: {  	[tilespmem:v5+s11+$0x0] =	vst.idx.msk $0xffff, v8  }
0x9f: {  	v8 =	vld [tilespmem:$0x120];
	_ =	sdelay $0x4  }
0xa0: {  	[tilespmem:v6+s11+$0x0] =	vst.idx.msk $0xffff, v8  }
0xa1: {  	v8 =	vld [tilespmem:$0x130];
	_ =	sdelay $0x4  }
0xa2: {  	[tilespmem:v7+s11+$0x0] =	vst.idx.msk $0xffff, v8  }
0xa3: {  	v8 =	vld [tilespmem:$0x140];
	_ =	sdelay $0x4  }
0xa4: {  	[tilespmem:v4+s12+$0x0] =	vst.idx.msk $0xffff, v8  }
0xa5: {  	v8 =	vld [tilespmem:$0x150];
	_ =	sdelay $0x4  }
0xa6: {  	[tilespmem:v5+s12+$0x0] =	vst.idx.msk $0xffff, v8  }
0xa7: {  	v8 =	vld [tilespmem:$0x160];
	_ =	sdelay $0x4  }
0xa8: {  	[tilespmem:v6+s12+$0x0] =	vst.idx.msk $0xffff, v8  }
0xa9: {  	v8 =	vld [tilespmem:$0x170];
	_ =	sdelay $0x4  }
0xaa: {  	[tilespmem:v7+s12+$0x0] =	vst.idx.msk $0xffff, v8  }
0xab: {  	v8 =	vld [tilespmem:$0x180];
	_ =	sdelay $0x4  }
0xac: {  	[tilespmem:v4+s13+$0x0] =	vst.idx.msk $0xffff, v8  }
0xad: {  	v8 =	vld [tilespmem:$0x190];
	_ =	sdelay $0x4  }
0xae: {  	[tilespmem:v5+s13+$0x0] =	vst.idx.msk $0xffff, v8  }
0xaf: {  	v8 =	vld [tilespmem:$0x1A0];
	_ =	sdelay $0x4  }
0xb0: {  	[tilespmem:v6+s13+$0x0] =	vst.idx.msk $0xffff, v8  }
0xb1: {  	v8 =	vld [tilespmem:$0x1B0];
	_ =	sdelay $0x4  }
0xb2: {  	[tilespmem:v7+s13+$0x0] =	vst.idx.msk $0xffff, v8  }
0xb3: {  	v8 =	vld [tilespmem:$0x1C0];
	_ =	sdelay $0x4  }
0xb4: {  	[tilespmem:v4+s14+$0x0] =	vst.idx.msk $0xffff, v8  }
0xb5: {  	v8 =	vld [tilespmem:$0x1D0];
	_ =	sdelay $0x4  }
0xb6: {  	[tilespmem:v5+s14+$0x0] =	vst.idx.msk $0xffff, v8  }
0xb7: {  	v8 =	vld [tilespmem:$0x1E0];
	_ =	sdelay $0x4  }
0xb8: {  	[tilespmem:v6+s14+$0x0] =	vst.idx.msk $0xffff, v8  }
0xb9: {  	v8 =	vld [tilespmem:$0x1F0];
	_ =	sdelay $0x4  }
0xba: {  	[tilespmem:v7+s14+$0x0] =	vst.idx.msk $0xffff, v8  }
0xbb: {  	[tilespmem:s16], [sflag:$0x1] =	stream.indirect.gather [hbm4b:s4+s15], $0x40, s11, s15, $0xb8;
	[tilespmem:$0x8400] =	vst v63  }
0xbc: {  	_ = 	snop  }
0xbd: {  	[tilespmem:s17], [sflag:$0x1] =	stream.indirect.gather [hbm4b:s4+s15], $0x40, s12, s15, $0xb8;
	[tilespmem:$0x8400] =	vst v63  }
0xbe: {  	_ = 	snop  }
0xbf: {  	[tilespmem:s18], [sflag:$0x1] =	stream.indirect.gather [hbm4b:s4+s15], $0x40, s13, s15, $0xb8;
	[tilespmem:$0x8400] =	vst v63  }
0xc0: {  	_ = 	snop  }
0xc1: {  	[tilespmem:s19], [sflag:$0x1] =	stream.indirect.gather [hbm4b:s4+s15], $0x40, s14, s15, $0xb8;
	[tilespmem:$0x8400] =	vst v63  }
0xc2: {  	_ =	swait.ge [sflag:s20], $0x2000  }
0xc3: {  	[sflag:s20] =	ssyncset.done $0x0  }
0xc4: {  	[sflag:s20] =	ssyncadd.s32 $0xFFFFE000  }
0xc5: {  	_ =	swait.ge [sflag:s20], $0x2000  }
0xc6: {  	[sflag:s20] =	ssyncset.done $0x0  }
0xc7: {  	[sflag:s20] =	ssyncadd.s32 $0xFFFFE000  }
0xc8: {  	_ =	swait.ge [sflag:s20], $0x2000  }
.Ltmp0:
0xc9: {  	[sflag:s20] =	ssyncset.done $0x0;
	(pc) =	sbr.rel @p0 .LBB2_2-.Ltmp0, $4  }
0xca: {  	s26 =	sshrl.u32 s26, $0x3;
	[sflag:s20] =	ssyncadd.s32 $0xFFFFE000  }
0xcb: {  	s24 =	sadd.s32 $0x20, s24;
	s26 =	sadd.s32 s5, s26;
	_ =	swait.ge [sflag:s20], $0x2000  }
0xcc: {  	s26 =	sshll.u32 s26, $0x9;
	s28 =	sand.u32 $0xE0, s24;
	[sflag:s20] =	ssyncset.done $0x0  }
0xcd: {  	s22 =	sadd.s32 $0x1000, s22;
	s28 =	sor.u32 s28, s26;
	[sflag:s20] =	ssyncadd.s32 $0xFFFFE000  }
0xce: {  	[hbm4b:s25+s2] =	stream.linear.scatter [tilespmem:s16], [sflag:$0x2], $0x8000, $0x38;
	[tilespmem:$0x8400] =	vst v63  }
0xcf: {  	_ =	swait.ge [sflag:s9], $0x8000  }
0xd0: {  	[sflag:s9] =	ssyncset.done $0x0  }
0xd1: {  	s23 =	sadd.s32 s3, s28;
	[sflag:s9] =	ssyncadd.s32 $0xFFFF8000  }
0xd2: {  	[tilespmem:s2], [sflag:$0x2] =	stream.linear.gather [hbm4b:s23+s2], $0x100, $0x38;
	[tilespmem:$0x8400] =	vst v63  }
0xd3: {  	_ =	swait.ge [sflag:s9], $0x100  }
0xd4: {  	[sflag:s9] =	ssyncset.done $0x0  }
0xd5: {  	s31 =	sadd.s32 s28, s6;
	[sflag:s9] =	ssyncadd.s32 $0xFFFFFF00  }
0xd6: {  	[tilespmem:s10], [sflag:$0x2] =	stream.linear.gather [hbm4b:s31+s2], $0x100, $0x38;
	[tilespmem:$0x8400] =	vst v63  }
0xd7: {  	_ =	swait.ge [sflag:s9], $0x100  }
0xd8: {  	[sflag:s9] =	ssyncset.done $0x0  }
0xd9: {  	[sflag:s9] =	ssyncadd.s32 $0xFFFFFF00  }
0xda: {  	v8 =	vld [tilespmem:$0x0];
	_ =	sdelay $0x4  }
0xdb: {  	[tilespmem:v0+s11+$0x0] =	vst.idx.msk $0xffff, v8  }
0xdc: {  	v8 =	vld [tilespmem:$0x10];
	_ =	sdelay $0x4  }
0xdd: {  	[tilespmem:v1+s11+$0x0] =	vst.idx.msk $0xffff, v8  }
0xde: {  	v8 =	vld [tilespmem:$0x20];
	_ =	sdelay $0x4  }
0xdf: {  	[tilespmem:v2+s11+$0x0] =	vst.idx.msk $0xffff, v8  }
0xe0: {  	v8 =	vld [tilespmem:$0x30];
	_ =	sdelay $0x4  }
0xe1: {  	[tilespmem:v3+s11+$0x0] =	vst.idx.msk $0xffff, v8  }
0xe2: {  	v8 =	vld [tilespmem:$0x40];
	_ =	sdelay $0x4  }
0xe3: {  	[tilespmem:v0+s12+$0x0] =	vst.idx.msk $0xffff, v8  }
0xe4: {  	v8 =	vld [tilespmem:$0x50];
	_ =	sdelay $0x4  }
0xe5: {  	[tilespmem:v1+s12+$0x0] =	vst.idx.msk $0xffff, v8  }
0xe6: {  	v8 =	vld [tilespmem:$0x60];
	_ =	sdelay $0x4  }
0xe7: {  	[tilespmem:v2+s12+$0x0] =	vst.idx.msk $0xffff, v8  }
0xe8: {  	v8 =	vld [tilespmem:$0x70];
	_ =	sdelay $0x4  }
0xe9: {  	[tilespmem:v3+s12+$0x0] =	vst.idx.msk $0xffff, v8  }
0xea: {  	v8 =	vld [tilespmem:$0x80];
	_ =	sdelay $0x4  }
0xeb: {  	[tilespmem:v0+s13+$0x0] =	vst.idx.msk $0xffff, v8  }
0xec: {  	v8 =	vld [tilespmem:$0x90];
	_ =	sdelay $0x4  }
0xed: {  	[tilespmem:v1+s13+$0x0] =	vst.idx.msk $0xffff, v8  }
0xee: {  	v8 =	vld [tilespmem:$0xA0];
	_ =	sdelay $0x4  }
0xef: {  	[tilespmem:v2+s13+$0x0] =	vst.idx.msk $0xffff, v8  }
0xf0: {  	v8 =	vld [tilespmem:$0xB0];
	_ =	sdelay $0x4  }
0xf1: {  	[tilespmem:v3+s13+$0x0] =	vst.idx.msk $0xffff, v8  }
0xf2: {  	v8 =	vld [tilespmem:$0xC0];
	_ =	sdelay $0x4  }
0xf3: {  	[tilespmem:v0+s14+$0x0] =	vst.idx.msk $0xffff, v8  }
0xf4: {  	v8 =	vld [tilespmem:$0xD0];
	_ =	sdelay $0x4  }
0xf5: {  	[tilespmem:v1+s14+$0x0] =	vst.idx.msk $0xffff, v8  }
0xf6: {  	v8 =	vld [tilespmem:$0xE0];
	_ =	sdelay $0x4  }
0xf7: {  	[tilespmem:v2+s14+$0x0] =	vst.idx.msk $0xffff, v8  }
0xf8: {  	v8 =	vld [tilespmem:$0xF0];
	_ =	sdelay $0x4  }
0xf9: {  	[tilespmem:v3+s14+$0x0] =	vst.idx.msk $0xffff, v8  }
0xfa: {  	v8 =	vld [tilespmem:$0x100];
	_ =	sdelay $0x4  }
0xfb: {  	[tilespmem:v4+s11+$0x0] =	vst.idx.msk $0xffff, v8  }
0xfc: {  	v8 =	vld [tilespmem:$0x110];
	_ =	sdelay $0x4  }
0xfd: {  	[tilespmem:v5+s11+$0x0] =	vst.idx.msk $0xffff, v8  }
0xfe: {  	v8 =	vld [tilespmem:$0x120];
	_ =	sdelay $0x4  }
0xff: {  	[tilespmem:v6+s11+$0x0] =	vst.idx.msk $0xffff, v8  }
0x100: {  	v8 =	vld [tilespmem:$0x130];
	_ =	sdelay $0x4  }
0x101: {  	[tilespmem:v7+s11+$0x0] =	vst.idx.msk $0xffff, v8  }
0x102: {  	v8 =	vld [tilespmem:$0x140];
	_ =	sdelay $0x4  }
0x103: {  	[tilespmem:v4+s12+$0x0] =	vst.idx.msk $0xffff, v8  }
0x104: {  	v8 =	vld [tilespmem:$0x150];
	_ =	sdelay $0x4  }
0x105: {  	[tilespmem:v5+s12+$0x0] =	vst.idx.msk $0xffff, v8  }
0x106: {  	v8 =	vld [tilespmem:$0x160];
	_ =	sdelay $0x4  }
0x107: {  	[tilespmem:v6+s12+$0x0] =	vst.idx.msk $0xffff, v8  }
0x108: {  	v8 =	vld [tilespmem:$0x170];
	_ =	sdelay $0x4  }
0x109: {  	[tilespmem:v7+s12+$0x0] =	vst.idx.msk $0xffff, v8  }
0x10a: {  	v8 =	vld [tilespmem:$0x180];
	_ =	sdelay $0x4  }
0x10b: {  	[tilespmem:v4+s13+$0x0] =	vst.idx.msk $0xffff, v8  }
0x10c: {  	v8 =	vld [tilespmem:$0x190];
	_ =	sdelay $0x4  }
0x10d: {  	[tilespmem:v5+s13+$0x0] =	vst.idx.msk $0xffff, v8  }
0x10e: {  	v8 =	vld [tilespmem:$0x1A0];
	_ =	sdelay $0x4  }
0x10f: {  	[tilespmem:v6+s13+$0x0] =	vst.idx.msk $0xffff, v8  }
0x110: {  	v8 =	vld [tilespmem:$0x1B0];
	_ =	sdelay $0x4  }
0x111: {  	[tilespmem:v7+s13+$0x0] =	vst.idx.msk $0xffff, v8  }
0x112: {  	v8 =	vld [tilespmem:$0x1C0];
	_ =	sdelay $0x4  }
0x113: {  	[tilespmem:v4+s14+$0x0] =	vst.idx.msk $0xffff, v8  }
0x114: {  	v8 =	vld [tilespmem:$0x1D0];
	_ =	sdelay $0x4  }
0x115: {  	[tilespmem:v5+s14+$0x0] =	vst.idx.msk $0xffff, v8  }
0x116: {  	v8 =	vld [tilespmem:$0x1E0];
	_ =	sdelay $0x4  }
0x117: {  	[tilespmem:v6+s14+$0x0] =	vst.idx.msk $0xffff, v8  }
0x118: {  	v8 =	vld [tilespmem:$0x1F0];
	_ =	sdelay $0x4  }
0x119: {  	[tilespmem:v7+s14+$0x0] =	vst.idx.msk $0xffff, v8  }
0x11a: {  	[tilespmem:s16], [sflag:$0x1] =	stream.indirect.gather [hbm4b:s4+s15], $0x40, s11, s15, $0xb8;
	[tilespmem:$0x8400] =	vst v63  }
0x11b: {  	_ = 	snop  }
0x11c: {  	[tilespmem:s17], [sflag:$0x1] =	stream.indirect.gather [hbm4b:s4+s15], $0x40, s12, s15, $0xb8;
	[tilespmem:$0x8400] =	vst v63  }
0x11d: {  	_ = 	snop  }
0x11e: {  	[tilespmem:s18], [sflag:$0x1] =	stream.indirect.gather [hbm4b:s4+s15], $0x40, s13, s15, $0xb8;
	[tilespmem:$0x8400] =	vst v63  }
0x11f: {  	_ = 	snop  }
0x120: {  	[tilespmem:s19], [sflag:$0x1] =	stream.indirect.gather [hbm4b:s4+s15], $0x40, s14, s15, $0xb8;
	[tilespmem:$0x8400] =	vst v63  }
0x121: {  	_ =	swait.ge [sflag:s20], $0x2000  }
0x122: {  	[sflag:s20] =	ssyncset.done $0x0  }
0x123: {  	[sflag:s20] =	ssyncadd.s32 $0xFFFFE000  }
0x124: {  	_ =	swait.ge [sflag:s20], $0x2000  }
0x125: {  	[sflag:s20] =	ssyncset.done $0x0  }
0x126: {  	[sflag:s20] =	ssyncadd.s32 $0xFFFFE000  }
0x127: {  	_ =	swait.ge [sflag:s20], $0x2000  }
0x128: {  	[sflag:s20] =	ssyncset.done $0x0  }
0x129: {  	[sflag:s20] =	ssyncadd.s32 $0xFFFFE000  }
0x12a: {  	s21 =	sadd.s32 $0x1, s21;
	_ =	swait.ge [sflag:s20], $0x2000  }
0x12b: {  	p0 =	sne.s32 s21, s7;
	[sflag:s20] =	ssyncset.done $0x0  }
.Ltmp1:
0x12c: {  	[sflag:s20] =	ssyncadd.s32 $0xFFFFE000;
	(pc) =	sbr.rel @p0 .LBB2_1-.Ltmp1, $4  }
0x12d: {  	[hbm4b:s22+s2] =	stream.linear.scatter [tilespmem:s16], [sflag:$0x2], $0x8000, $0x38;
	[tilespmem:$0x8400] =	vst v63  }
0x12e: {  	_ =	swait.ge [sflag:s9], $0x8000  }
0x12f: {  	[sflag:s9] =	ssyncset.done $0x0  }
0x130: {  	[sflag:s9] =	ssyncadd.s32 $0xFFFF8000  }
0x131: {  	_ =	sfence.sel $0x180000  }
0x132: {  	[bflag:$0x0] =	sbarrier.arrive $0xFFFF  }
0x133: {  	p0 =	sne.s32 s1, $0x0;
	_ =	strace $0x90000053  }
0x134: {  	s0 =	sadd.s32 @!p0 $0x100000, s0;
	[bflag:$0x2] =	sbarrier.arrive $0xFFFF  }
0x135: {  	[sflag:s0] =	ssyncadd.tile.s32 @!p0 $0x1;
	_ =	shalt  }
.Lfunc_end2:
_tile_overlayer_lowered:
.L_overlay_start_2:
0x136: {  	(tag) =	ssettag $0x2  }
0x137: {  	s0 =	rddreg [dreg:$0x0];
	s2 =	stileid.u32  }
0x138: {  	s1 =	rddreg [dreg:$0x1];
	p0 =	sne.s32 s2, $0x0  }
0x139: {  	s3 =	rddreg [dreg:$0x2];
	[bflag:$0x3] =	sbarrier.arrive $0xFFFF;
	s2 =	simm.s32 @!p0 $0x1C02  }
0x13a: {  	[timem:s3], [sflag:s2] =	dma.local @!p0 [hbm:s0], s1  }
0x13b: {  	s0 =	simm.s32 @!p0 $0x2  }
0x13c: {  	_ =	swait.ge @!p0 [sflag:s0], s1  }
0x13d: {  	s1 =	ssub.s32 @!p0 $0x0, s1;
	[sflag:s0] =	ssyncset.done @!p0 $0x0  }
0x13e: {  	[sflag:s0] =	ssyncadd.s32 @!p0 s1  }
0x13f: {  	[bflag:$0x3] =	sbarrier.arrive $0xFFFF  }
0x140: {  	_ =	shalt  }

// kernel: _run.29.cloned.1.call-start
scs
__scs_entry_jumppad:
0x0: {  	(pc) =	sbr.rel $0x88, $3  }
0x1: {  	(tag) =	ssettag $0x0;
	lr =	simm.s32 $0x1  }
0x2: {  	[smem:$0x3F9E] =	sst lr;
	_ =	strace $0xD0000000  }
0x3: {  	_ = 	snop  }
0x4: {  	_ = 	snop  }
0x5: {  	_ = 	snop  }
0x6: {  	_ = 	snop  }
0x7: {  	_ = 	snop  }
__scs_overlays_trampoline_lowered:
0x8: {  	[smem:$0x3FAD] =	sst s0  }
0x9: {  	[smem:$0x3FAE] =	sst s1  }
0xa: {  	[smem:$0x3FAF] =	sst s2  }
0xb: {  	[smem:$0x3FB0] =	sst s3  }
0xc: {  	[smem:$0x3FB1] =	sst s4  }
0xd: {  	[smem:$0x3FB2] =	sst s5  }
0xe: {  	[smem:$0x3FB3] =	sst s6  }
0xf: {  	[smem:$0x3FB4] =	sst s7  }
0x10: {  	[smem:$0x3FB5] =	sst s8  }
0x11: {  	[smem:$0x3FB6] =	sst s9;
	s0 =	simm.s32 @!p0 $0x0  }
0x12: {  	s1 =	sld [smem:$0x3F9C];
	s0 =	simm.s32 @p0 $0x1  }
0x13: {  	[smem:$0x3FB7] =	sst s0;
	s0 =	simm.s32 @!p1 $0x0  }
0x14: {  	s2 =	sld [smem:$0x3F9B];
	s0 =	simm.s32 @p1 $0x1  }
0x15: {  	[smem:$0x3FB8] =	sst s0;
	s0 =	simm.s32 @!p2 $0x0  }
0x16: {  	s3 =	sld [smem:$0x3FDB];
	s0 =	simm.s32 @p2 $0x1  }
0x17: {  	s4 =	simm.s32 $0x1BF5;
	[smem:$0x3FBA] =	sst s0  }
0x18: {  	s0 =	sld [smem:$0x3F9D];
	_ =	swait.ge [sflag:s4], $0x0  }
0x19: {  	s7 =	sld [smem:$0x3F9E]  }
0x1a: {  	s8 =	sadd.s32 $0xFFFFE003, lr  }
0x1b: {  	s9 =	sadd.s32 $0xFFFFFEF7, lr;
	s5 =	simm.s32 $0xFFFFFFFF;
	p2 =	slt.u32 s8, $0xFFFFF086  }
0x1c: {  	p1 =	slt.u32 s9, $0xF7A;
	s5 =	simm.s32 @!p2 $0x0  }
0x1d: {  	s5 =	simm.s32 @p1 $0x1;
	p0 =	seq.s32 s7, s2  }
0x1e: {  	s7 =	smul.u32 @!p0 $0xF7A, s2;
	p2 =	seq.s32 @!p0 s5, $0x0  }
0x1f: {  	s9 =	smul.u32 $0xF7A, s1;
	s8 =	simm.s32 @!p0 $0x1BF5;
	p2 =	por !p2, p0  }
0x20: {  	[sflag:s8] =	ssyncset.s32 @!p0 $0xFFFFF086;
	s6 =	sadd.s32 @!p0 s3, s7;
	s7 =	simm.s32 @!p0 $0x108  }
0x21: {  	s3 =	sadd.s32 s3, s9;
	s6 =	sadd.s32 @!p0 $0x88, s6;
	s7 =	simm.s32 @p2 $0x1082  }
0x22: {  	[simem:s7], [sflag:s8] =	dma.local @!p0 [hbm:s6], $0xF7A  }
0x23: {  	s9 =	sor.u32 $0xD0000000, s2;
	s6 =	simm.s32 $0x108;
	_ =	swait.ge @!p0 [sflag:s8], $0x0  }
0x24: {  	s3 =	sadd.s32 $0x88, s3;
	s6 =	simm.s32 @!p1 $0x1082;
	[sflag:s4] =	ssyncset.s32 $0xFFFFF086  }
0x25: {  	[simem:s6], [sflag:s4] =	dma.local [hbm:s3], $0xF7A  }
0x26: {  	[smem:$0x3F9E] =	sst s1;
	(tag) =	ssettag s2;
	_ =	strace s9  }
0x27: {  	s1 =	sld [smem:$0x3FAE]  }
0x28: {  	s2 =	sld [smem:$0x3FAF]  }
0x29: {  	s4 =	sld [smem:$0x3FB1]  }
0x2a: {  	p0 =	seq.s32 s5, $0x0;
	s5 =	sld [smem:$0x3FB2]  }
0x2b: {  	s6 =	sld [smem:$0x3FB3]  }
0x2c: {  	s7 =	sld [smem:$0x3FB4]  }
0x2d: {  	s3 =	simm.s32 $0x108;
	s8 =	sld [smem:$0x3FB5]  }
0x2e: {  	s3 =	simm.s32 @!p0 $0x1082;
	s9 =	sld [smem:$0x3FB6]  }
0x2f: {  	lr =	sadd.s32 s0, s3;
	s0 =	sld [smem:$0x3FAD]  }
0x30: {  	s3 =	sld [smem:$0x3FB0]  }
0x31: {  	[smem:$0x3FB9] =	sst s10  }
0x32: {  	s10 =	sld [smem:$0x3FB7];
	_ =	sdelay $0x3  }
0x33: {  	p0 =	seq.s32 s10, $0x1;
	s10 =	sld [smem:$0x3FB9];
	_ =	sdelay $0x3  }
0x34: {  	[smem:$0x3FB9] =	sst s10  }
0x35: {  	s10 =	sld [smem:$0x3FB8];
	_ =	sdelay $0x3  }
0x36: {  	p1 =	seq.s32 s10, $0x1;
	s10 =	sld [smem:$0x3FB9];
	_ =	sdelay $0x3  }
0x37: {  	[smem:$0x3FB9] =	sst s10  }
0x38: {  	s10 =	sld [smem:$0x3FBA]  }
0x39: {  	_ = 	snop;
	(pc) =	sbr.ind lr, $3  }
0x3a: {  	_ = 	snop  }
0x3b: {  	_ = 	snop  }
0x3c: {  	p2 =	seq.s32 s10, $0x1;
	s10 =	sld [smem:$0x3FB9]  }
0x3d: {  	_ =	shalt  }
0x3e: {  	_ =	shalt  }
0x3f: {  	_ =	shalt  }
0x40: {  	_ =	shalt  }
0x41: {  	_ =	shalt  }
0x42: {  	_ =	shalt  }
0x43: {  	_ =	shalt  }
0x44: {  	_ =	shalt  }
0x45: {  	_ =	shalt  }
0x46: {  	_ =	shalt  }
0x47: {  	_ =	shalt  }
0x48: {  	_ =	shalt  }
0x49: {  	_ =	shalt  }
0x4a: {  	_ =	shalt  }
0x4b: {  	_ =	shalt  }
0x4c: {  	_ =	shalt  }
0x4d: {  	_ =	shalt  }
0x4e: {  	_ =	shalt  }
0x4f: {  	_ =	shalt  }
0x50: {  	_ =	shalt  }
0x51: {  	_ =	shalt  }
0x52: {  	_ =	shalt  }
0x53: {  	_ =	shalt  }
0x54: {  	_ =	shalt  }
0x55: {  	_ =	shalt  }
0x56: {  	_ =	shalt  }
0x57: {  	_ =	shalt  }
0x58: {  	_ =	shalt  }
0x59: {  	_ =	shalt  }
0x5a: {  	_ =	shalt  }
0x5b: {  	_ =	shalt  }
0x5c: {  	_ =	shalt  }
0x5d: {  	_ =	shalt  }
0x5e: {  	_ =	shalt  }
0x5f: {  	_ =	shalt  }
0x60: {  	_ =	shalt  }
0x61: {  	_ =	shalt  }
0x62: {  	_ =	shalt  }
0x63: {  	_ =	shalt  }
0x64: {  	_ =	shalt  }
0x65: {  	_ =	shalt  }
0x66: {  	_ =	shalt  }
0x67: {  	_ =	shalt  }
0x68: {  	_ =	shalt  }
0x69: {  	_ =	shalt  }
0x6a: {  	_ =	shalt  }
0x6b: {  	_ =	shalt  }
0x6c: {  	_ =	shalt  }
0x6d: {  	_ =	shalt  }
0x6e: {  	_ =	shalt  }
0x6f: {  	_ =	shalt  }
0x70: {  	_ =	shalt  }
0x71: {  	_ =	shalt  }
0x72: {  	_ =	shalt  }
0x73: {  	_ =	shalt  }
0x74: {  	_ =	shalt  }
0x75: {  	_ =	shalt  }
0x76: {  	_ =	shalt  }
0x77: {  	_ =	shalt  }
0x78: {  	_ =	shalt  }
0x79: {  	_ =	shalt  }
0x7a: {  	_ =	shalt  }
0x7b: {  	_ =	shalt  }
0x7c: {  	_ =	shalt  }
0x7d: {  	_ =	shalt  }
0x7e: {  	_ =	shalt  }
0x7f: {  	_ =	shalt  }
0x80: {  	_ =	shalt  }
0x81: {  	_ =	shalt  }
0x82: {  	_ =	shalt  }
0x83: {  	_ =	shalt  }
0x84: {  	_ =	shalt  }
0x85: {  	_ =	shalt  }
0x86: {  	_ =	shalt  }
0x87: {  	_ =	shalt  }
.Lfunc_end0:
.L_simem_size_0:
called_computation.5_lowered:
.L_overlay_start_0:
0x88: {  	s2 =	sld [smem:$0x3FD9]  }
0x89: {  	s3 =	sld [smem:$0x3FFE];
	_ =	sdelay $0x1  }
0x8a: {  	s1 =	srdreg.scid  }
0x8b: {  	s0 =	sand.u32 $0x1, s1  }
0x8c: {  	s17 =	sshll.u32 s0, $0xA;
	s2 =	sadd.s32 s3, s2  }
0x8d: {  	s2 =	sadd.s32 s2, s17  }
0x8e: {  	[smem:$0x3FC5] =	sst s2  }
0x8f: {  	_ = 	snop  }
0x90: {  	(tm) =	ssettm $0x1  }
0x91: {  	s18 =	sld [smem:$0x3FFB];
	_ =	sdelay $0x3  }
0x92: {  	_ =	strace s18  }
0x93: {  	s2 =	sld [smem:$0x3FFC];
	_ =	sdelay $0x3  }
0x94: {  	_ =	strace s2  }
0x95: {  	s2 =	sld [smem:$0x3FFD];
	_ =	sdelay $0x3  }
0x96: {  	_ =	strace s2  }
0x97: {  	_ =	strace $0x8FFFFFFF  }
0x98: {  	s19 =	sld [smem:$0x3FDB];
	_ =	sdelay $0x1  }
0x99: {  	s20 =	simm.s32 $_scs_section_size  }
0x9a: {  	s4 =	simm.s32 $_size__tile_overlayer_lowered;
	s5 =	simm.s32 $_tile_overlayer_lowered  }
0x9b: {  	s6 =	simm.s32 $0x1BFF;
	s21 =	sshll.u32 s5, $0x1;
	s3 =	sadd.s32 s20, s19  }
0x9c: {  	s22 =	simm.s32 $0x0;
	s4 =	sshll.u32 s4, $0x1;
	s5 =	sadd.s32 s21, s3  }
0x9d: {  	[timem:s22], [sflag:s6] =	dma.local [hbm:s5], s4  }
0x9e: {  	_ =	swait.ge [sflag:s6], s4  }
0x9f: {  	s4 =	ssub.s32 $0x0, s4;
	[sflag:s6] =	ssyncset.done $0x0  }
0xa0: {  	[sflag:s6] =	ssyncadd.s32 s4;
	_ =	sdelay $0x1  }
0xa1: {  	s23 =	simm.s32 $0x1B8B  }
0xa2: {  	_ =	swait.ge [sflag:s23], $0x1  }
0xa3: {  	[sflag:s23] =	ssyncset.done $0x0  }
0xa4: {  	[sflag:s23] =	ssyncadd.s32 $0xFFFFFFFF  }
0xa5: {  	s4 =	sld [smem:$0x0]  }
0xa6: {  	s5 =	sand.u32 $0xFFFFFFFE, s1  }
0xa7: {  	p0 =	sne.s32 s1, s5  }
0xa8: {  	s5 =	sshll.u32 @p0 s5, $0xE  }
0xa9: {  	s5 =	sadd.s32 @p0 $0x11B8D, s5;
	s6 =	sshll.u32 @p0 s4, $0x11  }
0xaa: {  	s5 =	sor.u32 @p0 s6, s5  }
0xab: {  	[sflag:s5] =	ssyncadd.remote.s32 @p0 $0x1;
	_ =	sdelay $0x1  }
0xac: {  	s5 =	simm.s32 @p0 $0x1B8D  }
0xad: {  	_ =	swait.eq @p0 [sflag:s5], $0x1  }
0xae: {  	[sflag:s5] =	ssyncadd.s32 @p0 $0xFFFFFFFF  }
0xaf: {  	s6 =	sshll.u32 @!p0 s1, $0xE  }
0xb0: {  	s6 =	sor.u32 @!p0 $0x4000, s6;
	s5 =	simm.s32 @!p0 $0x1B8D  }
0xb1: {  	s4 =	sshll.u32 @!p0 s4, $0x11;
	s6 =	sadd.s32 @!p0 $0x11B8D, s6;
	_ =	swait.eq @!p0 [sflag:s5], $0x1  }
0xb2: {  	s4 =	sor.u32 @!p0 s4, s6;
	[sflag:s5] =	ssyncadd.s32 @!p0 $0xFFFFFFFF  }
0xb3: {  	s25 =	simm.s32 $0x1B8E;
	s24 =	sld [smem:$0x3FFE];
	[sflag:s4] =	ssyncadd.remote.s32 @!p0 $0x1  }
0xb4: {  	s26 =	simm.s32 $execute0_lowered;
	[smem:$0x3FD2] =	sst s25  }
0xb5: {  	s5 =	sshll.u32 s26, $0x1;
	_ =	strace $0x80000055;
	[dreg:$0x1] =	wrdreg $0xFFFFFFFF  }
0xb6: {  	s28 =	simm.s32 $_size_execute0_lowered;
	s3 =	sadd.s32 s3, s5;
	[dreg:$0x0] =	wrdreg $0x0  }
0xb7: {  	s5 =	sshll.u32 s28, $0x1;
	[dreg:$0x2] =	wrdreg s3  }
0xb8: {  	[dreg:$0x3] =	wrdreg s5  }
0xb9: {  	[dreg:$0x4] =	wrdreg $0xC0  }
0xba: {  	_ =	task [dreg:s22], $0x5FFFF  }
0xbb: {  	[dreg:$0x1] =	wrdreg $0xFFFFFFFF  }
0xbc: {  	[dreg:$0x0] =	wrdreg $0x60  }
0xbd: {  	[dreg:$0x2] =	wrdreg s24  }
0xbe: {  	[dreg:$0x3] =	wrdreg $0xE  }
0xbf: {  	_ =	task.clear_ibuf [dreg:s22], $0x4FFFF;
	_ =	strace $0x90000055  }
0xc0: {  	s29 =	simm.s32 $0xE;
	_ =	strace $0x80000057  }
0xc1: {  	_ =	swait.ge [sflag:s29], $0x1  }
0xc2: {  	[sflag:s29] =	ssyncadd.s32 $0xFFFFFFFF  }
0xc3: {  	_ =	strace $0x90000057  }
0xc4: {  	_ =	sfence  }
0xc5: {  	s30 =	sld [smem:$0x0];
	_ =	sdelay $0x2  }
0xc6: {  	s31 =	sshll.u32 s1, $0xD;
	s1 =	sshrl.u32 s1, $0x2  }
0xc7: {  	s4 =	sand.u32 $0x4000, s31;
	s1 =	sadd.s32 s1, s30  }
0xc8: {  	s0 =	sor.u32 s4, s0;
	s1 =	sshll.u32 s1, $0x11  }
0xc9: {  	s0 =	sor.u32 s1, s0  }
0xca: {  	s0 =	sadd.s32 $0x8F2B, s0  }
0xcb: {  	[sflag:s0] =	ssyncadd.remote.s32 $0x1  }
0xcc: {  	_ =	sfence.sel $0xFFFF  }
0xcd: {  	[dreg:$0x0] =	wrdreg $0xFFFFFFFF;
	(pc) =	sbr.abs _section_cstart, $3  }
0xce: {  	[dreg:$0x1] =	wrdreg $0xFFFFFFFF  }
0xcf: {  	_ =	task.clear_ibuf [dreg:s22], $0x2FFFF;
	_ =	strace $0x9FFFFFFF  }
0xd0: {  	(tm) =	ssettm $0x7FFFFFFF  }
0xd1: {  	_ =	shalt  }
tec
execute0_lowered:
.L_overlay_start_1:
0x0: {  	(tag) =	ssettag $0x1  }
0x1: {  	s6 =	rddreg [dreg:$0x0]  }
0x2: {  	s0 =	rddreg [dreg:$0x1]  }
0x3: {  	s3 =	srdreg.scid;
	s1 =	stileid.u32  }
0x4: {  	s2 =	simm.s32 $0x0;
	s11 =	simm.s32 $0x200;
	s12 =	simm.s32 $0x280  }
0x5: {  	s13 =	simm.s32 $0x300;
	s14 =	simm.s32 $0x380;
	s15 =	simm.s32 $0x80  }
0x6: {  	s16 =	simm.s32 $0x400;
	s17 =	simm.s32 $0x2400;
	s18 =	simm.s32 $0x4400  }
0x7: {  	s19 =	simm.s32 $0x6400;
	s20 =	simm.s32 $0x1;
	s21 =	simm.s32 $0x0  }
0x8: {  	s5 =	sand.u32 $0x1, s3;
	s7 =	smul.u32 $0x300000, s1;
	[smem:$0x7FF] =	sst s2  }
0x9: {  	v0 =	vlaneseq.u32;
	s3 =	sadd.s32 $0xEEF400, s6;
	s4 =	sadd.s32 $0x2200, s6;
	s8 =	smul.u32 $0x180000, s5  }
0xa: {  	s9 =	sshll.u32 s1, $0x1;
	v0 =	vmul.u32 $0x2, v0;
	_ =	strace $0x80000056;
	s30 =	ssub.s32 $0x2, s5  }
0xb: {  	s5 =	sor.u32 s5, s9;
	s9 =	simm.s32 $0x2;
	s7 =	sadd.s32 s8, s7  }
0xc: {  	s31 =	sshrl.u32 s30, $0x1;
	s5 =	smul.u32 $0x6, s5;
	v1 =	vor.u32 $0x20, v0;
	s7 =	sshrl.u32 s7, $0x3  }
0xd: {  	v2 =	vor.u32 $0x40, v0;
	v3 =	vor.u32 $0x60, v0;
	v4 =	vor.u32 $0x1, v0;
	s10 =	sadd.s32 s7, s6;
	s7 =	ssub.s32 s30, s31;
	s6 =	sadd.s32 $0xEEF500, s6  }
0xe: {  	v5 =	vor.u32 $0x21, v0;
	v6 =	vor.u32 $0x41, v0;
	v7 =	vor.u32 $0x61, v0;
	s7 =	smax.u32 s7, $0x1;
	s8 =	sadd.s32 $0x1B07400, s10;
	s10 =	simm.s32 $0x100  }
.LBB2_1:
0xf: {  	s22 =	sadd.s32 $0x0, s5  }
0x10: {  	s23 =	sand.u32 $0xE0, s2;
	s22 =	sshll.u32 s22, $0x9  }
0x11: {  	s22 =	sor.u32 s23, s22  }
0x12: {  	s23 =	sadd.s32 s3, s22  }
0x13: {  	[tilespmem:s2], [sflag:$0x2] =	stream.linear.gather [hbm4b:s23+s2], $0x100, $0x38;
	[tilespmem:$0x8400] =	vst v63  }
0x14: {  	_ =	swait.ge [sflag:s9], $0x100  }
0x15: {  	[sflag:s9] =	ssyncset.done $0x0  }
0x16: {  	s22 =	sadd.s32 s22, s6;
	[sflag:s9] =	ssyncadd.s32 $0xFFFFFF00  }
0x17: {  	[tilespmem:s10], [sflag:$0x2] =	stream.linear.gather [hbm4b:s22+s2], $0x100, $0x38;
	[tilespmem:$0x8400] =	vst v63  }
0x18: {  	_ =	swait.ge [sflag:s9], $0x100  }
0x19: {  	[sflag:s9] =	ssyncset.done $0x0  }
0x1a: {  	[sflag:s9] =	ssyncadd.s32 $0xFFFFFF00  }
0x1b: {  	v8 =	vld [tilespmem:$0x0];
	_ =	sdelay $0x4  }
0x1c: {  	[tilespmem:v0+s11+$0x0] =	vst.idx.msk $0xffff, v8  }
0x1d: {  	v8 =	vld [tilespmem:$0x10];
	_ =	sdelay $0x4  }
0x1e: {  	[tilespmem:v1+s11+$0x0] =	vst.idx.msk $0xffff, v8  }
0x1f: {  	v8 =	vld [tilespmem:$0x20];
	_ =	sdelay $0x4  }
0x20: {  	[tilespmem:v2+s11+$0x0] =	vst.idx.msk $0xffff, v8  }
0x21: {  	v8 =	vld [tilespmem:$0x30];
	_ =	sdelay $0x4  }
0x22: {  	[tilespmem:v3+s11+$0x0] =	vst.idx.msk $0xffff, v8  }
0x23: {  	v8 =	vld [tilespmem:$0x40];
	_ =	sdelay $0x4  }
0x24: {  	[tilespmem:v0+s12+$0x0] =	vst.idx.msk $0xffff, v8  }
0x25: {  	v8 =	vld [tilespmem:$0x50];
	_ =	sdelay $0x4  }
0x26: {  	[tilespmem:v1+s12+$0x0] =	vst.idx.msk $0xffff, v8  }
0x27: {  	v8 =	vld [tilespmem:$0x60];
	_ =	sdelay $0x4  }
0x28: {  	[tilespmem:v2+s12+$0x0] =	vst.idx.msk $0xffff, v8  }
0x29: {  	v8 =	vld [tilespmem:$0x70];
	_ =	sdelay $0x4  }
0x2a: {  	[tilespmem:v3+s12+$0x0] =	vst.idx.msk $0xffff, v8  }
0x2b: {  	v8 =	vld [tilespmem:$0x80];
	_ =	sdelay $0x4  }
0x2c: {  	[tilespmem:v0+s13+$0x0] =	vst.idx.msk $0xffff, v8  }
0x2d: {  	v8 =	vld [tilespmem:$0x90];
	_ =	sdelay $0x4  }
0x2e: {  	[tilespmem:v1+s13+$0x0] =	vst.idx.msk $0xffff, v8  }
0x2f: {  	v8 =	vld [tilespmem:$0xA0];
	_ =	sdelay $0x4  }
0x30: {  	[tilespmem:v2+s13+$0x0] =	vst.idx.msk $0xffff, v8  }
0x31: {  	v8 =	vld [tilespmem:$0xB0];
	_ =	sdelay $0x4  }
0x32: {  	[tilespmem:v3+s13+$0x0] =	vst.idx.msk $0xffff, v8  }
0x33: {  	v8 =	vld [tilespmem:$0xC0];
	_ =	sdelay $0x4  }
0x34: {  	[tilespmem:v0+s14+$0x0] =	vst.idx.msk $0xffff, v8  }
0x35: {  	v8 =	vld [tilespmem:$0xD0];
	_ =	sdelay $0x4  }
0x36: {  	[tilespmem:v1+s14+$0x0] =	vst.idx.msk $0xffff, v8  }
0x37: {  	v8 =	vld [tilespmem:$0xE0];
	_ =	sdelay $0x4  }
0x38: {  	[tilespmem:v2+s14+$0x0] =	vst.idx.msk $0xffff, v8  }
0x39: {  	v8 =	vld [tilespmem:$0xF0];
	_ =	sdelay $0x4  }
0x3a: {  	[tilespmem:v3+s14+$0x0] =	vst.idx.msk $0xffff, v8  }
0x3b: {  	v8 =	vld [tilespmem:$0x100];
	_ =	sdelay $0x4  }
0x3c: {  	[tilespmem:v4+s11+$0x0] =	vst.idx.msk $0xffff, v8  }
0x3d: {  	v8 =	vld [tilespmem:$0x110];
	_ =	sdelay $0x4  }
0x3e: {  	[tilespmem:v5+s11+$0x0] =	vst.idx.msk $0xffff, v8  }
0x3f: {  	v8 =	vld [tilespmem:$0x120];
	_ =	sdelay $0x4  }
0x40: {  	[tilespmem:v6+s11+$0x0] =	vst.idx.msk $0xffff, v8  }
0x41: {  	v8 =	vld [tilespmem:$0x130];
	_ =	sdelay $0x4  }
0x42: {  	[tilespmem:v7+s11+$0x0] =	vst.idx.msk $0xffff, v8  }
0x43: {  	v8 =	vld [tilespmem:$0x140];
	_ =	sdelay $0x4  }
0x44: {  	[tilespmem:v4+s12+$0x0] =	vst.idx.msk $0xffff, v8  }
0x45: {  	v8 =	vld [tilespmem:$0x150];
	_ =	sdelay $0x4  }
0x46: {  	[tilespmem:v5+s12+$0x0] =	vst.idx.msk $0xffff, v8  }
0x47: {  	v8 =	vld [tilespmem:$0x160];
	_ =	sdelay $0x4  }
0x48: {  	[tilespmem:v6+s12+$0x0] =	vst.idx.msk $0xffff, v8  }
0x49: {  	v8 =	vld [tilespmem:$0x170];
	_ =	sdelay $0x4  }
0x4a: {  	[tilespmem:v7+s12+$0x0] =	vst.idx.msk $0xffff, v8  }
0x4b: {  	v8 =	vld [tilespmem:$0x180];
	_ =	sdelay $0x4  }
0x4c: {  	[tilespmem:v4+s13+$0x0] =	vst.idx.msk $0xffff, v8  }
0x4d: {  	v8 =	vld [tilespmem:$0x190];
	_ =	sdelay $0x4  }
0x4e: {  	[tilespmem:v5+s13+$0x0] =	vst.idx.msk $0xffff, v8  }
0x4f: {  	v8 =	vld [tilespmem:$0x1A0];
	_ =	sdelay $0x4  }
0x50: {  	[tilespmem:v6+s13+$0x0] =	vst.idx.msk $0xffff, v8  }
0x51: {  	v8 =	vld [tilespmem:$0x1B0];
	_ =	sdelay $0x4  }
0x52: {  	[tilespmem:v7+s13+$0x0] =	vst.idx.msk $0xffff, v8  }
0x53: {  	v8 =	vld [tilespmem:$0x1C0];
	_ =	sdelay $0x4  }
0x54: {  	[tilespmem:v4+s14+$0x0] =	vst.idx.msk $0xffff, v8  }
0x55: {  	v8 =	vld [tilespmem:$0x1D0];
	_ =	sdelay $0x4  }
0x56: {  	[tilespmem:v5+s14+$0x0] =	vst.idx.msk $0xffff, v8  }
0x57: {  	v8 =	vld [tilespmem:$0x1E0];
	_ =	sdelay $0x4  }
0x58: {  	[tilespmem:v6+s14+$0x0] =	vst.idx.msk $0xffff, v8  }
0x59: {  	v8 =	vld [tilespmem:$0x1F0];
	_ =	sdelay $0x4  }
0x5a: {  	[tilespmem:v7+s14+$0x0] =	vst.idx.msk $0xffff, v8  }
0x5b: {  	[tilespmem:s16], [sflag:$0x1] =	stream.indirect.gather [hbm4b:s4+s15], $0x40, s11, s15, $0xb8;
	[tilespmem:$0x8400] =	vst v63  }
0x5c: {  	_ = 	snop  }
0x5d: {  	[tilespmem:s17], [sflag:$0x1] =	stream.indirect.gather [hbm4b:s4+s15], $0x40, s12, s15, $0xb8;
	[tilespmem:$0x8400] =	vst v63  }
0x5e: {  	_ = 	snop  }
0x5f: {  	[tilespmem:s18], [sflag:$0x1] =	stream.indirect.gather [hbm4b:s4+s15], $0x40, s13, s15, $0xb8;
	[tilespmem:$0x8400] =	vst v63  }
0x60: {  	_ = 	snop  }
0x61: {  	[tilespmem:s19], [sflag:$0x1] =	stream.indirect.gather [hbm4b:s4+s15], $0x40, s14, s15, $0xb8;
	[tilespmem:$0x8400] =	vst v63  }
0x62: {  	_ =	swait.ge [sflag:s20], $0x2000  }
0x63: {  	[sflag:s20] =	ssyncset.done $0x0  }
0x64: {  	[sflag:s20] =	ssyncadd.s32 $0xFFFFE000  }
0x65: {  	_ =	swait.ge [sflag:s20], $0x2000  }
0x66: {  	[sflag:s20] =	ssyncset.done $0x0  }
0x67: {  	[sflag:s20] =	ssyncadd.s32 $0xFFFFE000  }
0x68: {  	_ =	swait.ge [sflag:s20], $0x2000  }
0x69: {  	[sflag:s20] =	ssyncset.done $0x0  }
0x6a: {  	s31 =	sadd.s32 $0x0, s5;
	s24 =	simm.s32 $0x20;
	[sflag:s20] =	ssyncadd.s32 $0xFFFFE000  }
0x6b: {  	s25 =	sand.u32 $0xE0, s24;
	s22 =	sshll.u32 s31, $0x9;
	_ =	swait.ge [sflag:s20], $0x2000  }
0x6c: {  	s23 =	simm.s32 $0x2;
	s28 =	sor.u32 s25, s22;
	[sflag:s20] =	ssyncset.done $0x0  }
0x6d: {  	s22 =	sadd.s32 $0x1000, s8;
	s25 =	smov.u32 s8;
	[sflag:s20] =	ssyncadd.s32 $0xFFFFE000  }
.LBB2_2:
0x6e: {  	[hbm4b:s25+s2] =	stream.linear.scatter [tilespmem:s16], [sflag:$0x2], $0x8000, $0x38;
	[tilespmem:$0x8400] =	vst v63  }
0x6f: {  	s26 =	smov.u32 s23;
	s25 =	smov.u32 s22  }
0x70: {  	p0 =	sne.s32 s23, $0x2F;
	s23 =	sadd.s32 $0x1, s23;
	_ =	swait.ge [sflag:s9], $0x8000  }
0x71: {  	[sflag:s9] =	ssyncset.done $0x0  }
0x72: {  	s29 =	sadd.s32 s3, s28;
	[sflag:s9] =	ssyncadd.s32 $0xFFFF8000  }
0x73: {  	[tilespmem:s2], [sflag:$0x2] =	stream.linear.gather [hbm4b:s29+s2], $0x100, $0x38;
	[tilespmem:$0x8400] =	vst v63  }
0x74: {  	_ =	swait.ge [sflag:s9], $0x100  }
0x75: {  	[sflag:s9] =	ssyncset.done $0x0  }
0x76: {  	s28 =	sadd.s32 s28, s6;
	[sflag:s9] =	ssyncadd.s32 $0xFFFFFF00  }
0x77: {  	[tilespmem:s10], [sflag:$0x2] =	stream.linear.gather [hbm4b:s28+s2], $0x100, $0x38;
	[tilespmem:$0x8400] =	vst v63  }
0x78: {  	_ =	swait.ge [sflag:s9], $0x100  }
0x79: {  	[sflag:s9] =	ssyncset.done $0x0  }
0x7a: {  	[sflag:s9] =	ssyncadd.s32 $0xFFFFFF00  }
0x7b: {  	v8 =	vld [tilespmem:$0x0];
	_ =	sdelay $0x4  }
0x7c: {  	[tilespmem:v0+s11+$0x0] =	vst.idx.msk $0xffff, v8  }
0x7d: {  	v8 =	vld [tilespmem:$0x10];
	_ =	sdelay $0x4  }
0x7e: {  	[tilespmem:v1+s11+$0x0] =	vst.idx.msk $0xffff, v8  }
0x7f: {  	v8 =	vld [tilespmem:$0x20];
	_ =	sdelay $0x4  }
0x80: {  	[tilespmem:v2+s11+$0x0] =	vst.idx.msk $0xffff, v8  }
0x81: {  	v8 =	vld [tilespmem:$0x30];
	_ =	sdelay $0x4  }
0x82: {  	[tilespmem:v3+s11+$0x0] =	vst.idx.msk $0xffff, v8  }
0x83: {  	v8 =	vld [tilespmem:$0x40];
	_ =	sdelay $0x4  }
0x84: {  	[tilespmem:v0+s12+$0x0] =	vst.idx.msk $0xffff, v8  }
0x85: {  	v8 =	vld [tilespmem:$0x50];
	_ =	sdelay $0x4  }
0x86: {  	[tilespmem:v1+s12+$0x0] =	vst.idx.msk $0xffff, v8  }
0x87: {  	v8 =	vld [tilespmem:$0x60];
	_ =	sdelay $0x4  }
0x88: {  	[tilespmem:v2+s12+$0x0] =	vst.idx.msk $0xffff, v8  }
0x89: {  	v8 =	vld [tilespmem:$0x70];
	_ =	sdelay $0x4  }
0x8a: {  	[tilespmem:v3+s12+$0x0] =	vst.idx.msk $0xffff, v8  }
0x8b: {  	v8 =	vld [tilespmem:$0x80];
	_ =	sdelay $0x4  }
0x8c: {  	[tilespmem:v0+s13+$0x0] =	vst.idx.msk $0xffff, v8  }
0x8d: {  	v8 =	vld [tilespmem:$0x90];
	_ =	sdelay $0x4  }
0x8e: {  	[tilespmem:v1+s13+$0x0] =	vst.idx.msk $0xffff, v8  }
0x8f: {  	v8 =	vld [tilespmem:$0xA0];
	_ =	sdelay $0x4  }
0x90: {  	[tilespmem:v2+s13+$0x0] =	vst.idx.msk $0xffff, v8  }
0x91: {  	v8 =	vld [tilespmem:$0xB0];
	_ =	sdelay $0x4  }
0x92: {  	[tilespmem:v3+s13+$0x0] =	vst.idx.msk $0xffff, v8  }
0x93: {  	v8 =	vld [tilespmem:$0xC0];
	_ =	sdelay $0x4  }
0x94: {  	[tilespmem:v0+s14+$0x0] =	vst.idx.msk $0xffff, v8  }
0x95: {  	v8 =	vld [tilespmem:$0xD0];
	_ =	sdelay $0x4  }
0x96: {  	[tilespmem:v1+s14+$0x0] =	vst.idx.msk $0xffff, v8  }
0x97: {  	v8 =	vld [tilespmem:$0xE0];
	_ =	sdelay $0x4  }
0x98: {  	[tilespmem:v2+s14+$0x0] =	vst.idx.msk $0xffff, v8  }
0x99: {  	v8 =	vld [tilespmem:$0xF0];
	_ =	sdelay $0x4  }
0x9a: {  	[tilespmem:v3+s14+$0x0] =	vst.idx.msk $0xffff, v8  }
0x9b: {  	v8 =	vld [tilespmem:$0x100];
	_ =	sdelay $0x4  }
0x9c: {  	[tilespmem:v4+s11+$0x0] =	vst.idx.msk $0xffff, v8  }
0x9d: {  	v8 =	vld [tilespmem:$0x110];
	_ =	sdelay $0x4  }
0x9e: {  	[tilespmem:v5+s11+$0x0] =	vst.idx.msk $0xffff, v8  }
0x9f: {  	v8 =	vld [tilespmem:$0x120];
	_ =	sdelay $0x4  }
0xa0: {  	[tilespmem:v6+s11+$0x0] =	vst.idx.msk $0xffff, v8  }
0xa1: {  	v8 =	vld [tilespmem:$0x130];
	_ =	sdelay $0x4  }
0xa2: {  	[tilespmem:v7+s11+$0x0] =	vst.idx.msk $0xffff, v8  }
0xa3: {  	v8 =	vld [tilespmem:$0x140];
	_ =	sdelay $0x4  }
0xa4: {  	[tilespmem:v4+s12+$0x0] =	vst.idx.msk $0xffff, v8  }
0xa5: {  	v8 =	vld [tilespmem:$0x150];
	_ =	sdelay $0x4  }
0xa6: {  	[tilespmem:v5+s12+$0x0] =	vst.idx.msk $0xffff, v8  }
0xa7: {  	v8 =	vld [tilespmem:$0x160];
	_ =	sdelay $0x4  }
0xa8: {  	[tilespmem:v6+s12+$0x0] =	vst.idx.msk $0xffff, v8  }
0xa9: {  	v8 =	vld [tilespmem:$0x170];
	_ =	sdelay $0x4  }
0xaa: {  	[tilespmem:v7+s12+$0x0] =	vst.idx.msk $0xffff, v8  }
0xab: {  	v8 =	vld [tilespmem:$0x180];
	_ =	sdelay $0x4  }
0xac: {  	[tilespmem:v4+s13+$0x0] =	vst.idx.msk $0xffff, v8  }
0xad: {  	v8 =	vld [tilespmem:$0x190];
	_ =	sdelay $0x4  }
0xae: {  	[tilespmem:v5+s13+$0x0] =	vst.idx.msk $0xffff, v8  }
0xaf: {  	v8 =	vld [tilespmem:$0x1A0];
	_ =	sdelay $0x4  }
0xb0: {  	[tilespmem:v6+s13+$0x0] =	vst.idx.msk $0xffff, v8  }
0xb1: {  	v8 =	vld [tilespmem:$0x1B0];
	_ =	sdelay $0x4  }
0xb2: {  	[tilespmem:v7+s13+$0x0] =	vst.idx.msk $0xffff, v8  }
0xb3: {  	v8 =	vld [tilespmem:$0x1C0];
	_ =	sdelay $0x4  }
0xb4: {  	[tilespmem:v4+s14+$0x0] =	vst.idx.msk $0xffff, v8  }
0xb5: {  	v8 =	vld [tilespmem:$0x1D0];
	_ =	sdelay $0x4  }
0xb6: {  	[tilespmem:v5+s14+$0x0] =	vst.idx.msk $0xffff, v8  }
0xb7: {  	v8 =	vld [tilespmem:$0x1E0];
	_ =	sdelay $0x4  }
0xb8: {  	[tilespmem:v6+s14+$0x0] =	vst.idx.msk $0xffff, v8  }
0xb9: {  	v8 =	vld [tilespmem:$0x1F0];
	_ =	sdelay $0x4  }
0xba: {  	[tilespmem:v7+s14+$0x0] =	vst.idx.msk $0xffff, v8  }
0xbb: {  	[tilespmem:s16], [sflag:$0x1] =	stream.indirect.gather [hbm4b:s4+s15], $0x40, s11, s15, $0xb8;
	[tilespmem:$0x8400] =	vst v63  }
0xbc: {  	_ = 	snop  }
0xbd: {  	[tilespmem:s17], [sflag:$0x1] =	stream.indirect.gather [hbm4b:s4+s15], $0x40, s12, s15, $0xb8;
	[tilespmem:$0x8400] =	vst v63  }
0xbe: {  	_ = 	snop  }
0xbf: {  	[tilespmem:s18], [sflag:$0x1] =	stream.indirect.gather [hbm4b:s4+s15], $0x40, s13, s15, $0xb8;
	[tilespmem:$0x8400] =	vst v63  }
0xc0: {  	_ = 	snop  }
0xc1: {  	[tilespmem:s19], [sflag:$0x1] =	stream.indirect.gather [hbm4b:s4+s15], $0x40, s14, s15, $0xb8;
	[tilespmem:$0x8400] =	vst v63  }
0xc2: {  	_ =	swait.ge [sflag:s20], $0x2000  }
0xc3: {  	[sflag:s20] =	ssyncset.done $0x0  }
0xc4: {  	[sflag:s20] =	ssyncadd.s32 $0xFFFFE000  }
0xc5: {  	_ =	swait.ge [sflag:s20], $0x2000  }
0xc6: {  	[sflag:s20] =	ssyncset.done $0x0  }
0xc7: {  	[sflag:s20] =	ssyncadd.s32 $0xFFFFE000  }
0xc8: {  	_ =	swait.ge [sflag:s20], $0x2000  }
.Ltmp0:
0xc9: {  	[sflag:s20] =	ssyncset.done $0x0;
	(pc) =	sbr.rel @p0 .LBB2_2-.Ltmp0, $4  }
0xca: {  	s26 =	sshrl.u32 s26, $0x3;
	[sflag:s20] =	ssyncadd.s32 $0xFFFFE000  }
0xcb: {  	s24 =	sadd.s32 $0x20, s24;
	s26 =	sadd.s32 s5, s26;
	_ =	swait.ge [sflag:s20], $0x2000  }
0xcc: {  	s26 =	sshll.u32 s26, $0x9;
	s28 =	sand.u32 $0xE0, s24;
	[sflag:s20] =	ssyncset.done $0x0  }
0xcd: {  	s22 =	sadd.s32 $0x1000, s22;
	s28 =	sor.u32 s28, s26;
	[sflag:s20] =	ssyncadd.s32 $0xFFFFE000  }
0xce: {  	[hbm4b:s25+s2] =	stream.linear.scatter [tilespmem:s16], [sflag:$0x2], $0x8000, $0x38;
	[tilespmem:$0x8400] =	vst v63  }
0xcf: {  	_ =	swait.ge [sflag:s9], $0x8000  }
0xd0: {  	[sflag:s9] =	ssyncset.done $0x0  }
0xd1: {  	s23 =	sadd.s32 s3, s28;
	[sflag:s9] =	ssyncadd.s32 $0xFFFF8000  }
0xd2: {  	[tilespmem:s2], [sflag:$0x2] =	stream.linear.gather [hbm4b:s23+s2], $0x100, $0x38;
	[tilespmem:$0x8400] =	vst v63  }
0xd3: {  	_ =	swait.ge [sflag:s9], $0x100  }
0xd4: {  	[sflag:s9] =	ssyncset.done $0x0  }
0xd5: {  	s31 =	sadd.s32 s28, s6;
	[sflag:s9] =	ssyncadd.s32 $0xFFFFFF00  }
0xd6: {  	[tilespmem:s10], [sflag:$0x2] =	stream.linear.gather [hbm4b:s31+s2], $0x100, $0x38;
	[tilespmem:$0x8400] =	vst v63  }
0xd7: {  	_ =	swait.ge [sflag:s9], $0x100  }
0xd8: {  	[sflag:s9] =	ssyncset.done $0x0  }
0xd9: {  	[sflag:s9] =	ssyncadd.s32 $0xFFFFFF00  }
0xda: {  	v8 =	vld [tilespmem:$0x0];
	_ =	sdelay $0x4  }
0xdb: {  	[tilespmem:v0+s11+$0x0] =	vst.idx.msk $0xffff, v8  }
0xdc: {  	v8 =	vld [tilespmem:$0x10];
	_ =	sdelay $0x4  }
0xdd: {  	[tilespmem:v1+s11+$0x0] =	vst.idx.msk $0xffff, v8  }
0xde: {  	v8 =	vld [tilespmem:$0x20];
	_ =	sdelay $0x4  }
0xdf: {  	[tilespmem:v2+s11+$0x0] =	vst.idx.msk $0xffff, v8  }
0xe0: {  	v8 =	vld [tilespmem:$0x30];
	_ =	sdelay $0x4  }
0xe1: {  	[tilespmem:v3+s11+$0x0] =	vst.idx.msk $0xffff, v8  }
0xe2: {  	v8 =	vld [tilespmem:$0x40];
	_ =	sdelay $0x4  }
0xe3: {  	[tilespmem:v0+s12+$0x0] =	vst.idx.msk $0xffff, v8  }
0xe4: {  	v8 =	vld [tilespmem:$0x50];
	_ =	sdelay $0x4  }
0xe5: {  	[tilespmem:v1+s12+$0x0] =	vst.idx.msk $0xffff, v8  }
0xe6: {  	v8 =	vld [tilespmem:$0x60];
	_ =	sdelay $0x4  }
0xe7: {  	[tilespmem:v2+s12+$0x0] =	vst.idx.msk $0xffff, v8  }
0xe8: {  	v8 =	vld [tilespmem:$0x70];
	_ =	sdelay $0x4  }
0xe9: {  	[tilespmem:v3+s12+$0x0] =	vst.idx.msk $0xffff, v8  }
0xea: {  	v8 =	vld [tilespmem:$0x80];
	_ =	sdelay $0x4  }
0xeb: {  	[tilespmem:v0+s13+$0x0] =	vst.idx.msk $0xffff, v8  }
0xec: {  	v8 =	vld [tilespmem:$0x90];
	_ =	sdelay $0x4  }
0xed: {  	[tilespmem:v1+s13+$0x0] =	vst.idx.msk $0xffff, v8  }
0xee: {  	v8 =	vld [tilespmem:$0xA0];
	_ =	sdelay $0x4  }
0xef: {  	[tilespmem:v2+s13+$0x0] =	vst.idx.msk $0xffff, v8  }
0xf0: {  	v8 =	vld [tilespmem:$0xB0];
	_ =	sdelay $0x4  }
0xf1: {  	[tilespmem:v3+s13+$0x0] =	vst.idx.msk $0xffff, v8  }
0xf2: {  	v8 =	vld [tilespmem:$0xC0];
	_ =	sdelay $0x4  }
0xf3: {  	[tilespmem:v0+s14+$0x0] =	vst.idx.msk $0xffff, v8  }
0xf4: {  	v8 =	vld [tilespmem:$0xD0];
	_ =	sdelay $0x4  }
0xf5: {  	[tilespmem:v1+s14+$0x0] =	vst.idx.msk $0xffff, v8  }
0xf6: {  	v8 =	vld [tilespmem:$0xE0];
	_ =	sdelay $0x4  }
0xf7: {  	[tilespmem:v2+s14+$0x0] =	vst.idx.msk $0xffff, v8  }
0xf8: {  	v8 =	vld [tilespmem:$0xF0];
	_ =	sdelay $0x4  }
0xf9: {  	[tilespmem:v3+s14+$0x0] =	vst.idx.msk $0xffff, v8  }
0xfa: {  	v8 =	vld [tilespmem:$0x100];
	_ =	sdelay $0x4  }
0xfb: {  	[tilespmem:v4+s11+$0x0] =	vst.idx.msk $0xffff, v8  }
0xfc: {  	v8 =	vld [tilespmem:$0x110];
	_ =	sdelay $0x4  }
0xfd: {  	[tilespmem:v5+s11+$0x0] =	vst.idx.msk $0xffff, v8  }
0xfe: {  	v8 =	vld [tilespmem:$0x120];
	_ =	sdelay $0x4  }
0xff: {  	[tilespmem:v6+s11+$0x0] =	vst.idx.msk $0xffff, v8  }
0x100: {  	v8 =	vld [tilespmem:$0x130];
	_ =	sdelay $0x4  }
0x101: {  	[tilespmem:v7+s11+$0x0] =	vst.idx.msk $0xffff, v8  }
0x102: {  	v8 =	vld [tilespmem:$0x140];
	_ =	sdelay $0x4  }
0x103: {  	[tilespmem:v4+s12+$0x0] =	vst.idx.msk $0xffff, v8  }
0x104: {  	v8 =	vld [tilespmem:$0x150];
	_ =	sdelay $0x4  }
0x105: {  	[tilespmem:v5+s12+$0x0] =	vst.idx.msk $0xffff, v8  }
0x106: {  	v8 =	vld [tilespmem:$0x160];
	_ =	sdelay $0x4  }
0x107: {  	[tilespmem:v6+s12+$0x0] =	vst.idx.msk $0xffff, v8  }
0x108: {  	v8 =	vld [tilespmem:$0x170];
	_ =	sdelay $0x4  }
0x109: {  	[tilespmem:v7+s12+$0x0] =	vst.idx.msk $0xffff, v8  }
0x10a: {  	v8 =	vld [tilespmem:$0x180];
	_ =	sdelay $0x4  }
0x10b: {  	[tilespmem:v4+s13+$0x0] =	vst.idx.msk $0xffff, v8  }
0x10c: {  	v8 =	vld [tilespmem:$0x190];
	_ =	sdelay $0x4  }
0x10d: {  	[tilespmem:v5+s13+$0x0] =	vst.idx.msk $0xffff, v8  }
0x10e: {  	v8 =	vld [tilespmem:$0x1A0];
	_ =	sdelay $0x4  }
0x10f: {  	[tilespmem:v6+s13+$0x0] =	vst.idx.msk $0xffff, v8  }
0x110: {  	v8 =	vld [tilespmem:$0x1B0];
	_ =	sdelay $0x4  }
0x111: {  	[tilespmem:v7+s13+$0x0] =	vst.idx.msk $0xffff, v8  }
0x112: {  	v8 =	vld [tilespmem:$0x1C0];
	_ =	sdelay $0x4  }
0x113: {  	[tilespmem:v4+s14+$0x0] =	vst.idx.msk $0xffff, v8  }
0x114: {  	v8 =	vld [tilespmem:$0x1D0];
	_ =	sdelay $0x4  }
0x115: {  	[tilespmem:v5+s14+$0x0] =	vst.idx.msk $0xffff, v8  }
0x116: {  	v8 =	vld [tilespmem:$0x1E0];
	_ =	sdelay $0x4  }
0x117: {  	[tilespmem:v6+s14+$0x0] =	vst.idx.msk $0xffff, v8  }
0x118: {  	v8 =	vld [tilespmem:$0x1F0];
	_ =	sdelay $0x4  }
0x119: {  	[tilespmem:v7+s14+$0x0] =	vst.idx.msk $0xffff, v8  }
0x11a: {  	[tilespmem:s16], [sflag:$0x1] =	stream.indirect.gather [hbm4b:s4+s15], $0x40, s11, s15, $0xb8;
	[tilespmem:$0x8400] =	vst v63  }
0x11b: {  	_ = 	snop  }
0x11c: {  	[tilespmem:s17], [sflag:$0x1] =	stream.indirect.gather [hbm4b:s4+s15], $0x40, s12, s15, $0xb8;
	[tilespmem:$0x8400] =	vst v63  }
0x11d: {  	_ = 	snop  }
0x11e: {  	[tilespmem:s18], [sflag:$0x1] =	stream.indirect.gather [hbm4b:s4+s15], $0x40, s13, s15, $0xb8;
	[tilespmem:$0x8400] =	vst v63  }
0x11f: {  	_ = 	snop  }
0x120: {  	[tilespmem:s19], [sflag:$0x1] =	stream.indirect.gather [hbm4b:s4+s15], $0x40, s14, s15, $0xb8;
	[tilespmem:$0x8400] =	vst v63  }
0x121: {  	_ =	swait.ge [sflag:s20], $0x2000  }
0x122: {  	[sflag:s20] =	ssyncset.done $0x0  }
0x123: {  	[sflag:s20] =	ssyncadd.s32 $0xFFFFE000  }
0x124: {  	_ =	swait.ge [sflag:s20], $0x2000  }
0x125: {  	[sflag:s20] =	ssyncset.done $0x0  }
0x126: {  	[sflag:s20] =	ssyncadd.s32 $0xFFFFE000  }
0x127: {  	_ =	swait.ge [sflag:s20], $0x2000  }
0x128: {  	[sflag:s20] =	ssyncset.done $0x0  }
0x129: {  	[sflag:s20] =	ssyncadd.s32 $0xFFFFE000  }
0x12a: {  	s21 =	sadd.s32 $0x1, s21;
	_ =	swait.ge [sflag:s20], $0x2000  }
0x12b: {  	p0 =	sne.s32 s21, s7;
	[sflag:s20] =	ssyncset.done $0x0  }
.Ltmp1:
0x12c: {  	[sflag:s20] =	ssyncadd.s32 $0xFFFFE000;
	(pc) =	sbr.rel @p0 .LBB2_1-.Ltmp1, $4  }
0x12d: {  	[hbm4b:s22+s2] =	stream.linear.scatter [tilespmem:s16], [sflag:$0x2], $0x8000, $0x38;
	[tilespmem:$0x8400] =	vst v63  }
0x12e: {  	_ =	swait.ge [sflag:s9], $0x8000  }
0x12f: {  	[sflag:s9] =	ssyncset.done $0x0  }
0x130: {  	[sflag:s9] =	ssyncadd.s32 $0xFFFF8000  }
0x131: {  	_ =	sfence.sel $0x180000  }
0x132: {  	[bflag:$0x0] =	sbarrier.arrive $0xFFFF  }
0x133: {  	p0 =	sne.s32 s1, $0x0;
	_ =	strace $0x90000056  }
0x134: {  	s0 =	sadd.s32 @!p0 $0x100000, s0;
	[bflag:$0x2] =	sbarrier.arrive $0xFFFF  }
0x135: {  	[sflag:s0] =	ssyncadd.tile.s32 @!p0 $0x1;
	_ =	shalt  }
.Lfunc_end2:
_tile_overlayer_lowered:
.L_overlay_start_2:
0x136: {  	(tag) =	ssettag $0x2  }
0x137: {  	s0 =	rddreg [dreg:$0x0];
	s2 =	stileid.u32  }
0x138: {  	s1 =	rddreg [dreg:$0x1];
	p0 =	sne.s32 s2, $0x0  }
0x139: {  	s3 =	rddreg [dreg:$0x2];
	[bflag:$0x3] =	sbarrier.arrive $0xFFFF;
	s2 =	simm.s32 @!p0 $0x1C02  }
0x13a: {  	[timem:s3], [sflag:s2] =	dma.local @!p0 [hbm:s0], s1  }
0x13b: {  	s0 =	simm.s32 @!p0 $0x2  }
0x13c: {  	_ =	swait.ge @!p0 [sflag:s0], s1  }
0x13d: {  	s1 =	ssub.s32 @!p0 $0x0, s1;
	[sflag:s0] =	ssyncset.done @!p0 $0x0  }
0x13e: {  	[sflag:s0] =	ssyncadd.s32 @!p0 s1  }
0x13f: {  	[bflag:$0x3] =	sbarrier.arrive $0xFFFF  }
0x140: {  	_ =	shalt  }

</sc_bundles>
